<compile_context>
chip_gen: v7x
topology: tpu7x:2x2x1
jax: 0.10.2.dev20260603
libtpu: 0.0.44.dev20260713+nightly
codegen_flags: <defaults>
</compile_context>

<pallas_src>
import dataclasses
import functools

import jax
import jax.numpy as jnp
from jax import lax
from jax.experimental import pallas as pl
from jax.experimental.pallas import tpu as pltpu
from jax.experimental.pallas import tpu_sc as plsc

_B = 4096
_F = 100
_D = 128
_L = 16
_NC = 2
_NS = 16
_NW = _NC * _NS
_BPW = _B // _NW
_NCH = _D // _L


def _compiler_params():
    cp = pltpu.CompilerParams()
    if "needs_layout_passes" in pltpu.CompilerParams.__dataclass_fields__:
        cp = dataclasses.replace(cp, needs_layout_passes=False)
    return cp


def _fm_sc(table, idx):
    mesh = plsc.VectorSubcoreMesh(core_axis_name="c", subcore_axis_name="s")

    nbuf = 4

    @functools.partial(
        pl.kernel,
        out_type=jax.ShapeDtypeStruct((_B,), jnp.float32),
        mesh=mesh,
        compiler_params=_compiler_params(),
        scratch_types=[
            pltpu.VMEM((_BPW, _F), jnp.int32),
        ]
        + [pltpu.VMEM((_F, _D), jnp.float32) for _ in range(nbuf)]
        + [
            pltpu.VMEM((_BPW,), jnp.float32),
        ]
        + [pltpu.SemaphoreType.DMA for _ in range(nbuf)],
    )
    def k(table_hbm, idx_hbm, out_hbm, idx_v, *rest):
        rows = rest[:nbuf]
        res_v = rest[nbuf]
        sems = rest[nbuf + 1:]
        wid = lax.axis_index("c") * _NS + lax.axis_index("s")
        row0 = wid * _BPW
        pltpu.sync_copy(idx_hbm.at[pl.ds(row0, _BPW)], idx_v)
        lane = lax.iota(jnp.int32, _L)

        for p in range(nbuf - 1):
            pltpu.async_copy(table_hbm.at[idx_v.at[p]], rows[p], sems[p])

        @pl.loop(0, _BPW // _L)
        def _(g):
            res = jnp.zeros((_L,), jnp.float32)
            for j in range(_L):
                r = g * _L + j
                pf = r + nbuf - 1

                @pl.when(pf < _BPW)
                def _():
                    pltpu.async_copy(
                        table_hbm.at[idx_v.at[pf]],
                        rows[(j + nbuf - 1) % nbuf],
                        sems[(j + nbuf - 1) % nbuf],
                    )

                buf = rows[j % nbuf]
                pltpu.make_async_copy(
                    table_hbm.at[idx_v.at[r]], buf, sems[j % nbuf]
                ).wait()

                def acc_body(f, carry):
                    s = list(carry[:_NCH])
                    q = list(carry[_NCH:])
                    for c in range(_NCH):
                        v = buf[f, pl.ds(c * _L, _L)]
                        s[c] = s[c] + v
                        q[c] = q[c] + v * v
                    return tuple(s) + tuple(q)

                zeros = tuple(
                    jnp.zeros((_L,), jnp.float32) for _ in range(2 * _NCH)
                )
                acc = lax.fori_loop(0, _F, acc_body, zeros, unroll=2)
                diff = acc[0] * acc[0] - acc[_NCH]
                for c in range(1, _NCH):
                    diff = diff + (acc[c] * acc[c] - acc[_NCH + c])
                tot = jnp.sum(diff) * 0.5
                res = jnp.where(lane == j, tot, res)

            res_v[pl.ds(g * _L, _L)] = res

        pltpu.sync_copy(res_v, out_hbm.at[pl.ds(row0, _BPW)])

    return k(table, idx)


def kernel(inputs, table):
    idx = inputs.astype(jnp.int32)
    out = _fm_sc(table, idx)
    return out.reshape(_B, 1)

# --- scband reference (transcript-rebuilt; emitter-appended) ---
"""Pipeline reference for scband-non-linear-part-41755672051739 (READ-ONLY COPY).

The authoritative reference and input builder live on the scoring server;
editing this copy changes nothing except your own understanding.
"""

import jax, jax.numpy as jnp
import numpy as np

FEATURE_NUM = 100000
HIDDEN_DIM = 128
BATCH = 4096
N_FIELDS = 100


def setup_inputs(seed: int = 0) -> dict:
    key = jax.random.key(seed)
    k_idx, k_tab = jax.random.split(key)
    inputs = jax.random.randint(k_idx, (BATCH, N_FIELDS), 0, FEATURE_NUM, dtype=jnp.int64 if jax.config.jax_enable_x64 else jnp.int32)
    table = jax.random.normal(k_tab, (FEATURE_NUM, HIDDEN_DIM), dtype=jnp.float32) * 0.05
    return {"inputs": inputs, "table": table}


def reference(inputs, table):
    # Embedding lookup: [B, F] -> [B, F, D]
    emb = jnp.take(table, inputs, axis=0)
    # FM second-order interaction
    square_of_sum = jnp.square(jnp.sum(emb, axis=1))        # [B, D]
    sum_of_square = jnp.sum(jnp.square(emb), axis=1)         # [B, D]
    final = 0.5 * jnp.sum(square_of_sum - sum_of_square, axis=1, keepdims=True)  # [B, 1]
    return final

if __name__ == "__main__":
    import jax
    _d = setup_inputs()
    print(jax.jit(kernel)(*tuple(_d.values())))

</pallas_src>

<mosaic_0001>
#map = affine_map<(d0, d1) -> (0, 0)>
#map1 = affine_map<(d0, d1) -> (0)>
module attributes {stable_mosaic.version = 14 : i64} {
  func.func @k(%arg0: i32, %arg1: i32, %arg2: memref<100000x128xf32, #tpu.memory_space<hbm>>, %arg3: memref<4096x100xi32, #tpu.memory_space<hbm>>, %arg4: memref<4096xf32, #tpu.memory_space<hbm>>, %arg5: memref<128x100xi32, #tpu.memory_space<vmem>>, %arg6: memref<100x128xf32, #tpu.memory_space<vmem>>, %arg7: memref<100x128xf32, #tpu.memory_space<vmem>>, %arg8: memref<100x128xf32, #tpu.memory_space<vmem>>, %arg9: memref<100x128xf32, #tpu.memory_space<vmem>>, %arg10: memref<128xf32, #tpu.memory_space<vmem>>, %arg11: memref<!tpu.dma_semaphore, #tpu.memory_space<semaphore_mem>>, %arg12: memref<!tpu.dma_semaphore, #tpu.memory_space<semaphore_mem>>, %arg13: memref<!tpu.dma_semaphore, #tpu.memory_space<semaphore_mem>>, %arg14: memref<!tpu.dma_semaphore, #tpu.memory_space<semaphore_mem>>) attributes {dimension_semantics = [#tpu.dimension_semantics<core_parallel>, #tpu.dimension_semantics<subcore_parallel>], iteration_bounds = array<i64: 2, 16>, scalar_prefetch = 0 : i64, scratch_operands = 10 : i64, tpu.core_type = #tpu.core_type<sc_vector_subcore>, window_params = [{transform_indices = #map}, {transform_indices = #map}, {transform_indices = #map1}]} {
    %mul3A = arith.constant 16 : i32
    %mul3A_0 = arith.muli %arg0, %mul3A : i32
    %add3A = arith.addi %mul3A_0, %arg1 : i32
    %mul3A_1 = arith.constant 128 : i32
    %mul3A_2 = arith.muli %add3A, %mul3A_1 : i32
    "tpu.region"() ({
      %run_scoped3A = tpu.sem_alloc : memref<!tpu.dma_semaphore, #tpu.memory_space<semaphore_mem>>
      %dma_start3A_27 = arith.constant 0 : i32
      %dma_start3A_28 = tpu.memref_slice %arg3[%mul3A_2, %dma_start3A_27] : memref<4096x100xi32, #tpu.memory_space<hbm>> -> memref<128x100xi32, #tpu.memory_space<hbm>>
      %dma_start3A_29 = arith.constant 0 : i32
      %dma_start3A_30 = tpu.memref_slice %arg3[%mul3A_2, %dma_start3A_29] : memref<4096x100xi32, #tpu.memory_space<hbm>> -> memref<128x100xi32, #tpu.memory_space<hbm>>
      tpu.enqueue_dma source(%dma_start3A_30 : memref<128x100xi32, #tpu.memory_space<hbm>>) target(%arg5 : memref<128x100xi32, #tpu.memory_space<vmem>>) target_semaphore(%run_scoped3A : memref<!tpu.dma_semaphore, #tpu.memory_space<semaphore_mem>>)
      %dma_wait3A = arith.constant 0 : i32
      %dma_wait3A_31 = tpu.memref_slice %arg3[%mul3A_2, %dma_wait3A] : memref<4096x100xi32, #tpu.memory_space<hbm>> -> memref<128x100xi32, #tpu.memory_space<hbm>>
      %dma_wait3A_32 = arith.constant 0 : i32
      %dma_wait3A_33 = tpu.memref_slice %arg3[%mul3A_2, %dma_wait3A_32] : memref<4096x100xi32, #tpu.memory_space<hbm>> -> memref<128x100xi32, #tpu.memory_space<hbm>>
      tpu.wait_dma2 semaphore(%run_scoped3A : memref<!tpu.dma_semaphore, #tpu.memory_space<semaphore_mem>>) src(%dma_wait3A_33 : memref<128x100xi32, #tpu.memory_space<hbm>>) dst(%arg5 : memref<128x100xi32, #tpu.memory_space<vmem>>)
      tpu.yield
    }) : () -> ()
    %iota3A = tpu.iota {dimensions = array<i32: 0>} : vector<16xi32>
    %dma_start3A = arith.constant 0 : i32
    %dma_start3A_3 = arith.constant 0 : i32
    %dma_start3A_4 = tpu.memref_slice %arg5[%dma_start3A, %dma_start3A_3] : memref<128x100xi32, #tpu.memory_space<vmem>> -> memref<1x100xi32, #tpu.memory_space<vmem>>
    %dma_start3A_5 = tpu.memref_squeeze %dma_start3A_4 : memref<1x100xi32, #tpu.memory_space<vmem>> -> memref<100xi32, #tpu.memory_space<vmem>>
    %dma_start3A_6 = arith.constant 0 : i32
    %dma_start3A_7 = arith.constant 0 : i32
    %dma_start3A_8 = tpu.memref_slice %arg2[%dma_start3A_6, %dma_start3A_7] : memref<100000x128xf32, #tpu.memory_space<hbm>> -> memref<100000x128xf32, #tpu.memory_space<hbm>>
    tpu.enqueue_indirect_dma source(%dma_start3A_8 : memref<100000x128xf32, #tpu.memory_space<hbm>>) target(%arg6 : memref<100x128xf32, #tpu.memory_space<vmem>>) offsets(%dma_start3A_5 : memref<100xi32, #tpu.memory_space<vmem>>) semaphore(%arg11 : memref<!tpu.dma_semaphore, #tpu.memory_space<semaphore_mem>>)
    %dma_start3A_9 = arith.constant 1 : i32
    %dma_start3A_10 = arith.constant 0 : i32
    %dma_start3A_11 = tpu.memref_slice %arg5[%dma_start3A_9, %dma_start3A_10] : memref<128x100xi32, #tpu.memory_space<vmem>> -> memref<1x100xi32, #tpu.memory_space<vmem>>
    %dma_start3A_12 = tpu.memref_squeeze %dma_start3A_11 : memref<1x100xi32, #tpu.memory_space<vmem>> -> memref<100xi32, #tpu.memory_space<vmem>>
    %dma_start3A_13 = arith.constant 0 : i32
    %dma_start3A_14 = arith.constant 0 : i32
    %dma_start3A_15 = tpu.memref_slice %arg2[%dma_start3A_13, %dma_start3A_14] : memref<100000x128xf32, #tpu.memory_space<hbm>> -> memref<100000x128xf32, #tpu.memory_space<hbm>>
    tpu.enqueue_indirect_dma source(%dma_start3A_15 : memref<100000x128xf32, #tpu.memory_space<hbm>>) target(%arg7 : memref<100x128xf32, #tpu.memory_space<vmem>>) offsets(%dma_start3A_12 : memref<100xi32, #tpu.memory_space<vmem>>) semaphore(%arg12 : memref<!tpu.dma_semaphore, #tpu.memory_space<semaphore_mem>>)
    %dma_start3A_16 = arith.constant 2 : i32
    %dma_start3A_17 = arith.constant 0 : i32
    %dma_start3A_18 = tpu.memref_slice %arg5[%dma_start3A_16, %dma_start3A_17] : memref<128x100xi32, #tpu.memory_space<vmem>> -> memref<1x100xi32, #tpu.memory_space<vmem>>
    %dma_start3A_19 = tpu.memref_squeeze %dma_start3A_18 : memref<1x100xi32, #tpu.memory_space<vmem>> -> memref<100xi32, #tpu.memory_space<vmem>>
    %dma_start3A_20 = arith.constant 0 : i32
    %dma_start3A_21 = arith.constant 0 : i32
    %dma_start3A_22 = tpu.memref_slice %arg2[%dma_start3A_20, %dma_start3A_21] : memref<100000x128xf32, #tpu.memory_space<hbm>> -> memref<100000x128xf32, #tpu.memory_space<hbm>>
    tpu.enqueue_indirect_dma source(%dma_start3A_22 : memref<100000x128xf32, #tpu.memory_space<hbm>>) target(%arg8 : memref<100x128xf32, #tpu.memory_space<vmem>>) offsets(%dma_start3A_19 : memref<100xi32, #tpu.memory_space<vmem>>) semaphore(%arg13 : memref<!tpu.dma_semaphore, #tpu.memory_space<semaphore_mem>>)
    %scan3A = arith.constant 0 : i32
    %scan3A_23 = arith.constant 8 : i32
    %scan3A_24 = arith.addi %scan3A, %scan3A_23 : i32
    %scan3A_25 = arith.constant 1 : i32
    scf.for %scan3A_27 = %scan3A to %scan3A_24 step %scan3A_25  : i32 {
      %mul3A_28 = arith.constant 1 : i32
      %mul3A_29 = arith.muli %scan3A_27, %mul3A_28 : i32
      %add3A_30 = arith.constant 0 : i32
      %add3A_31 = arith.addi %add3A_30, %mul3A_29 : i32
      %broadcast_in_dim3A = arith.constant 0.000000e+00 : f32
      %broadcast_in_dim3A_32 = vector.broadcast %broadcast_in_dim3A : f32 to vector<16xf32>
      %mul3A_33 = arith.constant 16 : i32
      %mul3A_34 = arith.muli %add3A_31, %mul3A_33 : i32
      %add3A_35 = arith.constant 0 : i32
      %add3A_36 = arith.addi %mul3A_34, %add3A_35 : i32
      %add3A_37 = arith.constant 4 : i32
      %add3A_38 = arith.addi %add3A_36, %add3A_37 : i32
      %sub3A = arith.constant 1 : i32
      %sub3A_39 = arith.subi %add3A_38, %sub3A : i32
      %lt3A = arith.constant 128 : i32
      %lt3A_40 = arith.cmpi slt, %sub3A_39, %lt3A : i32
      %convert_element_type3A = arith.extui %lt3A_40 : i1 to i32
      %cond3A = arith.constant 0 : i32
      %cond3A_41 = arith.cmpi ne, %convert_element_type3A, %cond3A : i32
      scf.if %cond3A_41 {
        %dma_start3A_1484 = arith.constant 0 : i32
        %dma_start3A_1485 = tpu.memref_slice %arg5[%sub3A_39, %dma_start3A_1484] : memref<128x100xi32, #tpu.memory_space<vmem>> -> memref<1x100xi32, #tpu.memory_space<vmem>>
        %dma_start3A_1486 = tpu.memref_squeeze %dma_start3A_1485 : memref<1x100xi32, #tpu.memory_space<vmem>> -> memref<100xi32, #tpu.memory_space<vmem>>
        %dma_start3A_1487 = arith.constant 0 : i32
        %dma_start3A_1488 = arith.constant 0 : i32
        %dma_start3A_1489 = tpu.memref_slice %arg2[%dma_start3A_1487, %dma_start3A_1488] : memref<100000x128xf32, #tpu.memory_space<hbm>> -> memref<100000x128xf32, #tpu.memory_space<hbm>>
        tpu.enqueue_indirect_dma source(%dma_start3A_1489 : memref<100000x128xf32, #tpu.memory_space<hbm>>) target(%arg9 : memref<100x128xf32, #tpu.memory_space<vmem>>) offsets(%dma_start3A_1486 : memref<100xi32, #tpu.memory_space<vmem>>) semaphore(%arg14 : memref<!tpu.dma_semaphore, #tpu.memory_space<semaphore_mem>>)
      } else {
      }
      %dma_wait3A = arith.constant 0 : i32
      %dma_wait3A_42 = tpu.memref_slice %arg5[%add3A_36, %dma_wait3A] : memref<128x100xi32, #tpu.memory_space<vmem>> -> memref<1x100xi32, #tpu.memory_space<vmem>>
      %dma_wait3A_43 = tpu.memref_squeeze %dma_wait3A_42 : memref<1x100xi32, #tpu.memory_space<vmem>> -> memref<100xi32, #tpu.memory_space<vmem>>
      %dma_wait3A_44 = arith.constant 0 : i32
      %dma_wait3A_45 = arith.constant 0 : i32
      %dma_wait3A_46 = tpu.memref_slice %arg2[%dma_wait3A_44, %dma_wait3A_45] : memref<100000x128xf32, #tpu.memory_space<hbm>> -> memref<100000x128xf32, #tpu.memory_space<hbm>>
      tpu.wait_indirect_dma semaphore(%arg11 : memref<!tpu.dma_semaphore, #tpu.memory_space<semaphore_mem>>) src(%dma_wait3A_46 : memref<100000x128xf32, #tpu.memory_space<hbm>>) dst(%arg6 : memref<100x128xf32, #tpu.memory_space<vmem>>)
      %broadcast_in_dim3A_47 = arith.constant 0.000000e+00 : f32
      %broadcast_in_dim3A_48 = vector.broadcast %broadcast_in_dim3A_47 : f32 to vector<16xf32>
      %broadcast_in_dim3A_49 = arith.constant 0.000000e+00 : f32
      %broadcast_in_dim3A_50 = vector.broadcast %broadcast_in_dim3A_49 : f32 to vector<16xf32>
      %broadcast_in_dim3A_51 = arith.constant 0.000000e+00 : f32
      %broadcast_in_dim3A_52 = vector.broadcast %broadcast_in_dim3A_51 : f32 to vector<16xf32>
      %broadcast_in_dim3A_53 = arith.constant 0.000000e+00 : f32
      %broadcast_in_dim3A_54 = vector.broadcast %broadcast_in_dim3A_53 : f32 to vector<16xf32>
      %broadcast_in_dim3A_55 = arith.constant 0.000000e+00 : f32
      %broadcast_in_dim3A_56 = vector.broadcast %broadcast_in_dim3A_55 : f32 to vector<16xf32>
      %broadcast_in_dim3A_57 = arith.constant 0.000000e+00 : f32
      %broadcast_in_dim3A_58 = vector.broadcast %broadcast_in_dim3A_57 : f32 to vector<16xf32>
      %broadcast_in_dim3A_59 = arith.constant 0.000000e+00 : f32
      %broadcast_in_dim3A_60 = vector.broadcast %broadcast_in_dim3A_59 : f32 to vector<16xf32>
      %broadcast_in_dim3A_61 = arith.constant 0.000000e+00 : f32
      %broadcast_in_dim3A_62 = vector.broadcast %broadcast_in_dim3A_61 : f32 to vector<16xf32>
      %broadcast_in_dim3A_63 = arith.constant 0.000000e+00 : f32
      %broadcast_in_dim3A_64 = vector.broadcast %broadcast_in_dim3A_63 : f32 to vector<16xf32>
      %broadcast_in_dim3A_65 = arith.constant 0.000000e+00 : f32
      %broadcast_in_dim3A_66 = vector.broadcast %broadcast_in_dim3A_65 : f32 to vector<16xf32>
      %broadcast_in_dim3A_67 = arith.constant 0.000000e+00 : f32
      %broadcast_in_dim3A_68 = vector.broadcast %broadcast_in_dim3A_67 : f32 to vector<16xf32>
      %broadcast_in_dim3A_69 = arith.constant 0.000000e+00 : f32
      %broadcast_in_dim3A_70 = vector.broadcast %broadcast_in_dim3A_69 : f32 to vector<16xf32>
      %broadcast_in_dim3A_71 = arith.constant 0.000000e+00 : f32
      %broadcast_in_dim3A_72 = vector.broadcast %broadcast_in_dim3A_71 : f32 to vector<16xf32>
      %broadcast_in_dim3A_73 = arith.constant 0.000000e+00 : f32
      %broadcast_in_dim3A_74 = vector.broadcast %broadcast_in_dim3A_73 : f32 to vector<16xf32>
      %broadcast_in_dim3A_75 = arith.constant 0.000000e+00 : f32
      %broadcast_in_dim3A_76 = vector.broadcast %broadcast_in_dim3A_75 : f32 to vector<16xf32>
      %broadcast_in_dim3A_77 = arith.constant 0.000000e+00 : f32
      %broadcast_in_dim3A_78 = vector.broadcast %broadcast_in_dim3A_77 : f32 to vector<16xf32>
      %scan3A_79 = arith.constant 0 : i32
      %scan3A_80 = arith.constant 100 : i32
      %scan3A_81 = arith.addi %scan3A_79, %scan3A_80 : i32
      %scan3A_82 = arith.constant 2 : i32
      %scan3A_83:16 = scf.for %scan3A_1484 = %scan3A_79 to %scan3A_81 step %scan3A_82 iter_args(%scan3A_1485 = %broadcast_in_dim3A_48, %scan3A_1486 = %broadcast_in_dim3A_50, %scan3A_1487 = %broadcast_in_dim3A_52, %scan3A_1488 = %broadcast_in_dim3A_54, %scan3A_1489 = %broadcast_in_dim3A_56, %scan3A_1490 = %broadcast_in_dim3A_58, %scan3A_1491 = %broadcast_in_dim3A_60, %scan3A_1492 = %broadcast_in_dim3A_62, %scan3A_1493 = %broadcast_in_dim3A_64, %scan3A_1494 = %broadcast_in_dim3A_66, %scan3A_1495 = %broadcast_in_dim3A_68, %scan3A_1496 = %broadcast_in_dim3A_70, %scan3A_1497 = %broadcast_in_dim3A_72, %scan3A_1498 = %broadcast_in_dim3A_74, %scan3A_1499 = %broadcast_in_dim3A_76, %scan3A_1500 = %broadcast_in_dim3A_78) -> (vector<16xf32>, vector<16xf32>, vector<16xf32>, vector<16xf32>, vector<16xf32>, vector<16xf32>, vector<16xf32>, vector<16xf32>, vector<16xf32>, vector<16xf32>, vector<16xf32>, vector<16xf32>, vector<16xf32>, vector<16xf32>, vector<16xf32>, vector<16xf32>)  : i32 {
        %get3A = arith.index_cast %scan3A_1484 : i32 to index
        %get3A_1501 = arith.constant 0 : index
        %get3A_1502 = tpu.vector_load %arg6[%get3A, %get3A_1501] {strides = array<i32>} : memref<100x128xf32, #tpu.memory_space<vmem>>, vector<16xf32>,
        %add3A_1503 = arith.addf %scan3A_1485, %get3A_1502 : vector<16xf32>
        %mul3A_1504 = arith.mulf %get3A_1502, %get3A_1502 : vector<16xf32>
        %add3A_1505 = arith.addf %scan3A_1493, %mul3A_1504 : vector<16xf32>
        %get3A_1506 = arith.index_cast %scan3A_1484 : i32 to index
        %get3A_1507 = arith.constant 16 : index
        %get3A_1508 = tpu.vector_load %arg6[%get3A_1506, %get3A_1507] {strides = array<i32>} : memref<100x128xf32, #tpu.memory_space<vmem>>, vector<16xf32>,
        %add3A_1509 = arith.addf %scan3A_1486, %get3A_1508 : vector<16xf32>
        %mul3A_1510 = arith.mulf %get3A_1508, %get3A_1508 : vector<16xf32>
        %add3A_1511 = arith.addf %scan3A_1494, %mul3A_1510 : vector<16xf32>
        %get3A_1512 = arith.index_cast %scan3A_1484 : i32 to index
        %get3A_1513 = arith.constant 32 : index
        %get3A_1514 = tpu.vector_load %arg6[%get3A_1512, %get3A_1513] {strides = array<i32>} : memref<100x128xf32, #tpu.memory_space<vmem>>, vector<16xf32>,
        %add3A_1515 = arith.addf %scan3A_1487, %get3A_1514 : vector<16xf32>
        %mul3A_1516 = arith.mulf %get3A_1514, %get3A_1514 : vector<16xf32>
        %add3A_1517 = arith.addf %scan3A_1495, %mul3A_1516 : vector<16xf32>
        %get3A_1518 = arith.index_cast %scan3A_1484 : i32 to index
        %get3A_1519 = arith.constant 48 : index
        %get3A_1520 = tpu.vector_load %arg6[%get3A_1518, %get3A_1519] {strides = array<i32>} : memref<100x128xf32, #tpu.memory_space<vmem>>, vector<16xf32>,
        %add3A_1521 = arith.addf %scan3A_1488, %get3A_1520 : vector<16xf32>
        %mul3A_1522 = arith.mulf %get3A_1520, %get3A_1520 : vector<16xf32>
        %add3A_1523 = arith.addf %scan3A_1496, %mul3A_1522 : vector<16xf32>
        %get3A_1524 = arith.index_cast %scan3A_1484 : i32 to index
        %get3A_1525 = arith.constant 64 : index
        %get3A_1526 = tpu.vector_load %arg6[%get3A_1524, %get3A_1525] {strides = array<i32>} : memref<100x128xf32, #tpu.memory_space<vmem>>, vector<16xf32>,
        %add3A_1527 = arith.addf %scan3A_1489, %get3A_1526 : vector<16xf32>
        %mul3A_1528 = arith.mulf %get3A_1526, %get3A_1526 : vector<16xf32>
        %add3A_1529 = arith.addf %scan3A_1497, %mul3A_1528 : vector<16xf32>
        %get3A_1530 = arith.index_cast %scan3A_1484 : i32 to index
        %get3A_1531 = arith.constant 80 : index
        %get3A_1532 = tpu.vector_load %arg6[%get3A_1530, %get3A_1531] {strides = array<i32>} : memref<100x128xf32, #tpu.memory_space<vmem>>, vector<16xf32>,
        %add3A_1533 = arith.addf %scan3A_1490, %get3A_1532 : vector<16xf32>
        %mul3A_1534 = arith.mulf %get3A_1532, %get3A_1532 : vector<16xf32>
        %add3A_1535 = arith.addf %scan3A_1498, %mul3A_1534 : vector<16xf32>
        %get3A_1536 = arith.index_cast %scan3A_1484 : i32 to index
        %get3A_1537 = arith.constant 96 : index
        %get3A_1538 = tpu.vector_load %arg6[%get3A_1536, %get3A_1537] {strides = array<i32>} : memref<100x128xf32, #tpu.memory_space<vmem>>, vector<16xf32>,
        %add3A_1539 = arith.addf %scan3A_1491, %get3A_1538 : vector<16xf32>
        %mul3A_1540 = arith.mulf %get3A_1538, %get3A_1538 : vector<16xf32>
        %add3A_1541 = arith.addf %scan3A_1499, %mul3A_1540 : vector<16xf32>
        %get3A_1542 = arith.index_cast %scan3A_1484 : i32 to index
        %get3A_1543 = arith.constant 112 : index
        %get3A_1544 = tpu.vector_load %arg6[%get3A_1542, %get3A_1543] {strides = array<i32>} : memref<100x128xf32, #tpu.memory_space<vmem>>, vector<16xf32>,
        %add3A_1545 = arith.addf %scan3A_1492, %get3A_1544 : vector<16xf32>
        %mul3A_1546 = arith.mulf %get3A_1544, %get3A_1544 : vector<16xf32>
        %add3A_1547 = arith.addf %scan3A_1500, %mul3A_1546 : vector<16xf32>
        %scan3A_1548 = arith.constant 1 : i32
        %scan3A_1549 = arith.addi %scan3A_1484, %scan3A_1548 : i32
        %get3A_1550 = arith.index_cast %scan3A_1549 : i32 to index
        %get3A_1551 = arith.constant 0 : index
        %get3A_1552 = tpu.vector_load %arg6[%get3A_1550, %get3A_1551] {strides = array<i32>} : memref<100x128xf32, #tpu.memory_space<vmem>>, vector<16xf32>,
        %add3A_1553 = arith.addf %add3A_1503, %get3A_1552 : vector<16xf32>
        %mul3A_1554 = arith.mulf %get3A_1552, %get3A_1552 : vector<16xf32>
        %add3A_1555 = arith.addf %add3A_1505, %mul3A_1554 : vector<16xf32>
        %get3A_1556 = arith.index_cast %scan3A_1549 : i32 to index
        %get3A_1557 = arith.constant 16 : index
        %get3A_1558 = tpu.vector_load %arg6[%get3A_1556, %get3A_1557] {strides = array<i32>} : memref<100x128xf32, #tpu.memory_space<vmem>>, vector<16xf32>,
        %add3A_1559 = arith.addf %add3A_1509, %get3A_1558 : vector<16xf32>
        %mul3A_1560 = arith.mulf %get3A_1558, %get3A_1558 : vector<16xf32>
        %add3A_1561 = arith.addf %add3A_1511, %mul3A_1560 : vector<16xf32>
        %get3A_1562 = arith.index_cast %scan3A_1549 : i32 to index
        %get3A_1563 = arith.constant 32 : index
        %get3A_1564 = tpu.vector_load %arg6[%get3A_1562, %get3A_1563] {strides = array<i32>} : memref<100x128xf32, #tpu.memory_space<vmem>>, vector<16xf32>,
        %add3A_1565 = arith.addf %add3A_1515, %get3A_1564 : vector<16xf32>
        %mul3A_1566 = arith.mulf %get3A_1564, %get3A_1564 : vector<16xf32>
        %add3A_1567 = arith.addf %add3A_1517, %mul3A_1566 : vector<16xf32>
        %get3A_1568 = arith.index_cast %scan3A_1549 : i32 to index
        %get3A_1569 = arith.constant 48 : index
        %get3A_1570 = tpu.vector_load %arg6[%get3A_1568, %get3A_1569] {strides = array<i32>} : memref<100x128xf32, #tpu.memory_space<vmem>>, vector<16xf32>,
        %add3A_1571 = arith.addf %add3A_1521, %get3A_1570 : vector<16xf32>
        %mul3A_1572 = arith.mulf %get3A_1570, %get3A_1570 : vector<16xf32>
        %add3A_1573 = arith.addf %add3A_1523, %mul3A_1572 : vector<16xf32>
        %get3A_1574 = arith.index_cast %scan3A_1549 : i32 to index
        %get3A_1575 = arith.constant 64 : index
        %get3A_1576 = tpu.vector_load %arg6[%get3A_1574, %get3A_1575] {strides = array<i32>} : memref<100x128xf32, #tpu.memory_space<vmem>>, vector<16xf32>,
        %add3A_1577 = arith.addf %add3A_1527, %get3A_1576 : vector<16xf32>
        %mul3A_1578 = arith.mulf %get3A_1576, %get3A_1576 : vector<16xf32>
        %add3A_1579 = arith.addf %add3A_1529, %mul3A_1578 : vector<16xf32>
        %get3A_1580 = arith.index_cast %scan3A_1549 : i32 to index
        %get3A_1581 = arith.constant 80 : index
        %get3A_1582 = tpu.vector_load %arg6[%get3A_1580, %get3A_1581] {strides = array<i32>} : memref<100x128xf32, #tpu.memory_space<vmem>>, vector<16xf32>,
        %add3A_1583 = arith.addf %add3A_1533, %get3A_1582 : vector<16xf32>
        %mul3A_1584 = arith.mulf %get3A_1582, %get3A_1582 : vector<16xf32>
        %add3A_1585 = arith.addf %add3A_1535, %mul3A_1584 : vector<16xf32>
        %get3A_1586 = arith.index_cast %scan3A_1549 : i32 to index
        %get3A_1587 = arith.constant 96 : index
        %get3A_1588 = tpu.vector_load %arg6[%get3A_1586, %get3A_1587] {strides = array<i32>} : memref<100x128xf32, #tpu.memory_space<vmem>>, vector<16xf32>,
        %add3A_1589 = arith.addf %add3A_1539, %get3A_1588 : vector<16xf32>
        %mul3A_1590 = arith.mulf %get3A_1588, %get3A_1588 : vector<16xf32>
        %add3A_1591 = arith.addf %add3A_1541, %mul3A_1590 : vector<16xf32>
        %get3A_1592 = arith.index_cast %scan3A_1549 : i32 to index
        %get3A_1593 = arith.constant 112 : index
        %get3A_1594 = tpu.vector_load %arg6[%get3A_1592, %get3A_1593] {strides = array<i32>} : memref<100x128xf32, #tpu.memory_space<vmem>>, vector<16xf32>,
        %add3A_1595 = arith.addf %add3A_1545, %get3A_1594 : vector<16xf32>
        %mul3A_1596 = arith.mulf %get3A_1594, %get3A_1594 : vector<16xf32>
        %add3A_1597 = arith.addf %add3A_1547, %mul3A_1596 : vector<16xf32>
        scf.yield %add3A_1553, %add3A_1559, %add3A_1565, %add3A_1571, %add3A_1577, %add3A_1583, %add3A_1589, %add3A_1595, %add3A_1555, %add3A_1561, %add3A_1567, %add3A_1573, %add3A_1579, %add3A_1585, %add3A_1591, %add3A_1597 : vector<16xf32>, vector<16xf32>, vector<16xf32>, vector<16xf32>, vector<16xf32>, vector<16xf32>, vector<16xf32>, vector<16xf32>, vector<16xf32>, vector<16xf32>, vector<16xf32>, vector<16xf32>, vector<16xf32>, vector<16xf32>, vector<16xf32>, vector<16xf32>
      }
      %scan3A_84 = arith.constant 100 : i32
      %mul3A_85 = arith.mulf %scan3A_83#0, %scan3A_83#0 : vector<16xf32>
      %sub3A_86 = arith.subf %mul3A_85, %scan3A_83#8 : vector<16xf32>
      %mul3A_87 = arith.mulf %scan3A_83#1, %scan3A_83#1 : vector<16xf32>
      %sub3A_88 = arith.subf %mul3A_87, %scan3A_83#9 : vector<16xf32>
      %add3A_89 = arith.addf %sub3A_86, %sub3A_88 : vector<16xf32>
      %mul3A_90 = arith.mulf %scan3A_83#2, %scan3A_83#2 : vector<16xf32>
      %sub3A_91 = arith.subf %mul3A_90, %scan3A_83#10 : vector<16xf32>
      %add3A_92 = arith.addf %add3A_89, %sub3A_91 : vector<16xf32>
      %mul3A_93 = arith.mulf %scan3A_83#3, %scan3A_83#3 : vector<16xf32>
      %sub3A_94 = arith.subf %mul3A_93, %scan3A_83#11 : vector<16xf32>
      %add3A_95 = arith.addf %add3A_92, %sub3A_94 : vector<16xf32>
      %mul3A_96 = arith.mulf %scan3A_83#4, %scan3A_83#4 : vector<16xf32>
      %sub3A_97 = arith.subf %mul3A_96, %scan3A_83#12 : vector<16xf32>
      %add3A_98 = arith.addf %add3A_95, %sub3A_97 : vector<16xf32>
      %mul3A_99 = arith.mulf %scan3A_83#5, %scan3A_83#5 : vector<16xf32>
      %sub3A_100 = arith.subf %mul3A_99, %scan3A_83#13 : vector<16xf32>
      %add3A_101 = arith.addf %add3A_98, %sub3A_100 : vector<16xf32>
      %mul3A_102 = arith.mulf %scan3A_83#6, %scan3A_83#6 : vector<16xf32>
      %sub3A_103 = arith.subf %mul3A_102, %scan3A_83#14 : vector<16xf32>
      %add3A_104 = arith.addf %add3A_101, %sub3A_103 : vector<16xf32>
      %mul3A_105 = arith.mulf %scan3A_83#7, %scan3A_83#7 : vector<16xf32>
      %sub3A_106 = arith.subf %mul3A_105, %scan3A_83#15 : vector<16xf32>
      %add3A_107 = arith.addf %add3A_104, %sub3A_106 : vector<16xf32>
      %reduce_sum3A = arith.constant true
      %reduce_sum3A_108 = vector.broadcast %reduce_sum3A : i1 to vector<16xi1>
      %reduce_sum3A_109 = tpu.scan <sum>, %add3A_107 masked %reduce_sum3A_108 : vector<16xf32>, vector<16xi1> -> vector<16xf32>
      %reduce_sum3A_110 = vector.extract %reduce_sum3A_109[15] : f32 from vector<16xf32>
      %mul3A_111 = arith.constant 5.000000e-01 : f32
      %mul3A_112 = arith.mulf %reduce_sum3A_110, %mul3A_111 : f32
      %eq3A = arith.constant 0 : i32
      %eq3A_113 = vector.broadcast %eq3A : i32 to vector<16xi32>
      %eq3A_114 = arith.cmpi eq, %iota3A, %eq3A_113 : vector<16xi32>
      %broadcast_in_dim3A_115 = vector.broadcast %mul3A_112 : f32 to vector<16xf32>
      %select_n3A = arith.select %eq3A_114, %broadcast_in_dim3A_115, %broadcast_in_dim3A_32 : vector<16xi1>, vector<16xf32>
      %mul3A_116 = arith.constant 16 : i32
      %mul3A_117 = arith.muli %add3A_31, %mul3A_116 : i32
      %add3A_118 = arith.constant 1 : i32
      %add3A_119 = arith.addi %mul3A_117, %add3A_118 : i32
      %add3A_120 = arith.constant 4 : i32
      %add3A_121 = arith.addi %add3A_119, %add3A_120 : i32
      %sub3A_122 = arith.constant 1 : i32
      %sub3A_123 = arith.subi %add3A_121, %sub3A_122 : i32
      %lt3A_124 = arith.constant 128 : i32
      %lt3A_125 = arith.cmpi slt, %sub3A_123, %lt3A_124 : i32
      %convert_element_type3A_126 = arith.extui %lt3A_125 : i1 to i32
      %cond3A_127 = arith.constant 0 : i32
      %cond3A_128 = arith.cmpi ne, %convert_element_type3A_126, %cond3A_127 : i32
      scf.if %cond3A_128 {
        %dma_start3A_1484 = arith.constant 0 : i32
        %dma_start3A_1485 = tpu.memref_slice %arg5[%sub3A_123, %dma_start3A_1484] : memref<128x100xi32, #tpu.memory_space<vmem>> -> memref<1x100xi32, #tpu.memory_space<vmem>>
        %dma_start3A_1486 = tpu.memref_squeeze %dma_start3A_1485 : memref<1x100xi32, #tpu.memory_space<vmem>> -> memref<100xi32, #tpu.memory_space<vmem>>
        %dma_start3A_1487 = arith.constant 0 : i32
        %dma_start3A_1488 = arith.constant 0 : i32
        %dma_start3A_1489 = tpu.memref_slice %arg2[%dma_start3A_1487, %dma_start3A_1488] : memref<100000x128xf32, #tpu.memory_space<hbm>> -> memref<100000x128xf32, #tpu.memory_space<hbm>>
        tpu.enqueue_indirect_dma source(%dma_start3A_1489 : memref<100000x128xf32, #tpu.memory_space<hbm>>) target(%arg6 : memref<100x128xf32, #tpu.memory_space<vmem>>) offsets(%dma_start3A_1486 : memref<100xi32, #tpu.memory_space<vmem>>) semaphore(%arg11 : memref<!tpu.dma_semaphore, #tpu.memory_space<semaphore_mem>>)
      } else {
      }
      %dma_wait3A_129 = arith.constant 0 : i32
      %dma_wait3A_130 = tpu.memref_slice %arg5[%add3A_119, %dma_wait3A_129] : memref<128x100xi32, #tpu.memory_space<vmem>> -> memref<1x100xi32, #tpu.memory_space<vmem>>
      %dma_wait3A_131 = tpu.memref_squeeze %dma_wait3A_130 : memref<1x100xi32, #tpu.memory_space<vmem>> -> memref<100xi32, #tpu.memory_space<vmem>>
      %dma_wait3A_132 = arith.constant 0 : i32
      %dma_wait3A_133 = arith.constant 0 : i32
      %dma_wait3A_134 = tpu.memref_slice %arg2[%dma_wait3A_132, %dma_wait3A_133] : memref<100000x128xf32, #tpu.memory_space<hbm>> -> memref<100000x128xf32, #tpu.memory_space<hbm>>
      tpu.wait_indirect_dma semaphore(%arg12 : memref<!tpu.dma_semaphore, #tpu.memory_space<semaphore_mem>>) src(%dma_wait3A_134 : memref<100000x128xf32, #tpu.memory_space<hbm>>) dst(%arg7 : memref<100x128xf32, #tpu.memory_space<vmem>>)
      %broadcast_in_dim3A_135 = arith.constant 0.000000e+00 : f32
      %broadcast_in_dim3A_136 = vector.broadcast %broadcast_in_dim3A_135 : f32 to vector<16xf32>
      %broadcast_in_dim3A_137 = arith.constant 0.000000e+00 : f32
      %broadcast_in_dim3A_138 = vector.broadcast %broadcast_in_dim3A_137 : f32 to vector<16xf32>
      %broadcast_in_dim3A_139 = arith.constant 0.000000e+00 : f32
      %broadcast_in_dim3A_140 = vector.broadcast %broadcast_in_dim3A_139 : f32 to vector<16xf32>
      %broadcast_in_dim3A_141 = arith.constant 0.000000e+00 : f32
      %broadcast_in_dim3A_142 = vector.broadcast %broadcast_in_dim3A_141 : f32 to vector<16xf32>
      %broadcast_in_dim3A_143 = arith.constant 0.000000e+00 : f32
      %broadcast_in_dim3A_144 = vector.broadcast %broadcast_in_dim3A_143 : f32 to vector<16xf32>
      %broadcast_in_dim3A_145 = arith.constant 0.000000e+00 : f32
      %broadcast_in_dim3A_146 = vector.broadcast %broadcast_in_dim3A_145 : f32 to vector<16xf32>
      %broadcast_in_dim3A_147 = arith.constant 0.000000e+00 : f32
      %broadcast_in_dim3A_148 = vector.broadcast %broadcast_in_dim3A_147 : f32 to vector<16xf32>
      %broadcast_in_dim3A_149 = arith.constant 0.000000e+00 : f32
      %broadcast_in_dim3A_150 = vector.broadcast %broadcast_in_dim3A_149 : f32 to vector<16xf32>
      %broadcast_in_dim3A_151 = arith.constant 0.000000e+00 : f32
      %broadcast_in_dim3A_152 = vector.broadcast %broadcast_in_dim3A_151 : f32 to vector<16xf32>
      %broadcast_in_dim3A_153 = arith.constant 0.000000e+00 : f32
      %broadcast_in_dim3A_154 = vector.broadcast %broadcast_in_dim3A_153 : f32 to vector<16xf32>
      %broadcast_in_dim3A_155 = arith.constant 0.000000e+00 : f32
      %broadcast_in_dim3A_156 = vector.broadcast %broadcast_in_dim3A_155 : f32 to vector<16xf32>
      %broadcast_in_dim3A_157 = arith.constant 0.000000e+00 : f32
      %broadcast_in_dim3A_158 = vector.broadcast %broadcast_in_dim3A_157 : f32 to vector<16xf32>
      %broadcast_in_dim3A_159 = arith.constant 0.000000e+00 : f32
      %broadcast_in_dim3A_160 = vector.broadcast %broadcast_in_dim3A_159 : f32 to vector<16xf32>
      %broadcast_in_dim3A_161 = arith.constant 0.000000e+00 : f32
      %broadcast_in_dim3A_162 = vector.broadcast %broadcast_in_dim3A_161 : f32 to vector<16xf32>
      %broadcast_in_dim3A_163 = arith.constant 0.000000e+00 : f32
      %broadcast_in_dim3A_164 = vector.broadcast %broadcast_in_dim3A_163 : f32 to vector<16xf32>
      %broadcast_in_dim3A_165 = arith.constant 0.000000e+00 : f32
      %broadcast_in_dim3A_166 = vector.broadcast %broadcast_in_dim3A_165 : f32 to vector<16xf32>
      %scan3A_167 = arith.constant 0 : i32
      %scan3A_168 = arith.constant 100 : i32
      %scan3A_169 = arith.addi %scan3A_167, %scan3A_168 : i32
      %scan3A_170 = arith.constant 2 : i32
      %scan3A_171:16 = scf.for %scan3A_1484 = %scan3A_167 to %scan3A_169 step %scan3A_170 iter_args(%scan3A_1485 = %broadcast_in_dim3A_136, %scan3A_1486 = %broadcast_in_dim3A_138, %scan3A_1487 = %broadcast_in_dim3A_140, %scan3A_1488 = %broadcast_in_dim3A_142, %scan3A_1489 = %broadcast_in_dim3A_144, %scan3A_1490 = %broadcast_in_dim3A_146, %scan3A_1491 = %broadcast_in_dim3A_148, %scan3A_1492 = %broadcast_in_dim3A_150, %scan3A_1493 = %broadcast_in_dim3A_152, %scan3A_1494 = %broadcast_in_dim3A_154, %scan3A_1495 = %broadcast_in_dim3A_156, %scan3A_1496 = %broadcast_in_dim3A_158, %scan3A_1497 = %broadcast_in_dim3A_160, %scan3A_1498 = %broadcast_in_dim3A_162, %scan3A_1499 = %broadcast_in_dim3A_164, %scan3A_1500 = %broadcast_in_dim3A_166) -> (vector<16xf32>, vector<16xf32>, vector<16xf32>, vector<16xf32>, vector<16xf32>, vector<16xf32>, vector<16xf32>, vector<16xf32>, vector<16xf32>, vector<16xf32>, vector<16xf32>, vector<16xf32>, vector<16xf32>, vector<16xf32>, vector<16xf32>, vector<16xf32>)  : i32 {
        %get3A = arith.index_cast %scan3A_1484 : i32 to index
        %get3A_1501 = arith.constant 0 : index
        %get3A_1502 = tpu.vector_load %arg7[%get3A, %get3A_1501] {strides = array<i32>} : memref<100x128xf32, #tpu.memory_space<vmem>>, vector<16xf32>,
        %add3A_1503 = arith.addf %scan3A_1485, %get3A_1502 : vector<16xf32>
        %mul3A_1504 = arith.mulf %get3A_1502, %get3A_1502 : vector<16xf32>
        %add3A_1505 = arith.addf %scan3A_1493, %mul3A_1504 : vector<16xf32>
        %get3A_1506 = arith.index_cast %scan3A_1484 : i32 to index
        %get3A_1507 = arith.constant 16 : index
        %get3A_1508 = tpu.vector_load %arg7[%get3A_1506, %get3A_1507] {strides = array<i32>} : memref<100x128xf32, #tpu.memory_space<vmem>>, vector<16xf32>,
        %add3A_1509 = arith.addf %scan3A_1486, %get3A_1508 : vector<16xf32>
        %mul3A_1510 = arith.mulf %get3A_1508, %get3A_1508 : vector<16xf32>
        %add3A_1511 = arith.addf %scan3A_1494, %mul3A_1510 : vector<16xf32>
        %get3A_1512 = arith.index_cast %scan3A_1484 : i32 to index
        %get3A_1513 = arith.constant 32 : index
        %get3A_1514 = tpu.vector_load %arg7[%get3A_1512, %get3A_1513] {strides = array<i32>} : memref<100x128xf32, #tpu.memory_space<vmem>>, vector<16xf32>,
        %add3A_1515 = arith.addf %scan3A_1487, %get3A_1514 : vector<16xf32>
        %mul3A_1516 = arith.mulf %get3A_1514, %get3A_1514 : vector<16xf32>
        %add3A_1517 = arith.addf %scan3A_1495, %mul3A_1516 : vector<16xf32>
        %get3A_1518 = arith.index_cast %scan3A_1484 : i32 to index
        %get3A_1519 = arith.constant 48 : index
        %get3A_1520 = tpu.vector_load %arg7[%get3A_1518, %get3A_1519] {strides = array<i32>} : memref<100x128xf32, #tpu.memory_space<vmem>>, vector<16xf32>,
        %add3A_1521 = arith.addf %scan3A_1488, %get3A_1520 : vector<16xf32>
        %mul3A_1522 = arith.mulf %get3A_1520, %get3A_1520 : vector<16xf32>
        %add3A_1523 = arith.addf %scan3A_1496, %mul3A_1522 : vector<16xf32>
        %get3A_1524 = arith.index_cast %scan3A_1484 : i32 to index
        %get3A_1525 = arith.constant 64 : index
        %get3A_1526 = tpu.vector_load %arg7[%get3A_1524, %get3A_1525] {strides = array<i32>} : memref<100x128xf32, #tpu.memory_space<vmem>>, vector<16xf32>,
        %add3A_1527 = arith.addf %scan3A_1489, %get3A_1526 : vector<16xf32>
        %mul3A_1528 = arith.mulf %get3A_1526, %get3A_1526 : vector<16xf32>
        %add3A_1529 = arith.addf %scan3A_1497, %mul3A_1528 : vector<16xf32>
        %get3A_1530 = arith.index_cast %scan3A_1484 : i32 to index
        %get3A_1531 = arith.constant 80 : index
        %get3A_1532 = tpu.vector_load %arg7[%get3A_1530, %get3A_1531] {strides = array<i32>} : memref<100x128xf32, #tpu.memory_space<vmem>>, vector<16xf32>,
        %add3A_1533 = arith.addf %scan3A_1490, %get3A_1532 : vector<16xf32>
        %mul3A_1534 = arith.mulf %get3A_1532, %get3A_1532 : vector<16xf32>
        %add3A_1535 = arith.addf %scan3A_1498, %mul3A_1534 : vector<16xf32>
        %get3A_1536 = arith.index_cast %scan3A_1484 : i32 to index
        %get3A_1537 = arith.constant 96 : index
        %get3A_1538 = tpu.vector_load %arg7[%get3A_1536, %get3A_1537] {strides = array<i32>} : memref<100x128xf32, #tpu.memory_space<vmem>>, vector<16xf32>,
        %add3A_1539 = arith.addf %scan3A_1491, %get3A_1538 : vector<16xf32>
        %mul3A_1540 = arith.mulf %get3A_1538, %get3A_1538 : vector<16xf32>
        %add3A_1541 = arith.addf %scan3A_1499, %mul3A_1540 : vector<16xf32>
        %get3A_1542 = arith.index_cast %scan3A_1484 : i32 to index
        %get3A_1543 = arith.constant 112 : index
        %get3A_1544 = tpu.vector_load %arg7[%get3A_1542, %get3A_1543] {strides = array<i32>} : memref<100x128xf32, #tpu.memory_space<vmem>>, vector<16xf32>,
        %add3A_1545 = arith.addf %scan3A_1492, %get3A_1544 : vector<16xf32>
        %mul3A_1546 = arith.mulf %get3A_1544, %get3A_1544 : vector<16xf32>
        %add3A_1547 = arith.addf %scan3A_1500, %mul3A_1546 : vector<16xf32>
        %scan3A_1548 = arith.constant 1 : i32
        %scan3A_1549 = arith.addi %scan3A_1484, %scan3A_1548 : i32
        %get3A_1550 = arith.index_cast %scan3A_1549 : i32 to index
        %get3A_1551 = arith.constant 0 : index
        %get3A_1552 = tpu.vector_load %arg7[%get3A_1550, %get3A_1551] {strides = array<i32>} : memref<100x128xf32, #tpu.memory_space<vmem>>, vector<16xf32>,
        %add3A_1553 = arith.addf %add3A_1503, %get3A_1552 : vector<16xf32>
        %mul3A_1554 = arith.mulf %get3A_1552, %get3A_1552 : vector<16xf32>
        %add3A_1555 = arith.addf %add3A_1505, %mul3A_1554 : vector<16xf32>
        %get3A_1556 = arith.index_cast %scan3A_1549 : i32 to index
        %get3A_1557 = arith.constant 16 : index
        %get3A_1558 = tpu.vector_load %arg7[%get3A_1556, %get3A_1557] {strides = array<i32>} : memref<100x128xf32, #tpu.memory_space<vmem>>, vector<16xf32>,
        %add3A_1559 = arith.addf %add3A_1509, %get3A_1558 : vector<16xf32>
        %mul3A_1560 = arith.mulf %get3A_1558, %get3A_1558 : vector<16xf32>
        %add3A_1561 = arith.addf %add3A_1511, %mul3A_1560 : vector<16xf32>
        %get3A_1562 = arith.index_cast %scan3A_1549 : i32 to index
        %get3A_1563 = arith.constant 32 : index
        %get3A_1564 = tpu.vector_load %arg7[%get3A_1562, %get3A_1563] {strides = array<i32>} : memref<100x128xf32, #tpu.memory_space<vmem>>, vector<16xf32>,
        %add3A_1565 = arith.addf %add3A_1515, %get3A_1564 : vector<16xf32>
        %mul3A_1566 = arith.mulf %get3A_1564, %get3A_1564 : vector<16xf32>
        %add3A_1567 = arith.addf %add3A_1517, %mul3A_1566 : vector<16xf32>
        %get3A_1568 = arith.index_cast %scan3A_1549 : i32 to index
        %get3A_1569 = arith.constant 48 : index
        %get3A_1570 = tpu.vector_load %arg7[%get3A_1568, %get3A_1569] {strides = array<i32>} : memref<100x128xf32, #tpu.memory_space<vmem>>, vector<16xf32>,
        %add3A_1571 = arith.addf %add3A_1521, %get3A_1570 : vector<16xf32>
        %mul3A_1572 = arith.mulf %get3A_1570, %get3A_1570 : vector<16xf32>
        %add3A_1573 = arith.addf %add3A_1523, %mul3A_1572 : vector<16xf32>
        %get3A_1574 = arith.index_cast %scan3A_1549 : i32 to index
        %get3A_1575 = arith.constant 64 : index
        %get3A_1576 = tpu.vector_load %arg7[%get3A_1574, %get3A_1575] {strides = array<i32>} : memref<100x128xf32, #tpu.memory_space<vmem>>, vector<16xf32>,
        %add3A_1577 = arith.addf %add3A_1527, %get3A_1576 : vector<16xf32>
        %mul3A_1578 = arith.mulf %get3A_1576, %get3A_1576 : vector<16xf32>
        %add3A_1579 = arith.addf %add3A_1529, %mul3A_1578 : vector<16xf32>
        %get3A_1580 = arith.index_cast %scan3A_1549 : i32 to index
        %get3A_1581 = arith.constant 80 : index
        %get3A_1582 = tpu.vector_load %arg7[%get3A_1580, %get3A_1581] {strides = array<i32>} : memref<100x128xf32, #tpu.memory_space<vmem>>, vector<16xf32>,
        %add3A_1583 = arith.addf %add3A_1533, %get3A_1582 : vector<16xf32>
        %mul3A_1584 = arith.mulf %get3A_1582, %get3A_1582 : vector<16xf32>
        %add3A_1585 = arith.addf %add3A_1535, %mul3A_1584 : vector<16xf32>
        %get3A_1586 = arith.index_cast %scan3A_1549 : i32 to index
        %get3A_1587 = arith.constant 96 : index
        %get3A_1588 = tpu.vector_load %arg7[%get3A_1586, %get3A_1587] {strides = array<i32>} : memref<100x128xf32, #tpu.memory_space<vmem>>, vector<16xf32>,
        %add3A_1589 = arith.addf %add3A_1539, %get3A_1588 : vector<16xf32>
        %mul3A_1590 = arith.mulf %get3A_1588, %get3A_1588 : vector<16xf32>
        %add3A_1591 = arith.addf %add3A_1541, %mul3A_1590 : vector<16xf32>
        %get3A_1592 = arith.index_cast %scan3A_1549 : i32 to index
        %get3A_1593 = arith.constant 112 : index
        %get3A_1594 = tpu.vector_load %arg7[%get3A_1592, %get3A_1593] {strides = array<i32>} : memref<100x128xf32, #tpu.memory_space<vmem>>, vector<16xf32>,
        %add3A_1595 = arith.addf %add3A_1545, %get3A_1594 : vector<16xf32>
        %mul3A_1596 = arith.mulf %get3A_1594, %get3A_1594 : vector<16xf32>
        %add3A_1597 = arith.addf %add3A_1547, %mul3A_1596 : vector<16xf32>
        scf.yield %add3A_1553, %add3A_1559, %add3A_1565, %add3A_1571, %add3A_1577, %add3A_1583, %add3A_1589, %add3A_1595, %add3A_1555, %add3A_1561, %add3A_1567, %add3A_1573, %add3A_1579, %add3A_1585, %add3A_1591, %add3A_1597 : vector<16xf32>, vector<16xf32>, vector<16xf32>, vector<16xf32>, vector<16xf32>, vector<16xf32>, vector<16xf32>, vector<16xf32>, vector<16xf32>, vector<16xf32>, vector<16xf32>, vector<16xf32>, vector<16xf32>, vector<16xf32>, vector<16xf32>, vector<16xf32>
      }
      %scan3A_172 = arith.constant 100 : i32
      %mul3A_173 = arith.mulf %scan3A_171#0, %scan3A_171#0 : vector<16xf32>
      %sub3A_174 = arith.subf %mul3A_173, %scan3A_171#8 : vector<16xf32>
      %mul3A_175 = arith.mulf %scan3A_171#1, %scan3A_171#1 : vector<16xf32>
      %sub3A_176 = arith.subf %mul3A_175, %scan3A_171#9 : vector<16xf32>
      %add3A_177 = arith.addf %sub3A_174, %sub3A_176 : vector<16xf32>
      %mul3A_178 = arith.mulf %scan3A_171#2, %scan3A_171#2 : vector<16xf32>
      %sub3A_179 = arith.subf %mul3A_178, %scan3A_171#10 : vector<16xf32>
      %add3A_180 = arith.addf %add3A_177, %sub3A_179 : vector<16xf32>
      %mul3A_181 = arith.mulf %scan3A_171#3, %scan3A_171#3 : vector<16xf32>
      %sub3A_182 = arith.subf %mul3A_181, %scan3A_171#11 : vector<16xf32>
      %add3A_183 = arith.addf %add3A_180, %sub3A_182 : vector<16xf32>
      %mul3A_184 = arith.mulf %scan3A_171#4, %scan3A_171#4 : vector<16xf32>
      %sub3A_185 = arith.subf %mul3A_184, %scan3A_171#12 : vector<16xf32>
      %add3A_186 = arith.addf %add3A_183, %sub3A_185 : vector<16xf32>
      %mul3A_187 = arith.mulf %scan3A_171#5, %scan3A_171#5 : vector<16xf32>
      %sub3A_188 = arith.subf %mul3A_187, %scan3A_171#13 : vector<16xf32>
      %add3A_189 = arith.addf %add3A_186, %sub3A_188 : vector<16xf32>
      %mul3A_190 = arith.mulf %scan3A_171#6, %scan3A_171#6 : vector<16xf32>
      %sub3A_191 = arith.subf %mul3A_190, %scan3A_171#14 : vector<16xf32>
      %add3A_192 = arith.addf %add3A_189, %sub3A_191 : vector<16xf32>
      %mul3A_193 = arith.mulf %scan3A_171#7, %scan3A_171#7 : vector<16xf32>
      %sub3A_194 = arith.subf %mul3A_193, %scan3A_171#15 : vector<16xf32>
      %add3A_195 = arith.addf %add3A_192, %sub3A_194 : vector<16xf32>
      %reduce_sum3A_196 = arith.constant true
      %reduce_sum3A_197 = vector.broadcast %reduce_sum3A_196 : i1 to vector<16xi1>
      %reduce_sum3A_198 = tpu.scan <sum>, %add3A_195 masked %reduce_sum3A_197 : vector<16xf32>, vector<16xi1> -> vector<16xf32>
      %reduce_sum3A_199 = vector.extract %reduce_sum3A_198[15] : f32 from vector<16xf32>
      %mul3A_200 = arith.constant 5.000000e-01 : f32
      %mul3A_201 = arith.mulf %reduce_sum3A_199, %mul3A_200 : f32
      %eq3A_202 = arith.constant 1 : i32
      %eq3A_203 = vector.broadcast %eq3A_202 : i32 to vector<16xi32>
      %eq3A_204 = arith.cmpi eq, %iota3A, %eq3A_203 : vector<16xi32>
      %broadcast_in_dim3A_205 = vector.broadcast %mul3A_201 : f32 to vector<16xf32>
      %select_n3A_206 = arith.select %eq3A_204, %broadcast_in_dim3A_205, %select_n3A : vector<16xi1>, vector<16xf32>
      %mul3A_207 = arith.constant 16 : i32
      %mul3A_208 = arith.muli %add3A_31, %mul3A_207 : i32
      %add3A_209 = arith.constant 2 : i32
      %add3A_210 = arith.addi %mul3A_208, %add3A_209 : i32
      %add3A_211 = arith.constant 4 : i32
      %add3A_212 = arith.addi %add3A_210, %add3A_211 : i32
      %sub3A_213 = arith.constant 1 : i32
      %sub3A_214 = arith.subi %add3A_212, %sub3A_213 : i32
      %lt3A_215 = arith.constant 128 : i32
      %lt3A_216 = arith.cmpi slt, %sub3A_214, %lt3A_215 : i32
      %convert_element_type3A_217 = arith.extui %lt3A_216 : i1 to i32
      %cond3A_218 = arith.constant 0 : i32
      %cond3A_219 = arith.cmpi ne, %convert_element_type3A_217, %cond3A_218 : i32
      scf.if %cond3A_219 {
        %dma_start3A_1484 = arith.constant 0 : i32
        %dma_start3A_1485 = tpu.memref_slice %arg5[%sub3A_214, %dma_start3A_1484] : memref<128x100xi32, #tpu.memory_space<vmem>> -> memref<1x100xi32, #tpu.memory_space<vmem>>
        %dma_start3A_1486 = tpu.memref_squeeze %dma_start3A_1485 : memref<1x100xi32, #tpu.memory_space<vmem>> -> memref<100xi32, #tpu.memory_space<vmem>>
        %dma_start3A_1487 = arith.constant 0 : i32
        %dma_start3A_1488 = arith.constant 0 : i32
        %dma_start3A_1489 = tpu.memref_slice %arg2[%dma_start3A_1487, %dma_start3A_1488] : memref<100000x128xf32, #tpu.memory_space<hbm>> -> memref<100000x128xf32, #tpu.memory_space<hbm>>
        tpu.enqueue_indirect_dma source(%dma_start3A_1489 : memref<100000x128xf32, #tpu.memory_space<hbm>>) target(%arg7 : memref<100x128xf32, #tpu.memory_space<vmem>>) offsets(%dma_start3A_1486 : memref<100xi32, #tpu.memory_space<vmem>>) semaphore(%arg12 : memref<!tpu.dma_semaphore, #tpu.memory_space<semaphore_mem>>)
      } else {
      }
      %dma_wait3A_220 = arith.constant 0 : i32
      %dma_wait3A_221 = tpu.memref_slice %arg5[%add3A_210, %dma_wait3A_220] : memref<128x100xi32, #tpu.memory_space<vmem>> -> memref<1x100xi32, #tpu.memory_space<vmem>>
      %dma_wait3A_222 = tpu.memref_squeeze %dma_wait3A_221 : memref<1x100xi32, #tpu.memory_space<vmem>> -> memref<100xi32, #tpu.memory_space<vmem>>
      %dma_wait3A_223 = arith.constant 0 : i32
      %dma_wait3A_224 = arith.constant 0 : i32
      %dma_wait3A_225 = tpu.memref_slice %arg2[%dma_wait3A_223, %dma_wait3A_224] : memref<100000x128xf32, #tpu.memory_space<hbm>> -> memref<100000x128xf32, #tpu.memory_space<hbm>>
      tpu.wait_indirect_dma semaphore(%arg13 : memref<!tpu.dma_semaphore, #tpu.memory_space<semaphore_mem>>) src(%dma_wait3A_225 : memref<100000x128xf32, #tpu.memory_space<hbm>>) dst(%arg8 : memref<100x128xf32, #tpu.memory_space<vmem>>)
      %broadcast_in_dim3A_226 = arith.constant 0.000000e+00 : f32
      %broadcast_in_dim3A_227 = vector.broadcast %broadcast_in_dim3A_226 : f32 to vector<16xf32>
      %broadcast_in_dim3A_228 = arith.constant 0.000000e+00 : f32
      %broadcast_in_dim3A_229 = vector.broadcast %broadcast_in_dim3A_228 : f32 to vector<16xf32>
      %broadcast_in_dim3A_230 = arith.constant 0.000000e+00 : f32
      %broadcast_in_dim3A_231 = vector.broadcast %broadcast_in_dim3A_230 : f32 to vector<16xf32>
      %broadcast_in_dim3A_232 = arith.constant 0.000000e+00 : f32
      %broadcast_in_dim3A_233 = vector.broadcast %broadcast_in_dim3A_232 : f32 to vector<16xf32>
      %broadcast_in_dim3A_234 = arith.constant 0.000000e+00 : f32
      %broadcast_in_dim3A_235 = vector.broadcast %broadcast_in_dim3A_234 : f32 to vector<16xf32>
      %broadcast_in_dim3A_236 = arith.constant 0.000000e+00 : f32
      %broadcast_in_dim3A_237 = vector.broadcast %broadcast_in_dim3A_236 : f32 to vector<16xf32>
      %broadcast_in_dim3A_238 = arith.constant 0.000000e+00 : f32
      %broadcast_in_dim3A_239 = vector.broadcast %broadcast_in_dim3A_238 : f32 to vector<16xf32>
      %broadcast_in_dim3A_240 = arith.constant 0.000000e+00 : f32
      %broadcast_in_dim3A_241 = vector.broadcast %broadcast_in_dim3A_240 : f32 to vector<16xf32>
      %broadcast_in_dim3A_242 = arith.constant 0.000000e+00 : f32
      %broadcast_in_dim3A_243 = vector.broadcast %broadcast_in_dim3A_242 : f32 to vector<16xf32>
      %broadcast_in_dim3A_244 = arith.constant 0.000000e+00 : f32
      %broadcast_in_dim3A_245 = vector.broadcast %broadcast_in_dim3A_244 : f32 to vector<16xf32>
      %broadcast_in_dim3A_246 = arith.constant 0.000000e+00 : f32
      %broadcast_in_dim3A_247 = vector.broadcast %broadcast_in_dim3A_246 : f32 to vector<16xf32>
      %broadcast_in_dim3A_248 = arith.constant 0.000000e+00 : f32
      %broadcast_in_dim3A_249 = vector.broadcast %broadcast_in_dim3A_248 : f32 to vector<16xf32>
      %broadcast_in_dim3A_250 = arith.constant 0.000000e+00 : f32
      %broadcast_in_dim3A_251 = vector.broadcast %broadcast_in_dim3A_250 : f32 to vector<16xf32>
      %broadcast_in_dim3A_252 = arith.constant 0.000000e+00 : f32
      %broadcast_in_dim3A_253 = vector.broadcast %broadcast_in_dim3A_252 : f32 to vector<16xf32>
      %broadcast_in_dim3A_254 = arith.constant 0.000000e+00 : f32
      %broadcast_in_dim3A_255 = vector.broadcast %broadcast_in_dim3A_254 : f32 to vector<16xf32>
      %broadcast_in_dim3A_256 = arith.constant 0.000000e+00 : f32
      %broadcast_in_dim3A_257 = vector.broadcast %broadcast_in_dim3A_256 : f32 to vector<16xf32>
      %scan3A_258 = arith.constant 0 : i32
      %scan3A_259 = arith.constant 100 : i32
      %scan3A_260 = arith.addi %scan3A_258, %scan3A_259 : i32
      %scan3A_261 = arith.constant 2 : i32
      %scan3A_262:16 = scf.for %scan3A_1484 = %scan3A_258 to %scan3A_260 step %scan3A_261 iter_args(%scan3A_1485 = %broadcast_in_dim3A_227, %scan3A_1486 = %broadcast_in_dim3A_229, %scan3A_1487 = %broadcast_in_dim3A_231, %scan3A_1488 = %broadcast_in_dim3A_233, %scan3A_1489 = %broadcast_in_dim3A_235, %scan3A_1490 = %broadcast_in_dim3A_237, %scan3A_1491 = %broadcast_in_dim3A_239, %scan3A_1492 = %broadcast_in_dim3A_241, %scan3A_1493 = %broadcast_in_dim3A_243, %scan3A_1494 = %broadcast_in_dim3A_245, %scan3A_1495 = %broadcast_in_dim3A_247, %scan3A_1496 = %broadcast_in_dim3A_249, %scan3A_1497 = %broadcast_in_dim3A_251, %scan3A_1498 = %broadcast_in_dim3A_253, %scan3A_1499 = %broadcast_in_dim3A_255, %scan3A_1500 = %broadcast_in_dim3A_257) -> (vector<16xf32>, vector<16xf32>, vector<16xf32>, vector<16xf32>, vector<16xf32>, vector<16xf32>, vector<16xf32>, vector<16xf32>, vector<16xf32>, vector<16xf32>, vector<16xf32>, vector<16xf32>, vector<16xf32>, vector<16xf32>, vector<16xf32>, vector<16xf32>)  : i32 {
        %get3A = arith.index_cast %scan3A_1484 : i32 to index
        %get3A_1501 = arith.constant 0 : index
        %get3A_1502 = tpu.vector_load %arg8[%get3A, %get3A_1501] {strides = array<i32>} : memref<100x128xf32, #tpu.memory_space<vmem>>, vector<16xf32>,
        %add3A_1503 = arith.addf %scan3A_1485, %get3A_1502 : vector<16xf32>
        %mul3A_1504 = arith.mulf %get3A_1502, %get3A_1502 : vector<16xf32>
        %add3A_1505 = arith.addf %scan3A_1493, %mul3A_1504 : vector<16xf32>
        %get3A_1506 = arith.index_cast %scan3A_1484 : i32 to index
        %get3A_1507 = arith.constant 16 : index
        %get3A_1508 = tpu.vector_load %arg8[%get3A_1506, %get3A_1507] {strides = array<i32>} : memref<100x128xf32, #tpu.memory_space<vmem>>, vector<16xf32>,
        %add3A_1509 = arith.addf %scan3A_1486, %get3A_1508 : vector<16xf32>
        %mul3A_1510 = arith.mulf %get3A_1508, %get3A_1508 : vector<16xf32>
        %add3A_1511 = arith.addf %scan3A_1494, %mul3A_1510 : vector<16xf32>
        %get3A_1512 = arith.index_cast %scan3A_1484 : i32 to index
        %get3A_1513 = arith.constant 32 : index
        %get3A_1514 = tpu.vector_load %arg8[%get3A_1512, %get3A_1513] {strides = array<i32>} : memref<100x128xf32, #tpu.memory_space<vmem>>, vector<16xf32>,
        %add3A_1515 = arith.addf %scan3A_1487, %get3A_1514 : vector<16xf32>
        %mul3A_1516 = arith.mulf %get3A_1514, %get3A_1514 : vector<16xf32>
        %add3A_1517 = arith.addf %scan3A_1495, %mul3A_1516 : vector<16xf32>
        %get3A_1518 = arith.index_cast %scan3A_1484 : i32 to index
        %get3A_1519 = arith.constant 48 : index
        %get3A_1520 = tpu.vector_load %arg8[%get3A_1518, %get3A_1519] {strides = array<i32>} : memref<100x128xf32, #tpu.memory_space<vmem>>, vector<16xf32>,
        %add3A_1521 = arith.addf %scan3A_1488, %get3A_1520 : vector<16xf32>
        %mul3A_1522 = arith.mulf %get3A_1520, %get3A_1520 : vector<16xf32>
        %add3A_1523 = arith.addf %scan3A_1496, %mul3A_1522 : vector<16xf32>
        %get3A_1524 = arith.index_cast %scan3A_1484 : i32 to index
        %get3A_1525 = arith.constant 64 : index
        %get3A_1526 = tpu.vector_load %arg8[%get3A_1524, %get3A_1525] {strides = array<i32>} : memref<100x128xf32, #tpu.memory_space<vmem>>, vector<16xf32>,
        %add3A_1527 = arith.addf %scan3A_1489, %get3A_1526 : vector<16xf32>
        %mul3A_1528 = arith.mulf %get3A_1526, %get3A_1526 : vector<16xf32>
        %add3A_1529 = arith.addf %scan3A_1497, %mul3A_1528 : vector<16xf32>
        %get3A_1530 = arith.index_cast %scan3A_1484 : i32 to index
        %get3A_1531 = arith.constant 80 : index
        %get3A_1532 = tpu.vector_load %arg8[%get3A_1530, %get3A_1531] {strides = array<i32>} : memref<100x128xf32, #tpu.memory_space<vmem>>, vector<16xf32>,
        %add3A_1533 = arith.addf %scan3A_1490, %get3A_1532 : vector<16xf32>
        %mul3A_1534 = arith.mulf %get3A_1532, %get3A_1532 : vector<16xf32>
        %add3A_1535 = arith.addf %scan3A_1498, %mul3A_1534 : vector<16xf32>
        %get3A_1536 = arith.index_cast %scan3A_1484 : i32 to index
        %get3A_1537 = arith.constant 96 : index
        %get3A_1538 = tpu.vector_load %arg8[%get3A_1536, %get3A_1537] {strides = array<i32>} : memref<100x128xf32, #tpu.memory_space<vmem>>, vector<16xf32>,
        %add3A_1539 = arith.addf %scan3A_1491, %get3A_1538 : vector<16xf32>
        %mul3A_1540 = arith.mulf %get3A_1538, %get3A_1538 : vector<16xf32>
        %add3A_1541 = arith.addf %scan3A_1499, %mul3A_1540 : vector<16xf32>
        %get3A_1542 = arith.index_cast %scan3A_1484 : i32 to index
        %get3A_1543 = arith.constant 112 : index
        %get3A_1544 = tpu.vector_load %arg8[%get3A_1542, %get3A_1543] {strides = array<i32>} : memref<100x128xf32, #tpu.memory_space<vmem>>, vector<16xf32>,
        %add3A_1545 = arith.addf %scan3A_1492, %get3A_1544 : vector<16xf32>
        %mul3A_1546 = arith.mulf %get3A_1544, %get3A_1544 : vector<16xf32>
        %add3A_1547 = arith.addf %scan3A_1500, %mul3A_1546 : vector<16xf32>
        %scan3A_1548 = arith.constant 1 : i32
        %scan3A_1549 = arith.addi %scan3A_1484, %scan3A_1548 : i32
        %get3A_1550 = arith.index_cast %scan3A_1549 : i32 to index
        %get3A_1551 = arith.constant 0 : index
        %get3A_1552 = tpu.vector_load %arg8[%get3A_1550, %get3A_1551] {strides = array<i32>} : memref<100x128xf32, #tpu.memory_space<vmem>>, vector<16xf32>,
        %add3A_1553 = arith.addf %add3A_1503, %get3A_1552 : vector<16xf32>
        %mul3A_1554 = arith.mulf %get3A_1552, %get3A_1552 : vector<16xf32>
        %add3A_1555 = arith.addf %add3A_1505, %mul3A_1554 : vector<16xf32>
        %get3A_1556 = arith.index_cast %scan3A_1549 : i32 to index
        %get3A_1557 = arith.constant 16 : index
        %get3A_1558 = tpu.vector_load %arg8[%get3A_1556, %get3A_1557] {strides = array<i32>} : memref<100x128xf32, #tpu.memory_space<vmem>>, vector<16xf32>,
        %add3A_1559 = arith.addf %add3A_1509, %get3A_1558 : vector<16xf32>
        %mul3A_1560 = arith.mulf %get3A_1558, %get3A_1558 : vector<16xf32>
        %add3A_1561 = arith.addf %add3A_1511, %mul3A_1560 : vector<16xf32>
        %get3A_1562 = arith.index_cast %scan3A_1549 : i32 to index
        %get3A_1563 = arith.constant 32 : index
        %get3A_1564 = tpu.vector_load %arg8[%get3A_1562, %get3A_1563] {strides = array<i32>} : memref<100x128xf32, #tpu.memory_space<vmem>>, vector<16xf32>,
        %add3A_1565 = arith.addf %add3A_1515, %get3A_1564 : vector<16xf32>
        %mul3A_1566 = arith.mulf %get3A_1564, %get3A_1564 : vector<16xf32>
        %add3A_1567 = arith.addf %add3A_1517, %mul3A_1566 : vector<16xf32>
        %get3A_1568 = arith.index_cast %scan3A_1549 : i32 to index
        %get3A_1569 = arith.constant 48 : index
        %get3A_1570 = tpu.vector_load %arg8[%get3A_1568, %get3A_1569] {strides = array<i32>} : memref<100x128xf32, #tpu.memory_space<vmem>>, vector<16xf32>,
        %add3A_1571 = arith.addf %add3A_1521, %get3A_1570 : vector<16xf32>
        %mul3A_1572 = arith.mulf %get3A_1570, %get3A_1570 : vector<16xf32>
        %add3A_1573 = arith.addf %add3A_1523, %mul3A_1572 : vector<16xf32>
        %get3A_1574 = arith.index_cast %scan3A_1549 : i32 to index
        %get3A_1575 = arith.constant 64 : index
        %get3A_1576 = tpu.vector_load %arg8[%get3A_1574, %get3A_1575] {strides = array<i32>} : memref<100x128xf32, #tpu.memory_space<vmem>>, vector<16xf32>,
        %add3A_1577 = arith.addf %add3A_1527, %get3A_1576 : vector<16xf32>
        %mul3A_1578 = arith.mulf %get3A_1576, %get3A_1576 : vector<16xf32>
        %add3A_1579 = arith.addf %add3A_1529, %mul3A_1578 : vector<16xf32>
        %get3A_1580 = arith.index_cast %scan3A_1549 : i32 to index
        %get3A_1581 = arith.constant 80 : index
        %get3A_1582 = tpu.vector_load %arg8[%get3A_1580, %get3A_1581] {strides = array<i32>} : memref<100x128xf32, #tpu.memory_space<vmem>>, vector<16xf32>,
        %add3A_1583 = arith.addf %add3A_1533, %get3A_1582 : vector<16xf32>
        %mul3A_1584 = arith.mulf %get3A_1582, %get3A_1582 : vector<16xf32>
        %add3A_1585 = arith.addf %add3A_1535, %mul3A_1584 : vector<16xf32>
        %get3A_1586 = arith.index_cast %scan3A_1549 : i32 to index
        %get3A_1587 = arith.constant 96 : index
        %get3A_1588 = tpu.vector_load %arg8[%get3A_1586, %get3A_1587] {strides = array<i32>} : memref<100x128xf32, #tpu.memory_space<vmem>>, vector<16xf32>,
        %add3A_1589 = arith.addf %add3A_1539, %get3A_1588 : vector<16xf32>
        %mul3A_1590 = arith.mulf %get3A_1588, %get3A_1588 : vector<16xf32>
        %add3A_1591 = arith.addf %add3A_1541, %mul3A_1590 : vector<16xf32>
        %get3A_1592 = arith.index_cast %scan3A_1549 : i32 to index
        %get3A_1593 = arith.constant 112 : index
        %get3A_1594 = tpu.vector_load %arg8[%get3A_1592, %get3A_1593] {strides = array<i32>} : memref<100x128xf32, #tpu.memory_space<vmem>>, vector<16xf32>,
        %add3A_1595 = arith.addf %add3A_1545, %get3A_1594 : vector<16xf32>
        %mul3A_1596 = arith.mulf %get3A_1594, %get3A_1594 : vector<16xf32>
        %add3A_1597 = arith.addf %add3A_1547, %mul3A_1596 : vector<16xf32>
        scf.yield %add3A_1553, %add3A_1559, %add3A_1565, %add3A_1571, %add3A_1577, %add3A_1583, %add3A_1589, %add3A_1595, %add3A_1555, %add3A_1561, %add3A_1567, %add3A_1573, %add3A_1579, %add3A_1585, %add3A_1591, %add3A_1597 : vector<16xf32>, vector<16xf32>, vector<16xf32>, vector<16xf32>, vector<16xf32>, vector<16xf32>, vector<16xf32>, vector<16xf32>, vector<16xf32>, vector<16xf32>, vector<16xf32>, vector<16xf32>, vector<16xf32>, vector<16xf32>, vector<16xf32>, vector<16xf32>
      }
      %scan3A_263 = arith.constant 100 : i32
      %mul3A_264 = arith.mulf %scan3A_262#0, %scan3A_262#0 : vector<16xf32>
      %sub3A_265 = arith.subf %mul3A_264, %scan3A_262#8 : vector<16xf32>
      %mul3A_266 = arith.mulf %scan3A_262#1, %scan3A_262#1 : vector<16xf32>
      %sub3A_267 = arith.subf %mul3A_266, %scan3A_262#9 : vector<16xf32>
      %add3A_268 = arith.addf %sub3A_265, %sub3A_267 : vector<16xf32>
      %mul3A_269 = arith.mulf %scan3A_262#2, %scan3A_262#2 : vector<16xf32>
      %sub3A_270 = arith.subf %mul3A_269, %scan3A_262#10 : vector<16xf32>
      %add3A_271 = arith.addf %add3A_268, %sub3A_270 : vector<16xf32>
      %mul3A_272 = arith.mulf %scan3A_262#3, %scan3A_262#3 : vector<16xf32>
      %sub3A_273 = arith.subf %mul3A_272, %scan3A_262#11 : vector<16xf32>
      %add3A_274 = arith.addf %add3A_271, %sub3A_273 : vector<16xf32>
      %mul3A_275 = arith.mulf %scan3A_262#4, %scan3A_262#4 : vector<16xf32>
      %sub3A_276 = arith.subf %mul3A_275, %scan3A_262#12 : vector<16xf32>
      %add3A_277 = arith.addf %add3A_274, %sub3A_276 : vector<16xf32>
      %mul3A_278 = arith.mulf %scan3A_262#5, %scan3A_262#5 : vector<16xf32>
      %sub3A_279 = arith.subf %mul3A_278, %scan3A_262#13 : vector<16xf32>
      %add3A_280 = arith.addf %add3A_277, %sub3A_279 : vector<16xf32>
      %mul3A_281 = arith.mulf %scan3A_262#6, %scan3A_262#6 : vector<16xf32>
      %sub3A_282 = arith.subf %mul3A_281, %scan3A_262#14 : vector<16xf32>
      %add3A_283 = arith.addf %add3A_280, %sub3A_282 : vector<16xf32>
      %mul3A_284 = arith.mulf %scan3A_262#7, %scan3A_262#7 : vector<16xf32>
      %sub3A_285 = arith.subf %mul3A_284, %scan3A_262#15 : vector<16xf32>
      %add3A_286 = arith.addf %add3A_283, %sub3A_285 : vector<16xf32>
      %reduce_sum3A_287 = arith.constant true
      %reduce_sum3A_288 = vector.broadcast %reduce_sum3A_287 : i1 to vector<16xi1>
      %reduce_sum3A_289 = tpu.scan <sum>, %add3A_286 masked %reduce_sum3A_288 : vector<16xf32>, vector<16xi1> -> vector<16xf32>
      %reduce_sum3A_290 = vector.extract %reduce_sum3A_289[15] : f32 from vector<16xf32>
      %mul3A_291 = arith.constant 5.000000e-01 : f32
      %mul3A_292 = arith.mulf %reduce_sum3A_290, %mul3A_291 : f32
      %eq3A_293 = arith.constant 2 : i32
      %eq3A_294 = vector.broadcast %eq3A_293 : i32 to vector<16xi32>
      %eq3A_295 = arith.cmpi eq, %iota3A, %eq3A_294 : vector<16xi32>
      %broadcast_in_dim3A_296 = vector.broadcast %mul3A_292 : f32 to vector<16xf32>
      %select_n3A_297 = arith.select %eq3A_295, %broadcast_in_dim3A_296, %select_n3A_206 : vector<16xi1>, vector<16xf32>
      %mul3A_298 = arith.constant 16 : i32
      %mul3A_299 = arith.muli %add3A_31, %mul3A_298 : i32
      %add3A_300 = arith.constant 3 : i32
      %add3A_301 = arith.addi %mul3A_299, %add3A_300 : i32
      %add3A_302 = arith.constant 4 : i32
      %add3A_303 = arith.addi %add3A_301, %add3A_302 : i32
      %sub3A_304 = arith.constant 1 : i32
      %sub3A_305 = arith.subi %add3A_303, %sub3A_304 : i32
      %lt3A_306 = arith.constant 128 : i32
      %lt3A_307 = arith.cmpi slt, %sub3A_305, %lt3A_306 : i32
      %convert_element_type3A_308 = arith.extui %lt3A_307 : i1 to i32
      %cond3A_309 = arith.constant 0 : i32
      %cond3A_310 = arith.cmpi ne, %convert_element_type3A_308, %cond3A_309 : i32
      scf.if %cond3A_310 {
        %dma_start3A_1484 = arith.constant 0 : i32
        %dma_start3A_1485 = tpu.memref_slice %arg5[%sub3A_305, %dma_start3A_1484] : memref<128x100xi32, #tpu.memory_space<vmem>> -> memref<1x100xi32, #tpu.memory_space<vmem>>
        %dma_start3A_1486 = tpu.memref_squeeze %dma_start3A_1485 : memref<1x100xi32, #tpu.memory_space<vmem>> -> memref<100xi32, #tpu.memory_space<vmem>>
        %dma_start3A_1487 = arith.constant 0 : i32
        %dma_start3A_1488 = arith.constant 0 : i32
        %dma_start3A_1489 = tpu.memref_slice %arg2[%dma_start3A_1487, %dma_start3A_1488] : memref<100000x128xf32, #tpu.memory_space<hbm>> -> memref<100000x128xf32, #tpu.memory_space<hbm>>
        tpu.enqueue_indirect_dma source(%dma_start3A_1489 : memref<100000x128xf32, #tpu.memory_space<hbm>>) target(%arg8 : memref<100x128xf32, #tpu.memory_space<vmem>>) offsets(%dma_start3A_1486 : memref<100xi32, #tpu.memory_space<vmem>>) semaphore(%arg13 : memref<!tpu.dma_semaphore, #tpu.memory_space<semaphore_mem>>)
      } else {
      }
      %dma_wait3A_311 = arith.constant 0 : i32
      %dma_wait3A_312 = tpu.memref_slice %arg5[%add3A_301, %dma_wait3A_311] : memref<128x100xi32, #tpu.memory_space<vmem>> -> memref<1x100xi32, #tpu.memory_space<vmem>>
      %dma_wait3A_313 = tpu.memref_squeeze %dma_wait3A_312 : memref<1x100xi32, #tpu.memory_space<vmem>> -> memref<100xi32, #tpu.memory_space<vmem>>
      %dma_wait3A_314 = arith.constant 0 : i32
      %dma_wait3A_315 = arith.constant 0 : i32
      %dma_wait3A_316 = tpu.memref_slice %arg2[%dma_wait3A_314, %dma_wait3A_315] : memref<100000x128xf32, #tpu.memory_space<hbm>> -> memref<100000x128xf32, #tpu.memory_space<hbm>>
      tpu.wait_indirect_dma semaphore(%arg14 : memref<!tpu.dma_semaphore, #tpu.memory_space<semaphore_mem>>) src(%dma_wait3A_316 : memref<100000x128xf32, #tpu.memory_space<hbm>>) dst(%arg9 : memref<100x128xf32, #tpu.memory_space<vmem>>)
      %broadcast_in_dim3A_317 = arith.constant 0.000000e+00 : f32
      %broadcast_in_dim3A_318 = vector.broadcast %broadcast_in_dim3A_317 : f32 to vector<16xf32>
      %broadcast_in_dim3A_319 = arith.constant 0.000000e+00 : f32
      %broadcast_in_dim3A_320 = vector.broadcast %broadcast_in_dim3A_319 : f32 to vector<16xf32>
      %broadcast_in_dim3A_321 = arith.constant 0.000000e+00 : f32
      %broadcast_in_dim3A_322 = vector.broadcast %broadcast_in_dim3A_321 : f32 to vector<16xf32>
      %broadcast_in_dim3A_323 = arith.constant 0.000000e+00 : f32
      %broadcast_in_dim3A_324 = vector.broadcast %broadcast_in_dim3A_323 : f32 to vector<16xf32>
      %broadcast_in_dim3A_325 = arith.constant 0.000000e+00 : f32
      %broadcast_in_dim3A_326 = vector.broadcast %broadcast_in_dim3A_325 : f32 to vector<16xf32>
      %broadcast_in_dim3A_327 = arith.constant 0.000000e+00 : f32
      %broadcast_in_dim3A_328 = vector.broadcast %broadcast_in_dim3A_327 : f32 to vector<16xf32>
      %broadcast_in_dim3A_329 = arith.constant 0.000000e+00 : f32
      %broadcast_in_dim3A_330 = vector.broadcast %broadcast_in_dim3A_329 : f32 to vector<16xf32>
      %broadcast_in_dim3A_331 = arith.constant 0.000000e+00 : f32
      %broadcast_in_dim3A_332 = vector.broadcast %broadcast_in_dim3A_331 : f32 to vector<16xf32>
      %broadcast_in_dim3A_333 = arith.constant 0.000000e+00 : f32
      %broadcast_in_dim3A_334 = vector.broadcast %broadcast_in_dim3A_333 : f32 to vector<16xf32>
      %broadcast_in_dim3A_335 = arith.constant 0.000000e+00 : f32
      %broadcast_in_dim3A_336 = vector.broadcast %broadcast_in_dim3A_335 : f32 to vector<16xf32>
      %broadcast_in_dim3A_337 = arith.constant 0.000000e+00 : f32
      %broadcast_in_dim3A_338 = vector.broadcast %broadcast_in_dim3A_337 : f32 to vector<16xf32>
      %broadcast_in_dim3A_339 = arith.constant 0.000000e+00 : f32
      %broadcast_in_dim3A_340 = vector.broadcast %broadcast_in_dim3A_339 : f32 to vector<16xf32>
      %broadcast_in_dim3A_341 = arith.constant 0.000000e+00 : f32
      %broadcast_in_dim3A_342 = vector.broadcast %broadcast_in_dim3A_341 : f32 to vector<16xf32>
      %broadcast_in_dim3A_343 = arith.constant 0.000000e+00 : f32
      %broadcast_in_dim3A_344 = vector.broadcast %broadcast_in_dim3A_343 : f32 to vector<16xf32>
      %broadcast_in_dim3A_345 = arith.constant 0.000000e+00 : f32
      %broadcast_in_dim3A_346 = vector.broadcast %broadcast_in_dim3A_345 : f32 to vector<16xf32>
      %broadcast_in_dim3A_347 = arith.constant 0.000000e+00 : f32
      %broadcast_in_dim3A_348 = vector.broadcast %broadcast_in_dim3A_347 : f32 to vector<16xf32>
      %scan3A_349 = arith.constant 0 : i32
      %scan3A_350 = arith.constant 100 : i32
      %scan3A_351 = arith.addi %scan3A_349, %scan3A_350 : i32
      %scan3A_352 = arith.constant 2 : i32
      %scan3A_353:16 = scf.for %scan3A_1484 = %scan3A_349 to %scan3A_351 step %scan3A_352 iter_args(%scan3A_1485 = %broadcast_in_dim3A_318, %scan3A_1486 = %broadcast_in_dim3A_320, %scan3A_1487 = %broadcast_in_dim3A_322, %scan3A_1488 = %broadcast_in_dim3A_324, %scan3A_1489 = %broadcast_in_dim3A_326, %scan3A_1490 = %broadcast_in_dim3A_328, %scan3A_1491 = %broadcast_in_dim3A_330, %scan3A_1492 = %broadcast_in_dim3A_332, %scan3A_1493 = %broadcast_in_dim3A_334, %scan3A_1494 = %broadcast_in_dim3A_336, %scan3A_1495 = %broadcast_in_dim3A_338, %scan3A_1496 = %broadcast_in_dim3A_340, %scan3A_1497 = %broadcast_in_dim3A_342, %scan3A_1498 = %broadcast_in_dim3A_344, %scan3A_1499 = %broadcast_in_dim3A_346, %scan3A_1500 = %broadcast_in_dim3A_348) -> (vector<16xf32>, vector<16xf32>, vector<16xf32>, vector<16xf32>, vector<16xf32>, vector<16xf32>, vector<16xf32>, vector<16xf32>, vector<16xf32>, vector<16xf32>, vector<16xf32>, vector<16xf32>, vector<16xf32>, vector<16xf32>, vector<16xf32>, vector<16xf32>)  : i32 {
        %get3A = arith.index_cast %scan3A_1484 : i32 to index
        %get3A_1501 = arith.constant 0 : index
        %get3A_1502 = tpu.vector_load %arg9[%get3A, %get3A_1501] {strides = array<i32>} : memref<100x128xf32, #tpu.memory_space<vmem>>, vector<16xf32>,
        %add3A_1503 = arith.addf %scan3A_1485, %get3A_1502 : vector<16xf32>
        %mul3A_1504 = arith.mulf %get3A_1502, %get3A_1502 : vector<16xf32>
        %add3A_1505 = arith.addf %scan3A_1493, %mul3A_1504 : vector<16xf32>
        %get3A_1506 = arith.index_cast %scan3A_1484 : i32 to index
        %get3A_1507 = arith.constant 16 : index
        %get3A_1508 = tpu.vector_load %arg9[%get3A_1506, %get3A_1507] {strides = array<i32>} : memref<100x128xf32, #tpu.memory_space<vmem>>, vector<16xf32>,
        %add3A_1509 = arith.addf %scan3A_1486, %get3A_1508 : vector<16xf32>
        %mul3A_1510 = arith.mulf %get3A_1508, %get3A_1508 : vector<16xf32>
        %add3A_1511 = arith.addf %scan3A_1494, %mul3A_1510 : vector<16xf32>
        %get3A_1512 = arith.index_cast %scan3A_1484 : i32 to index
        %get3A_1513 = arith.constant 32 : index
        %get3A_1514 = tpu.vector_load %arg9[%get3A_1512, %get3A_1513] {strides = array<i32>} : memref<100x128xf32, #tpu.memory_space<vmem>>, vector<16xf32>,
        %add3A_1515 = arith.addf %scan3A_1487, %get3A_1514 : vector<16xf32>
        %mul3A_1516 = arith.mulf %get3A_1514, %get3A_1514 : vector<16xf32>
        %add3A_1517 = arith.addf %scan3A_1495, %mul3A_1516 : vector<16xf32>
        %get3A_1518 = arith.index_cast %scan3A_1484 : i32 to index
        %get3A_1519 = arith.constant 48 : index
        %get3A_1520 = tpu.vector_load %arg9[%get3A_1518, %get3A_1519] {strides = array<i32>} : memref<100x128xf32, #tpu.memory_space<vmem>>, vector<16xf32>,
        %add3A_1521 = arith.addf %scan3A_1488, %get3A_1520 : vector<16xf32>
        %mul3A_1522 = arith.mulf %get3A_1520, %get3A_1520 : vector<16xf32>
        %add3A_1523 = arith.addf %scan3A_1496, %mul3A_1522 : vector<16xf32>
        %get3A_1524 = arith.index_cast %scan3A_1484 : i32 to index
        %get3A_1525 = arith.constant 64 : index
        %get3A_1526 = tpu.vector_load %arg9[%get3A_1524, %get3A_1525] {strides = array<i32>} : memref<100x128xf32, #tpu.memory_space<vmem>>, vector<16xf32>,
        %add3A_1527 = arith.addf %scan3A_1489, %get3A_1526 : vector<16xf32>
        %mul3A_1528 = arith.mulf %get3A_1526, %get3A_1526 : vector<16xf32>
        %add3A_1529 = arith.addf %scan3A_1497, %mul3A_1528 : vector<16xf32>
        %get3A_1530 = arith.index_cast %scan3A_1484 : i32 to index
        %get3A_1531 = arith.constant 80 : index
        %get3A_1532 = tpu.vector_load %arg9[%get3A_1530, %get3A_1531] {strides = array<i32>} : memref<100x128xf32, #tpu.memory_space<vmem>>, vector<16xf32>,
        %add3A_1533 = arith.addf %scan3A_1490, %get3A_1532 : vector<16xf32>
        %mul3A_1534 = arith.mulf %get3A_1532, %get3A_1532 : vector<16xf32>
        %add3A_1535 = arith.addf %scan3A_1498, %mul3A_1534 : vector<16xf32>
        %get3A_1536 = arith.index_cast %scan3A_1484 : i32 to index
        %get3A_1537 = arith.constant 96 : index
        %get3A_1538 = tpu.vector_load %arg9[%get3A_1536, %get3A_1537] {strides = array<i32>} : memref<100x128xf32, #tpu.memory_space<vmem>>, vector<16xf32>,
        %add3A_1539 = arith.addf %scan3A_1491, %get3A_1538 : vector<16xf32>
        %mul3A_1540 = arith.mulf %get3A_1538, %get3A_1538 : vector<16xf32>
        %add3A_1541 = arith.addf %scan3A_1499, %mul3A_1540 : vector<16xf32>
        %get3A_1542 = arith.index_cast %scan3A_1484 : i32 to index
        %get3A_1543 = arith.constant 112 : index
        %get3A_1544 = tpu.vector_load %arg9[%get3A_1542, %get3A_1543] {strides = array<i32>} : memref<100x128xf32, #tpu.memory_space<vmem>>, vector<16xf32>,
        %add3A_1545 = arith.addf %scan3A_1492, %get3A_1544 : vector<16xf32>
        %mul3A_1546 = arith.mulf %get3A_1544, %get3A_1544 : vector<16xf32>
        %add3A_1547 = arith.addf %scan3A_1500, %mul3A_1546 : vector<16xf32>
        %scan3A_1548 = arith.constant 1 : i32
        %scan3A_1549 = arith.addi %scan3A_1484, %scan3A_1548 : i32
        %get3A_1550 = arith.index_cast %scan3A_1549 : i32 to index
        %get3A_1551 = arith.constant 0 : index
        %get3A_1552 = tpu.vector_load %arg9[%get3A_1550, %get3A_1551] {strides = array<i32>} : memref<100x128xf32, #tpu.memory_space<vmem>>, vector<16xf32>,
        %add3A_1553 = arith.addf %add3A_1503, %get3A_1552 : vector<16xf32>
        %mul3A_1554 = arith.mulf %get3A_1552, %get3A_1552 : vector<16xf32>
        %add3A_1555 = arith.addf %add3A_1505, %mul3A_1554 : vector<16xf32>
        %get3A_1556 = arith.index_cast %scan3A_1549 : i32 to index
        %get3A_1557 = arith.constant 16 : index
        %get3A_1558 = tpu.vector_load %arg9[%get3A_1556, %get3A_1557] {strides = array<i32>} : memref<100x128xf32, #tpu.memory_space<vmem>>, vector<16xf32>,
        %add3A_1559 = arith.addf %add3A_1509, %get3A_1558 : vector<16xf32>
        %mul3A_1560 = arith.mulf %get3A_1558, %get3A_1558 : vector<16xf32>
        %add3A_1561 = arith.addf %add3A_1511, %mul3A_1560 : vector<16xf32>
        %get3A_1562 = arith.index_cast %scan3A_1549 : i32 to index
        %get3A_1563 = arith.constant 32 : index
        %get3A_1564 = tpu.vector_load %arg9[%get3A_1562, %get3A_1563] {strides = array<i32>} : memref<100x128xf32, #tpu.memory_space<vmem>>, vector<16xf32>,
        %add3A_1565 = arith.addf %add3A_1515, %get3A_1564 : vector<16xf32>
        %mul3A_1566 = arith.mulf %get3A_1564, %get3A_1564 : vector<16xf32>
        %add3A_1567 = arith.addf %add3A_1517, %mul3A_1566 : vector<16xf32>
        %get3A_1568 = arith.index_cast %scan3A_1549 : i32 to index
        %get3A_1569 = arith.constant 48 : index
        %get3A_1570 = tpu.vector_load %arg9[%get3A_1568, %get3A_1569] {strides = array<i32>} : memref<100x128xf32, #tpu.memory_space<vmem>>, vector<16xf32>,
        %add3A_1571 = arith.addf %add3A_1521, %get3A_1570 : vector<16xf32>
        %mul3A_1572 = arith.mulf %get3A_1570, %get3A_1570 : vector<16xf32>
        %add3A_1573 = arith.addf %add3A_1523, %mul3A_1572 : vector<16xf32>
        %get3A_1574 = arith.index_cast %scan3A_1549 : i32 to index
        %get3A_1575 = arith.constant 64 : index
        %get3A_1576 = tpu.vector_load %arg9[%get3A_1574, %get3A_1575] {strides = array<i32>} : memref<100x128xf32, #tpu.memory_space<vmem>>, vector<16xf32>,
        %add3A_1577 = arith.addf %add3A_1527, %get3A_1576 : vector<16xf32>
        %mul3A_1578 = arith.mulf %get3A_1576, %get3A_1576 : vector<16xf32>
        %add3A_1579 = arith.addf %add3A_1529, %mul3A_1578 : vector<16xf32>
        %get3A_1580 = arith.index_cast %scan3A_1549 : i32 to index
        %get3A_1581 = arith.constant 80 : index
        %get3A_1582 = tpu.vector_load %arg9[%get3A_1580, %get3A_1581] {strides = array<i32>} : memref<100x128xf32, #tpu.memory_space<vmem>>, vector<16xf32>,
        %add3A_1583 = arith.addf %add3A_1533, %get3A_1582 : vector<16xf32>
        %mul3A_1584 = arith.mulf %get3A_1582, %get3A_1582 : vector<16xf32>
        %add3A_1585 = arith.addf %add3A_1535, %mul3A_1584 : vector<16xf32>
        %get3A_1586 = arith.index_cast %scan3A_1549 : i32 to index
        %get3A_1587 = arith.constant 96 : index
        %get3A_1588 = tpu.vector_load %arg9[%get3A_1586, %get3A_1587] {strides = array<i32>} : memref<100x128xf32, #tpu.memory_space<vmem>>, vector<16xf32>,
        %add3A_1589 = arith.addf %add3A_1539, %get3A_1588 : vector<16xf32>
        %mul3A_1590 = arith.mulf %get3A_1588, %get3A_1588 : vector<16xf32>
        %add3A_1591 = arith.addf %add3A_1541, %mul3A_1590 : vector<16xf32>
        %get3A_1592 = arith.index_cast %scan3A_1549 : i32 to index
        %get3A_1593 = arith.constant 112 : index
        %get3A_1594 = tpu.vector_load %arg9[%get3A_1592, %get3A_1593] {strides = array<i32>} : memref<100x128xf32, #tpu.memory_space<vmem>>, vector<16xf32>,
        %add3A_1595 = arith.addf %add3A_1545, %get3A_1594 : vector<16xf32>
        %mul3A_1596 = arith.mulf %get3A_1594, %get3A_1594 : vector<16xf32>
        %add3A_1597 = arith.addf %add3A_1547, %mul3A_1596 : vector<16xf32>
        scf.yield %add3A_1553, %add3A_1559, %add3A_1565, %add3A_1571, %add3A_1577, %add3A_1583, %add3A_1589, %add3A_1595, %add3A_1555, %add3A_1561, %add3A_1567, %add3A_1573, %add3A_1579, %add3A_1585, %add3A_1591, %add3A_1597 : vector<16xf32>, vector<16xf32>, vector<16xf32>, vector<16xf32>, vector<16xf32>, vector<16xf32>, vector<16xf32>, vector<16xf32>, vector<16xf32>, vector<16xf32>, vector<16xf32>, vector<16xf32>, vector<16xf32>, vector<16xf32>, vector<16xf32>, vector<16xf32>
      }
      %scan3A_354 = arith.constant 100 : i32
      %mul3A_355 = arith.mulf %scan3A_353#0, %scan3A_353#0 : vector<16xf32>
      %sub3A_356 = arith.subf %mul3A_355, %scan3A_353#8 : vector<16xf32>
      %mul3A_357 = arith.mulf %scan3A_353#1, %scan3A_353#1 : vector<16xf32>
      %sub3A_358 = arith.subf %mul3A_357, %scan3A_353#9 : vector<16xf32>
      %add3A_359 = arith.addf %sub3A_356, %sub3A_358 : vector<16xf32>
      %mul3A_360 = arith.mulf %scan3A_353#2, %scan3A_353#2 : vector<16xf32>
      %sub3A_361 = arith.subf %mul3A_360, %scan3A_353#10 : vector<16xf32>
      %add3A_362 = arith.addf %add3A_359, %sub3A_361 : vector<16xf32>
      %mul3A_363 = arith.mulf %scan3A_353#3, %scan3A_353#3 : vector<16xf32>
      %sub3A_364 = arith.subf %mul3A_363, %scan3A_353#11 : vector<16xf32>
      %add3A_365 = arith.addf %add3A_362, %sub3A_364 : vector<16xf32>
      %mul3A_366 = arith.mulf %scan3A_353#4, %scan3A_353#4 : vector<16xf32>
      %sub3A_367 = arith.subf %mul3A_366, %scan3A_353#12 : vector<16xf32>
      %add3A_368 = arith.addf %add3A_365, %sub3A_367 : vector<16xf32>
      %mul3A_369 = arith.mulf %scan3A_353#5, %scan3A_353#5 : vector<16xf32>
      %sub3A_370 = arith.subf %mul3A_369, %scan3A_353#13 : vector<16xf32>
      %add3A_371 = arith.addf %add3A_368, %sub3A_370 : vector<16xf32>
      %mul3A_372 = arith.mulf %scan3A_353#6, %scan3A_353#6 : vector<16xf32>
      %sub3A_373 = arith.subf %mul3A_372, %scan3A_353#14 : vector<16xf32>
      %add3A_374 = arith.addf %add3A_371, %sub3A_373 : vector<16xf32>
      %mul3A_375 = arith.mulf %scan3A_353#7, %scan3A_353#7 : vector<16xf32>
      %sub3A_376 = arith.subf %mul3A_375, %scan3A_353#15 : vector<16xf32>
      %add3A_377 = arith.addf %add3A_374, %sub3A_376 : vector<16xf32>
      %reduce_sum3A_378 = arith.constant true
      %reduce_sum3A_379 = vector.broadcast %reduce_sum3A_378 : i1 to vector<16xi1>
      %reduce_sum3A_380 = tpu.scan <sum>, %add3A_377 masked %reduce_sum3A_379 : vector<16xf32>, vector<16xi1> -> vector<16xf32>
      %reduce_sum3A_381 = vector.extract %reduce_sum3A_380[15] : f32 from vector<16xf32>
      %mul3A_382 = arith.constant 5.000000e-01 : f32
      %mul3A_383 = arith.mulf %reduce_sum3A_381, %mul3A_382 : f32
      %eq3A_384 = arith.constant 3 : i32
      %eq3A_385 = vector.broadcast %eq3A_384 : i32 to vector<16xi32>
      %eq3A_386 = arith.cmpi eq, %iota3A, %eq3A_385 : vector<16xi32>
      %broadcast_in_dim3A_387 = vector.broadcast %mul3A_383 : f32 to vector<16xf32>
      %select_n3A_388 = arith.select %eq3A_386, %broadcast_in_dim3A_387, %select_n3A_297 : vector<16xi1>, vector<16xf32>
      %mul3A_389 = arith.constant 16 : i32
      %mul3A_390 = arith.muli %add3A_31, %mul3A_389 : i32
      %add3A_391 = arith.constant 4 : i32
      %add3A_392 = arith.addi %mul3A_390, %add3A_391 : i32
      %add3A_393 = arith.constant 4 : i32
      %add3A_394 = arith.addi %add3A_392, %add3A_393 : i32
      %sub3A_395 = arith.constant 1 : i32
      %sub3A_396 = arith.subi %add3A_394, %sub3A_395 : i32
      %lt3A_397 = arith.constant 128 : i32
      %lt3A_398 = arith.cmpi slt, %sub3A_396, %lt3A_397 : i32
      %convert_element_type3A_399 = arith.extui %lt3A_398 : i1 to i32
      %cond3A_400 = arith.constant 0 : i32
      %cond3A_401 = arith.cmpi ne, %convert_element_type3A_399, %cond3A_400 : i32
      scf.if %cond3A_401 {
        %dma_start3A_1484 = arith.constant 0 : i32
        %dma_start3A_1485 = tpu.memref_slice %arg5[%sub3A_396, %dma_start3A_1484] : memref<128x100xi32, #tpu.memory_space<vmem>> -> memref<1x100xi32, #tpu.memory_space<vmem>>
        %dma_start3A_1486 = tpu.memref_squeeze %dma_start3A_1485 : memref<1x100xi32, #tpu.memory_space<vmem>> -> memref<100xi32, #tpu.memory_space<vmem>>
        %dma_start3A_1487 = arith.constant 0 : i32
        %dma_start3A_1488 = arith.constant 0 : i32
        %dma_start3A_1489 = tpu.memref_slice %arg2[%dma_start3A_1487, %dma_start3A_1488] : memref<100000x128xf32, #tpu.memory_space<hbm>> -> memref<100000x128xf32, #tpu.memory_space<hbm>>
        tpu.enqueue_indirect_dma source(%dma_start3A_1489 : memref<100000x128xf32, #tpu.memory_space<hbm>>) target(%arg9 : memref<100x128xf32, #tpu.memory_space<vmem>>) offsets(%dma_start3A_1486 : memref<100xi32, #tpu.memory_space<vmem>>) semaphore(%arg14 : memref<!tpu.dma_semaphore, #tpu.memory_space<semaphore_mem>>)
      } else {
      }
      %dma_wait3A_402 = arith.constant 0 : i32
      %dma_wait3A_403 = tpu.memref_slice %arg5[%add3A_392, %dma_wait3A_402] : memref<128x100xi32, #tpu.memory_space<vmem>> -> memref<1x100xi32, #tpu.memory_space<vmem>>
      %dma_wait3A_404 = tpu.memref_squeeze %dma_wait3A_403 : memref<1x100xi32, #tpu.memory_space<vmem>> -> memref<100xi32, #tpu.memory_space<vmem>>
      %dma_wait3A_405 = arith.constant 0 : i32
      %dma_wait3A_406 = arith.constant 0 : i32
      %dma_wait3A_407 = tpu.memref_slice %arg2[%dma_wait3A_405, %dma_wait3A_406] : memref<100000x128xf32, #tpu.memory_space<hbm>> -> memref<100000x128xf32, #tpu.memory_space<hbm>>
      tpu.wait_indirect_dma semaphore(%arg11 : memref<!tpu.dma_semaphore, #tpu.memory_space<semaphore_mem>>) src(%dma_wait3A_407 : memref<100000x128xf32, #tpu.memory_space<hbm>>) dst(%arg6 : memref<100x128xf32, #tpu.memory_space<vmem>>)
      %broadcast_in_dim3A_408 = arith.constant 0.000000e+00 : f32
      %broadcast_in_dim3A_409 = vector.broadcast %broadcast_in_dim3A_408 : f32 to vector<16xf32>
      %broadcast_in_dim3A_410 = arith.constant 0.000000e+00 : f32
      %broadcast_in_dim3A_411 = vector.broadcast %broadcast_in_dim3A_410 : f32 to vector<16xf32>
      %broadcast_in_dim3A_412 = arith.constant 0.000000e+00 : f32
      %broadcast_in_dim3A_413 = vector.broadcast %broadcast_in_dim3A_412 : f32 to vector<16xf32>
      %broadcast_in_dim3A_414 = arith.constant 0.000000e+00 : f32
      %broadcast_in_dim3A_415 = vector.broadcast %broadcast_in_dim3A_414 : f32 to vector<16xf32>
      %broadcast_in_dim3A_416 = arith.constant 0.000000e+00 : f32
      %broadcast_in_dim3A_417 = vector.broadcast %broadcast_in_dim3A_416 : f32 to vector<16xf32>
      %broadcast_in_dim3A_418 = arith.constant 0.000000e+00 : f32
      %broadcast_in_dim3A_419 = vector.broadcast %broadcast_in_dim3A_418 : f32 to vector<16xf32>
      %broadcast_in_dim3A_420 = arith.constant 0.000000e+00 : f32
      %broadcast_in_dim3A_421 = vector.broadcast %broadcast_in_dim3A_420 : f32 to vector<16xf32>
      %broadcast_in_dim3A_422 = arith.constant 0.000000e+00 : f32
      %broadcast_in_dim3A_423 = vector.broadcast %broadcast_in_dim3A_422 : f32 to vector<16xf32>
      %broadcast_in_dim3A_424 = arith.constant 0.000000e+00 : f32
      %broadcast_in_dim3A_425 = vector.broadcast %broadcast_in_dim3A_424 : f32 to vector<16xf32>
      %broadcast_in_dim3A_426 = arith.constant 0.000000e+00 : f32
      %broadcast_in_dim3A_427 = vector.broadcast %broadcast_in_dim3A_426 : f32 to vector<16xf32>
      %broadcast_in_dim3A_428 = arith.constant 0.000000e+00 : f32
      %broadcast_in_dim3A_429 = vector.broadcast %broadcast_in_dim3A_428 : f32 to vector<16xf32>
      %broadcast_in_dim3A_430 = arith.constant 0.000000e+00 : f32
      %broadcast_in_dim3A_431 = vector.broadcast %broadcast_in_dim3A_430 : f32 to vector<16xf32>
      %broadcast_in_dim3A_432 = arith.constant 0.000000e+00 : f32
      %broadcast_in_dim3A_433 = vector.broadcast %broadcast_in_dim3A_432 : f32 to vector<16xf32>
      %broadcast_in_dim3A_434 = arith.constant 0.000000e+00 : f32
      %broadcast_in_dim3A_435 = vector.broadcast %broadcast_in_dim3A_434 : f32 to vector<16xf32>
      %broadcast_in_dim3A_436 = arith.constant 0.000000e+00 : f32
      %broadcast_in_dim3A_437 = vector.broadcast %broadcast_in_dim3A_436 : f32 to vector<16xf32>
      %broadcast_in_dim3A_438 = arith.constant 0.000000e+00 : f32
      %broadcast_in_dim3A_439 = vector.broadcast %broadcast_in_dim3A_438 : f32 to vector<16xf32>
      %scan3A_440 = arith.constant 0 : i32
      %scan3A_441 = arith.constant 100 : i32
      %scan3A_442 = arith.addi %scan3A_440, %scan3A_441 : i32
      %scan3A_443 = arith.constant 2 : i32
      %scan3A_444:16 = scf.for %scan3A_1484 = %scan3A_440 to %scan3A_442 step %scan3A_443 iter_args(%scan3A_1485 = %broadcast_in_dim3A_409, %scan3A_1486 = %broadcast_in_dim3A_411, %scan3A_1487 = %broadcast_in_dim3A_413, %scan3A_1488 = %broadcast_in_dim3A_415, %scan3A_1489 = %broadcast_in_dim3A_417, %scan3A_1490 = %broadcast_in_dim3A_419, %scan3A_1491 = %broadcast_in_dim3A_421, %scan3A_1492 = %broadcast_in_dim3A_423, %scan3A_1493 = %broadcast_in_dim3A_425, %scan3A_1494 = %broadcast_in_dim3A_427, %scan3A_1495 = %broadcast_in_dim3A_429, %scan3A_1496 = %broadcast_in_dim3A_431, %scan3A_1497 = %broadcast_in_dim3A_433, %scan3A_1498 = %broadcast_in_dim3A_435, %scan3A_1499 = %broadcast_in_dim3A_437, %scan3A_1500 = %broadcast_in_dim3A_439) -> (vector<16xf32>, vector<16xf32>, vector<16xf32>, vector<16xf32>, vector<16xf32>, vector<16xf32>, vector<16xf32>, vector<16xf32>, vector<16xf32>, vector<16xf32>, vector<16xf32>, vector<16xf32>, vector<16xf32>, vector<16xf32>, vector<16xf32>, vector<16xf32>)  : i32 {
        %get3A = arith.index_cast %scan3A_1484 : i32 to index
        %get3A_1501 = arith.constant 0 : index
        %get3A_1502 = tpu.vector_load %arg6[%get3A, %get3A_1501] {strides = array<i32>} : memref<100x128xf32, #tpu.memory_space<vmem>>, vector<16xf32>,
        %add3A_1503 = arith.addf %scan3A_1485, %get3A_1502 : vector<16xf32>
        %mul3A_1504 = arith.mulf %get3A_1502, %get3A_1502 : vector<16xf32>
        %add3A_1505 = arith.addf %scan3A_1493, %mul3A_1504 : vector<16xf32>
        %get3A_1506 = arith.index_cast %scan3A_1484 : i32 to index
        %get3A_1507 = arith.constant 16 : index
        %get3A_1508 = tpu.vector_load %arg6[%get3A_1506, %get3A_1507] {strides = array<i32>} : memref<100x128xf32, #tpu.memory_space<vmem>>, vector<16xf32>,
        %add3A_1509 = arith.addf %scan3A_1486, %get3A_1508 : vector<16xf32>
        %mul3A_1510 = arith.mulf %get3A_1508, %get3A_1508 : vector<16xf32>
        %add3A_1511 = arith.addf %scan3A_1494, %mul3A_1510 : vector<16xf32>
        %get3A_1512 = arith.index_cast %scan3A_1484 : i32 to index
        %get3A_1513 = arith.constant 32 : index
        %get3A_1514 = tpu.vector_load %arg6[%get3A_1512, %get3A_1513] {strides = array<i32>} : memref<100x128xf32, #tpu.memory_space<vmem>>, vector<16xf32>,
        %add3A_1515 = arith.addf %scan3A_1487, %get3A_1514 : vector<16xf32>
        %mul3A_1516 = arith.mulf %get3A_1514, %get3A_1514 : vector<16xf32>
        %add3A_1517 = arith.addf %scan3A_1495, %mul3A_1516 : vector<16xf32>
        %get3A_1518 = arith.index_cast %scan3A_1484 : i32 to index
        %get3A_1519 = arith.constant 48 : index
        %get3A_1520 = tpu.vector_load %arg6[%get3A_1518, %get3A_1519] {strides = array<i32>} : memref<100x128xf32, #tpu.memory_space<vmem>>, vector<16xf32>,
        %add3A_1521 = arith.addf %scan3A_1488, %get3A_1520 : vector<16xf32>
        %mul3A_1522 = arith.mulf %get3A_1520, %get3A_1520 : vector<16xf32>
        %add3A_1523 = arith.addf %scan3A_1496, %mul3A_1522 : vector<16xf32>
        %get3A_1524 = arith.index_cast %scan3A_1484 : i32 to index
        %get3A_1525 = arith.constant 64 : index
        %get3A_1526 = tpu.vector_load %arg6[%get3A_1524, %get3A_1525] {strides = array<i32>} : memref<100x128xf32, #tpu.memory_space<vmem>>, vector<16xf32>,
        %add3A_1527 = arith.addf %scan3A_1489, %get3A_1526 : vector<16xf32>
        %mul3A_1528 = arith.mulf %get3A_1526, %get3A_1526 : vector<16xf32>
        %add3A_1529 = arith.addf %scan3A_1497, %mul3A_1528 : vector<16xf32>
        %get3A_1530 = arith.index_cast %scan3A_1484 : i32 to index
        %get3A_1531 = arith.constant 80 : index
        %get3A_1532 = tpu.vector_load %arg6[%get3A_1530, %get3A_1531] {strides = array<i32>} : memref<100x128xf32, #tpu.memory_space<vmem>>, vector<16xf32>,
        %add3A_1533 = arith.addf %scan3A_1490, %get3A_1532 : vector<16xf32>
        %mul3A_1534 = arith.mulf %get3A_1532, %get3A_1532 : vector<16xf32>
        %add3A_1535 = arith.addf %scan3A_1498, %mul3A_1534 : vector<16xf32>
        %get3A_1536 = arith.index_cast %scan3A_1484 : i32 to index
        %get3A_1537 = arith.constant 96 : index
        %get3A_1538 = tpu.vector_load %arg6[%get3A_1536, %get3A_1537] {strides = array<i32>} : memref<100x128xf32, #tpu.memory_space<vmem>>, vector<16xf32>,
        %add3A_1539 = arith.addf %scan3A_1491, %get3A_1538 : vector<16xf32>
        %mul3A_1540 = arith.mulf %get3A_1538, %get3A_1538 : vector<16xf32>
        %add3A_1541 = arith.addf %scan3A_1499, %mul3A_1540 : vector<16xf32>
        %get3A_1542 = arith.index_cast %scan3A_1484 : i32 to index
        %get3A_1543 = arith.constant 112 : index
        %get3A_1544 = tpu.vector_load %arg6[%get3A_1542, %get3A_1543] {strides = array<i32>} : memref<100x128xf32, #tpu.memory_space<vmem>>, vector<16xf32>,
        %add3A_1545 = arith.addf %scan3A_1492, %get3A_1544 : vector<16xf32>
        %mul3A_1546 = arith.mulf %get3A_1544, %get3A_1544 : vector<16xf32>
        %add3A_1547 = arith.addf %scan3A_1500, %mul3A_1546 : vector<16xf32>
        %scan3A_1548 = arith.constant 1 : i32
        %scan3A_1549 = arith.addi %scan3A_1484, %scan3A_1548 : i32
        %get3A_1550 = arith.index_cast %scan3A_1549 : i32 to index
        %get3A_1551 = arith.constant 0 : index
        %get3A_1552 = tpu.vector_load %arg6[%get3A_1550, %get3A_1551] {strides = array<i32>} : memref<100x128xf32, #tpu.memory_space<vmem>>, vector<16xf32>,
        %add3A_1553 = arith.addf %add3A_1503, %get3A_1552 : vector<16xf32>
        %mul3A_1554 = arith.mulf %get3A_1552, %get3A_1552 : vector<16xf32>
        %add3A_1555 = arith.addf %add3A_1505, %mul3A_1554 : vector<16xf32>
        %get3A_1556 = arith.index_cast %scan3A_1549 : i32 to index
        %get3A_1557 = arith.constant 16 : index
        %get3A_1558 = tpu.vector_load %arg6[%get3A_1556, %get3A_1557] {strides = array<i32>} : memref<100x128xf32, #tpu.memory_space<vmem>>, vector<16xf32>,
        %add3A_1559 = arith.addf %add3A_1509, %get3A_1558 : vector<16xf32>
        %mul3A_1560 = arith.mulf %get3A_1558, %get3A_1558 : vector<16xf32>
        %add3A_1561 = arith.addf %add3A_1511, %mul3A_1560 : vector<16xf32>
        %get3A_1562 = arith.index_cast %scan3A_1549 : i32 to index
        %get3A_1563 = arith.constant 32 : index
        %get3A_1564 = tpu.vector_load %arg6[%get3A_1562, %get3A_1563] {strides = array<i32>} : memref<100x128xf32, #tpu.memory_space<vmem>>, vector<16xf32>,
        %add3A_1565 = arith.addf %add3A_1515, %get3A_1564 : vector<16xf32>
        %mul3A_1566 = arith.mulf %get3A_1564, %get3A_1564 : vector<16xf32>
        %add3A_1567 = arith.addf %add3A_1517, %mul3A_1566 : vector<16xf32>
        %get3A_1568 = arith.index_cast %scan3A_1549 : i32 to index
        %get3A_1569 = arith.constant 48 : index
        %get3A_1570 = tpu.vector_load %arg6[%get3A_1568, %get3A_1569] {strides = array<i32>} : memref<100x128xf32, #tpu.memory_space<vmem>>, vector<16xf32>,
        %add3A_1571 = arith.addf %add3A_1521, %get3A_1570 : vector<16xf32>
        %mul3A_1572 = arith.mulf %get3A_1570, %get3A_1570 : vector<16xf32>
        %add3A_1573 = arith.addf %add3A_1523, %mul3A_1572 : vector<16xf32>
        %get3A_1574 = arith.index_cast %scan3A_1549 : i32 to index
        %get3A_1575 = arith.constant 64 : index
        %get3A_1576 = tpu.vector_load %arg6[%get3A_1574, %get3A_1575] {strides = array<i32>} : memref<100x128xf32, #tpu.memory_space<vmem>>, vector<16xf32>,
        %add3A_1577 = arith.addf %add3A_1527, %get3A_1576 : vector<16xf32>
        %mul3A_1578 = arith.mulf %get3A_1576, %get3A_1576 : vector<16xf32>
        %add3A_1579 = arith.addf %add3A_1529, %mul3A_1578 : vector<16xf32>
        %get3A_1580 = arith.index_cast %scan3A_1549 : i32 to index
        %get3A_1581 = arith.constant 80 : index
        %get3A_1582 = tpu.vector_load %arg6[%get3A_1580, %get3A_1581] {strides = array<i32>} : memref<100x128xf32, #tpu.memory_space<vmem>>, vector<16xf32>,
        %add3A_1583 = arith.addf %add3A_1533, %get3A_1582 : vector<16xf32>
        %mul3A_1584 = arith.mulf %get3A_1582, %get3A_1582 : vector<16xf32>
        %add3A_1585 = arith.addf %add3A_1535, %mul3A_1584 : vector<16xf32>
        %get3A_1586 = arith.index_cast %scan3A_1549 : i32 to index
        %get3A_1587 = arith.constant 96 : index
        %get3A_1588 = tpu.vector_load %arg6[%get3A_1586, %get3A_1587] {strides = array<i32>} : memref<100x128xf32, #tpu.memory_space<vmem>>, vector<16xf32>,
        %add3A_1589 = arith.addf %add3A_1539, %get3A_1588 : vector<16xf32>
        %mul3A_1590 = arith.mulf %get3A_1588, %get3A_1588 : vector<16xf32>
        %add3A_1591 = arith.addf %add3A_1541, %mul3A_1590 : vector<16xf32>
        %get3A_1592 = arith.index_cast %scan3A_1549 : i32 to index
        %get3A_1593 = arith.constant 112 : index
        %get3A_1594 = tpu.vector_load %arg6[%get3A_1592, %get3A_1593] {strides = array<i32>} : memref<100x128xf32, #tpu.memory_space<vmem>>, vector<16xf32>,
        %add3A_1595 = arith.addf %add3A_1545, %get3A_1594 : vector<16xf32>
        %mul3A_1596 = arith.mulf %get3A_1594, %get3A_1594 : vector<16xf32>
        %add3A_1597 = arith.addf %add3A_1547, %mul3A_1596 : vector<16xf32>
        scf.yield %add3A_1553, %add3A_1559, %add3A_1565, %add3A_1571, %add3A_1577, %add3A_1583, %add3A_1589, %add3A_1595, %add3A_1555, %add3A_1561, %add3A_1567, %add3A_1573, %add3A_1579, %add3A_1585, %add3A_1591, %add3A_1597 : vector<16xf32>, vector<16xf32>, vector<16xf32>, vector<16xf32>, vector<16xf32>, vector<16xf32>, vector<16xf32>, vector<16xf32>, vector<16xf32>, vector<16xf32>, vector<16xf32>, vector<16xf32>, vector<16xf32>, vector<16xf32>, vector<16xf32>, vector<16xf32>
      }
      %scan3A_445 = arith.constant 100 : i32
      %mul3A_446 = arith.mulf %scan3A_444#0, %scan3A_444#0 : vector<16xf32>
      %sub3A_447 = arith.subf %mul3A_446, %scan3A_444#8 : vector<16xf32>
      %mul3A_448 = arith.mulf %scan3A_444#1, %scan3A_444#1 : vector<16xf32>
      %sub3A_449 = arith.subf %mul3A_448, %scan3A_444#9 : vector<16xf32>
      %add3A_450 = arith.addf %sub3A_447, %sub3A_449 : vector<16xf32>
      %mul3A_451 = arith.mulf %scan3A_444#2, %scan3A_444#2 : vector<16xf32>
      %sub3A_452 = arith.subf %mul3A_451, %scan3A_444#10 : vector<16xf32>
      %add3A_453 = arith.addf %add3A_450, %sub3A_452 : vector<16xf32>
      %mul3A_454 = arith.mulf %scan3A_444#3, %scan3A_444#3 : vector<16xf32>
      %sub3A_455 = arith.subf %mul3A_454, %scan3A_444#11 : vector<16xf32>
      %add3A_456 = arith.addf %add3A_453, %sub3A_455 : vector<16xf32>
      %mul3A_457 = arith.mulf %scan3A_444#4, %scan3A_444#4 : vector<16xf32>
      %sub3A_458 = arith.subf %mul3A_457, %scan3A_444#12 : vector<16xf32>
      %add3A_459 = arith.addf %add3A_456, %sub3A_458 : vector<16xf32>
      %mul3A_460 = arith.mulf %scan3A_444#5, %scan3A_444#5 : vector<16xf32>
      %sub3A_461 = arith.subf %mul3A_460, %scan3A_444#13 : vector<16xf32>
      %add3A_462 = arith.addf %add3A_459, %sub3A_461 : vector<16xf32>
      %mul3A_463 = arith.mulf %scan3A_444#6, %scan3A_444#6 : vector<16xf32>
      %sub3A_464 = arith.subf %mul3A_463, %scan3A_444#14 : vector<16xf32>
      %add3A_465 = arith.addf %add3A_462, %sub3A_464 : vector<16xf32>
      %mul3A_466 = arith.mulf %scan3A_444#7, %scan3A_444#7 : vector<16xf32>
      %sub3A_467 = arith.subf %mul3A_466, %scan3A_444#15 : vector<16xf32>
      %add3A_468 = arith.addf %add3A_465, %sub3A_467 : vector<16xf32>
      %reduce_sum3A_469 = arith.constant true
      %reduce_sum3A_470 = vector.broadcast %reduce_sum3A_469 : i1 to vector<16xi1>
      %reduce_sum3A_471 = tpu.scan <sum>, %add3A_468 masked %reduce_sum3A_470 : vector<16xf32>, vector<16xi1> -> vector<16xf32>
      %reduce_sum3A_472 = vector.extract %reduce_sum3A_471[15] : f32 from vector<16xf32>
      %mul3A_473 = arith.constant 5.000000e-01 : f32
      %mul3A_474 = arith.mulf %reduce_sum3A_472, %mul3A_473 : f32
      %eq3A_475 = arith.constant 4 : i32
      %eq3A_476 = vector.broadcast %eq3A_475 : i32 to vector<16xi32>
      %eq3A_477 = arith.cmpi eq, %iota3A, %eq3A_476 : vector<16xi32>
      %broadcast_in_dim3A_478 = vector.broadcast %mul3A_474 : f32 to vector<16xf32>
      %select_n3A_479 = arith.select %eq3A_477, %broadcast_in_dim3A_478, %select_n3A_388 : vector<16xi1>, vector<16xf32>
      %mul3A_480 = arith.constant 16 : i32
      %mul3A_481 = arith.muli %add3A_31, %mul3A_480 : i32
      %add3A_482 = arith.constant 5 : i32
      %add3A_483 = arith.addi %mul3A_481, %add3A_482 : i32
      %add3A_484 = arith.constant 4 : i32
      %add3A_485 = arith.addi %add3A_483, %add3A_484 : i32
      %sub3A_486 = arith.constant 1 : i32
      %sub3A_487 = arith.subi %add3A_485, %sub3A_486 : i32
      %lt3A_488 = arith.constant 128 : i32
      %lt3A_489 = arith.cmpi slt, %sub3A_487, %lt3A_488 : i32
      %convert_element_type3A_490 = arith.extui %lt3A_489 : i1 to i32
      %cond3A_491 = arith.constant 0 : i32
      %cond3A_492 = arith.cmpi ne, %convert_element_type3A_490, %cond3A_491 : i32
      scf.if %cond3A_492 {
        %dma_start3A_1484 = arith.constant 0 : i32
        %dma_start3A_1485 = tpu.memref_slice %arg5[%sub3A_487, %dma_start3A_1484] : memref<128x100xi32, #tpu.memory_space<vmem>> -> memref<1x100xi32, #tpu.memory_space<vmem>>
        %dma_start3A_1486 = tpu.memref_squeeze %dma_start3A_1485 : memref<1x100xi32, #tpu.memory_space<vmem>> -> memref<100xi32, #tpu.memory_space<vmem>>
        %dma_start3A_1487 = arith.constant 0 : i32
        %dma_start3A_1488 = arith.constant 0 : i32
        %dma_start3A_1489 = tpu.memref_slice %arg2[%dma_start3A_1487, %dma_start3A_1488] : memref<100000x128xf32, #tpu.memory_space<hbm>> -> memref<100000x128xf32, #tpu.memory_space<hbm>>
        tpu.enqueue_indirect_dma source(%dma_start3A_1489 : memref<100000x128xf32, #tpu.memory_space<hbm>>) target(%arg6 : memref<100x128xf32, #tpu.memory_space<vmem>>) offsets(%dma_start3A_1486 : memref<100xi32, #tpu.memory_space<vmem>>) semaphore(%arg11 : memref<!tpu.dma_semaphore, #tpu.memory_space<semaphore_mem>>)
      } else {
      }
      %dma_wait3A_493 = arith.constant 0 : i32
      %dma_wait3A_494 = tpu.memref_slice %arg5[%add3A_483, %dma_wait3A_493] : memref<128x100xi32, #tpu.memory_space<vmem>> -> memref<1x100xi32, #tpu.memory_space<vmem>>
      %dma_wait3A_495 = tpu.memref_squeeze %dma_wait3A_494 : memref<1x100xi32, #tpu.memory_space<vmem>> -> memref<100xi32, #tpu.memory_space<vmem>>
      %dma_wait3A_496 = arith.constant 0 : i32
      %dma_wait3A_497 = arith.constant 0 : i32
      %dma_wait3A_498 = tpu.memref_slice %arg2[%dma_wait3A_496, %dma_wait3A_497] : memref<100000x128xf32, #tpu.memory_space<hbm>> -> memref<100000x128xf32, #tpu.memory_space<hbm>>
      tpu.wait_indirect_dma semaphore(%arg12 : memref<!tpu.dma_semaphore, #tpu.memory_space<semaphore_mem>>) src(%dma_wait3A_498 : memref<100000x128xf32, #tpu.memory_space<hbm>>) dst(%arg7 : memref<100x128xf32, #tpu.memory_space<vmem>>)
      %broadcast_in_dim3A_499 = arith.constant 0.000000e+00 : f32
      %broadcast_in_dim3A_500 = vector.broadcast %broadcast_in_dim3A_499 : f32 to vector<16xf32>
      %broadcast_in_dim3A_501 = arith.constant 0.000000e+00 : f32
      %broadcast_in_dim3A_502 = vector.broadcast %broadcast_in_dim3A_501 : f32 to vector<16xf32>
      %broadcast_in_dim3A_503 = arith.constant 0.000000e+00 : f32
      %broadcast_in_dim3A_504 = vector.broadcast %broadcast_in_dim3A_503 : f32 to vector<16xf32>
      %broadcast_in_dim3A_505 = arith.constant 0.000000e+00 : f32
      %broadcast_in_dim3A_506 = vector.broadcast %broadcast_in_dim3A_505 : f32 to vector<16xf32>
      %broadcast_in_dim3A_507 = arith.constant 0.000000e+00 : f32
      %broadcast_in_dim3A_508 = vector.broadcast %broadcast_in_dim3A_507 : f32 to vector<16xf32>
      %broadcast_in_dim3A_509 = arith.constant 0.000000e+00 : f32
      %broadcast_in_dim3A_510 = vector.broadcast %broadcast_in_dim3A_509 : f32 to vector<16xf32>
      %broadcast_in_dim3A_511 = arith.constant 0.000000e+00 : f32
      %broadcast_in_dim3A_512 = vector.broadcast %broadcast_in_dim3A_511 : f32 to vector<16xf32>
      %broadcast_in_dim3A_513 = arith.constant 0.000000e+00 : f32
      %broadcast_in_dim3A_514 = vector.broadcast %broadcast_in_dim3A_513 : f32 to vector<16xf32>
      %broadcast_in_dim3A_515 = arith.constant 0.000000e+00 : f32
      %broadcast_in_dim3A_516 = vector.broadcast %broadcast_in_dim3A_515 : f32 to vector<16xf32>
      %broadcast_in_dim3A_517 = arith.constant 0.000000e+00 : f32
      %broadcast_in_dim3A_518 = vector.broadcast %broadcast_in_dim3A_517 : f32 to vector<16xf32>
      %broadcast_in_dim3A_519 = arith.constant 0.000000e+00 : f32
      %broadcast_in_dim3A_520 = vector.broadcast %broadcast_in_dim3A_519 : f32 to vector<16xf32>
      %broadcast_in_dim3A_521 = arith.constant 0.000000e+00 : f32
      %broadcast_in_dim3A_522 = vector.broadcast %broadcast_in_dim3A_521 : f32 to vector<16xf32>
      %broadcast_in_dim3A_523 = arith.constant 0.000000e+00 : f32
      %broadcast_in_dim3A_524 = vector.broadcast %broadcast_in_dim3A_523 : f32 to vector<16xf32>
      %broadcast_in_dim3A_525 = arith.constant 0.000000e+00 : f32
      %broadcast_in_dim3A_526 = vector.broadcast %broadcast_in_dim3A_525 : f32 to vector<16xf32>
      %broadcast_in_dim3A_527 = arith.constant 0.000000e+00 : f32
      %broadcast_in_dim3A_528 = vector.broadcast %broadcast_in_dim3A_527 : f32 to vector<16xf32>
      %broadcast_in_dim3A_529 = arith.constant 0.000000e+00 : f32
      %broadcast_in_dim3A_530 = vector.broadcast %broadcast_in_dim3A_529 : f32 to vector<16xf32>
      %scan3A_531 = arith.constant 0 : i32
      %scan3A_532 = arith.constant 100 : i32
      %scan3A_533 = arith.addi %scan3A_531, %scan3A_532 : i32
      %scan3A_534 = arith.constant 2 : i32
      %scan3A_535:16 = scf.for %scan3A_1484 = %scan3A_531 to %scan3A_533 step %scan3A_534 iter_args(%scan3A_1485 = %broadcast_in_dim3A_500, %scan3A_1486 = %broadcast_in_dim3A_502, %scan3A_1487 = %broadcast_in_dim3A_504, %scan3A_1488 = %broadcast_in_dim3A_506, %scan3A_1489 = %broadcast_in_dim3A_508, %scan3A_1490 = %broadcast_in_dim3A_510, %scan3A_1491 = %broadcast_in_dim3A_512, %scan3A_1492 = %broadcast_in_dim3A_514, %scan3A_1493 = %broadcast_in_dim3A_516, %scan3A_1494 = %broadcast_in_dim3A_518, %scan3A_1495 = %broadcast_in_dim3A_520, %scan3A_1496 = %broadcast_in_dim3A_522, %scan3A_1497 = %broadcast_in_dim3A_524, %scan3A_1498 = %broadcast_in_dim3A_526, %scan3A_1499 = %broadcast_in_dim3A_528, %scan3A_1500 = %broadcast_in_dim3A_530) -> (vector<16xf32>, vector<16xf32>, vector<16xf32>, vector<16xf32>, vector<16xf32>, vector<16xf32>, vector<16xf32>, vector<16xf32>, vector<16xf32>, vector<16xf32>, vector<16xf32>, vector<16xf32>, vector<16xf32>, vector<16xf32>, vector<16xf32>, vector<16xf32>)  : i32 {
        %get3A = arith.index_cast %scan3A_1484 : i32 to index
        %get3A_1501 = arith.constant 0 : index
        %get3A_1502 = tpu.vector_load %arg7[%get3A, %get3A_1501] {strides = array<i32>} : memref<100x128xf32, #tpu.memory_space<vmem>>, vector<16xf32>,
        %add3A_1503 = arith.addf %scan3A_1485, %get3A_1502 : vector<16xf32>
        %mul3A_1504 = arith.mulf %get3A_1502, %get3A_1502 : vector<16xf32>
        %add3A_1505 = arith.addf %scan3A_1493, %mul3A_1504 : vector<16xf32>
        %get3A_1506 = arith.index_cast %scan3A_1484 : i32 to index
        %get3A_1507 = arith.constant 16 : index
        %get3A_1508 = tpu.vector_load %arg7[%get3A_1506, %get3A_1507] {strides = array<i32>} : memref<100x128xf32, #tpu.memory_space<vmem>>, vector<16xf32>,
        %add3A_1509 = arith.addf %scan3A_1486, %get3A_1508 : vector<16xf32>
        %mul3A_1510 = arith.mulf %get3A_1508, %get3A_1508 : vector<16xf32>
        %add3A_1511 = arith.addf %scan3A_1494, %mul3A_1510 : vector<16xf32>
        %get3A_1512 = arith.index_cast %scan3A_1484 : i32 to index
        %get3A_1513 = arith.constant 32 : index
        %get3A_1514 = tpu.vector_load %arg7[%get3A_1512, %get3A_1513] {strides = array<i32>} : memref<100x128xf32, #tpu.memory_space<vmem>>, vector<16xf32>,
        %add3A_1515 = arith.addf %scan3A_1487, %get3A_1514 : vector<16xf32>
        %mul3A_1516 = arith.mulf %get3A_1514, %get3A_1514 : vector<16xf32>
        %add3A_1517 = arith.addf %scan3A_1495, %mul3A_1516 : vector<16xf32>
        %get3A_1518 = arith.index_cast %scan3A_1484 : i32 to index
        %get3A_1519 = arith.constant 48 : index
        %get3A_1520 = tpu.vector_load %arg7[%get3A_1518, %get3A_1519] {strides = array<i32>} : memref<100x128xf32, #tpu.memory_space<vmem>>, vector<16xf32>,
        %add3A_1521 = arith.addf %scan3A_1488, %get3A_1520 : vector<16xf32>
        %mul3A_1522 = arith.mulf %get3A_1520, %get3A_1520 : vector<16xf32>
        %add3A_1523 = arith.addf %scan3A_1496, %mul3A_1522 : vector<16xf32>
        %get3A_1524 = arith.index_cast %scan3A_1484 : i32 to index
        %get3A_1525 = arith.constant 64 : index
        %get3A_1526 = tpu.vector_load %arg7[%get3A_1524, %get3A_1525] {strides = array<i32>} : memref<100x128xf32, #tpu.memory_space<vmem>>, vector<16xf32>,
        %add3A_1527 = arith.addf %scan3A_1489, %get3A_1526 : vector<16xf32>
        %mul3A_1528 = arith.mulf %get3A_1526, %get3A_1526 : vector<16xf32>
        %add3A_1529 = arith.addf %scan3A_1497, %mul3A_1528 : vector<16xf32>
        %get3A_1530 = arith.index_cast %scan3A_1484 : i32 to index
        %get3A_1531 = arith.constant 80 : index
        %get3A_1532 = tpu.vector_load %arg7[%get3A_1530, %get3A_1531] {strides = array<i32>} : memref<100x128xf32, #tpu.memory_space<vmem>>, vector<16xf32>,
        %add3A_1533 = arith.addf %scan3A_1490, %get3A_1532 : vector<16xf32>
        %mul3A_1534 = arith.mulf %get3A_1532, %get3A_1532 : vector<16xf32>
        %add3A_1535 = arith.addf %scan3A_1498, %mul3A_1534 : vector<16xf32>
        %get3A_1536 = arith.index_cast %scan3A_1484 : i32 to index
        %get3A_1537 = arith.constant 96 : index
        %get3A_1538 = tpu.vector_load %arg7[%get3A_1536, %get3A_1537] {strides = array<i32>} : memref<100x128xf32, #tpu.memory_space<vmem>>, vector<16xf32>,
        %add3A_1539 = arith.addf %scan3A_1491, %get3A_1538 : vector<16xf32>
        %mul3A_1540 = arith.mulf %get3A_1538, %get3A_1538 : vector<16xf32>
        %add3A_1541 = arith.addf %scan3A_1499, %mul3A_1540 : vector<16xf32>
        %get3A_1542 = arith.index_cast %scan3A_1484 : i32 to index
        %get3A_1543 = arith.constant 112 : index
        %get3A_1544 = tpu.vector_load %arg7[%get3A_1542, %get3A_1543] {strides = array<i32>} : memref<100x128xf32, #tpu.memory_space<vmem>>, vector<16xf32>,
        %add3A_1545 = arith.addf %scan3A_1492, %get3A_1544 : vector<16xf32>
        %mul3A_1546 = arith.mulf %get3A_1544, %get3A_1544 : vector<16xf32>
        %add3A_1547 = arith.addf %scan3A_1500, %mul3A_1546 : vector<16xf32>
        %scan3A_1548 = arith.constant 1 : i32
        %scan3A_1549 = arith.addi %scan3A_1484, %scan3A_1548 : i32
        %get3A_1550 = arith.index_cast %scan3A_1549 : i32 to index
        %get3A_1551 = arith.constant 0 : index
        %get3A_1552 = tpu.vector_load %arg7[%get3A_1550, %get3A_1551] {strides = array<i32>} : memref<100x128xf32, #tpu.memory_space<vmem>>, vector<16xf32>,
        %add3A_1553 = arith.addf %add3A_1503, %get3A_1552 : vector<16xf32>
        %mul3A_1554 = arith.mulf %get3A_1552, %get3A_1552 : vector<16xf32>
        %add3A_1555 = arith.addf %add3A_1505, %mul3A_1554 : vector<16xf32>
        %get3A_1556 = arith.index_cast %scan3A_1549 : i32 to index
        %get3A_1557 = arith.constant 16 : index
        %get3A_1558 = tpu.vector_load %arg7[%get3A_1556, %get3A_1557] {strides = array<i32>} : memref<100x128xf32, #tpu.memory_space<vmem>>, vector<16xf32>,
        %add3A_1559 = arith.addf %add3A_1509, %get3A_1558 : vector<16xf32>
        %mul3A_1560 = arith.mulf %get3A_1558, %get3A_1558 : vector<16xf32>
        %add3A_1561 = arith.addf %add3A_1511, %mul3A_1560 : vector<16xf32>
        %get3A_1562 = arith.index_cast %scan3A_1549 : i32 to index
        %get3A_1563 = arith.constant 32 : index
        %get3A_1564 = tpu.vector_load %arg7[%get3A_1562, %get3A_1563] {strides = array<i32>} : memref<100x128xf32, #tpu.memory_space<vmem>>, vector<16xf32>,
        %add3A_1565 = arith.addf %add3A_1515, %get3A_1564 : vector<16xf32>
        %mul3A_1566 = arith.mulf %get3A_1564, %get3A_1564 : vector<16xf32>
        %add3A_1567 = arith.addf %add3A_1517, %mul3A_1566 : vector<16xf32>
        %get3A_1568 = arith.index_cast %scan3A_1549 : i32 to index
        %get3A_1569 = arith.constant 48 : index
        %get3A_1570 = tpu.vector_load %arg7[%get3A_1568, %get3A_1569] {strides = array<i32>} : memref<100x128xf32, #tpu.memory_space<vmem>>, vector<16xf32>,
        %add3A_1571 = arith.addf %add3A_1521, %get3A_1570 : vector<16xf32>
        %mul3A_1572 = arith.mulf %get3A_1570, %get3A_1570 : vector<16xf32>
        %add3A_1573 = arith.addf %add3A_1523, %mul3A_1572 : vector<16xf32>
        %get3A_1574 = arith.index_cast %scan3A_1549 : i32 to index
        %get3A_1575 = arith.constant 64 : index
        %get3A_1576 = tpu.vector_load %arg7[%get3A_1574, %get3A_1575] {strides = array<i32>} : memref<100x128xf32, #tpu.memory_space<vmem>>, vector<16xf32>,
        %add3A_1577 = arith.addf %add3A_1527, %get3A_1576 : vector<16xf32>
        %mul3A_1578 = arith.mulf %get3A_1576, %get3A_1576 : vector<16xf32>
        %add3A_1579 = arith.addf %add3A_1529, %mul3A_1578 : vector<16xf32>
        %get3A_1580 = arith.index_cast %scan3A_1549 : i32 to index
        %get3A_1581 = arith.constant 80 : index
        %get3A_1582 = tpu.vector_load %arg7[%get3A_1580, %get3A_1581] {strides = array<i32>} : memref<100x128xf32, #tpu.memory_space<vmem>>, vector<16xf32>,
        %add3A_1583 = arith.addf %add3A_1533, %get3A_1582 : vector<16xf32>
        %mul3A_1584 = arith.mulf %get3A_1582, %get3A_1582 : vector<16xf32>
        %add3A_1585 = arith.addf %add3A_1535, %mul3A_1584 : vector<16xf32>
        %get3A_1586 = arith.index_cast %scan3A_1549 : i32 to index
        %get3A_1587 = arith.constant 96 : index
        %get3A_1588 = tpu.vector_load %arg7[%get3A_1586, %get3A_1587] {strides = array<i32>} : memref<100x128xf32, #tpu.memory_space<vmem>>, vector<16xf32>,
        %add3A_1589 = arith.addf %add3A_1539, %get3A_1588 : vector<16xf32>
        %mul3A_1590 = arith.mulf %get3A_1588, %get3A_1588 : vector<16xf32>
        %add3A_1591 = arith.addf %add3A_1541, %mul3A_1590 : vector<16xf32>
        %get3A_1592 = arith.index_cast %scan3A_1549 : i32 to index
        %get3A_1593 = arith.constant 112 : index
        %get3A_1594 = tpu.vector_load %arg7[%get3A_1592, %get3A_1593] {strides = array<i32>} : memref<100x128xf32, #tpu.memory_space<vmem>>, vector<16xf32>,
        %add3A_1595 = arith.addf %add3A_1545, %get3A_1594 : vector<16xf32>
        %mul3A_1596 = arith.mulf %get3A_1594, %get3A_1594 : vector<16xf32>
        %add3A_1597 = arith.addf %add3A_1547, %mul3A_1596 : vector<16xf32>
        scf.yield %add3A_1553, %add3A_1559, %add3A_1565, %add3A_1571, %add3A_1577, %add3A_1583, %add3A_1589, %add3A_1595, %add3A_1555, %add3A_1561, %add3A_1567, %add3A_1573, %add3A_1579, %add3A_1585, %add3A_1591, %add3A_1597 : vector<16xf32>, vector<16xf32>, vector<16xf32>, vector<16xf32>, vector<16xf32>, vector<16xf32>, vector<16xf32>, vector<16xf32>, vector<16xf32>, vector<16xf32>, vector<16xf32>, vector<16xf32>, vector<16xf32>, vector<16xf32>, vector<16xf32>, vector<16xf32>
      }
      %scan3A_536 = arith.constant 100 : i32
      %mul3A_537 = arith.mulf %scan3A_535#0, %scan3A_535#0 : vector<16xf32>
      %sub3A_538 = arith.subf %mul3A_537, %scan3A_535#8 : vector<16xf32>
      %mul3A_539 = arith.mulf %scan3A_535#1, %scan3A_535#1 : vector<16xf32>
      %sub3A_540 = arith.subf %mul3A_539, %scan3A_535#9 : vector<16xf32>
      %add3A_541 = arith.addf %sub3A_538, %sub3A_540 : vector<16xf32>
      %mul3A_542 = arith.mulf %scan3A_535#2, %scan3A_535#2 : vector<16xf32>
      %sub3A_543 = arith.subf %mul3A_542, %scan3A_535#10 : vector<16xf32>
      %add3A_544 = arith.addf %add3A_541, %sub3A_543 : vector<16xf32>
      %mul3A_545 = arith.mulf %scan3A_535#3, %scan3A_535#3 : vector<16xf32>
      %sub3A_546 = arith.subf %mul3A_545, %scan3A_535#11 : vector<16xf32>
      %add3A_547 = arith.addf %add3A_544, %sub3A_546 : vector<16xf32>
      %mul3A_548 = arith.mulf %scan3A_535#4, %scan3A_535#4 : vector<16xf32>
      %sub3A_549 = arith.subf %mul3A_548, %scan3A_535#12 : vector<16xf32>
      %add3A_550 = arith.addf %add3A_547, %sub3A_549 : vector<16xf32>
      %mul3A_551 = arith.mulf %scan3A_535#5, %scan3A_535#5 : vector<16xf32>
      %sub3A_552 = arith.subf %mul3A_551, %scan3A_535#13 : vector<16xf32>
      %add3A_553 = arith.addf %add3A_550, %sub3A_552 : vector<16xf32>
      %mul3A_554 = arith.mulf %scan3A_535#6, %scan3A_535#6 : vector<16xf32>
      %sub3A_555 = arith.subf %mul3A_554, %scan3A_535#14 : vector<16xf32>
      %add3A_556 = arith.addf %add3A_553, %sub3A_555 : vector<16xf32>
      %mul3A_557 = arith.mulf %scan3A_535#7, %scan3A_535#7 : vector<16xf32>
      %sub3A_558 = arith.subf %mul3A_557, %scan3A_535#15 : vector<16xf32>
      %add3A_559 = arith.addf %add3A_556, %sub3A_558 : vector<16xf32>
      %reduce_sum3A_560 = arith.constant true
      %reduce_sum3A_561 = vector.broadcast %reduce_sum3A_560 : i1 to vector<16xi1>
      %reduce_sum3A_562 = tpu.scan <sum>, %add3A_559 masked %reduce_sum3A_561 : vector<16xf32>, vector<16xi1> -> vector<16xf32>
      %reduce_sum3A_563 = vector.extract %reduce_sum3A_562[15] : f32 from vector<16xf32>
      %mul3A_564 = arith.constant 5.000000e-01 : f32
      %mul3A_565 = arith.mulf %reduce_sum3A_563, %mul3A_564 : f32
      %eq3A_566 = arith.constant 5 : i32
      %eq3A_567 = vector.broadcast %eq3A_566 : i32 to vector<16xi32>
      %eq3A_568 = arith.cmpi eq, %iota3A, %eq3A_567 : vector<16xi32>
      %broadcast_in_dim3A_569 = vector.broadcast %mul3A_565 : f32 to vector<16xf32>
      %select_n3A_570 = arith.select %eq3A_568, %broadcast_in_dim3A_569, %select_n3A_479 : vector<16xi1>, vector<16xf32>
      %mul3A_571 = arith.constant 16 : i32
      %mul3A_572 = arith.muli %add3A_31, %mul3A_571 : i32
      %add3A_573 = arith.constant 6 : i32
      %add3A_574 = arith.addi %mul3A_572, %add3A_573 : i32
      %add3A_575 = arith.constant 4 : i32
      %add3A_576 = arith.addi %add3A_574, %add3A_575 : i32
      %sub3A_577 = arith.constant 1 : i32
      %sub3A_578 = arith.subi %add3A_576, %sub3A_577 : i32
      %lt3A_579 = arith.constant 128 : i32
      %lt3A_580 = arith.cmpi slt, %sub3A_578, %lt3A_579 : i32
      %convert_element_type3A_581 = arith.extui %lt3A_580 : i1 to i32
      %cond3A_582 = arith.constant 0 : i32
      %cond3A_583 = arith.cmpi ne, %convert_element_type3A_581, %cond3A_582 : i32
      scf.if %cond3A_583 {
        %dma_start3A_1484 = arith.constant 0 : i32
        %dma_start3A_1485 = tpu.memref_slice %arg5[%sub3A_578, %dma_start3A_1484] : memref<128x100xi32, #tpu.memory_space<vmem>> -> memref<1x100xi32, #tpu.memory_space<vmem>>
        %dma_start3A_1486 = tpu.memref_squeeze %dma_start3A_1485 : memref<1x100xi32, #tpu.memory_space<vmem>> -> memref<100xi32, #tpu.memory_space<vmem>>
        %dma_start3A_1487 = arith.constant 0 : i32
        %dma_start3A_1488 = arith.constant 0 : i32
        %dma_start3A_1489 = tpu.memref_slice %arg2[%dma_start3A_1487, %dma_start3A_1488] : memref<100000x128xf32, #tpu.memory_space<hbm>> -> memref<100000x128xf32, #tpu.memory_space<hbm>>
        tpu.enqueue_indirect_dma source(%dma_start3A_1489 : memref<100000x128xf32, #tpu.memory_space<hbm>>) target(%arg7 : memref<100x128xf32, #tpu.memory_space<vmem>>) offsets(%dma_start3A_1486 : memref<100xi32, #tpu.memory_space<vmem>>) semaphore(%arg12 : memref<!tpu.dma_semaphore, #tpu.memory_space<semaphore_mem>>)
      } else {
      }
      %dma_wait3A_584 = arith.constant 0 : i32
      %dma_wait3A_585 = tpu.memref_slice %arg5[%add3A_574, %dma_wait3A_584] : memref<128x100xi32, #tpu.memory_space<vmem>> -> memref<1x100xi32, #tpu.memory_space<vmem>>
      %dma_wait3A_586 = tpu.memref_squeeze %dma_wait3A_585 : memref<1x100xi32, #tpu.memory_space<vmem>> -> memref<100xi32, #tpu.memory_space<vmem>>
      %dma_wait3A_587 = arith.constant 0 : i32
      %dma_wait3A_588 = arith.constant 0 : i32
      %dma_wait3A_589 = tpu.memref_slice %arg2[%dma_wait3A_587, %dma_wait3A_588] : memref<100000x128xf32, #tpu.memory_space<hbm>> -> memref<100000x128xf32, #tpu.memory_space<hbm>>
      tpu.wait_indirect_dma semaphore(%arg13 : memref<!tpu.dma_semaphore, #tpu.memory_space<semaphore_mem>>) src(%dma_wait3A_589 : memref<100000x128xf32, #tpu.memory_space<hbm>>) dst(%arg8 : memref<100x128xf32, #tpu.memory_space<vmem>>)
      %broadcast_in_dim3A_590 = arith.constant 0.000000e+00 : f32
      %broadcast_in_dim3A_591 = vector.broadcast %broadcast_in_dim3A_590 : f32 to vector<16xf32>
      %broadcast_in_dim3A_592 = arith.constant 0.000000e+00 : f32
      %broadcast_in_dim3A_593 = vector.broadcast %broadcast_in_dim3A_592 : f32 to vector<16xf32>
      %broadcast_in_dim3A_594 = arith.constant 0.000000e+00 : f32
      %broadcast_in_dim3A_595 = vector.broadcast %broadcast_in_dim3A_594 : f32 to vector<16xf32>
      %broadcast_in_dim3A_596 = arith.constant 0.000000e+00 : f32
      %broadcast_in_dim3A_597 = vector.broadcast %broadcast_in_dim3A_596 : f32 to vector<16xf32>
      %broadcast_in_dim3A_598 = arith.constant 0.000000e+00 : f32
      %broadcast_in_dim3A_599 = vector.broadcast %broadcast_in_dim3A_598 : f32 to vector<16xf32>
      %broadcast_in_dim3A_600 = arith.constant 0.000000e+00 : f32
      %broadcast_in_dim3A_601 = vector.broadcast %broadcast_in_dim3A_600 : f32 to vector<16xf32>
      %broadcast_in_dim3A_602 = arith.constant 0.000000e+00 : f32
      %broadcast_in_dim3A_603 = vector.broadcast %broadcast_in_dim3A_602 : f32 to vector<16xf32>
      %broadcast_in_dim3A_604 = arith.constant 0.000000e+00 : f32
      %broadcast_in_dim3A_605 = vector.broadcast %broadcast_in_dim3A_604 : f32 to vector<16xf32>
      %broadcast_in_dim3A_606 = arith.constant 0.000000e+00 : f32
      %broadcast_in_dim3A_607 = vector.broadcast %broadcast_in_dim3A_606 : f32 to vector<16xf32>
      %broadcast_in_dim3A_608 = arith.constant 0.000000e+00 : f32
      %broadcast_in_dim3A_609 = vector.broadcast %broadcast_in_dim3A_608 : f32 to vector<16xf32>
      %broadcast_in_dim3A_610 = arith.constant 0.000000e+00 : f32
      %broadcast_in_dim3A_611 = vector.broadcast %broadcast_in_dim3A_610 : f32 to vector<16xf32>
      %broadcast_in_dim3A_612 = arith.constant 0.000000e+00 : f32
      %broadcast_in_dim3A_613 = vector.broadcast %broadcast_in_dim3A_612 : f32 to vector<16xf32>
      %broadcast_in_dim3A_614 = arith.constant 0.000000e+00 : f32
      %broadcast_in_dim3A_615 = vector.broadcast %broadcast_in_dim3A_614 : f32 to vector<16xf32>
      %broadcast_in_dim3A_616 = arith.constant 0.000000e+00 : f32
      %broadcast_in_dim3A_617 = vector.broadcast %broadcast_in_dim3A_616 : f32 to vector<16xf32>
      %broadcast_in_dim3A_618 = arith.constant 0.000000e+00 : f32
      %broadcast_in_dim3A_619 = vector.broadcast %broadcast_in_dim3A_618 : f32 to vector<16xf32>
      %broadcast_in_dim3A_620 = arith.constant 0.000000e+00 : f32
      %broadcast_in_dim3A_621 = vector.broadcast %broadcast_in_dim3A_620 : f32 to vector<16xf32>
      %scan3A_622 = arith.constant 0 : i32
      %scan3A_623 = arith.constant 100 : i32
      %scan3A_624 = arith.addi %scan3A_622, %scan3A_623 : i32
      %scan3A_625 = arith.constant 2 : i32
      %scan3A_626:16 = scf.for %scan3A_1484 = %scan3A_622 to %scan3A_624 step %scan3A_625 iter_args(%scan3A_1485 = %broadcast_in_dim3A_591, %scan3A_1486 = %broadcast_in_dim3A_593, %scan3A_1487 = %broadcast_in_dim3A_595, %scan3A_1488 = %broadcast_in_dim3A_597, %scan3A_1489 = %broadcast_in_dim3A_599, %scan3A_1490 = %broadcast_in_dim3A_601, %scan3A_1491 = %broadcast_in_dim3A_603, %scan3A_1492 = %broadcast_in_dim3A_605, %scan3A_1493 = %broadcast_in_dim3A_607, %scan3A_1494 = %broadcast_in_dim3A_609, %scan3A_1495 = %broadcast_in_dim3A_611, %scan3A_1496 = %broadcast_in_dim3A_613, %scan3A_1497 = %broadcast_in_dim3A_615, %scan3A_1498 = %broadcast_in_dim3A_617, %scan3A_1499 = %broadcast_in_dim3A_619, %scan3A_1500 = %broadcast_in_dim3A_621) -> (vector<16xf32>, vector<16xf32>, vector<16xf32>, vector<16xf32>, vector<16xf32>, vector<16xf32>, vector<16xf32>, vector<16xf32>, vector<16xf32>, vector<16xf32>, vector<16xf32>, vector<16xf32>, vector<16xf32>, vector<16xf32>, vector<16xf32>, vector<16xf32>)  : i32 {
        %get3A = arith.index_cast %scan3A_1484 : i32 to index
        %get3A_1501 = arith.constant 0 : index
        %get3A_1502 = tpu.vector_load %arg8[%get3A, %get3A_1501] {strides = array<i32>} : memref<100x128xf32, #tpu.memory_space<vmem>>, vector<16xf32>,
        %add3A_1503 = arith.addf %scan3A_1485, %get3A_1502 : vector<16xf32>
        %mul3A_1504 = arith.mulf %get3A_1502, %get3A_1502 : vector<16xf32>
        %add3A_1505 = arith.addf %scan3A_1493, %mul3A_1504 : vector<16xf32>
        %get3A_1506 = arith.index_cast %scan3A_1484 : i32 to index
        %get3A_1507 = arith.constant 16 : index
        %get3A_1508 = tpu.vector_load %arg8[%get3A_1506, %get3A_1507] {strides = array<i32>} : memref<100x128xf32, #tpu.memory_space<vmem>>, vector<16xf32>,
        %add3A_1509 = arith.addf %scan3A_1486, %get3A_1508 : vector<16xf32>
        %mul3A_1510 = arith.mulf %get3A_1508, %get3A_1508 : vector<16xf32>
        %add3A_1511 = arith.addf %scan3A_1494, %mul3A_1510 : vector<16xf32>
        %get3A_1512 = arith.index_cast %scan3A_1484 : i32 to index
        %get3A_1513 = arith.constant 32 : index
        %get3A_1514 = tpu.vector_load %arg8[%get3A_1512, %get3A_1513] {strides = array<i32>} : memref<100x128xf32, #tpu.memory_space<vmem>>, vector<16xf32>,
        %add3A_1515 = arith.addf %scan3A_1487, %get3A_1514 : vector<16xf32>
        %mul3A_1516 = arith.mulf %get3A_1514, %get3A_1514 : vector<16xf32>
        %add3A_1517 = arith.addf %scan3A_1495, %mul3A_1516 : vector<16xf32>
        %get3A_1518 = arith.index_cast %scan3A_1484 : i32 to index
        %get3A_1519 = arith.constant 48 : index
        %get3A_1520 = tpu.vector_load %arg8[%get3A_1518, %get3A_1519] {strides = array<i32>} : memref<100x128xf32, #tpu.memory_space<vmem>>, vector<16xf32>,
        %add3A_1521 = arith.addf %scan3A_1488, %get3A_1520 : vector<16xf32>
        %mul3A_1522 = arith.mulf %get3A_1520, %get3A_1520 : vector<16xf32>
        %add3A_1523 = arith.addf %scan3A_1496, %mul3A_1522 : vector<16xf32>
        %get3A_1524 = arith.index_cast %scan3A_1484 : i32 to index
        %get3A_1525 = arith.constant 64 : index
        %get3A_1526 = tpu.vector_load %arg8[%get3A_1524, %get3A_1525] {strides = array<i32>} : memref<100x128xf32, #tpu.memory_space<vmem>>, vector<16xf32>,
        %add3A_1527 = arith.addf %scan3A_1489, %get3A_1526 : vector<16xf32>
        %mul3A_1528 = arith.mulf %get3A_1526, %get3A_1526 : vector<16xf32>
        %add3A_1529 = arith.addf %scan3A_1497, %mul3A_1528 : vector<16xf32>
        %get3A_1530 = arith.index_cast %scan3A_1484 : i32 to index
        %get3A_1531 = arith.constant 80 : index
        %get3A_1532 = tpu.vector_load %arg8[%get3A_1530, %get3A_1531] {strides = array<i32>} : memref<100x128xf32, #tpu.memory_space<vmem>>, vector<16xf32>,
        %add3A_1533 = arith.addf %scan3A_1490, %get3A_1532 : vector<16xf32>
        %mul3A_1534 = arith.mulf %get3A_1532, %get3A_1532 : vector<16xf32>
        %add3A_1535 = arith.addf %scan3A_1498, %mul3A_1534 : vector<16xf32>
        %get3A_1536 = arith.index_cast %scan3A_1484 : i32 to index
        %get3A_1537 = arith.constant 96 : index
        %get3A_1538 = tpu.vector_load %arg8[%get3A_1536, %get3A_1537] {strides = array<i32>} : memref<100x128xf32, #tpu.memory_space<vmem>>, vector<16xf32>,
        %add3A_1539 = arith.addf %scan3A_1491, %get3A_1538 : vector<16xf32>
        %mul3A_1540 = arith.mulf %get3A_1538, %get3A_1538 : vector<16xf32>
        %add3A_1541 = arith.addf %scan3A_1499, %mul3A_1540 : vector<16xf32>
        %get3A_1542 = arith.index_cast %scan3A_1484 : i32 to index
        %get3A_1543 = arith.constant 112 : index
        %get3A_1544 = tpu.vector_load %arg8[%get3A_1542, %get3A_1543] {strides = array<i32>} : memref<100x128xf32, #tpu.memory_space<vmem>>, vector<16xf32>,
        %add3A_1545 = arith.addf %scan3A_1492, %get3A_1544 : vector<16xf32>
        %mul3A_1546 = arith.mulf %get3A_1544, %get3A_1544 : vector<16xf32>
        %add3A_1547 = arith.addf %scan3A_1500, %mul3A_1546 : vector<16xf32>
        %scan3A_1548 = arith.constant 1 : i32
        %scan3A_1549 = arith.addi %scan3A_1484, %scan3A_1548 : i32
        %get3A_1550 = arith.index_cast %scan3A_1549 : i32 to index
        %get3A_1551 = arith.constant 0 : index
        %get3A_1552 = tpu.vector_load %arg8[%get3A_1550, %get3A_1551] {strides = array<i32>} : memref<100x128xf32, #tpu.memory_space<vmem>>, vector<16xf32>,
        %add3A_1553 = arith.addf %add3A_1503, %get3A_1552 : vector<16xf32>
        %mul3A_1554 = arith.mulf %get3A_1552, %get3A_1552 : vector<16xf32>
        %add3A_1555 = arith.addf %add3A_1505, %mul3A_1554 : vector<16xf32>
        %get3A_1556 = arith.index_cast %scan3A_1549 : i32 to index
        %get3A_1557 = arith.constant 16 : index
        %get3A_1558 = tpu.vector_load %arg8[%get3A_1556, %get3A_1557] {strides = array<i32>} : memref<100x128xf32, #tpu.memory_space<vmem>>, vector<16xf32>,
        %add3A_1559 = arith.addf %add3A_1509, %get3A_1558 : vector<16xf32>
        %mul3A_1560 = arith.mulf %get3A_1558, %get3A_1558 : vector<16xf32>
        %add3A_1561 = arith.addf %add3A_1511, %mul3A_1560 : vector<16xf32>
        %get3A_1562 = arith.index_cast %scan3A_1549 : i32 to index
        %get3A_1563 = arith.constant 32 : index
        %get3A_1564 = tpu.vector_load %arg8[%get3A_1562, %get3A_1563] {strides = array<i32>} : memref<100x128xf32, #tpu.memory_space<vmem>>, vector<16xf32>,
        %add3A_1565 = arith.addf %add3A_1515, %get3A_1564 : vector<16xf32>
        %mul3A_1566 = arith.mulf %get3A_1564, %get3A_1564 : vector<16xf32>
        %add3A_1567 = arith.addf %add3A_1517, %mul3A_1566 : vector<16xf32>
        %get3A_1568 = arith.index_cast %scan3A_1549 : i32 to index
        %get3A_1569 = arith.constant 48 : index
        %get3A_1570 = tpu.vector_load %arg8[%get3A_1568, %get3A_1569] {strides = array<i32>} : memref<100x128xf32, #tpu.memory_space<vmem>>, vector<16xf32>,
        %add3A_1571 = arith.addf %add3A_1521, %get3A_1570 : vector<16xf32>
        %mul3A_1572 = arith.mulf %get3A_1570, %get3A_1570 : vector<16xf32>
        %add3A_1573 = arith.addf %add3A_1523, %mul3A_1572 : vector<16xf32>
        %get3A_1574 = arith.index_cast %scan3A_1549 : i32 to index
        %get3A_1575 = arith.constant 64 : index
        %get3A_1576 = tpu.vector_load %arg8[%get3A_1574, %get3A_1575] {strides = array<i32>} : memref<100x128xf32, #tpu.memory_space<vmem>>, vector<16xf32>,
        %add3A_1577 = arith.addf %add3A_1527, %get3A_1576 : vector<16xf32>
        %mul3A_1578 = arith.mulf %get3A_1576, %get3A_1576 : vector<16xf32>
        %add3A_1579 = arith.addf %add3A_1529, %mul3A_1578 : vector<16xf32>
        %get3A_1580 = arith.index_cast %scan3A_1549 : i32 to index
        %get3A_1581 = arith.constant 80 : index
        %get3A_1582 = tpu.vector_load %arg8[%get3A_1580, %get3A_1581] {strides = array<i32>} : memref<100x128xf32, #tpu.memory_space<vmem>>, vector<16xf32>,
        %add3A_1583 = arith.addf %add3A_1533, %get3A_1582 : vector<16xf32>
        %mul3A_1584 = arith.mulf %get3A_1582, %get3A_1582 : vector<16xf32>
        %add3A_1585 = arith.addf %add3A_1535, %mul3A_1584 : vector<16xf32>
        %get3A_1586 = arith.index_cast %scan3A_1549 : i32 to index
        %get3A_1587 = arith.constant 96 : index
        %get3A_1588 = tpu.vector_load %arg8[%get3A_1586, %get3A_1587] {strides = array<i32>} : memref<100x128xf32, #tpu.memory_space<vmem>>, vector<16xf32>,
        %add3A_1589 = arith.addf %add3A_1539, %get3A_1588 : vector<16xf32>
        %mul3A_1590 = arith.mulf %get3A_1588, %get3A_1588 : vector<16xf32>
        %add3A_1591 = arith.addf %add3A_1541, %mul3A_1590 : vector<16xf32>
        %get3A_1592 = arith.index_cast %scan3A_1549 : i32 to index
        %get3A_1593 = arith.constant 112 : index
        %get3A_1594 = tpu.vector_load %arg8[%get3A_1592, %get3A_1593] {strides = array<i32>} : memref<100x128xf32, #tpu.memory_space<vmem>>, vector<16xf32>,
        %add3A_1595 = arith.addf %add3A_1545, %get3A_1594 : vector<16xf32>
        %mul3A_1596 = arith.mulf %get3A_1594, %get3A_1594 : vector<16xf32>
        %add3A_1597 = arith.addf %add3A_1547, %mul3A_1596 : vector<16xf32>
        scf.yield %add3A_1553, %add3A_1559, %add3A_1565, %add3A_1571, %add3A_1577, %add3A_1583, %add3A_1589, %add3A_1595, %add3A_1555, %add3A_1561, %add3A_1567, %add3A_1573, %add3A_1579, %add3A_1585, %add3A_1591, %add3A_1597 : vector<16xf32>, vector<16xf32>, vector<16xf32>, vector<16xf32>, vector<16xf32>, vector<16xf32>, vector<16xf32>, vector<16xf32>, vector<16xf32>, vector<16xf32>, vector<16xf32>, vector<16xf32>, vector<16xf32>, vector<16xf32>, vector<16xf32>, vector<16xf32>
      }
      %scan3A_627 = arith.constant 100 : i32
      %mul3A_628 = arith.mulf %scan3A_626#0, %scan3A_626#0 : vector<16xf32>
      %sub3A_629 = arith.subf %mul3A_628, %scan3A_626#8 : vector<16xf32>
      %mul3A_630 = arith.mulf %scan3A_626#1, %scan3A_626#1 : vector<16xf32>
      %sub3A_631 = arith.subf %mul3A_630, %scan3A_626#9 : vector<16xf32>
      %add3A_632 = arith.addf %sub3A_629, %sub3A_631 : vector<16xf32>
      %mul3A_633 = arith.mulf %scan3A_626#2, %scan3A_626#2 : vector<16xf32>
      %sub3A_634 = arith.subf %mul3A_633, %scan3A_626#10 : vector<16xf32>
      %add3A_635 = arith.addf %add3A_632, %sub3A_634 : vector<16xf32>
      %mul3A_636 = arith.mulf %scan3A_626#3, %scan3A_626#3 : vector<16xf32>
      %sub3A_637 = arith.subf %mul3A_636, %scan3A_626#11 : vector<16xf32>
      %add3A_638 = arith.addf %add3A_635, %sub3A_637 : vector<16xf32>
      %mul3A_639 = arith.mulf %scan3A_626#4, %scan3A_626#4 : vector<16xf32>
      %sub3A_640 = arith.subf %mul3A_639, %scan3A_626#12 : vector<16xf32>
      %add3A_641 = arith.addf %add3A_638, %sub3A_640 : vector<16xf32>
      %mul3A_642 = arith.mulf %scan3A_626#5, %scan3A_626#5 : vector<16xf32>
      %sub3A_643 = arith.subf %mul3A_642, %scan3A_626#13 : vector<16xf32>
      %add3A_644 = arith.addf %add3A_641, %sub3A_643 : vector<16xf32>
      %mul3A_645 = arith.mulf %scan3A_626#6, %scan3A_626#6 : vector<16xf32>
      %sub3A_646 = arith.subf %mul3A_645, %scan3A_626#14 : vector<16xf32>
      %add3A_647 = arith.addf %add3A_644, %sub3A_646 : vector<16xf32>
      %mul3A_648 = arith.mulf %scan3A_626#7, %scan3A_626#7 : vector<16xf32>
      %sub3A_649 = arith.subf %mul3A_648, %scan3A_626#15 : vector<16xf32>
      %add3A_650 = arith.addf %add3A_647, %sub3A_649 : vector<16xf32>
      %reduce_sum3A_651 = arith.constant true
      %reduce_sum3A_652 = vector.broadcast %reduce_sum3A_651 : i1 to vector<16xi1>
      %reduce_sum3A_653 = tpu.scan <sum>, %add3A_650 masked %reduce_sum3A_652 : vector<16xf32>, vector<16xi1> -> vector<16xf32>
      %reduce_sum3A_654 = vector.extract %reduce_sum3A_653[15] : f32 from vector<16xf32>
      %mul3A_655 = arith.constant 5.000000e-01 : f32
      %mul3A_656 = arith.mulf %reduce_sum3A_654, %mul3A_655 : f32
      %eq3A_657 = arith.constant 6 : i32
      %eq3A_658 = vector.broadcast %eq3A_657 : i32 to vector<16xi32>
      %eq3A_659 = arith.cmpi eq, %iota3A, %eq3A_658 : vector<16xi32>
      %broadcast_in_dim3A_660 = vector.broadcast %mul3A_656 : f32 to vector<16xf32>
      %select_n3A_661 = arith.select %eq3A_659, %broadcast_in_dim3A_660, %select_n3A_570 : vector<16xi1>, vector<16xf32>
      %mul3A_662 = arith.constant 16 : i32
      %mul3A_663 = arith.muli %add3A_31, %mul3A_662 : i32
      %add3A_664 = arith.constant 7 : i32
      %add3A_665 = arith.addi %mul3A_663, %add3A_664 : i32
      %add3A_666 = arith.constant 4 : i32
      %add3A_667 = arith.addi %add3A_665, %add3A_666 : i32
      %sub3A_668 = arith.constant 1 : i32
      %sub3A_669 = arith.subi %add3A_667, %sub3A_668 : i32
      %lt3A_670 = arith.constant 128 : i32
      %lt3A_671 = arith.cmpi slt, %sub3A_669, %lt3A_670 : i32
      %convert_element_type3A_672 = arith.extui %lt3A_671 : i1 to i32
      %cond3A_673 = arith.constant 0 : i32
      %cond3A_674 = arith.cmpi ne, %convert_element_type3A_672, %cond3A_673 : i32
      scf.if %cond3A_674 {
        %dma_start3A_1484 = arith.constant 0 : i32
        %dma_start3A_1485 = tpu.memref_slice %arg5[%sub3A_669, %dma_start3A_1484] : memref<128x100xi32, #tpu.memory_space<vmem>> -> memref<1x100xi32, #tpu.memory_space<vmem>>
        %dma_start3A_1486 = tpu.memref_squeeze %dma_start3A_1485 : memref<1x100xi32, #tpu.memory_space<vmem>> -> memref<100xi32, #tpu.memory_space<vmem>>
        %dma_start3A_1487 = arith.constant 0 : i32
        %dma_start3A_1488 = arith.constant 0 : i32
        %dma_start3A_1489 = tpu.memref_slice %arg2[%dma_start3A_1487, %dma_start3A_1488] : memref<100000x128xf32, #tpu.memory_space<hbm>> -> memref<100000x128xf32, #tpu.memory_space<hbm>>
        tpu.enqueue_indirect_dma source(%dma_start3A_1489 : memref<100000x128xf32, #tpu.memory_space<hbm>>) target(%arg8 : memref<100x128xf32, #tpu.memory_space<vmem>>) offsets(%dma_start3A_1486 : memref<100xi32, #tpu.memory_space<vmem>>) semaphore(%arg13 : memref<!tpu.dma_semaphore, #tpu.memory_space<semaphore_mem>>)
      } else {
      }
      %dma_wait3A_675 = arith.constant 0 : i32
      %dma_wait3A_676 = tpu.memref_slice %arg5[%add3A_665, %dma_wait3A_675] : memref<128x100xi32, #tpu.memory_space<vmem>> -> memref<1x100xi32, #tpu.memory_space<vmem>>
      %dma_wait3A_677 = tpu.memref_squeeze %dma_wait3A_676 : memref<1x100xi32, #tpu.memory_space<vmem>> -> memref<100xi32, #tpu.memory_space<vmem>>
      %dma_wait3A_678 = arith.constant 0 : i32
      %dma_wait3A_679 = arith.constant 0 : i32
      %dma_wait3A_680 = tpu.memref_slice %arg2[%dma_wait3A_678, %dma_wait3A_679] : memref<100000x128xf32, #tpu.memory_space<hbm>> -> memref<100000x128xf32, #tpu.memory_space<hbm>>
      tpu.wait_indirect_dma semaphore(%arg14 : memref<!tpu.dma_semaphore, #tpu.memory_space<semaphore_mem>>) src(%dma_wait3A_680 : memref<100000x128xf32, #tpu.memory_space<hbm>>) dst(%arg9 : memref<100x128xf32, #tpu.memory_space<vmem>>)
      %broadcast_in_dim3A_681 = arith.constant 0.000000e+00 : f32
      %broadcast_in_dim3A_682 = vector.broadcast %broadcast_in_dim3A_681 : f32 to vector<16xf32>
      %broadcast_in_dim3A_683 = arith.constant 0.000000e+00 : f32
      %broadcast_in_dim3A_684 = vector.broadcast %broadcast_in_dim3A_683 : f32 to vector<16xf32>
      %broadcast_in_dim3A_685 = arith.constant 0.000000e+00 : f32
      %broadcast_in_dim3A_686 = vector.broadcast %broadcast_in_dim3A_685 : f32 to vector<16xf32>
      %broadcast_in_dim3A_687 = arith.constant 0.000000e+00 : f32
      %broadcast_in_dim3A_688 = vector.broadcast %broadcast_in_dim3A_687 : f32 to vector<16xf32>
      %broadcast_in_dim3A_689 = arith.constant 0.000000e+00 : f32
      %broadcast_in_dim3A_690 = vector.broadcast %broadcast_in_dim3A_689 : f32 to vector<16xf32>
      %broadcast_in_dim3A_691 = arith.constant 0.000000e+00 : f32
      %broadcast_in_dim3A_692 = vector.broadcast %broadcast_in_dim3A_691 : f32 to vector<16xf32>
      %broadcast_in_dim3A_693 = arith.constant 0.000000e+00 : f32
      %broadcast_in_dim3A_694 = vector.broadcast %broadcast_in_dim3A_693 : f32 to vector<16xf32>
      %broadcast_in_dim3A_695 = arith.constant 0.000000e+00 : f32
      %broadcast_in_dim3A_696 = vector.broadcast %broadcast_in_dim3A_695 : f32 to vector<16xf32>
      %broadcast_in_dim3A_697 = arith.constant 0.000000e+00 : f32
      %broadcast_in_dim3A_698 = vector.broadcast %broadcast_in_dim3A_697 : f32 to vector<16xf32>
      %broadcast_in_dim3A_699 = arith.constant 0.000000e+00 : f32
      %broadcast_in_dim3A_700 = vector.broadcast %broadcast_in_dim3A_699 : f32 to vector<16xf32>
      %broadcast_in_dim3A_701 = arith.constant 0.000000e+00 : f32
      %broadcast_in_dim3A_702 = vector.broadcast %broadcast_in_dim3A_701 : f32 to vector<16xf32>
      %broadcast_in_dim3A_703 = arith.constant 0.000000e+00 : f32
      %broadcast_in_dim3A_704 = vector.broadcast %broadcast_in_dim3A_703 : f32 to vector<16xf32>
      %broadcast_in_dim3A_705 = arith.constant 0.000000e+00 : f32
      %broadcast_in_dim3A_706 = vector.broadcast %broadcast_in_dim3A_705 : f32 to vector<16xf32>
      %broadcast_in_dim3A_707 = arith.constant 0.000000e+00 : f32
      %broadcast_in_dim3A_708 = vector.broadcast %broadcast_in_dim3A_707 : f32 to vector<16xf32>
      %broadcast_in_dim3A_709 = arith.constant 0.000000e+00 : f32
      %broadcast_in_dim3A_710 = vector.broadcast %broadcast_in_dim3A_709 : f32 to vector<16xf32>
      %broadcast_in_dim3A_711 = arith.constant 0.000000e+00 : f32
      %broadcast_in_dim3A_712 = vector.broadcast %broadcast_in_dim3A_711 : f32 to vector<16xf32>
      %scan3A_713 = arith.constant 0 : i32
      %scan3A_714 = arith.constant 100 : i32
      %scan3A_715 = arith.addi %scan3A_713, %scan3A_714 : i32
      %scan3A_716 = arith.constant 2 : i32
      %scan3A_717:16 = scf.for %scan3A_1484 = %scan3A_713 to %scan3A_715 step %scan3A_716 iter_args(%scan3A_1485 = %broadcast_in_dim3A_682, %scan3A_1486 = %broadcast_in_dim3A_684, %scan3A_1487 = %broadcast_in_dim3A_686, %scan3A_1488 = %broadcast_in_dim3A_688, %scan3A_1489 = %broadcast_in_dim3A_690, %scan3A_1490 = %broadcast_in_dim3A_692, %scan3A_1491 = %broadcast_in_dim3A_694, %scan3A_1492 = %broadcast_in_dim3A_696, %scan3A_1493 = %broadcast_in_dim3A_698, %scan3A_1494 = %broadcast_in_dim3A_700, %scan3A_1495 = %broadcast_in_dim3A_702, %scan3A_1496 = %broadcast_in_dim3A_704, %scan3A_1497 = %broadcast_in_dim3A_706, %scan3A_1498 = %broadcast_in_dim3A_708, %scan3A_1499 = %broadcast_in_dim3A_710, %scan3A_1500 = %broadcast_in_dim3A_712) -> (vector<16xf32>, vector<16xf32>, vector<16xf32>, vector<16xf32>, vector<16xf32>, vector<16xf32>, vector<16xf32>, vector<16xf32>, vector<16xf32>, vector<16xf32>, vector<16xf32>, vector<16xf32>, vector<16xf32>, vector<16xf32>, vector<16xf32>, vector<16xf32>)  : i32 {
        %get3A = arith.index_cast %scan3A_1484 : i32 to index
        %get3A_1501 = arith.constant 0 : index
        %get3A_1502 = tpu.vector_load %arg9[%get3A, %get3A_1501] {strides = array<i32>} : memref<100x128xf32, #tpu.memory_space<vmem>>, vector<16xf32>,
        %add3A_1503 = arith.addf %scan3A_1485, %get3A_1502 : vector<16xf32>
        %mul3A_1504 = arith.mulf %get3A_1502, %get3A_1502 : vector<16xf32>
        %add3A_1505 = arith.addf %scan3A_1493, %mul3A_1504 : vector<16xf32>
        %get3A_1506 = arith.index_cast %scan3A_1484 : i32 to index
        %get3A_1507 = arith.constant 16 : index
        %get3A_1508 = tpu.vector_load %arg9[%get3A_1506, %get3A_1507] {strides = array<i32>} : memref<100x128xf32, #tpu.memory_space<vmem>>, vector<16xf32>,
        %add3A_1509 = arith.addf %scan3A_1486, %get3A_1508 : vector<16xf32>
        %mul3A_1510 = arith.mulf %get3A_1508, %get3A_1508 : vector<16xf32>
        %add3A_1511 = arith.addf %scan3A_1494, %mul3A_1510 : vector<16xf32>
        %get3A_1512 = arith.index_cast %scan3A_1484 : i32 to index
        %get3A_1513 = arith.constant 32 : index
        %get3A_1514 = tpu.vector_load %arg9[%get3A_1512, %get3A_1513] {strides = array<i32>} : memref<100x128xf32, #tpu.memory_space<vmem>>, vector<16xf32>,
        %add3A_1515 = arith.addf %scan3A_1487, %get3A_1514 : vector<16xf32>
        %mul3A_1516 = arith.mulf %get3A_1514, %get3A_1514 : vector<16xf32>
        %add3A_1517 = arith.addf %scan3A_1495, %mul3A_1516 : vector<16xf32>
        %get3A_1518 = arith.index_cast %scan3A_1484 : i32 to index
        %get3A_1519 = arith.constant 48 : index
        %get3A_1520 = tpu.vector_load %arg9[%get3A_1518, %get3A_1519] {strides = array<i32>} : memref<100x128xf32, #tpu.memory_space<vmem>>, vector<16xf32>,
        %add3A_1521 = arith.addf %scan3A_1488, %get3A_1520 : vector<16xf32>
        %mul3A_1522 = arith.mulf %get3A_1520, %get3A_1520 : vector<16xf32>
        %add3A_1523 = arith.addf %scan3A_1496, %mul3A_1522 : vector<16xf32>
        %get3A_1524 = arith.index_cast %scan3A_1484 : i32 to index
        %get3A_1525 = arith.constant 64 : index
        %get3A_1526 = tpu.vector_load %arg9[%get3A_1524, %get3A_1525] {strides = array<i32>} : memref<100x128xf32, #tpu.memory_space<vmem>>, vector<16xf32>,
        %add3A_1527 = arith.addf %scan3A_1489, %get3A_1526 : vector<16xf32>
        %mul3A_1528 = arith.mulf %get3A_1526, %get3A_1526 : vector<16xf32>
        %add3A_1529 = arith.addf %scan3A_1497, %mul3A_1528 : vector<16xf32>
        %get3A_1530 = arith.index_cast %scan3A_1484 : i32 to index
        %get3A_1531 = arith.constant 80 : index
        %get3A_1532 = tpu.vector_load %arg9[%get3A_1530, %get3A_1531] {strides = array<i32>} : memref<100x128xf32, #tpu.memory_space<vmem>>, vector<16xf32>,
        %add3A_1533 = arith.addf %scan3A_1490, %get3A_1532 : vector<16xf32>
        %mul3A_1534 = arith.mulf %get3A_1532, %get3A_1532 : vector<16xf32>
        %add3A_1535 = arith.addf %scan3A_1498, %mul3A_1534 : vector<16xf32>
        %get3A_1536 = arith.index_cast %scan3A_1484 : i32 to index
        %get3A_1537 = arith.constant 96 : index
        %get3A_1538 = tpu.vector_load %arg9[%get3A_1536, %get3A_1537] {strides = array<i32>} : memref<100x128xf32, #tpu.memory_space<vmem>>, vector<16xf32>,
        %add3A_1539 = arith.addf %scan3A_1491, %get3A_1538 : vector<16xf32>
        %mul3A_1540 = arith.mulf %get3A_1538, %get3A_1538 : vector<16xf32>
        %add3A_1541 = arith.addf %scan3A_1499, %mul3A_1540 : vector<16xf32>
        %get3A_1542 = arith.index_cast %scan3A_1484 : i32 to index
        %get3A_1543 = arith.constant 112 : index
        %get3A_1544 = tpu.vector_load %arg9[%get3A_1542, %get3A_1543] {strides = array<i32>} : memref<100x128xf32, #tpu.memory_space<vmem>>, vector<16xf32>,
        %add3A_1545 = arith.addf %scan3A_1492, %get3A_1544 : vector<16xf32>
        %mul3A_1546 = arith.mulf %get3A_1544, %get3A_1544 : vector<16xf32>
        %add3A_1547 = arith.addf %scan3A_1500, %mul3A_1546 : vector<16xf32>
        %scan3A_1548 = arith.constant 1 : i32
        %scan3A_1549 = arith.addi %scan3A_1484, %scan3A_1548 : i32
        %get3A_1550 = arith.index_cast %scan3A_1549 : i32 to index
        %get3A_1551 = arith.constant 0 : index
        %get3A_1552 = tpu.vector_load %arg9[%get3A_1550, %get3A_1551] {strides = array<i32>} : memref<100x128xf32, #tpu.memory_space<vmem>>, vector<16xf32>,
        %add3A_1553 = arith.addf %add3A_1503, %get3A_1552 : vector<16xf32>
        %mul3A_1554 = arith.mulf %get3A_1552, %get3A_1552 : vector<16xf32>
        %add3A_1555 = arith.addf %add3A_1505, %mul3A_1554 : vector<16xf32>
        %get3A_1556 = arith.index_cast %scan3A_1549 : i32 to index
        %get3A_1557 = arith.constant 16 : index
        %get3A_1558 = tpu.vector_load %arg9[%get3A_1556, %get3A_1557] {strides = array<i32>} : memref<100x128xf32, #tpu.memory_space<vmem>>, vector<16xf32>,
        %add3A_1559 = arith.addf %add3A_1509, %get3A_1558 : vector<16xf32>
        %mul3A_1560 = arith.mulf %get3A_1558, %get3A_1558 : vector<16xf32>
        %add3A_1561 = arith.addf %add3A_1511, %mul3A_1560 : vector<16xf32>
        %get3A_1562 = arith.index_cast %scan3A_1549 : i32 to index
        %get3A_1563 = arith.constant 32 : index
        %get3A_1564 = tpu.vector_load %arg9[%get3A_1562, %get3A_1563] {strides = array<i32>} : memref<100x128xf32, #tpu.memory_space<vmem>>, vector<16xf32>,
        %add3A_1565 = arith.addf %add3A_1515, %get3A_1564 : vector<16xf32>
        %mul3A_1566 = arith.mulf %get3A_1564, %get3A_1564 : vector<16xf32>
        %add3A_1567 = arith.addf %add3A_1517, %mul3A_1566 : vector<16xf32>
        %get3A_1568 = arith.index_cast %scan3A_1549 : i32 to index
        %get3A_1569 = arith.constant 48 : index
        %get3A_1570 = tpu.vector_load %arg9[%get3A_1568, %get3A_1569] {strides = array<i32>} : memref<100x128xf32, #tpu.memory_space<vmem>>, vector<16xf32>,
        %add3A_1571 = arith.addf %add3A_1521, %get3A_1570 : vector<16xf32>
        %mul3A_1572 = arith.mulf %get3A_1570, %get3A_1570 : vector<16xf32>
        %add3A_1573 = arith.addf %add3A_1523, %mul3A_1572 : vector<16xf32>
        %get3A_1574 = arith.index_cast %scan3A_1549 : i32 to index
        %get3A_1575 = arith.constant 64 : index
        %get3A_1576 = tpu.vector_load %arg9[%get3A_1574, %get3A_1575] {strides = array<i32>} : memref<100x128xf32, #tpu.memory_space<vmem>>, vector<16xf32>,
        %add3A_1577 = arith.addf %add3A_1527, %get3A_1576 : vector<16xf32>
        %mul3A_1578 = arith.mulf %get3A_1576, %get3A_1576 : vector<16xf32>
        %add3A_1579 = arith.addf %add3A_1529, %mul3A_1578 : vector<16xf32>
        %get3A_1580 = arith.index_cast %scan3A_1549 : i32 to index
        %get3A_1581 = arith.constant 80 : index
        %get3A_1582 = tpu.vector_load %arg9[%get3A_1580, %get3A_1581] {strides = array<i32>} : memref<100x128xf32, #tpu.memory_space<vmem>>, vector<16xf32>,
        %add3A_1583 = arith.addf %add3A_1533, %get3A_1582 : vector<16xf32>
        %mul3A_1584 = arith.mulf %get3A_1582, %get3A_1582 : vector<16xf32>
        %add3A_1585 = arith.addf %add3A_1535, %mul3A_1584 : vector<16xf32>
        %get3A_1586 = arith.index_cast %scan3A_1549 : i32 to index
        %get3A_1587 = arith.constant 96 : index
        %get3A_1588 = tpu.vector_load %arg9[%get3A_1586, %get3A_1587] {strides = array<i32>} : memref<100x128xf32, #tpu.memory_space<vmem>>, vector<16xf32>,
        %add3A_1589 = arith.addf %add3A_1539, %get3A_1588 : vector<16xf32>
        %mul3A_1590 = arith.mulf %get3A_1588, %get3A_1588 : vector<16xf32>
        %add3A_1591 = arith.addf %add3A_1541, %mul3A_1590 : vector<16xf32>
        %get3A_1592 = arith.index_cast %scan3A_1549 : i32 to index
        %get3A_1593 = arith.constant 112 : index
        %get3A_1594 = tpu.vector_load %arg9[%get3A_1592, %get3A_1593] {strides = array<i32>} : memref<100x128xf32, #tpu.memory_space<vmem>>, vector<16xf32>,
        %add3A_1595 = arith.addf %add3A_1545, %get3A_1594 : vector<16xf32>
        %mul3A_1596 = arith.mulf %get3A_1594, %get3A_1594 : vector<16xf32>
        %add3A_1597 = arith.addf %add3A_1547, %mul3A_1596 : vector<16xf32>
        scf.yield %add3A_1553, %add3A_1559, %add3A_1565, %add3A_1571, %add3A_1577, %add3A_1583, %add3A_1589, %add3A_1595, %add3A_1555, %add3A_1561, %add3A_1567, %add3A_1573, %add3A_1579, %add3A_1585, %add3A_1591, %add3A_1597 : vector<16xf32>, vector<16xf32>, vector<16xf32>, vector<16xf32>, vector<16xf32>, vector<16xf32>, vector<16xf32>, vector<16xf32>, vector<16xf32>, vector<16xf32>, vector<16xf32>, vector<16xf32>, vector<16xf32>, vector<16xf32>, vector<16xf32>, vector<16xf32>
      }
      %scan3A_718 = arith.constant 100 : i32
      %mul3A_719 = arith.mulf %scan3A_717#0, %scan3A_717#0 : vector<16xf32>
      %sub3A_720 = arith.subf %mul3A_719, %scan3A_717#8 : vector<16xf32>
      %mul3A_721 = arith.mulf %scan3A_717#1, %scan3A_717#1 : vector<16xf32>
      %sub3A_722 = arith.subf %mul3A_721, %scan3A_717#9 : vector<16xf32>
      %add3A_723 = arith.addf %sub3A_720, %sub3A_722 : vector<16xf32>
      %mul3A_724 = arith.mulf %scan3A_717#2, %scan3A_717#2 : vector<16xf32>
      %sub3A_725 = arith.subf %mul3A_724, %scan3A_717#10 : vector<16xf32>
      %add3A_726 = arith.addf %add3A_723, %sub3A_725 : vector<16xf32>
      %mul3A_727 = arith.mulf %scan3A_717#3, %scan3A_717#3 : vector<16xf32>
      %sub3A_728 = arith.subf %mul3A_727, %scan3A_717#11 : vector<16xf32>
      %add3A_729 = arith.addf %add3A_726, %sub3A_728 : vector<16xf32>
      %mul3A_730 = arith.mulf %scan3A_717#4, %scan3A_717#4 : vector<16xf32>
      %sub3A_731 = arith.subf %mul3A_730, %scan3A_717#12 : vector<16xf32>
      %add3A_732 = arith.addf %add3A_729, %sub3A_731 : vector<16xf32>
      %mul3A_733 = arith.mulf %scan3A_717#5, %scan3A_717#5 : vector<16xf32>
      %sub3A_734 = arith.subf %mul3A_733, %scan3A_717#13 : vector<16xf32>
      %add3A_735 = arith.addf %add3A_732, %sub3A_734 : vector<16xf32>
      %mul3A_736 = arith.mulf %scan3A_717#6, %scan3A_717#6 : vector<16xf32>
      %sub3A_737 = arith.subf %mul3A_736, %scan3A_717#14 : vector<16xf32>
      %add3A_738 = arith.addf %add3A_735, %sub3A_737 : vector<16xf32>
      %mul3A_739 = arith.mulf %scan3A_717#7, %scan3A_717#7 : vector<16xf32>
      %sub3A_740 = arith.subf %mul3A_739, %scan3A_717#15 : vector<16xf32>
      %add3A_741 = arith.addf %add3A_738, %sub3A_740 : vector<16xf32>
      %reduce_sum3A_742 = arith.constant true
      %reduce_sum3A_743 = vector.broadcast %reduce_sum3A_742 : i1 to vector<16xi1>
      %reduce_sum3A_744 = tpu.scan <sum>, %add3A_741 masked %reduce_sum3A_743 : vector<16xf32>, vector<16xi1> -> vector<16xf32>
      %reduce_sum3A_745 = vector.extract %reduce_sum3A_744[15] : f32 from vector<16xf32>
      %mul3A_746 = arith.constant 5.000000e-01 : f32
      %mul3A_747 = arith.mulf %reduce_sum3A_745, %mul3A_746 : f32
      %eq3A_748 = arith.constant 7 : i32
      %eq3A_749 = vector.broadcast %eq3A_748 : i32 to vector<16xi32>
      %eq3A_750 = arith.cmpi eq, %iota3A, %eq3A_749 : vector<16xi32>
      %broadcast_in_dim3A_751 = vector.broadcast %mul3A_747 : f32 to vector<16xf32>
      %select_n3A_752 = arith.select %eq3A_750, %broadcast_in_dim3A_751, %select_n3A_661 : vector<16xi1>, vector<16xf32>
      %mul3A_753 = arith.constant 16 : i32
      %mul3A_754 = arith.muli %add3A_31, %mul3A_753 : i32
      %add3A_755 = arith.constant 8 : i32
      %add3A_756 = arith.addi %mul3A_754, %add3A_755 : i32
      %add3A_757 = arith.constant 4 : i32
      %add3A_758 = arith.addi %add3A_756, %add3A_757 : i32
      %sub3A_759 = arith.constant 1 : i32
      %sub3A_760 = arith.subi %add3A_758, %sub3A_759 : i32
      %lt3A_761 = arith.constant 128 : i32
      %lt3A_762 = arith.cmpi slt, %sub3A_760, %lt3A_761 : i32
      %convert_element_type3A_763 = arith.extui %lt3A_762 : i1 to i32
      %cond3A_764 = arith.constant 0 : i32
      %cond3A_765 = arith.cmpi ne, %convert_element_type3A_763, %cond3A_764 : i32
      scf.if %cond3A_765 {
        %dma_start3A_1484 = arith.constant 0 : i32
        %dma_start3A_1485 = tpu.memref_slice %arg5[%sub3A_760, %dma_start3A_1484] : memref<128x100xi32, #tpu.memory_space<vmem>> -> memref<1x100xi32, #tpu.memory_space<vmem>>
        %dma_start3A_1486 = tpu.memref_squeeze %dma_start3A_1485 : memref<1x100xi32, #tpu.memory_space<vmem>> -> memref<100xi32, #tpu.memory_space<vmem>>
        %dma_start3A_1487 = arith.constant 0 : i32
        %dma_start3A_1488 = arith.constant 0 : i32
        %dma_start3A_1489 = tpu.memref_slice %arg2[%dma_start3A_1487, %dma_start3A_1488] : memref<100000x128xf32, #tpu.memory_space<hbm>> -> memref<100000x128xf32, #tpu.memory_space<hbm>>
        tpu.enqueue_indirect_dma source(%dma_start3A_1489 : memref<100000x128xf32, #tpu.memory_space<hbm>>) target(%arg9 : memref<100x128xf32, #tpu.memory_space<vmem>>) offsets(%dma_start3A_1486 : memref<100xi32, #tpu.memory_space<vmem>>) semaphore(%arg14 : memref<!tpu.dma_semaphore, #tpu.memory_space<semaphore_mem>>)
      } else {
      }
      %dma_wait3A_766 = arith.constant 0 : i32
      %dma_wait3A_767 = tpu.memref_slice %arg5[%add3A_756, %dma_wait3A_766] : memref<128x100xi32, #tpu.memory_space<vmem>> -> memref<1x100xi32, #tpu.memory_space<vmem>>
      %dma_wait3A_768 = tpu.memref_squeeze %dma_wait3A_767 : memref<1x100xi32, #tpu.memory_space<vmem>> -> memref<100xi32, #tpu.memory_space<vmem>>
      %dma_wait3A_769 = arith.constant 0 : i32
      %dma_wait3A_770 = arith.constant 0 : i32
      %dma_wait3A_771 = tpu.memref_slice %arg2[%dma_wait3A_769, %dma_wait3A_770] : memref<100000x128xf32, #tpu.memory_space<hbm>> -> memref<100000x128xf32, #tpu.memory_space<hbm>>
      tpu.wait_indirect_dma semaphore(%arg11 : memref<!tpu.dma_semaphore, #tpu.memory_space<semaphore_mem>>) src(%dma_wait3A_771 : memref<100000x128xf32, #tpu.memory_space<hbm>>) dst(%arg6 : memref<100x128xf32, #tpu.memory_space<vmem>>)
      %broadcast_in_dim3A_772 = arith.constant 0.000000e+00 : f32
      %broadcast_in_dim3A_773 = vector.broadcast %broadcast_in_dim3A_772 : f32 to vector<16xf32>
      %broadcast_in_dim3A_774 = arith.constant 0.000000e+00 : f32
      %broadcast_in_dim3A_775 = vector.broadcast %broadcast_in_dim3A_774 : f32 to vector<16xf32>
      %broadcast_in_dim3A_776 = arith.constant 0.000000e+00 : f32
      %broadcast_in_dim3A_777 = vector.broadcast %broadcast_in_dim3A_776 : f32 to vector<16xf32>
      %broadcast_in_dim3A_778 = arith.constant 0.000000e+00 : f32
      %broadcast_in_dim3A_779 = vector.broadcast %broadcast_in_dim3A_778 : f32 to vector<16xf32>
      %broadcast_in_dim3A_780 = arith.constant 0.000000e+00 : f32
      %broadcast_in_dim3A_781 = vector.broadcast %broadcast_in_dim3A_780 : f32 to vector<16xf32>
      %broadcast_in_dim3A_782 = arith.constant 0.000000e+00 : f32
      %broadcast_in_dim3A_783 = vector.broadcast %broadcast_in_dim3A_782 : f32 to vector<16xf32>
      %broadcast_in_dim3A_784 = arith.constant 0.000000e+00 : f32
      %broadcast_in_dim3A_785 = vector.broadcast %broadcast_in_dim3A_784 : f32 to vector<16xf32>
      %broadcast_in_dim3A_786 = arith.constant 0.000000e+00 : f32
      %broadcast_in_dim3A_787 = vector.broadcast %broadcast_in_dim3A_786 : f32 to vector<16xf32>
      %broadcast_in_dim3A_788 = arith.constant 0.000000e+00 : f32
      %broadcast_in_dim3A_789 = vector.broadcast %broadcast_in_dim3A_788 : f32 to vector<16xf32>
      %broadcast_in_dim3A_790 = arith.constant 0.000000e+00 : f32
      %broadcast_in_dim3A_791 = vector.broadcast %broadcast_in_dim3A_790 : f32 to vector<16xf32>
      %broadcast_in_dim3A_792 = arith.constant 0.000000e+00 : f32
      %broadcast_in_dim3A_793 = vector.broadcast %broadcast_in_dim3A_792 : f32 to vector<16xf32>
      %broadcast_in_dim3A_794 = arith.constant 0.000000e+00 : f32
      %broadcast_in_dim3A_795 = vector.broadcast %broadcast_in_dim3A_794 : f32 to vector<16xf32>
      %broadcast_in_dim3A_796 = arith.constant 0.000000e+00 : f32
      %broadcast_in_dim3A_797 = vector.broadcast %broadcast_in_dim3A_796 : f32 to vector<16xf32>
      %broadcast_in_dim3A_798 = arith.constant 0.000000e+00 : f32
      %broadcast_in_dim3A_799 = vector.broadcast %broadcast_in_dim3A_798 : f32 to vector<16xf32>
      %broadcast_in_dim3A_800 = arith.constant 0.000000e+00 : f32
      %broadcast_in_dim3A_801 = vector.broadcast %broadcast_in_dim3A_800 : f32 to vector<16xf32>
      %broadcast_in_dim3A_802 = arith.constant 0.000000e+00 : f32
      %broadcast_in_dim3A_803 = vector.broadcast %broadcast_in_dim3A_802 : f32 to vector<16xf32>
      %scan3A_804 = arith.constant 0 : i32
      %scan3A_805 = arith.constant 100 : i32
      %scan3A_806 = arith.addi %scan3A_804, %scan3A_805 : i32
      %scan3A_807 = arith.constant 2 : i32
      %scan3A_808:16 = scf.for %scan3A_1484 = %scan3A_804 to %scan3A_806 step %scan3A_807 iter_args(%scan3A_1485 = %broadcast_in_dim3A_773, %scan3A_1486 = %broadcast_in_dim3A_775, %scan3A_1487 = %broadcast_in_dim3A_777, %scan3A_1488 = %broadcast_in_dim3A_779, %scan3A_1489 = %broadcast_in_dim3A_781, %scan3A_1490 = %broadcast_in_dim3A_783, %scan3A_1491 = %broadcast_in_dim3A_785, %scan3A_1492 = %broadcast_in_dim3A_787, %scan3A_1493 = %broadcast_in_dim3A_789, %scan3A_1494 = %broadcast_in_dim3A_791, %scan3A_1495 = %broadcast_in_dim3A_793, %scan3A_1496 = %broadcast_in_dim3A_795, %scan3A_1497 = %broadcast_in_dim3A_797, %scan3A_1498 = %broadcast_in_dim3A_799, %scan3A_1499 = %broadcast_in_dim3A_801, %scan3A_1500 = %broadcast_in_dim3A_803) -> (vector<16xf32>, vector<16xf32>, vector<16xf32>, vector<16xf32>, vector<16xf32>, vector<16xf32>, vector<16xf32>, vector<16xf32>, vector<16xf32>, vector<16xf32>, vector<16xf32>, vector<16xf32>, vector<16xf32>, vector<16xf32>, vector<16xf32>, vector<16xf32>)  : i32 {
        %get3A = arith.index_cast %scan3A_1484 : i32 to index
        %get3A_1501 = arith.constant 0 : index
        %get3A_1502 = tpu.vector_load %arg6[%get3A, %get3A_1501] {strides = array<i32>} : memref<100x128xf32, #tpu.memory_space<vmem>>, vector<16xf32>,
        %add3A_1503 = arith.addf %scan3A_1485, %get3A_1502 : vector<16xf32>
        %mul3A_1504 = arith.mulf %get3A_1502, %get3A_1502 : vector<16xf32>
        %add3A_1505 = arith.addf %scan3A_1493, %mul3A_1504 : vector<16xf32>
        %get3A_1506 = arith.index_cast %scan3A_1484 : i32 to index
        %get3A_1507 = arith.constant 16 : index
        %get3A_1508 = tpu.vector_load %arg6[%get3A_1506, %get3A_1507] {strides = array<i32>} : memref<100x128xf32, #tpu.memory_space<vmem>>, vector<16xf32>,
        %add3A_1509 = arith.addf %scan3A_1486, %get3A_1508 : vector<16xf32>
        %mul3A_1510 = arith.mulf %get3A_1508, %get3A_1508 : vector<16xf32>
        %add3A_1511 = arith.addf %scan3A_1494, %mul3A_1510 : vector<16xf32>
        %get3A_1512 = arith.index_cast %scan3A_1484 : i32 to index
        %get3A_1513 = arith.constant 32 : index
        %get3A_1514 = tpu.vector_load %arg6[%get3A_1512, %get3A_1513] {strides = array<i32>} : memref<100x128xf32, #tpu.memory_space<vmem>>, vector<16xf32>,
        %add3A_1515 = arith.addf %scan3A_1487, %get3A_1514 : vector<16xf32>
        %mul3A_1516 = arith.mulf %get3A_1514, %get3A_1514 : vector<16xf32>
        %add3A_1517 = arith.addf %scan3A_1495, %mul3A_1516 : vector<16xf32>
        %get3A_1518 = arith.index_cast %scan3A_1484 : i32 to index
        %get3A_1519 = arith.constant 48 : index
        %get3A_1520 = tpu.vector_load %arg6[%get3A_1518, %get3A_1519] {strides = array<i32>} : memref<100x128xf32, #tpu.memory_space<vmem>>, vector<16xf32>,
        %add3A_1521 = arith.addf %scan3A_1488, %get3A_1520 : vector<16xf32>
        %mul3A_1522 = arith.mulf %get3A_1520, %get3A_1520 : vector<16xf32>
        %add3A_1523 = arith.addf %scan3A_1496, %mul3A_1522 : vector<16xf32>
        %get3A_1524 = arith.index_cast %scan3A_1484 : i32 to index
        %get3A_1525 = arith.constant 64 : index
        %get3A_1526 = tpu.vector_load %arg6[%get3A_1524, %get3A_1525] {strides = array<i32>} : memref<100x128xf32, #tpu.memory_space<vmem>>, vector<16xf32>,
        %add3A_1527 = arith.addf %scan3A_1489, %get3A_1526 : vector<16xf32>
        %mul3A_1528 = arith.mulf %get3A_1526, %get3A_1526 : vector<16xf32>
        %add3A_1529 = arith.addf %scan3A_1497, %mul3A_1528 : vector<16xf32>
        %get3A_1530 = arith.index_cast %scan3A_1484 : i32 to index
        %get3A_1531 = arith.constant 80 : index
        %get3A_1532 = tpu.vector_load %arg6[%get3A_1530, %get3A_1531] {strides = array<i32>} : memref<100x128xf32, #tpu.memory_space<vmem>>, vector<16xf32>,
        %add3A_1533 = arith.addf %scan3A_1490, %get3A_1532 : vector<16xf32>
        %mul3A_1534 = arith.mulf %get3A_1532, %get3A_1532 : vector<16xf32>
        %add3A_1535 = arith.addf %scan3A_1498, %mul3A_1534 : vector<16xf32>
        %get3A_1536 = arith.index_cast %scan3A_1484 : i32 to index
        %get3A_1537 = arith.constant 96 : index
        %get3A_1538 = tpu.vector_load %arg6[%get3A_1536, %get3A_1537] {strides = array<i32>} : memref<100x128xf32, #tpu.memory_space<vmem>>, vector<16xf32>,
        %add3A_1539 = arith.addf %scan3A_1491, %get3A_1538 : vector<16xf32>
        %mul3A_1540 = arith.mulf %get3A_1538, %get3A_1538 : vector<16xf32>
        %add3A_1541 = arith.addf %scan3A_1499, %mul3A_1540 : vector<16xf32>
        %get3A_1542 = arith.index_cast %scan3A_1484 : i32 to index
        %get3A_1543 = arith.constant 112 : index
        %get3A_1544 = tpu.vector_load %arg6[%get3A_1542, %get3A_1543] {strides = array<i32>} : memref<100x128xf32, #tpu.memory_space<vmem>>, vector<16xf32>,
        %add3A_1545 = arith.addf %scan3A_1492, %get3A_1544 : vector<16xf32>
        %mul3A_1546 = arith.mulf %get3A_1544, %get3A_1544 : vector<16xf32>
        %add3A_1547 = arith.addf %scan3A_1500, %mul3A_1546 : vector<16xf32>
        %scan3A_1548 = arith.constant 1 : i32
        %scan3A_1549 = arith.addi %scan3A_1484, %scan3A_1548 : i32
        %get3A_1550 = arith.index_cast %scan3A_1549 : i32 to index
        %get3A_1551 = arith.constant 0 : index
        %get3A_1552 = tpu.vector_load %arg6[%get3A_1550, %get3A_1551] {strides = array<i32>} : memref<100x128xf32, #tpu.memory_space<vmem>>, vector<16xf32>,
        %add3A_1553 = arith.addf %add3A_1503, %get3A_1552 : vector<16xf32>
        %mul3A_1554 = arith.mulf %get3A_1552, %get3A_1552 : vector<16xf32>
        %add3A_1555 = arith.addf %add3A_1505, %mul3A_1554 : vector<16xf32>
        %get3A_1556 = arith.index_cast %scan3A_1549 : i32 to index
        %get3A_1557 = arith.constant 16 : index
        %get3A_1558 = tpu.vector_load %arg6[%get3A_1556, %get3A_1557] {strides = array<i32>} : memref<100x128xf32, #tpu.memory_space<vmem>>, vector<16xf32>,
        %add3A_1559 = arith.addf %add3A_1509, %get3A_1558 : vector<16xf32>
        %mul3A_1560 = arith.mulf %get3A_1558, %get3A_1558 : vector<16xf32>
        %add3A_1561 = arith.addf %add3A_1511, %mul3A_1560 : vector<16xf32>
        %get3A_1562 = arith.index_cast %scan3A_1549 : i32 to index
        %get3A_1563 = arith.constant 32 : index
        %get3A_1564 = tpu.vector_load %arg6[%get3A_1562, %get3A_1563] {strides = array<i32>} : memref<100x128xf32, #tpu.memory_space<vmem>>, vector<16xf32>,
        %add3A_1565 = arith.addf %add3A_1515, %get3A_1564 : vector<16xf32>
        %mul3A_1566 = arith.mulf %get3A_1564, %get3A_1564 : vector<16xf32>
        %add3A_1567 = arith.addf %add3A_1517, %mul3A_1566 : vector<16xf32>
        %get3A_1568 = arith.index_cast %scan3A_1549 : i32 to index
        %get3A_1569 = arith.constant 48 : index
        %get3A_1570 = tpu.vector_load %arg6[%get3A_1568, %get3A_1569] {strides = array<i32>} : memref<100x128xf32, #tpu.memory_space<vmem>>, vector<16xf32>,
        %add3A_1571 = arith.addf %add3A_1521, %get3A_1570 : vector<16xf32>
        %mul3A_1572 = arith.mulf %get3A_1570, %get3A_1570 : vector<16xf32>
        %add3A_1573 = arith.addf %add3A_1523, %mul3A_1572 : vector<16xf32>
        %get3A_1574 = arith.index_cast %scan3A_1549 : i32 to index
        %get3A_1575 = arith.constant 64 : index
        %get3A_1576 = tpu.vector_load %arg6[%get3A_1574, %get3A_1575] {strides = array<i32>} : memref<100x128xf32, #tpu.memory_space<vmem>>, vector<16xf32>,
        %add3A_1577 = arith.addf %add3A_1527, %get3A_1576 : vector<16xf32>
        %mul3A_1578 = arith.mulf %get3A_1576, %get3A_1576 : vector<16xf32>
        %add3A_1579 = arith.addf %add3A_1529, %mul3A_1578 : vector<16xf32>
        %get3A_1580 = arith.index_cast %scan3A_1549 : i32 to index
        %get3A_1581 = arith.constant 80 : index
        %get3A_1582 = tpu.vector_load %arg6[%get3A_1580, %get3A_1581] {strides = array<i32>} : memref<100x128xf32, #tpu.memory_space<vmem>>, vector<16xf32>,
        %add3A_1583 = arith.addf %add3A_1533, %get3A_1582 : vector<16xf32>
        %mul3A_1584 = arith.mulf %get3A_1582, %get3A_1582 : vector<16xf32>
        %add3A_1585 = arith.addf %add3A_1535, %mul3A_1584 : vector<16xf32>
        %get3A_1586 = arith.index_cast %scan3A_1549 : i32 to index
        %get3A_1587 = arith.constant 96 : index
        %get3A_1588 = tpu.vector_load %arg6[%get3A_1586, %get3A_1587] {strides = array<i32>} : memref<100x128xf32, #tpu.memory_space<vmem>>, vector<16xf32>,
        %add3A_1589 = arith.addf %add3A_1539, %get3A_1588 : vector<16xf32>
        %mul3A_1590 = arith.mulf %get3A_1588, %get3A_1588 : vector<16xf32>
        %add3A_1591 = arith.addf %add3A_1541, %mul3A_1590 : vector<16xf32>
        %get3A_1592 = arith.index_cast %scan3A_1549 : i32 to index
        %get3A_1593 = arith.constant 112 : index
        %get3A_1594 = tpu.vector_load %arg6[%get3A_1592, %get3A_1593] {strides = array<i32>} : memref<100x128xf32, #tpu.memory_space<vmem>>, vector<16xf32>,
        %add3A_1595 = arith.addf %add3A_1545, %get3A_1594 : vector<16xf32>
        %mul3A_1596 = arith.mulf %get3A_1594, %get3A_1594 : vector<16xf32>
        %add3A_1597 = arith.addf %add3A_1547, %mul3A_1596 : vector<16xf32>
        scf.yield %add3A_1553, %add3A_1559, %add3A_1565, %add3A_1571, %add3A_1577, %add3A_1583, %add3A_1589, %add3A_1595, %add3A_1555, %add3A_1561, %add3A_1567, %add3A_1573, %add3A_1579, %add3A_1585, %add3A_1591, %add3A_1597 : vector<16xf32>, vector<16xf32>, vector<16xf32>, vector<16xf32>, vector<16xf32>, vector<16xf32>, vector<16xf32>, vector<16xf32>, vector<16xf32>, vector<16xf32>, vector<16xf32>, vector<16xf32>, vector<16xf32>, vector<16xf32>, vector<16xf32>, vector<16xf32>
      }
      %scan3A_809 = arith.constant 100 : i32
      %mul3A_810 = arith.mulf %scan3A_808#0, %scan3A_808#0 : vector<16xf32>
      %sub3A_811 = arith.subf %mul3A_810, %scan3A_808#8 : vector<16xf32>
      %mul3A_812 = arith.mulf %scan3A_808#1, %scan3A_808#1 : vector<16xf32>
      %sub3A_813 = arith.subf %mul3A_812, %scan3A_808#9 : vector<16xf32>
      %add3A_814 = arith.addf %sub3A_811, %sub3A_813 : vector<16xf32>
      %mul3A_815 = arith.mulf %scan3A_808#2, %scan3A_808#2 : vector<16xf32>
      %sub3A_816 = arith.subf %mul3A_815, %scan3A_808#10 : vector<16xf32>
      %add3A_817 = arith.addf %add3A_814, %sub3A_816 : vector<16xf32>
      %mul3A_818 = arith.mulf %scan3A_808#3, %scan3A_808#3 : vector<16xf32>
      %sub3A_819 = arith.subf %mul3A_818, %scan3A_808#11 : vector<16xf32>
      %add3A_820 = arith.addf %add3A_817, %sub3A_819 : vector<16xf32>
      %mul3A_821 = arith.mulf %scan3A_808#4, %scan3A_808#4 : vector<16xf32>
      %sub3A_822 = arith.subf %mul3A_821, %scan3A_808#12 : vector<16xf32>
      %add3A_823 = arith.addf %add3A_820, %sub3A_822 : vector<16xf32>
      %mul3A_824 = arith.mulf %scan3A_808#5, %scan3A_808#5 : vector<16xf32>
      %sub3A_825 = arith.subf %mul3A_824, %scan3A_808#13 : vector<16xf32>
      %add3A_826 = arith.addf %add3A_823, %sub3A_825 : vector<16xf32>
      %mul3A_827 = arith.mulf %scan3A_808#6, %scan3A_808#6 : vector<16xf32>
      %sub3A_828 = arith.subf %mul3A_827, %scan3A_808#14 : vector<16xf32>
      %add3A_829 = arith.addf %add3A_826, %sub3A_828 : vector<16xf32>
      %mul3A_830 = arith.mulf %scan3A_808#7, %scan3A_808#7 : vector<16xf32>
      %sub3A_831 = arith.subf %mul3A_830, %scan3A_808#15 : vector<16xf32>
      %add3A_832 = arith.addf %add3A_829, %sub3A_831 : vector<16xf32>
      %reduce_sum3A_833 = arith.constant true
      %reduce_sum3A_834 = vector.broadcast %reduce_sum3A_833 : i1 to vector<16xi1>
      %reduce_sum3A_835 = tpu.scan <sum>, %add3A_832 masked %reduce_sum3A_834 : vector<16xf32>, vector<16xi1> -> vector<16xf32>
      %reduce_sum3A_836 = vector.extract %reduce_sum3A_835[15] : f32 from vector<16xf32>
      %mul3A_837 = arith.constant 5.000000e-01 : f32
      %mul3A_838 = arith.mulf %reduce_sum3A_836, %mul3A_837 : f32
      %eq3A_839 = arith.constant 8 : i32
      %eq3A_840 = vector.broadcast %eq3A_839 : i32 to vector<16xi32>
      %eq3A_841 = arith.cmpi eq, %iota3A, %eq3A_840 : vector<16xi32>
      %broadcast_in_dim3A_842 = vector.broadcast %mul3A_838 : f32 to vector<16xf32>
      %select_n3A_843 = arith.select %eq3A_841, %broadcast_in_dim3A_842, %select_n3A_752 : vector<16xi1>, vector<16xf32>
      %mul3A_844 = arith.constant 16 : i32
      %mul3A_845 = arith.muli %add3A_31, %mul3A_844 : i32
      %add3A_846 = arith.constant 9 : i32
      %add3A_847 = arith.addi %mul3A_845, %add3A_846 : i32
      %add3A_848 = arith.constant 4 : i32
      %add3A_849 = arith.addi %add3A_847, %add3A_848 : i32
      %sub3A_850 = arith.constant 1 : i32
      %sub3A_851 = arith.subi %add3A_849, %sub3A_850 : i32
      %lt3A_852 = arith.constant 128 : i32
      %lt3A_853 = arith.cmpi slt, %sub3A_851, %lt3A_852 : i32
      %convert_element_type3A_854 = arith.extui %lt3A_853 : i1 to i32
      %cond3A_855 = arith.constant 0 : i32
      %cond3A_856 = arith.cmpi ne, %convert_element_type3A_854, %cond3A_855 : i32
      scf.if %cond3A_856 {
        %dma_start3A_1484 = arith.constant 0 : i32
        %dma_start3A_1485 = tpu.memref_slice %arg5[%sub3A_851, %dma_start3A_1484] : memref<128x100xi32, #tpu.memory_space<vmem>> -> memref<1x100xi32, #tpu.memory_space<vmem>>
        %dma_start3A_1486 = tpu.memref_squeeze %dma_start3A_1485 : memref<1x100xi32, #tpu.memory_space<vmem>> -> memref<100xi32, #tpu.memory_space<vmem>>
        %dma_start3A_1487 = arith.constant 0 : i32
        %dma_start3A_1488 = arith.constant 0 : i32
        %dma_start3A_1489 = tpu.memref_slice %arg2[%dma_start3A_1487, %dma_start3A_1488] : memref<100000x128xf32, #tpu.memory_space<hbm>> -> memref<100000x128xf32, #tpu.memory_space<hbm>>
        tpu.enqueue_indirect_dma source(%dma_start3A_1489 : memref<100000x128xf32, #tpu.memory_space<hbm>>) target(%arg6 : memref<100x128xf32, #tpu.memory_space<vmem>>) offsets(%dma_start3A_1486 : memref<100xi32, #tpu.memory_space<vmem>>) semaphore(%arg11 : memref<!tpu.dma_semaphore, #tpu.memory_space<semaphore_mem>>)
      } else {
      }
      %dma_wait3A_857 = arith.constant 0 : i32
      %dma_wait3A_858 = tpu.memref_slice %arg5[%add3A_847, %dma_wait3A_857] : memref<128x100xi32, #tpu.memory_space<vmem>> -> memref<1x100xi32, #tpu.memory_space<vmem>>
      %dma_wait3A_859 = tpu.memref_squeeze %dma_wait3A_858 : memref<1x100xi32, #tpu.memory_space<vmem>> -> memref<100xi32, #tpu.memory_space<vmem>>
      %dma_wait3A_860 = arith.constant 0 : i32
      %dma_wait3A_861 = arith.constant 0 : i32
      %dma_wait3A_862 = tpu.memref_slice %arg2[%dma_wait3A_860, %dma_wait3A_861] : memref<100000x128xf32, #tpu.memory_space<hbm>> -> memref<100000x128xf32, #tpu.memory_space<hbm>>
      tpu.wait_indirect_dma semaphore(%arg12 : memref<!tpu.dma_semaphore, #tpu.memory_space<semaphore_mem>>) src(%dma_wait3A_862 : memref<100000x128xf32, #tpu.memory_space<hbm>>) dst(%arg7 : memref<100x128xf32, #tpu.memory_space<vmem>>)
      %broadcast_in_dim3A_863 = arith.constant 0.000000e+00 : f32
      %broadcast_in_dim3A_864 = vector.broadcast %broadcast_in_dim3A_863 : f32 to vector<16xf32>
      %broadcast_in_dim3A_865 = arith.constant 0.000000e+00 : f32
      %broadcast_in_dim3A_866 = vector.broadcast %broadcast_in_dim3A_865 : f32 to vector<16xf32>
      %broadcast_in_dim3A_867 = arith.constant 0.000000e+00 : f32
      %broadcast_in_dim3A_868 = vector.broadcast %broadcast_in_dim3A_867 : f32 to vector<16xf32>
      %broadcast_in_dim3A_869 = arith.constant 0.000000e+00 : f32
      %broadcast_in_dim3A_870 = vector.broadcast %broadcast_in_dim3A_869 : f32 to vector<16xf32>
      %broadcast_in_dim3A_871 = arith.constant 0.000000e+00 : f32
      %broadcast_in_dim3A_872 = vector.broadcast %broadcast_in_dim3A_871 : f32 to vector<16xf32>
      %broadcast_in_dim3A_873 = arith.constant 0.000000e+00 : f32
      %broadcast_in_dim3A_874 = vector.broadcast %broadcast_in_dim3A_873 : f32 to vector<16xf32>
      %broadcast_in_dim3A_875 = arith.constant 0.000000e+00 : f32
      %broadcast_in_dim3A_876 = vector.broadcast %broadcast_in_dim3A_875 : f32 to vector<16xf32>
      %broadcast_in_dim3A_877 = arith.constant 0.000000e+00 : f32
      %broadcast_in_dim3A_878 = vector.broadcast %broadcast_in_dim3A_877 : f32 to vector<16xf32>
      %broadcast_in_dim3A_879 = arith.constant 0.000000e+00 : f32
      %broadcast_in_dim3A_880 = vector.broadcast %broadcast_in_dim3A_879 : f32 to vector<16xf32>
      %broadcast_in_dim3A_881 = arith.constant 0.000000e+00 : f32
      %broadcast_in_dim3A_882 = vector.broadcast %broadcast_in_dim3A_881 : f32 to vector<16xf32>
      %broadcast_in_dim3A_883 = arith.constant 0.000000e+00 : f32
      %broadcast_in_dim3A_884 = vector.broadcast %broadcast_in_dim3A_883 : f32 to vector<16xf32>
      %broadcast_in_dim3A_885 = arith.constant 0.000000e+00 : f32
      %broadcast_in_dim3A_886 = vector.broadcast %broadcast_in_dim3A_885 : f32 to vector<16xf32>
      %broadcast_in_dim3A_887 = arith.constant 0.000000e+00 : f32
      %broadcast_in_dim3A_888 = vector.broadcast %broadcast_in_dim3A_887 : f32 to vector<16xf32>
      %broadcast_in_dim3A_889 = arith.constant 0.000000e+00 : f32
      %broadcast_in_dim3A_890 = vector.broadcast %broadcast_in_dim3A_889 : f32 to vector<16xf32>
      %broadcast_in_dim3A_891 = arith.constant 0.000000e+00 : f32
      %broadcast_in_dim3A_892 = vector.broadcast %broadcast_in_dim3A_891 : f32 to vector<16xf32>
      %broadcast_in_dim3A_893 = arith.constant 0.000000e+00 : f32
      %broadcast_in_dim3A_894 = vector.broadcast %broadcast_in_dim3A_893 : f32 to vector<16xf32>
      %scan3A_895 = arith.constant 0 : i32
      %scan3A_896 = arith.constant 100 : i32
      %scan3A_897 = arith.addi %scan3A_895, %scan3A_896 : i32
      %scan3A_898 = arith.constant 2 : i32
      %scan3A_899:16 = scf.for %scan3A_1484 = %scan3A_895 to %scan3A_897 step %scan3A_898 iter_args(%scan3A_1485 = %broadcast_in_dim3A_864, %scan3A_1486 = %broadcast_in_dim3A_866, %scan3A_1487 = %broadcast_in_dim3A_868, %scan3A_1488 = %broadcast_in_dim3A_870, %scan3A_1489 = %broadcast_in_dim3A_872, %scan3A_1490 = %broadcast_in_dim3A_874, %scan3A_1491 = %broadcast_in_dim3A_876, %scan3A_1492 = %broadcast_in_dim3A_878, %scan3A_1493 = %broadcast_in_dim3A_880, %scan3A_1494 = %broadcast_in_dim3A_882, %scan3A_1495 = %broadcast_in_dim3A_884, %scan3A_1496 = %broadcast_in_dim3A_886, %scan3A_1497 = %broadcast_in_dim3A_888, %scan3A_1498 = %broadcast_in_dim3A_890, %scan3A_1499 = %broadcast_in_dim3A_892, %scan3A_1500 = %broadcast_in_dim3A_894) -> (vector<16xf32>, vector<16xf32>, vector<16xf32>, vector<16xf32>, vector<16xf32>, vector<16xf32>, vector<16xf32>, vector<16xf32>, vector<16xf32>, vector<16xf32>, vector<16xf32>, vector<16xf32>, vector<16xf32>, vector<16xf32>, vector<16xf32>, vector<16xf32>)  : i32 {
        %get3A = arith.index_cast %scan3A_1484 : i32 to index
        %get3A_1501 = arith.constant 0 : index
        %get3A_1502 = tpu.vector_load %arg7[%get3A, %get3A_1501] {strides = array<i32>} : memref<100x128xf32, #tpu.memory_space<vmem>>, vector<16xf32>,
        %add3A_1503 = arith.addf %scan3A_1485, %get3A_1502 : vector<16xf32>
        %mul3A_1504 = arith.mulf %get3A_1502, %get3A_1502 : vector<16xf32>
        %add3A_1505 = arith.addf %scan3A_1493, %mul3A_1504 : vector<16xf32>
        %get3A_1506 = arith.index_cast %scan3A_1484 : i32 to index
        %get3A_1507 = arith.constant 16 : index
        %get3A_1508 = tpu.vector_load %arg7[%get3A_1506, %get3A_1507] {strides = array<i32>} : memref<100x128xf32, #tpu.memory_space<vmem>>, vector<16xf32>,
        %add3A_1509 = arith.addf %scan3A_1486, %get3A_1508 : vector<16xf32>
        %mul3A_1510 = arith.mulf %get3A_1508, %get3A_1508 : vector<16xf32>
        %add3A_1511 = arith.addf %scan3A_1494, %mul3A_1510 : vector<16xf32>
        %get3A_1512 = arith.index_cast %scan3A_1484 : i32 to index
        %get3A_1513 = arith.constant 32 : index
        %get3A_1514 = tpu.vector_load %arg7[%get3A_1512, %get3A_1513] {strides = array<i32>} : memref<100x128xf32, #tpu.memory_space<vmem>>, vector<16xf32>,
        %add3A_1515 = arith.addf %scan3A_1487, %get3A_1514 : vector<16xf32>
        %mul3A_1516 = arith.mulf %get3A_1514, %get3A_1514 : vector<16xf32>
        %add3A_1517 = arith.addf %scan3A_1495, %mul3A_1516 : vector<16xf32>
        %get3A_1518 = arith.index_cast %scan3A_1484 : i32 to index
        %get3A_1519 = arith.constant 48 : index
        %get3A_1520 = tpu.vector_load %arg7[%get3A_1518, %get3A_1519] {strides = array<i32>} : memref<100x128xf32, #tpu.memory_space<vmem>>, vector<16xf32>,
        %add3A_1521 = arith.addf %scan3A_1488, %get3A_1520 : vector<16xf32>
        %mul3A_1522 = arith.mulf %get3A_1520, %get3A_1520 : vector<16xf32>
        %add3A_1523 = arith.addf %scan3A_1496, %mul3A_1522 : vector<16xf32>
        %get3A_1524 = arith.index_cast %scan3A_1484 : i32 to index
        %get3A_1525 = arith.constant 64 : index
        %get3A_1526 = tpu.vector_load %arg7[%get3A_1524, %get3A_1525] {strides = array<i32>} : memref<100x128xf32, #tpu.memory_space<vmem>>, vector<16xf32>,
        %add3A_1527 = arith.addf %scan3A_1489, %get3A_1526 : vector<16xf32>
        %mul3A_1528 = arith.mulf %get3A_1526, %get3A_1526 : vector<16xf32>
        %add3A_1529 = arith.addf %scan3A_1497, %mul3A_1528 : vector<16xf32>
        %get3A_1530 = arith.index_cast %scan3A_1484 : i32 to index
        %get3A_1531 = arith.constant 80 : index
        %get3A_1532 = tpu.vector_load %arg7[%get3A_1530, %get3A_1531] {strides = array<i32>} : memref<100x128xf32, #tpu.memory_space<vmem>>, vector<16xf32>,
        %add3A_1533 = arith.addf %scan3A_1490, %get3A_1532 : vector<16xf32>
        %mul3A_1534 = arith.mulf %get3A_1532, %get3A_1532 : vector<16xf32>
        %add3A_1535 = arith.addf %scan3A_1498, %mul3A_1534 : vector<16xf32>
        %get3A_1536 = arith.index_cast %scan3A_1484 : i32 to index
        %get3A_1537 = arith.constant 96 : index
        %get3A_1538 = tpu.vector_load %arg7[%get3A_1536, %get3A_1537] {strides = array<i32>} : memref<100x128xf32, #tpu.memory_space<vmem>>, vector<16xf32>,
        %add3A_1539 = arith.addf %scan3A_1491, %get3A_1538 : vector<16xf32>
        %mul3A_1540 = arith.mulf %get3A_1538, %get3A_1538 : vector<16xf32>
        %add3A_1541 = arith.addf %scan3A_1499, %mul3A_1540 : vector<16xf32>
        %get3A_1542 = arith.index_cast %scan3A_1484 : i32 to index
        %get3A_1543 = arith.constant 112 : index
        %get3A_1544 = tpu.vector_load %arg7[%get3A_1542, %get3A_1543] {strides = array<i32>} : memref<100x128xf32, #tpu.memory_space<vmem>>, vector<16xf32>,
        %add3A_1545 = arith.addf %scan3A_1492, %get3A_1544 : vector<16xf32>
        %mul3A_1546 = arith.mulf %get3A_1544, %get3A_1544 : vector<16xf32>
        %add3A_1547 = arith.addf %scan3A_1500, %mul3A_1546 : vector<16xf32>
        %scan3A_1548 = arith.constant 1 : i32
        %scan3A_1549 = arith.addi %scan3A_1484, %scan3A_1548 : i32
        %get3A_1550 = arith.index_cast %scan3A_1549 : i32 to index
        %get3A_1551 = arith.constant 0 : index
        %get3A_1552 = tpu.vector_load %arg7[%get3A_1550, %get3A_1551] {strides = array<i32>} : memref<100x128xf32, #tpu.memory_space<vmem>>, vector<16xf32>,
        %add3A_1553 = arith.addf %add3A_1503, %get3A_1552 : vector<16xf32>
        %mul3A_1554 = arith.mulf %get3A_1552, %get3A_1552 : vector<16xf32>
        %add3A_1555 = arith.addf %add3A_1505, %mul3A_1554 : vector<16xf32>
        %get3A_1556 = arith.index_cast %scan3A_1549 : i32 to index
        %get3A_1557 = arith.constant 16 : index
        %get3A_1558 = tpu.vector_load %arg7[%get3A_1556, %get3A_1557] {strides = array<i32>} : memref<100x128xf32, #tpu.memory_space<vmem>>, vector<16xf32>,
        %add3A_1559 = arith.addf %add3A_1509, %get3A_1558 : vector<16xf32>
        %mul3A_1560 = arith.mulf %get3A_1558, %get3A_1558 : vector<16xf32>
        %add3A_1561 = arith.addf %add3A_1511, %mul3A_1560 : vector<16xf32>
        %get3A_1562 = arith.index_cast %scan3A_1549 : i32 to index
        %get3A_1563 = arith.constant 32 : index
        %get3A_1564 = tpu.vector_load %arg7[%get3A_1562, %get3A_1563] {strides = array<i32>} : memref<100x128xf32, #tpu.memory_space<vmem>>, vector<16xf32>,
        %add3A_1565 = arith.addf %add3A_1515, %get3A_1564 : vector<16xf32>
        %mul3A_1566 = arith.mulf %get3A_1564, %get3A_1564 : vector<16xf32>
        %add3A_1567 = arith.addf %add3A_1517, %mul3A_1566 : vector<16xf32>
        %get3A_1568 = arith.index_cast %scan3A_1549 : i32 to index
        %get3A_1569 = arith.constant 48 : index
        %get3A_1570 = tpu.vector_load %arg7[%get3A_1568, %get3A_1569] {strides = array<i32>} : memref<100x128xf32, #tpu.memory_space<vmem>>, vector<16xf32>,
        %add3A_1571 = arith.addf %add3A_1521, %get3A_1570 : vector<16xf32>
        %mul3A_1572 = arith.mulf %get3A_1570, %get3A_1570 : vector<16xf32>
        %add3A_1573 = arith.addf %add3A_1523, %mul3A_1572 : vector<16xf32>
        %get3A_1574 = arith.index_cast %scan3A_1549 : i32 to index
        %get3A_1575 = arith.constant 64 : index
        %get3A_1576 = tpu.vector_load %arg7[%get3A_1574, %get3A_1575] {strides = array<i32>} : memref<100x128xf32, #tpu.memory_space<vmem>>, vector<16xf32>,
        %add3A_1577 = arith.addf %add3A_1527, %get3A_1576 : vector<16xf32>
        %mul3A_1578 = arith.mulf %get3A_1576, %get3A_1576 : vector<16xf32>
        %add3A_1579 = arith.addf %add3A_1529, %mul3A_1578 : vector<16xf32>
        %get3A_1580 = arith.index_cast %scan3A_1549 : i32 to index
        %get3A_1581 = arith.constant 80 : index
        %get3A_1582 = tpu.vector_load %arg7[%get3A_1580, %get3A_1581] {strides = array<i32>} : memref<100x128xf32, #tpu.memory_space<vmem>>, vector<16xf32>,
        %add3A_1583 = arith.addf %add3A_1533, %get3A_1582 : vector<16xf32>
        %mul3A_1584 = arith.mulf %get3A_1582, %get3A_1582 : vector<16xf32>
        %add3A_1585 = arith.addf %add3A_1535, %mul3A_1584 : vector<16xf32>
        %get3A_1586 = arith.index_cast %scan3A_1549 : i32 to index
        %get3A_1587 = arith.constant 96 : index
        %get3A_1588 = tpu.vector_load %arg7[%get3A_1586, %get3A_1587] {strides = array<i32>} : memref<100x128xf32, #tpu.memory_space<vmem>>, vector<16xf32>,
        %add3A_1589 = arith.addf %add3A_1539, %get3A_1588 : vector<16xf32>
        %mul3A_1590 = arith.mulf %get3A_1588, %get3A_1588 : vector<16xf32>
        %add3A_1591 = arith.addf %add3A_1541, %mul3A_1590 : vector<16xf32>
        %get3A_1592 = arith.index_cast %scan3A_1549 : i32 to index
        %get3A_1593 = arith.constant 112 : index
        %get3A_1594 = tpu.vector_load %arg7[%get3A_1592, %get3A_1593] {strides = array<i32>} : memref<100x128xf32, #tpu.memory_space<vmem>>, vector<16xf32>,
        %add3A_1595 = arith.addf %add3A_1545, %get3A_1594 : vector<16xf32>
        %mul3A_1596 = arith.mulf %get3A_1594, %get3A_1594 : vector<16xf32>
        %add3A_1597 = arith.addf %add3A_1547, %mul3A_1596 : vector<16xf32>
        scf.yield %add3A_1553, %add3A_1559, %add3A_1565, %add3A_1571, %add3A_1577, %add3A_1583, %add3A_1589, %add3A_1595, %add3A_1555, %add3A_1561, %add3A_1567, %add3A_1573, %add3A_1579, %add3A_1585, %add3A_1591, %add3A_1597 : vector<16xf32>, vector<16xf32>, vector<16xf32>, vector<16xf32>, vector<16xf32>, vector<16xf32>, vector<16xf32>, vector<16xf32>, vector<16xf32>, vector<16xf32>, vector<16xf32>, vector<16xf32>, vector<16xf32>, vector<16xf32>, vector<16xf32>, vector<16xf32>
      }
      %scan3A_900 = arith.constant 100 : i32
      %mul3A_901 = arith.mulf %scan3A_899#0, %scan3A_899#0 : vector<16xf32>
      %sub3A_902 = arith.subf %mul3A_901, %scan3A_899#8 : vector<16xf32>
      %mul3A_903 = arith.mulf %scan3A_899#1, %scan3A_899#1 : vector<16xf32>
      %sub3A_904 = arith.subf %mul3A_903, %scan3A_899#9 : vector<16xf32>
      %add3A_905 = arith.addf %sub3A_902, %sub3A_904 : vector<16xf32>
      %mul3A_906 = arith.mulf %scan3A_899#2, %scan3A_899#2 : vector<16xf32>
      %sub3A_907 = arith.subf %mul3A_906, %scan3A_899#10 : vector<16xf32>
      %add3A_908 = arith.addf %add3A_905, %sub3A_907 : vector<16xf32>
      %mul3A_909 = arith.mulf %scan3A_899#3, %scan3A_899#3 : vector<16xf32>
      %sub3A_910 = arith.subf %mul3A_909, %scan3A_899#11 : vector<16xf32>
      %add3A_911 = arith.addf %add3A_908, %sub3A_910 : vector<16xf32>
      %mul3A_912 = arith.mulf %scan3A_899#4, %scan3A_899#4 : vector<16xf32>
      %sub3A_913 = arith.subf %mul3A_912, %scan3A_899#12 : vector<16xf32>
      %add3A_914 = arith.addf %add3A_911, %sub3A_913 : vector<16xf32>
      %mul3A_915 = arith.mulf %scan3A_899#5, %scan3A_899#5 : vector<16xf32>
      %sub3A_916 = arith.subf %mul3A_915, %scan3A_899#13 : vector<16xf32>
      %add3A_917 = arith.addf %add3A_914, %sub3A_916 : vector<16xf32>
      %mul3A_918 = arith.mulf %scan3A_899#6, %scan3A_899#6 : vector<16xf32>
      %sub3A_919 = arith.subf %mul3A_918, %scan3A_899#14 : vector<16xf32>
      %add3A_920 = arith.addf %add3A_917, %sub3A_919 : vector<16xf32>
      %mul3A_921 = arith.mulf %scan3A_899#7, %scan3A_899#7 : vector<16xf32>
      %sub3A_922 = arith.subf %mul3A_921, %scan3A_899#15 : vector<16xf32>
      %add3A_923 = arith.addf %add3A_920, %sub3A_922 : vector<16xf32>
      %reduce_sum3A_924 = arith.constant true
      %reduce_sum3A_925 = vector.broadcast %reduce_sum3A_924 : i1 to vector<16xi1>
      %reduce_sum3A_926 = tpu.scan <sum>, %add3A_923 masked %reduce_sum3A_925 : vector<16xf32>, vector<16xi1> -> vector<16xf32>
      %reduce_sum3A_927 = vector.extract %reduce_sum3A_926[15] : f32 from vector<16xf32>
      %mul3A_928 = arith.constant 5.000000e-01 : f32
      %mul3A_929 = arith.mulf %reduce_sum3A_927, %mul3A_928 : f32
      %eq3A_930 = arith.constant 9 : i32
      %eq3A_931 = vector.broadcast %eq3A_930 : i32 to vector<16xi32>
      %eq3A_932 = arith.cmpi eq, %iota3A, %eq3A_931 : vector<16xi32>
      %broadcast_in_dim3A_933 = vector.broadcast %mul3A_929 : f32 to vector<16xf32>
      %select_n3A_934 = arith.select %eq3A_932, %broadcast_in_dim3A_933, %select_n3A_843 : vector<16xi1>, vector<16xf32>
      %mul3A_935 = arith.constant 16 : i32
      %mul3A_936 = arith.muli %add3A_31, %mul3A_935 : i32
      %add3A_937 = arith.constant 10 : i32
      %add3A_938 = arith.addi %mul3A_936, %add3A_937 : i32
      %add3A_939 = arith.constant 4 : i32
      %add3A_940 = arith.addi %add3A_938, %add3A_939 : i32
      %sub3A_941 = arith.constant 1 : i32
      %sub3A_942 = arith.subi %add3A_940, %sub3A_941 : i32
      %lt3A_943 = arith.constant 128 : i32
      %lt3A_944 = arith.cmpi slt, %sub3A_942, %lt3A_943 : i32
      %convert_element_type3A_945 = arith.extui %lt3A_944 : i1 to i32
      %cond3A_946 = arith.constant 0 : i32
      %cond3A_947 = arith.cmpi ne, %convert_element_type3A_945, %cond3A_946 : i32
      scf.if %cond3A_947 {
        %dma_start3A_1484 = arith.constant 0 : i32
        %dma_start3A_1485 = tpu.memref_slice %arg5[%sub3A_942, %dma_start3A_1484] : memref<128x100xi32, #tpu.memory_space<vmem>> -> memref<1x100xi32, #tpu.memory_space<vmem>>
        %dma_start3A_1486 = tpu.memref_squeeze %dma_start3A_1485 : memref<1x100xi32, #tpu.memory_space<vmem>> -> memref<100xi32, #tpu.memory_space<vmem>>
        %dma_start3A_1487 = arith.constant 0 : i32
        %dma_start3A_1488 = arith.constant 0 : i32
        %dma_start3A_1489 = tpu.memref_slice %arg2[%dma_start3A_1487, %dma_start3A_1488] : memref<100000x128xf32, #tpu.memory_space<hbm>> -> memref<100000x128xf32, #tpu.memory_space<hbm>>
        tpu.enqueue_indirect_dma source(%dma_start3A_1489 : memref<100000x128xf32, #tpu.memory_space<hbm>>) target(%arg7 : memref<100x128xf32, #tpu.memory_space<vmem>>) offsets(%dma_start3A_1486 : memref<100xi32, #tpu.memory_space<vmem>>) semaphore(%arg12 : memref<!tpu.dma_semaphore, #tpu.memory_space<semaphore_mem>>)
      } else {
      }
      %dma_wait3A_948 = arith.constant 0 : i32
      %dma_wait3A_949 = tpu.memref_slice %arg5[%add3A_938, %dma_wait3A_948] : memref<128x100xi32, #tpu.memory_space<vmem>> -> memref<1x100xi32, #tpu.memory_space<vmem>>
      %dma_wait3A_950 = tpu.memref_squeeze %dma_wait3A_949 : memref<1x100xi32, #tpu.memory_space<vmem>> -> memref<100xi32, #tpu.memory_space<vmem>>
      %dma_wait3A_951 = arith.constant 0 : i32
      %dma_wait3A_952 = arith.constant 0 : i32
      %dma_wait3A_953 = tpu.memref_slice %arg2[%dma_wait3A_951, %dma_wait3A_952] : memref<100000x128xf32, #tpu.memory_space<hbm>> -> memref<100000x128xf32, #tpu.memory_space<hbm>>
      tpu.wait_indirect_dma semaphore(%arg13 : memref<!tpu.dma_semaphore, #tpu.memory_space<semaphore_mem>>) src(%dma_wait3A_953 : memref<100000x128xf32, #tpu.memory_space<hbm>>) dst(%arg8 : memref<100x128xf32, #tpu.memory_space<vmem>>)
      %broadcast_in_dim3A_954 = arith.constant 0.000000e+00 : f32
      %broadcast_in_dim3A_955 = vector.broadcast %broadcast_in_dim3A_954 : f32 to vector<16xf32>
      %broadcast_in_dim3A_956 = arith.constant 0.000000e+00 : f32
      %broadcast_in_dim3A_957 = vector.broadcast %broadcast_in_dim3A_956 : f32 to vector<16xf32>
      %broadcast_in_dim3A_958 = arith.constant 0.000000e+00 : f32
      %broadcast_in_dim3A_959 = vector.broadcast %broadcast_in_dim3A_958 : f32 to vector<16xf32>
      %broadcast_in_dim3A_960 = arith.constant 0.000000e+00 : f32
      %broadcast_in_dim3A_961 = vector.broadcast %broadcast_in_dim3A_960 : f32 to vector<16xf32>
      %broadcast_in_dim3A_962 = arith.constant 0.000000e+00 : f32
      %broadcast_in_dim3A_963 = vector.broadcast %broadcast_in_dim3A_962 : f32 to vector<16xf32>
      %broadcast_in_dim3A_964 = arith.constant 0.000000e+00 : f32
      %broadcast_in_dim3A_965 = vector.broadcast %broadcast_in_dim3A_964 : f32 to vector<16xf32>
      %broadcast_in_dim3A_966 = arith.constant 0.000000e+00 : f32
      %broadcast_in_dim3A_967 = vector.broadcast %broadcast_in_dim3A_966 : f32 to vector<16xf32>
      %broadcast_in_dim3A_968 = arith.constant 0.000000e+00 : f32
      %broadcast_in_dim3A_969 = vector.broadcast %broadcast_in_dim3A_968 : f32 to vector<16xf32>
      %broadcast_in_dim3A_970 = arith.constant 0.000000e+00 : f32
      %broadcast_in_dim3A_971 = vector.broadcast %broadcast_in_dim3A_970 : f32 to vector<16xf32>
      %broadcast_in_dim3A_972 = arith.constant 0.000000e+00 : f32
      %broadcast_in_dim3A_973 = vector.broadcast %broadcast_in_dim3A_972 : f32 to vector<16xf32>
      %broadcast_in_dim3A_974 = arith.constant 0.000000e+00 : f32
      %broadcast_in_dim3A_975 = vector.broadcast %broadcast_in_dim3A_974 : f32 to vector<16xf32>
      %broadcast_in_dim3A_976 = arith.constant 0.000000e+00 : f32
      %broadcast_in_dim3A_977 = vector.broadcast %broadcast_in_dim3A_976 : f32 to vector<16xf32>
      %broadcast_in_dim3A_978 = arith.constant 0.000000e+00 : f32
      %broadcast_in_dim3A_979 = vector.broadcast %broadcast_in_dim3A_978 : f32 to vector<16xf32>
      %broadcast_in_dim3A_980 = arith.constant 0.000000e+00 : f32
      %broadcast_in_dim3A_981 = vector.broadcast %broadcast_in_dim3A_980 : f32 to vector<16xf32>
      %broadcast_in_dim3A_982 = arith.constant 0.000000e+00 : f32
      %broadcast_in_dim3A_983 = vector.broadcast %broadcast_in_dim3A_982 : f32 to vector<16xf32>
      %broadcast_in_dim3A_984 = arith.constant 0.000000e+00 : f32
      %broadcast_in_dim3A_985 = vector.broadcast %broadcast_in_dim3A_984 : f32 to vector<16xf32>
      %scan3A_986 = arith.constant 0 : i32
      %scan3A_987 = arith.constant 100 : i32
      %scan3A_988 = arith.addi %scan3A_986, %scan3A_987 : i32
      %scan3A_989 = arith.constant 2 : i32
      %scan3A_990:16 = scf.for %scan3A_1484 = %scan3A_986 to %scan3A_988 step %scan3A_989 iter_args(%scan3A_1485 = %broadcast_in_dim3A_955, %scan3A_1486 = %broadcast_in_dim3A_957, %scan3A_1487 = %broadcast_in_dim3A_959, %scan3A_1488 = %broadcast_in_dim3A_961, %scan3A_1489 = %broadcast_in_dim3A_963, %scan3A_1490 = %broadcast_in_dim3A_965, %scan3A_1491 = %broadcast_in_dim3A_967, %scan3A_1492 = %broadcast_in_dim3A_969, %scan3A_1493 = %broadcast_in_dim3A_971, %scan3A_1494 = %broadcast_in_dim3A_973, %scan3A_1495 = %broadcast_in_dim3A_975, %scan3A_1496 = %broadcast_in_dim3A_977, %scan3A_1497 = %broadcast_in_dim3A_979, %scan3A_1498 = %broadcast_in_dim3A_981, %scan3A_1499 = %broadcast_in_dim3A_983, %scan3A_1500 = %broadcast_in_dim3A_985) -> (vector<16xf32>, vector<16xf32>, vector<16xf32>, vector<16xf32>, vector<16xf32>, vector<16xf32>, vector<16xf32>, vector<16xf32>, vector<16xf32>, vector<16xf32>, vector<16xf32>, vector<16xf32>, vector<16xf32>, vector<16xf32>, vector<16xf32>, vector<16xf32>)  : i32 {
        %get3A = arith.index_cast %scan3A_1484 : i32 to index
        %get3A_1501 = arith.constant 0 : index
        %get3A_1502 = tpu.vector_load %arg8[%get3A, %get3A_1501] {strides = array<i32>} : memref<100x128xf32, #tpu.memory_space<vmem>>, vector<16xf32>,
        %add3A_1503 = arith.addf %scan3A_1485, %get3A_1502 : vector<16xf32>
        %mul3A_1504 = arith.mulf %get3A_1502, %get3A_1502 : vector<16xf32>
        %add3A_1505 = arith.addf %scan3A_1493, %mul3A_1504 : vector<16xf32>
        %get3A_1506 = arith.index_cast %scan3A_1484 : i32 to index
        %get3A_1507 = arith.constant 16 : index
        %get3A_1508 = tpu.vector_load %arg8[%get3A_1506, %get3A_1507] {strides = array<i32>} : memref<100x128xf32, #tpu.memory_space<vmem>>, vector<16xf32>,
        %add3A_1509 = arith.addf %scan3A_1486, %get3A_1508 : vector<16xf32>
        %mul3A_1510 = arith.mulf %get3A_1508, %get3A_1508 : vector<16xf32>
        %add3A_1511 = arith.addf %scan3A_1494, %mul3A_1510 : vector<16xf32>
        %get3A_1512 = arith.index_cast %scan3A_1484 : i32 to index
        %get3A_1513 = arith.constant 32 : index
        %get3A_1514 = tpu.vector_load %arg8[%get3A_1512, %get3A_1513] {strides = array<i32>} : memref<100x128xf32, #tpu.memory_space<vmem>>, vector<16xf32>,
        %add3A_1515 = arith.addf %scan3A_1487, %get3A_1514 : vector<16xf32>
        %mul3A_1516 = arith.mulf %get3A_1514, %get3A_1514 : vector<16xf32>
        %add3A_1517 = arith.addf %scan3A_1495, %mul3A_1516 : vector<16xf32>
        %get3A_1518 = arith.index_cast %scan3A_1484 : i32 to index
        %get3A_1519 = arith.constant 48 : index
        %get3A_1520 = tpu.vector_load %arg8[%get3A_1518, %get3A_1519] {strides = array<i32>} : memref<100x128xf32, #tpu.memory_space<vmem>>, vector<16xf32>,
        %add3A_1521 = arith.addf %scan3A_1488, %get3A_1520 : vector<16xf32>
        %mul3A_1522 = arith.mulf %get3A_1520, %get3A_1520 : vector<16xf32>
        %add3A_1523 = arith.addf %scan3A_1496, %mul3A_1522 : vector<16xf32>
        %get3A_1524 = arith.index_cast %scan3A_1484 : i32 to index
        %get3A_1525 = arith.constant 64 : index
        %get3A_1526 = tpu.vector_load %arg8[%get3A_1524, %get3A_1525] {strides = array<i32>} : memref<100x128xf32, #tpu.memory_space<vmem>>, vector<16xf32>,
        %add3A_1527 = arith.addf %scan3A_1489, %get3A_1526 : vector<16xf32>
        %mul3A_1528 = arith.mulf %get3A_1526, %get3A_1526 : vector<16xf32>
        %add3A_1529 = arith.addf %scan3A_1497, %mul3A_1528 : vector<16xf32>
        %get3A_1530 = arith.index_cast %scan3A_1484 : i32 to index
        %get3A_1531 = arith.constant 80 : index
        %get3A_1532 = tpu.vector_load %arg8[%get3A_1530, %get3A_1531] {strides = array<i32>} : memref<100x128xf32, #tpu.memory_space<vmem>>, vector<16xf32>,
        %add3A_1533 = arith.addf %scan3A_1490, %get3A_1532 : vector<16xf32>
        %mul3A_1534 = arith.mulf %get3A_1532, %get3A_1532 : vector<16xf32>
        %add3A_1535 = arith.addf %scan3A_1498, %mul3A_1534 : vector<16xf32>
        %get3A_1536 = arith.index_cast %scan3A_1484 : i32 to index
        %get3A_1537 = arith.constant 96 : index
        %get3A_1538 = tpu.vector_load %arg8[%get3A_1536, %get3A_1537] {strides = array<i32>} : memref<100x128xf32, #tpu.memory_space<vmem>>, vector<16xf32>,
        %add3A_1539 = arith.addf %scan3A_1491, %get3A_1538 : vector<16xf32>
        %mul3A_1540 = arith.mulf %get3A_1538, %get3A_1538 : vector<16xf32>
        %add3A_1541 = arith.addf %scan3A_1499, %mul3A_1540 : vector<16xf32>
        %get3A_1542 = arith.index_cast %scan3A_1484 : i32 to index
        %get3A_1543 = arith.constant 112 : index
        %get3A_1544 = tpu.vector_load %arg8[%get3A_1542, %get3A_1543] {strides = array<i32>} : memref<100x128xf32, #tpu.memory_space<vmem>>, vector<16xf32>,
        %add3A_1545 = arith.addf %scan3A_1492, %get3A_1544 : vector<16xf32>
        %mul3A_1546 = arith.mulf %get3A_1544, %get3A_1544 : vector<16xf32>
        %add3A_1547 = arith.addf %scan3A_1500, %mul3A_1546 : vector<16xf32>
        %scan3A_1548 = arith.constant 1 : i32
        %scan3A_1549 = arith.addi %scan3A_1484, %scan3A_1548 : i32
        %get3A_1550 = arith.index_cast %scan3A_1549 : i32 to index
        %get3A_1551 = arith.constant 0 : index
        %get3A_1552 = tpu.vector_load %arg8[%get3A_1550, %get3A_1551] {strides = array<i32>} : memref<100x128xf32, #tpu.memory_space<vmem>>, vector<16xf32>,
        %add3A_1553 = arith.addf %add3A_1503, %get3A_1552 : vector<16xf32>
        %mul3A_1554 = arith.mulf %get3A_1552, %get3A_1552 : vector<16xf32>
        %add3A_1555 = arith.addf %add3A_1505, %mul3A_1554 : vector<16xf32>
        %get3A_1556 = arith.index_cast %scan3A_1549 : i32 to index
        %get3A_1557 = arith.constant 16 : index
        %get3A_1558 = tpu.vector_load %arg8[%get3A_1556, %get3A_1557] {strides = array<i32>} : memref<100x128xf32, #tpu.memory_space<vmem>>, vector<16xf32>,
        %add3A_1559 = arith.addf %add3A_1509, %get3A_1558 : vector<16xf32>
        %mul3A_1560 = arith.mulf %get3A_1558, %get3A_1558 : vector<16xf32>
        %add3A_1561 = arith.addf %add3A_1511, %mul3A_1560 : vector<16xf32>
        %get3A_1562 = arith.index_cast %scan3A_1549 : i32 to index
        %get3A_1563 = arith.constant 32 : index
        %get3A_1564 = tpu.vector_load %arg8[%get3A_1562, %get3A_1563] {strides = array<i32>} : memref<100x128xf32, #tpu.memory_space<vmem>>, vector<16xf32>,
        %add3A_1565 = arith.addf %add3A_1515, %get3A_1564 : vector<16xf32>
        %mul3A_1566 = arith.mulf %get3A_1564, %get3A_1564 : vector<16xf32>
        %add3A_1567 = arith.addf %add3A_1517, %mul3A_1566 : vector<16xf32>
        %get3A_1568 = arith.index_cast %scan3A_1549 : i32 to index
        %get3A_1569 = arith.constant 48 : index
        %get3A_1570 = tpu.vector_load %arg8[%get3A_1568, %get3A_1569] {strides = array<i32>} : memref<100x128xf32, #tpu.memory_space<vmem>>, vector<16xf32>,
        %add3A_1571 = arith.addf %add3A_1521, %get3A_1570 : vector<16xf32>
        %mul3A_1572 = arith.mulf %get3A_1570, %get3A_1570 : vector<16xf32>
        %add3A_1573 = arith.addf %add3A_1523, %mul3A_1572 : vector<16xf32>
        %get3A_1574 = arith.index_cast %scan3A_1549 : i32 to index
        %get3A_1575 = arith.constant 64 : index
        %get3A_1576 = tpu.vector_load %arg8[%get3A_1574, %get3A_1575] {strides = array<i32>} : memref<100x128xf32, #tpu.memory_space<vmem>>, vector<16xf32>,
        %add3A_1577 = arith.addf %add3A_1527, %get3A_1576 : vector<16xf32>
        %mul3A_1578 = arith.mulf %get3A_1576, %get3A_1576 : vector<16xf32>
        %add3A_1579 = arith.addf %add3A_1529, %mul3A_1578 : vector<16xf32>
        %get3A_1580 = arith.index_cast %scan3A_1549 : i32 to index
        %get3A_1581 = arith.constant 80 : index
        %get3A_1582 = tpu.vector_load %arg8[%get3A_1580, %get3A_1581] {strides = array<i32>} : memref<100x128xf32, #tpu.memory_space<vmem>>, vector<16xf32>,
        %add3A_1583 = arith.addf %add3A_1533, %get3A_1582 : vector<16xf32>
        %mul3A_1584 = arith.mulf %get3A_1582, %get3A_1582 : vector<16xf32>
        %add3A_1585 = arith.addf %add3A_1535, %mul3A_1584 : vector<16xf32>
        %get3A_1586 = arith.index_cast %scan3A_1549 : i32 to index
        %get3A_1587 = arith.constant 96 : index
        %get3A_1588 = tpu.vector_load %arg8[%get3A_1586, %get3A_1587] {strides = array<i32>} : memref<100x128xf32, #tpu.memory_space<vmem>>, vector<16xf32>,
        %add3A_1589 = arith.addf %add3A_1539, %get3A_1588 : vector<16xf32>
        %mul3A_1590 = arith.mulf %get3A_1588, %get3A_1588 : vector<16xf32>
        %add3A_1591 = arith.addf %add3A_1541, %mul3A_1590 : vector<16xf32>
        %get3A_1592 = arith.index_cast %scan3A_1549 : i32 to index
        %get3A_1593 = arith.constant 112 : index
        %get3A_1594 = tpu.vector_load %arg8[%get3A_1592, %get3A_1593] {strides = array<i32>} : memref<100x128xf32, #tpu.memory_space<vmem>>, vector<16xf32>,
        %add3A_1595 = arith.addf %add3A_1545, %get3A_1594 : vector<16xf32>
        %mul3A_1596 = arith.mulf %get3A_1594, %get3A_1594 : vector<16xf32>
        %add3A_1597 = arith.addf %add3A_1547, %mul3A_1596 : vector<16xf32>
        scf.yield %add3A_1553, %add3A_1559, %add3A_1565, %add3A_1571, %add3A_1577, %add3A_1583, %add3A_1589, %add3A_1595, %add3A_1555, %add3A_1561, %add3A_1567, %add3A_1573, %add3A_1579, %add3A_1585, %add3A_1591, %add3A_1597 : vector<16xf32>, vector<16xf32>, vector<16xf32>, vector<16xf32>, vector<16xf32>, vector<16xf32>, vector<16xf32>, vector<16xf32>, vector<16xf32>, vector<16xf32>, vector<16xf32>, vector<16xf32>, vector<16xf32>, vector<16xf32>, vector<16xf32>, vector<16xf32>
      }
      %scan3A_991 = arith.constant 100 : i32
      %mul3A_992 = arith.mulf %scan3A_990#0, %scan3A_990#0 : vector<16xf32>
      %sub3A_993 = arith.subf %mul3A_992, %scan3A_990#8 : vector<16xf32>
      %mul3A_994 = arith.mulf %scan3A_990#1, %scan3A_990#1 : vector<16xf32>
      %sub3A_995 = arith.subf %mul3A_994, %scan3A_990#9 : vector<16xf32>
      %add3A_996 = arith.addf %sub3A_993, %sub3A_995 : vector<16xf32>
      %mul3A_997 = arith.mulf %scan3A_990#2, %scan3A_990#2 : vector<16xf32>
      %sub3A_998 = arith.subf %mul3A_997, %scan3A_990#10 : vector<16xf32>
      %add3A_999 = arith.addf %add3A_996, %sub3A_998 : vector<16xf32>
      %mul3A_1000 = arith.mulf %scan3A_990#3, %scan3A_990#3 : vector<16xf32>
      %sub3A_1001 = arith.subf %mul3A_1000, %scan3A_990#11 : vector<16xf32>
      %add3A_1002 = arith.addf %add3A_999, %sub3A_1001 : vector<16xf32>
      %mul3A_1003 = arith.mulf %scan3A_990#4, %scan3A_990#4 : vector<16xf32>
      %sub3A_1004 = arith.subf %mul3A_1003, %scan3A_990#12 : vector<16xf32>
      %add3A_1005 = arith.addf %add3A_1002, %sub3A_1004 : vector<16xf32>
      %mul3A_1006 = arith.mulf %scan3A_990#5, %scan3A_990#5 : vector<16xf32>
      %sub3A_1007 = arith.subf %mul3A_1006, %scan3A_990#13 : vector<16xf32>
      %add3A_1008 = arith.addf %add3A_1005, %sub3A_1007 : vector<16xf32>
      %mul3A_1009 = arith.mulf %scan3A_990#6, %scan3A_990#6 : vector<16xf32>
      %sub3A_1010 = arith.subf %mul3A_1009, %scan3A_990#14 : vector<16xf32>
      %add3A_1011 = arith.addf %add3A_1008, %sub3A_1010 : vector<16xf32>
      %mul3A_1012 = arith.mulf %scan3A_990#7, %scan3A_990#7 : vector<16xf32>
      %sub3A_1013 = arith.subf %mul3A_1012, %scan3A_990#15 : vector<16xf32>
      %add3A_1014 = arith.addf %add3A_1011, %sub3A_1013 : vector<16xf32>
      %reduce_sum3A_1015 = arith.constant true
      %reduce_sum3A_1016 = vector.broadcast %reduce_sum3A_1015 : i1 to vector<16xi1>
      %reduce_sum3A_1017 = tpu.scan <sum>, %add3A_1014 masked %reduce_sum3A_1016 : vector<16xf32>, vector<16xi1> -> vector<16xf32>
      %reduce_sum3A_1018 = vector.extract %reduce_sum3A_1017[15] : f32 from vector<16xf32>
      %mul3A_1019 = arith.constant 5.000000e-01 : f32
      %mul3A_1020 = arith.mulf %reduce_sum3A_1018, %mul3A_1019 : f32
      %eq3A_1021 = arith.constant 10 : i32
      %eq3A_1022 = vector.broadcast %eq3A_1021 : i32 to vector<16xi32>
      %eq3A_1023 = arith.cmpi eq, %iota3A, %eq3A_1022 : vector<16xi32>
      %broadcast_in_dim3A_1024 = vector.broadcast %mul3A_1020 : f32 to vector<16xf32>
      %select_n3A_1025 = arith.select %eq3A_1023, %broadcast_in_dim3A_1024, %select_n3A_934 : vector<16xi1>, vector<16xf32>
      %mul3A_1026 = arith.constant 16 : i32
      %mul3A_1027 = arith.muli %add3A_31, %mul3A_1026 : i32
      %add3A_1028 = arith.constant 11 : i32
      %add3A_1029 = arith.addi %mul3A_1027, %add3A_1028 : i32
      %add3A_1030 = arith.constant 4 : i32
      %add3A_1031 = arith.addi %add3A_1029, %add3A_1030 : i32
      %sub3A_1032 = arith.constant 1 : i32
      %sub3A_1033 = arith.subi %add3A_1031, %sub3A_1032 : i32
      %lt3A_1034 = arith.constant 128 : i32
      %lt3A_1035 = arith.cmpi slt, %sub3A_1033, %lt3A_1034 : i32
      %convert_element_type3A_1036 = arith.extui %lt3A_1035 : i1 to i32
      %cond3A_1037 = arith.constant 0 : i32
      %cond3A_1038 = arith.cmpi ne, %convert_element_type3A_1036, %cond3A_1037 : i32
      scf.if %cond3A_1038 {
        %dma_start3A_1484 = arith.constant 0 : i32
        %dma_start3A_1485 = tpu.memref_slice %arg5[%sub3A_1033, %dma_start3A_1484] : memref<128x100xi32, #tpu.memory_space<vmem>> -> memref<1x100xi32, #tpu.memory_space<vmem>>
        %dma_start3A_1486 = tpu.memref_squeeze %dma_start3A_1485 : memref<1x100xi32, #tpu.memory_space<vmem>> -> memref<100xi32, #tpu.memory_space<vmem>>
        %dma_start3A_1487 = arith.constant 0 : i32
        %dma_start3A_1488 = arith.constant 0 : i32
        %dma_start3A_1489 = tpu.memref_slice %arg2[%dma_start3A_1487, %dma_start3A_1488] : memref<100000x128xf32, #tpu.memory_space<hbm>> -> memref<100000x128xf32, #tpu.memory_space<hbm>>
        tpu.enqueue_indirect_dma source(%dma_start3A_1489 : memref<100000x128xf32, #tpu.memory_space<hbm>>) target(%arg8 : memref<100x128xf32, #tpu.memory_space<vmem>>) offsets(%dma_start3A_1486 : memref<100xi32, #tpu.memory_space<vmem>>) semaphore(%arg13 : memref<!tpu.dma_semaphore, #tpu.memory_space<semaphore_mem>>)
      } else {
      }
      %dma_wait3A_1039 = arith.constant 0 : i32
      %dma_wait3A_1040 = tpu.memref_slice %arg5[%add3A_1029, %dma_wait3A_1039] : memref<128x100xi32, #tpu.memory_space<vmem>> -> memref<1x100xi32, #tpu.memory_space<vmem>>
      %dma_wait3A_1041 = tpu.memref_squeeze %dma_wait3A_1040 : memref<1x100xi32, #tpu.memory_space<vmem>> -> memref<100xi32, #tpu.memory_space<vmem>>
      %dma_wait3A_1042 = arith.constant 0 : i32
      %dma_wait3A_1043 = arith.constant 0 : i32
      %dma_wait3A_1044 = tpu.memref_slice %arg2[%dma_wait3A_1042, %dma_wait3A_1043] : memref<100000x128xf32, #tpu.memory_space<hbm>> -> memref<100000x128xf32, #tpu.memory_space<hbm>>
      tpu.wait_indirect_dma semaphore(%arg14 : memref<!tpu.dma_semaphore, #tpu.memory_space<semaphore_mem>>) src(%dma_wait3A_1044 : memref<100000x128xf32, #tpu.memory_space<hbm>>) dst(%arg9 : memref<100x128xf32, #tpu.memory_space<vmem>>)
      %broadcast_in_dim3A_1045 = arith.constant 0.000000e+00 : f32
      %broadcast_in_dim3A_1046 = vector.broadcast %broadcast_in_dim3A_1045 : f32 to vector<16xf32>
      %broadcast_in_dim3A_1047 = arith.constant 0.000000e+00 : f32
      %broadcast_in_dim3A_1048 = vector.broadcast %broadcast_in_dim3A_1047 : f32 to vector<16xf32>
      %broadcast_in_dim3A_1049 = arith.constant 0.000000e+00 : f32
      %broadcast_in_dim3A_1050 = vector.broadcast %broadcast_in_dim3A_1049 : f32 to vector<16xf32>
      %broadcast_in_dim3A_1051 = arith.constant 0.000000e+00 : f32
      %broadcast_in_dim3A_1052 = vector.broadcast %broadcast_in_dim3A_1051 : f32 to vector<16xf32>
      %broadcast_in_dim3A_1053 = arith.constant 0.000000e+00 : f32
      %broadcast_in_dim3A_1054 = vector.broadcast %broadcast_in_dim3A_1053 : f32 to vector<16xf32>
      %broadcast_in_dim3A_1055 = arith.constant 0.000000e+00 : f32
      %broadcast_in_dim3A_1056 = vector.broadcast %broadcast_in_dim3A_1055 : f32 to vector<16xf32>
      %broadcast_in_dim3A_1057 = arith.constant 0.000000e+00 : f32
      %broadcast_in_dim3A_1058 = vector.broadcast %broadcast_in_dim3A_1057 : f32 to vector<16xf32>
      %broadcast_in_dim3A_1059 = arith.constant 0.000000e+00 : f32
      %broadcast_in_dim3A_1060 = vector.broadcast %broadcast_in_dim3A_1059 : f32 to vector<16xf32>
      %broadcast_in_dim3A_1061 = arith.constant 0.000000e+00 : f32
      %broadcast_in_dim3A_1062 = vector.broadcast %broadcast_in_dim3A_1061 : f32 to vector<16xf32>
      %broadcast_in_dim3A_1063 = arith.constant 0.000000e+00 : f32
      %broadcast_in_dim3A_1064 = vector.broadcast %broadcast_in_dim3A_1063 : f32 to vector<16xf32>
      %broadcast_in_dim3A_1065 = arith.constant 0.000000e+00 : f32
      %broadcast_in_dim3A_1066 = vector.broadcast %broadcast_in_dim3A_1065 : f32 to vector<16xf32>
      %broadcast_in_dim3A_1067 = arith.constant 0.000000e+00 : f32
      %broadcast_in_dim3A_1068 = vector.broadcast %broadcast_in_dim3A_1067 : f32 to vector<16xf32>
      %broadcast_in_dim3A_1069 = arith.constant 0.000000e+00 : f32
      %broadcast_in_dim3A_1070 = vector.broadcast %broadcast_in_dim3A_1069 : f32 to vector<16xf32>
      %broadcast_in_dim3A_1071 = arith.constant 0.000000e+00 : f32
      %broadcast_in_dim3A_1072 = vector.broadcast %broadcast_in_dim3A_1071 : f32 to vector<16xf32>
      %broadcast_in_dim3A_1073 = arith.constant 0.000000e+00 : f32
      %broadcast_in_dim3A_1074 = vector.broadcast %broadcast_in_dim3A_1073 : f32 to vector<16xf32>
      %broadcast_in_dim3A_1075 = arith.constant 0.000000e+00 : f32
      %broadcast_in_dim3A_1076 = vector.broadcast %broadcast_in_dim3A_1075 : f32 to vector<16xf32>
      %scan3A_1077 = arith.constant 0 : i32
      %scan3A_1078 = arith.constant 100 : i32
      %scan3A_1079 = arith.addi %scan3A_1077, %scan3A_1078 : i32
      %scan3A_1080 = arith.constant 2 : i32
      %scan3A_1081:16 = scf.for %scan3A_1484 = %scan3A_1077 to %scan3A_1079 step %scan3A_1080 iter_args(%scan3A_1485 = %broadcast_in_dim3A_1046, %scan3A_1486 = %broadcast_in_dim3A_1048, %scan3A_1487 = %broadcast_in_dim3A_1050, %scan3A_1488 = %broadcast_in_dim3A_1052, %scan3A_1489 = %broadcast_in_dim3A_1054, %scan3A_1490 = %broadcast_in_dim3A_1056, %scan3A_1491 = %broadcast_in_dim3A_1058, %scan3A_1492 = %broadcast_in_dim3A_1060, %scan3A_1493 = %broadcast_in_dim3A_1062, %scan3A_1494 = %broadcast_in_dim3A_1064, %scan3A_1495 = %broadcast_in_dim3A_1066, %scan3A_1496 = %broadcast_in_dim3A_1068, %scan3A_1497 = %broadcast_in_dim3A_1070, %scan3A_1498 = %broadcast_in_dim3A_1072, %scan3A_1499 = %broadcast_in_dim3A_1074, %scan3A_1500 = %broadcast_in_dim3A_1076) -> (vector<16xf32>, vector<16xf32>, vector<16xf32>, vector<16xf32>, vector<16xf32>, vector<16xf32>, vector<16xf32>, vector<16xf32>, vector<16xf32>, vector<16xf32>, vector<16xf32>, vector<16xf32>, vector<16xf32>, vector<16xf32>, vector<16xf32>, vector<16xf32>)  : i32 {
        %get3A = arith.index_cast %scan3A_1484 : i32 to index
        %get3A_1501 = arith.constant 0 : index
        %get3A_1502 = tpu.vector_load %arg9[%get3A, %get3A_1501] {strides = array<i32>} : memref<100x128xf32, #tpu.memory_space<vmem>>, vector<16xf32>,
        %add3A_1503 = arith.addf %scan3A_1485, %get3A_1502 : vector<16xf32>
        %mul3A_1504 = arith.mulf %get3A_1502, %get3A_1502 : vector<16xf32>
        %add3A_1505 = arith.addf %scan3A_1493, %mul3A_1504 : vector<16xf32>
        %get3A_1506 = arith.index_cast %scan3A_1484 : i32 to index
        %get3A_1507 = arith.constant 16 : index
        %get3A_1508 = tpu.vector_load %arg9[%get3A_1506, %get3A_1507] {strides = array<i32>} : memref<100x128xf32, #tpu.memory_space<vmem>>, vector<16xf32>,
        %add3A_1509 = arith.addf %scan3A_1486, %get3A_1508 : vector<16xf32>
        %mul3A_1510 = arith.mulf %get3A_1508, %get3A_1508 : vector<16xf32>
        %add3A_1511 = arith.addf %scan3A_1494, %mul3A_1510 : vector<16xf32>
        %get3A_1512 = arith.index_cast %scan3A_1484 : i32 to index
        %get3A_1513 = arith.constant 32 : index
        %get3A_1514 = tpu.vector_load %arg9[%get3A_1512, %get3A_1513] {strides = array<i32>} : memref<100x128xf32, #tpu.memory_space<vmem>>, vector<16xf32>,
        %add3A_1515 = arith.addf %scan3A_1487, %get3A_1514 : vector<16xf32>
        %mul3A_1516 = arith.mulf %get3A_1514, %get3A_1514 : vector<16xf32>
        %add3A_1517 = arith.addf %scan3A_1495, %mul3A_1516 : vector<16xf32>
        %get3A_1518 = arith.index_cast %scan3A_1484 : i32 to index
        %get3A_1519 = arith.constant 48 : index
        %get3A_1520 = tpu.vector_load %arg9[%get3A_1518, %get3A_1519] {strides = array<i32>} : memref<100x128xf32, #tpu.memory_space<vmem>>, vector<16xf32>,
        %add3A_1521 = arith.addf %scan3A_1488, %get3A_1520 : vector<16xf32>
        %mul3A_1522 = arith.mulf %get3A_1520, %get3A_1520 : vector<16xf32>
        %add3A_1523 = arith.addf %scan3A_1496, %mul3A_1522 : vector<16xf32>
        %get3A_1524 = arith.index_cast %scan3A_1484 : i32 to index
        %get3A_1525 = arith.constant 64 : index
        %get3A_1526 = tpu.vector_load %arg9[%get3A_1524, %get3A_1525] {strides = array<i32>} : memref<100x128xf32, #tpu.memory_space<vmem>>, vector<16xf32>,
        %add3A_1527 = arith.addf %scan3A_1489, %get3A_1526 : vector<16xf32>
        %mul3A_1528 = arith.mulf %get3A_1526, %get3A_1526 : vector<16xf32>
        %add3A_1529 = arith.addf %scan3A_1497, %mul3A_1528 : vector<16xf32>
        %get3A_1530 = arith.index_cast %scan3A_1484 : i32 to index
        %get3A_1531 = arith.constant 80 : index
        %get3A_1532 = tpu.vector_load %arg9[%get3A_1530, %get3A_1531] {strides = array<i32>} : memref<100x128xf32, #tpu.memory_space<vmem>>, vector<16xf32>,
        %add3A_1533 = arith.addf %scan3A_1490, %get3A_1532 : vector<16xf32>
        %mul3A_1534 = arith.mulf %get3A_1532, %get3A_1532 : vector<16xf32>
        %add3A_1535 = arith.addf %scan3A_1498, %mul3A_1534 : vector<16xf32>
        %get3A_1536 = arith.index_cast %scan3A_1484 : i32 to index
        %get3A_1537 = arith.constant 96 : index
        %get3A_1538 = tpu.vector_load %arg9[%get3A_1536, %get3A_1537] {strides = array<i32>} : memref<100x128xf32, #tpu.memory_space<vmem>>, vector<16xf32>,
        %add3A_1539 = arith.addf %scan3A_1491, %get3A_1538 : vector<16xf32>
        %mul3A_1540 = arith.mulf %get3A_1538, %get3A_1538 : vector<16xf32>
        %add3A_1541 = arith.addf %scan3A_1499, %mul3A_1540 : vector<16xf32>
        %get3A_1542 = arith.index_cast %scan3A_1484 : i32 to index
        %get3A_1543 = arith.constant 112 : index
        %get3A_1544 = tpu.vector_load %arg9[%get3A_1542, %get3A_1543] {strides = array<i32>} : memref<100x128xf32, #tpu.memory_space<vmem>>, vector<16xf32>,
        %add3A_1545 = arith.addf %scan3A_1492, %get3A_1544 : vector<16xf32>
        %mul3A_1546 = arith.mulf %get3A_1544, %get3A_1544 : vector<16xf32>
        %add3A_1547 = arith.addf %scan3A_1500, %mul3A_1546 : vector<16xf32>
        %scan3A_1548 = arith.constant 1 : i32
        %scan3A_1549 = arith.addi %scan3A_1484, %scan3A_1548 : i32
        %get3A_1550 = arith.index_cast %scan3A_1549 : i32 to index
        %get3A_1551 = arith.constant 0 : index
        %get3A_1552 = tpu.vector_load %arg9[%get3A_1550, %get3A_1551] {strides = array<i32>} : memref<100x128xf32, #tpu.memory_space<vmem>>, vector<16xf32>,
        %add3A_1553 = arith.addf %add3A_1503, %get3A_1552 : vector<16xf32>
        %mul3A_1554 = arith.mulf %get3A_1552, %get3A_1552 : vector<16xf32>
        %add3A_1555 = arith.addf %add3A_1505, %mul3A_1554 : vector<16xf32>
        %get3A_1556 = arith.index_cast %scan3A_1549 : i32 to index
        %get3A_1557 = arith.constant 16 : index
        %get3A_1558 = tpu.vector_load %arg9[%get3A_1556, %get3A_1557] {strides = array<i32>} : memref<100x128xf32, #tpu.memory_space<vmem>>, vector<16xf32>,
        %add3A_1559 = arith.addf %add3A_1509, %get3A_1558 : vector<16xf32>
        %mul3A_1560 = arith.mulf %get3A_1558, %get3A_1558 : vector<16xf32>
        %add3A_1561 = arith.addf %add3A_1511, %mul3A_1560 : vector<16xf32>
        %get3A_1562 = arith.index_cast %scan3A_1549 : i32 to index
        %get3A_1563 = arith.constant 32 : index
        %get3A_1564 = tpu.vector_load %arg9[%get3A_1562, %get3A_1563] {strides = array<i32>} : memref<100x128xf32, #tpu.memory_space<vmem>>, vector<16xf32>,
        %add3A_1565 = arith.addf %add3A_1515, %get3A_1564 : vector<16xf32>
        %mul3A_1566 = arith.mulf %get3A_1564, %get3A_1564 : vector<16xf32>
        %add3A_1567 = arith.addf %add3A_1517, %mul3A_1566 : vector<16xf32>
        %get3A_1568 = arith.index_cast %scan3A_1549 : i32 to index
        %get3A_1569 = arith.constant 48 : index
        %get3A_1570 = tpu.vector_load %arg9[%get3A_1568, %get3A_1569] {strides = array<i32>} : memref<100x128xf32, #tpu.memory_space<vmem>>, vector<16xf32>,
        %add3A_1571 = arith.addf %add3A_1521, %get3A_1570 : vector<16xf32>
        %mul3A_1572 = arith.mulf %get3A_1570, %get3A_1570 : vector<16xf32>
        %add3A_1573 = arith.addf %add3A_1523, %mul3A_1572 : vector<16xf32>
        %get3A_1574 = arith.index_cast %scan3A_1549 : i32 to index
        %get3A_1575 = arith.constant 64 : index
        %get3A_1576 = tpu.vector_load %arg9[%get3A_1574, %get3A_1575] {strides = array<i32>} : memref<100x128xf32, #tpu.memory_space<vmem>>, vector<16xf32>,
        %add3A_1577 = arith.addf %add3A_1527, %get3A_1576 : vector<16xf32>
        %mul3A_1578 = arith.mulf %get3A_1576, %get3A_1576 : vector<16xf32>
        %add3A_1579 = arith.addf %add3A_1529, %mul3A_1578 : vector<16xf32>
        %get3A_1580 = arith.index_cast %scan3A_1549 : i32 to index
        %get3A_1581 = arith.constant 80 : index
        %get3A_1582 = tpu.vector_load %arg9[%get3A_1580, %get3A_1581] {strides = array<i32>} : memref<100x128xf32, #tpu.memory_space<vmem>>, vector<16xf32>,
        %add3A_1583 = arith.addf %add3A_1533, %get3A_1582 : vector<16xf32>
        %mul3A_1584 = arith.mulf %get3A_1582, %get3A_1582 : vector<16xf32>
        %add3A_1585 = arith.addf %add3A_1535, %mul3A_1584 : vector<16xf32>
        %get3A_1586 = arith.index_cast %scan3A_1549 : i32 to index
        %get3A_1587 = arith.constant 96 : index
        %get3A_1588 = tpu.vector_load %arg9[%get3A_1586, %get3A_1587] {strides = array<i32>} : memref<100x128xf32, #tpu.memory_space<vmem>>, vector<16xf32>,
        %add3A_1589 = arith.addf %add3A_1539, %get3A_1588 : vector<16xf32>
        %mul3A_1590 = arith.mulf %get3A_1588, %get3A_1588 : vector<16xf32>
        %add3A_1591 = arith.addf %add3A_1541, %mul3A_1590 : vector<16xf32>
        %get3A_1592 = arith.index_cast %scan3A_1549 : i32 to index
        %get3A_1593 = arith.constant 112 : index
        %get3A_1594 = tpu.vector_load %arg9[%get3A_1592, %get3A_1593] {strides = array<i32>} : memref<100x128xf32, #tpu.memory_space<vmem>>, vector<16xf32>,
        %add3A_1595 = arith.addf %add3A_1545, %get3A_1594 : vector<16xf32>
        %mul3A_1596 = arith.mulf %get3A_1594, %get3A_1594 : vector<16xf32>
        %add3A_1597 = arith.addf %add3A_1547, %mul3A_1596 : vector<16xf32>
        scf.yield %add3A_1553, %add3A_1559, %add3A_1565, %add3A_1571, %add3A_1577, %add3A_1583, %add3A_1589, %add3A_1595, %add3A_1555, %add3A_1561, %add3A_1567, %add3A_1573, %add3A_1579, %add3A_1585, %add3A_1591, %add3A_1597 : vector<16xf32>, vector<16xf32>, vector<16xf32>, vector<16xf32>, vector<16xf32>, vector<16xf32>, vector<16xf32>, vector<16xf32>, vector<16xf32>, vector<16xf32>, vector<16xf32>, vector<16xf32>, vector<16xf32>, vector<16xf32>, vector<16xf32>, vector<16xf32>
      }
      %scan3A_1082 = arith.constant 100 : i32
      %mul3A_1083 = arith.mulf %scan3A_1081#0, %scan3A_1081#0 : vector<16xf32>
      %sub3A_1084 = arith.subf %mul3A_1083, %scan3A_1081#8 : vector<16xf32>
      %mul3A_1085 = arith.mulf %scan3A_1081#1, %scan3A_1081#1 : vector<16xf32>
      %sub3A_1086 = arith.subf %mul3A_1085, %scan3A_1081#9 : vector<16xf32>
      %add3A_1087 = arith.addf %sub3A_1084, %sub3A_1086 : vector<16xf32>
      %mul3A_1088 = arith.mulf %scan3A_1081#2, %scan3A_1081#2 : vector<16xf32>
      %sub3A_1089 = arith.subf %mul3A_1088, %scan3A_1081#10 : vector<16xf32>
      %add3A_1090 = arith.addf %add3A_1087, %sub3A_1089 : vector<16xf32>
      %mul3A_1091 = arith.mulf %scan3A_1081#3, %scan3A_1081#3 : vector<16xf32>
      %sub3A_1092 = arith.subf %mul3A_1091, %scan3A_1081#11 : vector<16xf32>
      %add3A_1093 = arith.addf %add3A_1090, %sub3A_1092 : vector<16xf32>
      %mul3A_1094 = arith.mulf %scan3A_1081#4, %scan3A_1081#4 : vector<16xf32>
      %sub3A_1095 = arith.subf %mul3A_1094, %scan3A_1081#12 : vector<16xf32>
      %add3A_1096 = arith.addf %add3A_1093, %sub3A_1095 : vector<16xf32>
      %mul3A_1097 = arith.mulf %scan3A_1081#5, %scan3A_1081#5 : vector<16xf32>
      %sub3A_1098 = arith.subf %mul3A_1097, %scan3A_1081#13 : vector<16xf32>
      %add3A_1099 = arith.addf %add3A_1096, %sub3A_1098 : vector<16xf32>
      %mul3A_1100 = arith.mulf %scan3A_1081#6, %scan3A_1081#6 : vector<16xf32>
      %sub3A_1101 = arith.subf %mul3A_1100, %scan3A_1081#14 : vector<16xf32>
      %add3A_1102 = arith.addf %add3A_1099, %sub3A_1101 : vector<16xf32>
      %mul3A_1103 = arith.mulf %scan3A_1081#7, %scan3A_1081#7 : vector<16xf32>
      %sub3A_1104 = arith.subf %mul3A_1103, %scan3A_1081#15 : vector<16xf32>
      %add3A_1105 = arith.addf %add3A_1102, %sub3A_1104 : vector<16xf32>
      %reduce_sum3A_1106 = arith.constant true
      %reduce_sum3A_1107 = vector.broadcast %reduce_sum3A_1106 : i1 to vector<16xi1>
      %reduce_sum3A_1108 = tpu.scan <sum>, %add3A_1105 masked %reduce_sum3A_1107 : vector<16xf32>, vector<16xi1> -> vector<16xf32>
      %reduce_sum3A_1109 = vector.extract %reduce_sum3A_1108[15] : f32 from vector<16xf32>
      %mul3A_1110 = arith.constant 5.000000e-01 : f32
      %mul3A_1111 = arith.mulf %reduce_sum3A_1109, %mul3A_1110 : f32
      %eq3A_1112 = arith.constant 11 : i32
      %eq3A_1113 = vector.broadcast %eq3A_1112 : i32 to vector<16xi32>
      %eq3A_1114 = arith.cmpi eq, %iota3A, %eq3A_1113 : vector<16xi32>
      %broadcast_in_dim3A_1115 = vector.broadcast %mul3A_1111 : f32 to vector<16xf32>
      %select_n3A_1116 = arith.select %eq3A_1114, %broadcast_in_dim3A_1115, %select_n3A_1025 : vector<16xi1>, vector<16xf32>
      %mul3A_1117 = arith.constant 16 : i32
      %mul3A_1118 = arith.muli %add3A_31, %mul3A_1117 : i32
      %add3A_1119 = arith.constant 12 : i32
      %add3A_1120 = arith.addi %mul3A_1118, %add3A_1119 : i32
      %add3A_1121 = arith.constant 4 : i32
      %add3A_1122 = arith.addi %add3A_1120, %add3A_1121 : i32
      %sub3A_1123 = arith.constant 1 : i32
      %sub3A_1124 = arith.subi %add3A_1122, %sub3A_1123 : i32
      %lt3A_1125 = arith.constant 128 : i32
      %lt3A_1126 = arith.cmpi slt, %sub3A_1124, %lt3A_1125 : i32
      %convert_element_type3A_1127 = arith.extui %lt3A_1126 : i1 to i32
      %cond3A_1128 = arith.constant 0 : i32
      %cond3A_1129 = arith.cmpi ne, %convert_element_type3A_1127, %cond3A_1128 : i32
      scf.if %cond3A_1129 {
        %dma_start3A_1484 = arith.constant 0 : i32
        %dma_start3A_1485 = tpu.memref_slice %arg5[%sub3A_1124, %dma_start3A_1484] : memref<128x100xi32, #tpu.memory_space<vmem>> -> memref<1x100xi32, #tpu.memory_space<vmem>>
        %dma_start3A_1486 = tpu.memref_squeeze %dma_start3A_1485 : memref<1x100xi32, #tpu.memory_space<vmem>> -> memref<100xi32, #tpu.memory_space<vmem>>
        %dma_start3A_1487 = arith.constant 0 : i32
        %dma_start3A_1488 = arith.constant 0 : i32
        %dma_start3A_1489 = tpu.memref_slice %arg2[%dma_start3A_1487, %dma_start3A_1488] : memref<100000x128xf32, #tpu.memory_space<hbm>> -> memref<100000x128xf32, #tpu.memory_space<hbm>>
        tpu.enqueue_indirect_dma source(%dma_start3A_1489 : memref<100000x128xf32, #tpu.memory_space<hbm>>) target(%arg9 : memref<100x128xf32, #tpu.memory_space<vmem>>) offsets(%dma_start3A_1486 : memref<100xi32, #tpu.memory_space<vmem>>) semaphore(%arg14 : memref<!tpu.dma_semaphore, #tpu.memory_space<semaphore_mem>>)
      } else {
      }
      %dma_wait3A_1130 = arith.constant 0 : i32
      %dma_wait3A_1131 = tpu.memref_slice %arg5[%add3A_1120, %dma_wait3A_1130] : memref<128x100xi32, #tpu.memory_space<vmem>> -> memref<1x100xi32, #tpu.memory_space<vmem>>
      %dma_wait3A_1132 = tpu.memref_squeeze %dma_wait3A_1131 : memref<1x100xi32, #tpu.memory_space<vmem>> -> memref<100xi32, #tpu.memory_space<vmem>>
      %dma_wait3A_1133 = arith.constant 0 : i32
      %dma_wait3A_1134 = arith.constant 0 : i32
      %dma_wait3A_1135 = tpu.memref_slice %arg2[%dma_wait3A_1133, %dma_wait3A_1134] : memref<100000x128xf32, #tpu.memory_space<hbm>> -> memref<100000x128xf32, #tpu.memory_space<hbm>>
      tpu.wait_indirect_dma semaphore(%arg11 : memref<!tpu.dma_semaphore, #tpu.memory_space<semaphore_mem>>) src(%dma_wait3A_1135 : memref<100000x128xf32, #tpu.memory_space<hbm>>) dst(%arg6 : memref<100x128xf32, #tpu.memory_space<vmem>>)
      %broadcast_in_dim3A_1136 = arith.constant 0.000000e+00 : f32
      %broadcast_in_dim3A_1137 = vector.broadcast %broadcast_in_dim3A_1136 : f32 to vector<16xf32>
      %broadcast_in_dim3A_1138 = arith.constant 0.000000e+00 : f32
      %broadcast_in_dim3A_1139 = vector.broadcast %broadcast_in_dim3A_1138 : f32 to vector<16xf32>
      %broadcast_in_dim3A_1140 = arith.constant 0.000000e+00 : f32
      %broadcast_in_dim3A_1141 = vector.broadcast %broadcast_in_dim3A_1140 : f32 to vector<16xf32>
      %broadcast_in_dim3A_1142 = arith.constant 0.000000e+00 : f32
      %broadcast_in_dim3A_1143 = vector.broadcast %broadcast_in_dim3A_1142 : f32 to vector<16xf32>
      %broadcast_in_dim3A_1144 = arith.constant 0.000000e+00 : f32
      %broadcast_in_dim3A_1145 = vector.broadcast %broadcast_in_dim3A_1144 : f32 to vector<16xf32>
      %broadcast_in_dim3A_1146 = arith.constant 0.000000e+00 : f32
      %broadcast_in_dim3A_1147 = vector.broadcast %broadcast_in_dim3A_1146 : f32 to vector<16xf32>
      %broadcast_in_dim3A_1148 = arith.constant 0.000000e+00 : f32
      %broadcast_in_dim3A_1149 = vector.broadcast %broadcast_in_dim3A_1148 : f32 to vector<16xf32>
      %broadcast_in_dim3A_1150 = arith.constant 0.000000e+00 : f32
      %broadcast_in_dim3A_1151 = vector.broadcast %broadcast_in_dim3A_1150 : f32 to vector<16xf32>
      %broadcast_in_dim3A_1152 = arith.constant 0.000000e+00 : f32
      %broadcast_in_dim3A_1153 = vector.broadcast %broadcast_in_dim3A_1152 : f32 to vector<16xf32>
      %broadcast_in_dim3A_1154 = arith.constant 0.000000e+00 : f32
      %broadcast_in_dim3A_1155 = vector.broadcast %broadcast_in_dim3A_1154 : f32 to vector<16xf32>
      %broadcast_in_dim3A_1156 = arith.constant 0.000000e+00 : f32
      %broadcast_in_dim3A_1157 = vector.broadcast %broadcast_in_dim3A_1156 : f32 to vector<16xf32>
      %broadcast_in_dim3A_1158 = arith.constant 0.000000e+00 : f32
      %broadcast_in_dim3A_1159 = vector.broadcast %broadcast_in_dim3A_1158 : f32 to vector<16xf32>
      %broadcast_in_dim3A_1160 = arith.constant 0.000000e+00 : f32
      %broadcast_in_dim3A_1161 = vector.broadcast %broadcast_in_dim3A_1160 : f32 to vector<16xf32>
      %broadcast_in_dim3A_1162 = arith.constant 0.000000e+00 : f32
      %broadcast_in_dim3A_1163 = vector.broadcast %broadcast_in_dim3A_1162 : f32 to vector<16xf32>
      %broadcast_in_dim3A_1164 = arith.constant 0.000000e+00 : f32
      %broadcast_in_dim3A_1165 = vector.broadcast %broadcast_in_dim3A_1164 : f32 to vector<16xf32>
      %broadcast_in_dim3A_1166 = arith.constant 0.000000e+00 : f32
      %broadcast_in_dim3A_1167 = vector.broadcast %broadcast_in_dim3A_1166 : f32 to vector<16xf32>
      %scan3A_1168 = arith.constant 0 : i32
      %scan3A_1169 = arith.constant 100 : i32
      %scan3A_1170 = arith.addi %scan3A_1168, %scan3A_1169 : i32
      %scan3A_1171 = arith.constant 2 : i32
      %scan3A_1172:16 = scf.for %scan3A_1484 = %scan3A_1168 to %scan3A_1170 step %scan3A_1171 iter_args(%scan3A_1485 = %broadcast_in_dim3A_1137, %scan3A_1486 = %broadcast_in_dim3A_1139, %scan3A_1487 = %broadcast_in_dim3A_1141, %scan3A_1488 = %broadcast_in_dim3A_1143, %scan3A_1489 = %broadcast_in_dim3A_1145, %scan3A_1490 = %broadcast_in_dim3A_1147, %scan3A_1491 = %broadcast_in_dim3A_1149, %scan3A_1492 = %broadcast_in_dim3A_1151, %scan3A_1493 = %broadcast_in_dim3A_1153, %scan3A_1494 = %broadcast_in_dim3A_1155, %scan3A_1495 = %broadcast_in_dim3A_1157, %scan3A_1496 = %broadcast_in_dim3A_1159, %scan3A_1497 = %broadcast_in_dim3A_1161, %scan3A_1498 = %broadcast_in_dim3A_1163, %scan3A_1499 = %broadcast_in_dim3A_1165, %scan3A_1500 = %broadcast_in_dim3A_1167) -> (vector<16xf32>, vector<16xf32>, vector<16xf32>, vector<16xf32>, vector<16xf32>, vector<16xf32>, vector<16xf32>, vector<16xf32>, vector<16xf32>, vector<16xf32>, vector<16xf32>, vector<16xf32>, vector<16xf32>, vector<16xf32>, vector<16xf32>, vector<16xf32>)  : i32 {
        %get3A = arith.index_cast %scan3A_1484 : i32 to index
        %get3A_1501 = arith.constant 0 : index
        %get3A_1502 = tpu.vector_load %arg6[%get3A, %get3A_1501] {strides = array<i32>} : memref<100x128xf32, #tpu.memory_space<vmem>>, vector<16xf32>,
        %add3A_1503 = arith.addf %scan3A_1485, %get3A_1502 : vector<16xf32>
        %mul3A_1504 = arith.mulf %get3A_1502, %get3A_1502 : vector<16xf32>
        %add3A_1505 = arith.addf %scan3A_1493, %mul3A_1504 : vector<16xf32>
        %get3A_1506 = arith.index_cast %scan3A_1484 : i32 to index
        %get3A_1507 = arith.constant 16 : index
        %get3A_1508 = tpu.vector_load %arg6[%get3A_1506, %get3A_1507] {strides = array<i32>} : memref<100x128xf32, #tpu.memory_space<vmem>>, vector<16xf32>,
        %add3A_1509 = arith.addf %scan3A_1486, %get3A_1508 : vector<16xf32>
        %mul3A_1510 = arith.mulf %get3A_1508, %get3A_1508 : vector<16xf32>
        %add3A_1511 = arith.addf %scan3A_1494, %mul3A_1510 : vector<16xf32>
        %get3A_1512 = arith.index_cast %scan3A_1484 : i32 to index
        %get3A_1513 = arith.constant 32 : index
        %get3A_1514 = tpu.vector_load %arg6[%get3A_1512, %get3A_1513] {strides = array<i32>} : memref<100x128xf32, #tpu.memory_space<vmem>>, vector<16xf32>,
        %add3A_1515 = arith.addf %scan3A_1487, %get3A_1514 : vector<16xf32>
        %mul3A_1516 = arith.mulf %get3A_1514, %get3A_1514 : vector<16xf32>
        %add3A_1517 = arith.addf %scan3A_1495, %mul3A_1516 : vector<16xf32>
        %get3A_1518 = arith.index_cast %scan3A_1484 : i32 to index
        %get3A_1519 = arith.constant 48 : index
        %get3A_1520 = tpu.vector_load %arg6[%get3A_1518, %get3A_1519] {strides = array<i32>} : memref<100x128xf32, #tpu.memory_space<vmem>>, vector<16xf32>,
        %add3A_1521 = arith.addf %scan3A_1488, %get3A_1520 : vector<16xf32>
        %mul3A_1522 = arith.mulf %get3A_1520, %get3A_1520 : vector<16xf32>
        %add3A_1523 = arith.addf %scan3A_1496, %mul3A_1522 : vector<16xf32>
        %get3A_1524 = arith.index_cast %scan3A_1484 : i32 to index
        %get3A_1525 = arith.constant 64 : index
        %get3A_1526 = tpu.vector_load %arg6[%get3A_1524, %get3A_1525] {strides = array<i32>} : memref<100x128xf32, #tpu.memory_space<vmem>>, vector<16xf32>,
        %add3A_1527 = arith.addf %scan3A_1489, %get3A_1526 : vector<16xf32>
        %mul3A_1528 = arith.mulf %get3A_1526, %get3A_1526 : vector<16xf32>
        %add3A_1529 = arith.addf %scan3A_1497, %mul3A_1528 : vector<16xf32>
        %get3A_1530 = arith.index_cast %scan3A_1484 : i32 to index
        %get3A_1531 = arith.constant 80 : index
        %get3A_1532 = tpu.vector_load %arg6[%get3A_1530, %get3A_1531] {strides = array<i32>} : memref<100x128xf32, #tpu.memory_space<vmem>>, vector<16xf32>,
        %add3A_1533 = arith.addf %scan3A_1490, %get3A_1532 : vector<16xf32>
        %mul3A_1534 = arith.mulf %get3A_1532, %get3A_1532 : vector<16xf32>
        %add3A_1535 = arith.addf %scan3A_1498, %mul3A_1534 : vector<16xf32>
        %get3A_1536 = arith.index_cast %scan3A_1484 : i32 to index
        %get3A_1537 = arith.constant 96 : index
        %get3A_1538 = tpu.vector_load %arg6[%get3A_1536, %get3A_1537] {strides = array<i32>} : memref<100x128xf32, #tpu.memory_space<vmem>>, vector<16xf32>,
        %add3A_1539 = arith.addf %scan3A_1491, %get3A_1538 : vector<16xf32>
        %mul3A_1540 = arith.mulf %get3A_1538, %get3A_1538 : vector<16xf32>
        %add3A_1541 = arith.addf %scan3A_1499, %mul3A_1540 : vector<16xf32>
        %get3A_1542 = arith.index_cast %scan3A_1484 : i32 to index
        %get3A_1543 = arith.constant 112 : index
        %get3A_1544 = tpu.vector_load %arg6[%get3A_1542, %get3A_1543] {strides = array<i32>} : memref<100x128xf32, #tpu.memory_space<vmem>>, vector<16xf32>,
        %add3A_1545 = arith.addf %scan3A_1492, %get3A_1544 : vector<16xf32>
        %mul3A_1546 = arith.mulf %get3A_1544, %get3A_1544 : vector<16xf32>
        %add3A_1547 = arith.addf %scan3A_1500, %mul3A_1546 : vector<16xf32>
        %scan3A_1548 = arith.constant 1 : i32
        %scan3A_1549 = arith.addi %scan3A_1484, %scan3A_1548 : i32
        %get3A_1550 = arith.index_cast %scan3A_1549 : i32 to index
        %get3A_1551 = arith.constant 0 : index
        %get3A_1552 = tpu.vector_load %arg6[%get3A_1550, %get3A_1551] {strides = array<i32>} : memref<100x128xf32, #tpu.memory_space<vmem>>, vector<16xf32>,
        %add3A_1553 = arith.addf %add3A_1503, %get3A_1552 : vector<16xf32>
        %mul3A_1554 = arith.mulf %get3A_1552, %get3A_1552 : vector<16xf32>
        %add3A_1555 = arith.addf %add3A_1505, %mul3A_1554 : vector<16xf32>
        %get3A_1556 = arith.index_cast %scan3A_1549 : i32 to index
        %get3A_1557 = arith.constant 16 : index
        %get3A_1558 = tpu.vector_load %arg6[%get3A_1556, %get3A_1557] {strides = array<i32>} : memref<100x128xf32, #tpu.memory_space<vmem>>, vector<16xf32>,
        %add3A_1559 = arith.addf %add3A_1509, %get3A_1558 : vector<16xf32>
        %mul3A_1560 = arith.mulf %get3A_1558, %get3A_1558 : vector<16xf32>
        %add3A_1561 = arith.addf %add3A_1511, %mul3A_1560 : vector<16xf32>
        %get3A_1562 = arith.index_cast %scan3A_1549 : i32 to index
        %get3A_1563 = arith.constant 32 : index
        %get3A_1564 = tpu.vector_load %arg6[%get3A_1562, %get3A_1563] {strides = array<i32>} : memref<100x128xf32, #tpu.memory_space<vmem>>, vector<16xf32>,
        %add3A_1565 = arith.addf %add3A_1515, %get3A_1564 : vector<16xf32>
        %mul3A_1566 = arith.mulf %get3A_1564, %get3A_1564 : vector<16xf32>
        %add3A_1567 = arith.addf %add3A_1517, %mul3A_1566 : vector<16xf32>
        %get3A_1568 = arith.index_cast %scan3A_1549 : i32 to index
        %get3A_1569 = arith.constant 48 : index
        %get3A_1570 = tpu.vector_load %arg6[%get3A_1568, %get3A_1569] {strides = array<i32>} : memref<100x128xf32, #tpu.memory_space<vmem>>, vector<16xf32>,
        %add3A_1571 = arith.addf %add3A_1521, %get3A_1570 : vector<16xf32>
        %mul3A_1572 = arith.mulf %get3A_1570, %get3A_1570 : vector<16xf32>
        %add3A_1573 = arith.addf %add3A_1523, %mul3A_1572 : vector<16xf32>
        %get3A_1574 = arith.index_cast %scan3A_1549 : i32 to index
        %get3A_1575 = arith.constant 64 : index
        %get3A_1576 = tpu.vector_load %arg6[%get3A_1574, %get3A_1575] {strides = array<i32>} : memref<100x128xf32, #tpu.memory_space<vmem>>, vector<16xf32>,
        %add3A_1577 = arith.addf %add3A_1527, %get3A_1576 : vector<16xf32>
        %mul3A_1578 = arith.mulf %get3A_1576, %get3A_1576 : vector<16xf32>
        %add3A_1579 = arith.addf %add3A_1529, %mul3A_1578 : vector<16xf32>
        %get3A_1580 = arith.index_cast %scan3A_1549 : i32 to index
        %get3A_1581 = arith.constant 80 : index
        %get3A_1582 = tpu.vector_load %arg6[%get3A_1580, %get3A_1581] {strides = array<i32>} : memref<100x128xf32, #tpu.memory_space<vmem>>, vector<16xf32>,
        %add3A_1583 = arith.addf %add3A_1533, %get3A_1582 : vector<16xf32>
        %mul3A_1584 = arith.mulf %get3A_1582, %get3A_1582 : vector<16xf32>
        %add3A_1585 = arith.addf %add3A_1535, %mul3A_1584 : vector<16xf32>
        %get3A_1586 = arith.index_cast %scan3A_1549 : i32 to index
        %get3A_1587 = arith.constant 96 : index
        %get3A_1588 = tpu.vector_load %arg6[%get3A_1586, %get3A_1587] {strides = array<i32>} : memref<100x128xf32, #tpu.memory_space<vmem>>, vector<16xf32>,
        %add3A_1589 = arith.addf %add3A_1539, %get3A_1588 : vector<16xf32>
        %mul3A_1590 = arith.mulf %get3A_1588, %get3A_1588 : vector<16xf32>
        %add3A_1591 = arith.addf %add3A_1541, %mul3A_1590 : vector<16xf32>
        %get3A_1592 = arith.index_cast %scan3A_1549 : i32 to index
        %get3A_1593 = arith.constant 112 : index
        %get3A_1594 = tpu.vector_load %arg6[%get3A_1592, %get3A_1593] {strides = array<i32>} : memref<100x128xf32, #tpu.memory_space<vmem>>, vector<16xf32>,
        %add3A_1595 = arith.addf %add3A_1545, %get3A_1594 : vector<16xf32>
        %mul3A_1596 = arith.mulf %get3A_1594, %get3A_1594 : vector<16xf32>
        %add3A_1597 = arith.addf %add3A_1547, %mul3A_1596 : vector<16xf32>
        scf.yield %add3A_1553, %add3A_1559, %add3A_1565, %add3A_1571, %add3A_1577, %add3A_1583, %add3A_1589, %add3A_1595, %add3A_1555, %add3A_1561, %add3A_1567, %add3A_1573, %add3A_1579, %add3A_1585, %add3A_1591, %add3A_1597 : vector<16xf32>, vector<16xf32>, vector<16xf32>, vector<16xf32>, vector<16xf32>, vector<16xf32>, vector<16xf32>, vector<16xf32>, vector<16xf32>, vector<16xf32>, vector<16xf32>, vector<16xf32>, vector<16xf32>, vector<16xf32>, vector<16xf32>, vector<16xf32>
      }
      %scan3A_1173 = arith.constant 100 : i32
      %mul3A_1174 = arith.mulf %scan3A_1172#0, %scan3A_1172#0 : vector<16xf32>
      %sub3A_1175 = arith.subf %mul3A_1174, %scan3A_1172#8 : vector<16xf32>
      %mul3A_1176 = arith.mulf %scan3A_1172#1, %scan3A_1172#1 : vector<16xf32>
      %sub3A_1177 = arith.subf %mul3A_1176, %scan3A_1172#9 : vector<16xf32>
      %add3A_1178 = arith.addf %sub3A_1175, %sub3A_1177 : vector<16xf32>
      %mul3A_1179 = arith.mulf %scan3A_1172#2, %scan3A_1172#2 : vector<16xf32>
      %sub3A_1180 = arith.subf %mul3A_1179, %scan3A_1172#10 : vector<16xf32>
      %add3A_1181 = arith.addf %add3A_1178, %sub3A_1180 : vector<16xf32>
      %mul3A_1182 = arith.mulf %scan3A_1172#3, %scan3A_1172#3 : vector<16xf32>
      %sub3A_1183 = arith.subf %mul3A_1182, %scan3A_1172#11 : vector<16xf32>
      %add3A_1184 = arith.addf %add3A_1181, %sub3A_1183 : vector<16xf32>
      %mul3A_1185 = arith.mulf %scan3A_1172#4, %scan3A_1172#4 : vector<16xf32>
      %sub3A_1186 = arith.subf %mul3A_1185, %scan3A_1172#12 : vector<16xf32>
      %add3A_1187 = arith.addf %add3A_1184, %sub3A_1186 : vector<16xf32>
      %mul3A_1188 = arith.mulf %scan3A_1172#5, %scan3A_1172#5 : vector<16xf32>
      %sub3A_1189 = arith.subf %mul3A_1188, %scan3A_1172#13 : vector<16xf32>
      %add3A_1190 = arith.addf %add3A_1187, %sub3A_1189 : vector<16xf32>
      %mul3A_1191 = arith.mulf %scan3A_1172#6, %scan3A_1172#6 : vector<16xf32>
      %sub3A_1192 = arith.subf %mul3A_1191, %scan3A_1172#14 : vector<16xf32>
      %add3A_1193 = arith.addf %add3A_1190, %sub3A_1192 : vector<16xf32>
      %mul3A_1194 = arith.mulf %scan3A_1172#7, %scan3A_1172#7 : vector<16xf32>
      %sub3A_1195 = arith.subf %mul3A_1194, %scan3A_1172#15 : vector<16xf32>
      %add3A_1196 = arith.addf %add3A_1193, %sub3A_1195 : vector<16xf32>
      %reduce_sum3A_1197 = arith.constant true
      %reduce_sum3A_1198 = vector.broadcast %reduce_sum3A_1197 : i1 to vector<16xi1>
      %reduce_sum3A_1199 = tpu.scan <sum>, %add3A_1196 masked %reduce_sum3A_1198 : vector<16xf32>, vector<16xi1> -> vector<16xf32>
      %reduce_sum3A_1200 = vector.extract %reduce_sum3A_1199[15] : f32 from vector<16xf32>
      %mul3A_1201 = arith.constant 5.000000e-01 : f32
      %mul3A_1202 = arith.mulf %reduce_sum3A_1200, %mul3A_1201 : f32
      %eq3A_1203 = arith.constant 12 : i32
      %eq3A_1204 = vector.broadcast %eq3A_1203 : i32 to vector<16xi32>
      %eq3A_1205 = arith.cmpi eq, %iota3A, %eq3A_1204 : vector<16xi32>
      %broadcast_in_dim3A_1206 = vector.broadcast %mul3A_1202 : f32 to vector<16xf32>
      %select_n3A_1207 = arith.select %eq3A_1205, %broadcast_in_dim3A_1206, %select_n3A_1116 : vector<16xi1>, vector<16xf32>
      %mul3A_1208 = arith.constant 16 : i32
      %mul3A_1209 = arith.muli %add3A_31, %mul3A_1208 : i32
      %add3A_1210 = arith.constant 13 : i32
      %add3A_1211 = arith.addi %mul3A_1209, %add3A_1210 : i32
      %add3A_1212 = arith.constant 4 : i32
      %add3A_1213 = arith.addi %add3A_1211, %add3A_1212 : i32
      %sub3A_1214 = arith.constant 1 : i32
      %sub3A_1215 = arith.subi %add3A_1213, %sub3A_1214 : i32
      %lt3A_1216 = arith.constant 128 : i32
      %lt3A_1217 = arith.cmpi slt, %sub3A_1215, %lt3A_1216 : i32
      %convert_element_type3A_1218 = arith.extui %lt3A_1217 : i1 to i32
      %cond3A_1219 = arith.constant 0 : i32
      %cond3A_1220 = arith.cmpi ne, %convert_element_type3A_1218, %cond3A_1219 : i32
      scf.if %cond3A_1220 {
        %dma_start3A_1484 = arith.constant 0 : i32
        %dma_start3A_1485 = tpu.memref_slice %arg5[%sub3A_1215, %dma_start3A_1484] : memref<128x100xi32, #tpu.memory_space<vmem>> -> memref<1x100xi32, #tpu.memory_space<vmem>>
        %dma_start3A_1486 = tpu.memref_squeeze %dma_start3A_1485 : memref<1x100xi32, #tpu.memory_space<vmem>> -> memref<100xi32, #tpu.memory_space<vmem>>
        %dma_start3A_1487 = arith.constant 0 : i32
        %dma_start3A_1488 = arith.constant 0 : i32
        %dma_start3A_1489 = tpu.memref_slice %arg2[%dma_start3A_1487, %dma_start3A_1488] : memref<100000x128xf32, #tpu.memory_space<hbm>> -> memref<100000x128xf32, #tpu.memory_space<hbm>>
        tpu.enqueue_indirect_dma source(%dma_start3A_1489 : memref<100000x128xf32, #tpu.memory_space<hbm>>) target(%arg6 : memref<100x128xf32, #tpu.memory_space<vmem>>) offsets(%dma_start3A_1486 : memref<100xi32, #tpu.memory_space<vmem>>) semaphore(%arg11 : memref<!tpu.dma_semaphore, #tpu.memory_space<semaphore_mem>>)
      } else {
      }
      %dma_wait3A_1221 = arith.constant 0 : i32
      %dma_wait3A_1222 = tpu.memref_slice %arg5[%add3A_1211, %dma_wait3A_1221] : memref<128x100xi32, #tpu.memory_space<vmem>> -> memref<1x100xi32, #tpu.memory_space<vmem>>
      %dma_wait3A_1223 = tpu.memref_squeeze %dma_wait3A_1222 : memref<1x100xi32, #tpu.memory_space<vmem>> -> memref<100xi32, #tpu.memory_space<vmem>>
      %dma_wait3A_1224 = arith.constant 0 : i32
      %dma_wait3A_1225 = arith.constant 0 : i32
      %dma_wait3A_1226 = tpu.memref_slice %arg2[%dma_wait3A_1224, %dma_wait3A_1225] : memref<100000x128xf32, #tpu.memory_space<hbm>> -> memref<100000x128xf32, #tpu.memory_space<hbm>>
      tpu.wait_indirect_dma semaphore(%arg12 : memref<!tpu.dma_semaphore, #tpu.memory_space<semaphore_mem>>) src(%dma_wait3A_1226 : memref<100000x128xf32, #tpu.memory_space<hbm>>) dst(%arg7 : memref<100x128xf32, #tpu.memory_space<vmem>>)
      %broadcast_in_dim3A_1227 = arith.constant 0.000000e+00 : f32
      %broadcast_in_dim3A_1228 = vector.broadcast %broadcast_in_dim3A_1227 : f32 to vector<16xf32>
      %broadcast_in_dim3A_1229 = arith.constant 0.000000e+00 : f32
      %broadcast_in_dim3A_1230 = vector.broadcast %broadcast_in_dim3A_1229 : f32 to vector<16xf32>
      %broadcast_in_dim3A_1231 = arith.constant 0.000000e+00 : f32
      %broadcast_in_dim3A_1232 = vector.broadcast %broadcast_in_dim3A_1231 : f32 to vector<16xf32>
      %broadcast_in_dim3A_1233 = arith.constant 0.000000e+00 : f32
      %broadcast_in_dim3A_1234 = vector.broadcast %broadcast_in_dim3A_1233 : f32 to vector<16xf32>
      %broadcast_in_dim3A_1235 = arith.constant 0.000000e+00 : f32
      %broadcast_in_dim3A_1236 = vector.broadcast %broadcast_in_dim3A_1235 : f32 to vector<16xf32>
      %broadcast_in_dim3A_1237 = arith.constant 0.000000e+00 : f32
      %broadcast_in_dim3A_1238 = vector.broadcast %broadcast_in_dim3A_1237 : f32 to vector<16xf32>
      %broadcast_in_dim3A_1239 = arith.constant 0.000000e+00 : f32
      %broadcast_in_dim3A_1240 = vector.broadcast %broadcast_in_dim3A_1239 : f32 to vector<16xf32>
      %broadcast_in_dim3A_1241 = arith.constant 0.000000e+00 : f32
      %broadcast_in_dim3A_1242 = vector.broadcast %broadcast_in_dim3A_1241 : f32 to vector<16xf32>
      %broadcast_in_dim3A_1243 = arith.constant 0.000000e+00 : f32
      %broadcast_in_dim3A_1244 = vector.broadcast %broadcast_in_dim3A_1243 : f32 to vector<16xf32>
      %broadcast_in_dim3A_1245 = arith.constant 0.000000e+00 : f32
      %broadcast_in_dim3A_1246 = vector.broadcast %broadcast_in_dim3A_1245 : f32 to vector<16xf32>
      %broadcast_in_dim3A_1247 = arith.constant 0.000000e+00 : f32
      %broadcast_in_dim3A_1248 = vector.broadcast %broadcast_in_dim3A_1247 : f32 to vector<16xf32>
      %broadcast_in_dim3A_1249 = arith.constant 0.000000e+00 : f32
      %broadcast_in_dim3A_1250 = vector.broadcast %broadcast_in_dim3A_1249 : f32 to vector<16xf32>
      %broadcast_in_dim3A_1251 = arith.constant 0.000000e+00 : f32
      %broadcast_in_dim3A_1252 = vector.broadcast %broadcast_in_dim3A_1251 : f32 to vector<16xf32>
      %broadcast_in_dim3A_1253 = arith.constant 0.000000e+00 : f32
      %broadcast_in_dim3A_1254 = vector.broadcast %broadcast_in_dim3A_1253 : f32 to vector<16xf32>
      %broadcast_in_dim3A_1255 = arith.constant 0.000000e+00 : f32
      %broadcast_in_dim3A_1256 = vector.broadcast %broadcast_in_dim3A_1255 : f32 to vector<16xf32>
      %broadcast_in_dim3A_1257 = arith.constant 0.000000e+00 : f32
      %broadcast_in_dim3A_1258 = vector.broadcast %broadcast_in_dim3A_1257 : f32 to vector<16xf32>
      %scan3A_1259 = arith.constant 0 : i32
      %scan3A_1260 = arith.constant 100 : i32
      %scan3A_1261 = arith.addi %scan3A_1259, %scan3A_1260 : i32
      %scan3A_1262 = arith.constant 2 : i32
      %scan3A_1263:16 = scf.for %scan3A_1484 = %scan3A_1259 to %scan3A_1261 step %scan3A_1262 iter_args(%scan3A_1485 = %broadcast_in_dim3A_1228, %scan3A_1486 = %broadcast_in_dim3A_1230, %scan3A_1487 = %broadcast_in_dim3A_1232, %scan3A_1488 = %broadcast_in_dim3A_1234, %scan3A_1489 = %broadcast_in_dim3A_1236, %scan3A_1490 = %broadcast_in_dim3A_1238, %scan3A_1491 = %broadcast_in_dim3A_1240, %scan3A_1492 = %broadcast_in_dim3A_1242, %scan3A_1493 = %broadcast_in_dim3A_1244, %scan3A_1494 = %broadcast_in_dim3A_1246, %scan3A_1495 = %broadcast_in_dim3A_1248, %scan3A_1496 = %broadcast_in_dim3A_1250, %scan3A_1497 = %broadcast_in_dim3A_1252, %scan3A_1498 = %broadcast_in_dim3A_1254, %scan3A_1499 = %broadcast_in_dim3A_1256, %scan3A_1500 = %broadcast_in_dim3A_1258) -> (vector<16xf32>, vector<16xf32>, vector<16xf32>, vector<16xf32>, vector<16xf32>, vector<16xf32>, vector<16xf32>, vector<16xf32>, vector<16xf32>, vector<16xf32>, vector<16xf32>, vector<16xf32>, vector<16xf32>, vector<16xf32>, vector<16xf32>, vector<16xf32>)  : i32 {
        %get3A = arith.index_cast %scan3A_1484 : i32 to index
        %get3A_1501 = arith.constant 0 : index
        %get3A_1502 = tpu.vector_load %arg7[%get3A, %get3A_1501] {strides = array<i32>} : memref<100x128xf32, #tpu.memory_space<vmem>>, vector<16xf32>,
        %add3A_1503 = arith.addf %scan3A_1485, %get3A_1502 : vector<16xf32>
        %mul3A_1504 = arith.mulf %get3A_1502, %get3A_1502 : vector<16xf32>
        %add3A_1505 = arith.addf %scan3A_1493, %mul3A_1504 : vector<16xf32>
        %get3A_1506 = arith.index_cast %scan3A_1484 : i32 to index
        %get3A_1507 = arith.constant 16 : index
        %get3A_1508 = tpu.vector_load %arg7[%get3A_1506, %get3A_1507] {strides = array<i32>} : memref<100x128xf32, #tpu.memory_space<vmem>>, vector<16xf32>,
        %add3A_1509 = arith.addf %scan3A_1486, %get3A_1508 : vector<16xf32>
        %mul3A_1510 = arith.mulf %get3A_1508, %get3A_1508 : vector<16xf32>
        %add3A_1511 = arith.addf %scan3A_1494, %mul3A_1510 : vector<16xf32>
        %get3A_1512 = arith.index_cast %scan3A_1484 : i32 to index
        %get3A_1513 = arith.constant 32 : index
        %get3A_1514 = tpu.vector_load %arg7[%get3A_1512, %get3A_1513] {strides = array<i32>} : memref<100x128xf32, #tpu.memory_space<vmem>>, vector<16xf32>,
        %add3A_1515 = arith.addf %scan3A_1487, %get3A_1514 : vector<16xf32>
        %mul3A_1516 = arith.mulf %get3A_1514, %get3A_1514 : vector<16xf32>
        %add3A_1517 = arith.addf %scan3A_1495, %mul3A_1516 : vector<16xf32>
        %get3A_1518 = arith.index_cast %scan3A_1484 : i32 to index
        %get3A_1519 = arith.constant 48 : index
        %get3A_1520 = tpu.vector_load %arg7[%get3A_1518, %get3A_1519] {strides = array<i32>} : memref<100x128xf32, #tpu.memory_space<vmem>>, vector<16xf32>,
        %add3A_1521 = arith.addf %scan3A_1488, %get3A_1520 : vector<16xf32>
        %mul3A_1522 = arith.mulf %get3A_1520, %get3A_1520 : vector<16xf32>
        %add3A_1523 = arith.addf %scan3A_1496, %mul3A_1522 : vector<16xf32>
        %get3A_1524 = arith.index_cast %scan3A_1484 : i32 to index
        %get3A_1525 = arith.constant 64 : index
        %get3A_1526 = tpu.vector_load %arg7[%get3A_1524, %get3A_1525] {strides = array<i32>} : memref<100x128xf32, #tpu.memory_space<vmem>>, vector<16xf32>,
        %add3A_1527 = arith.addf %scan3A_1489, %get3A_1526 : vector<16xf32>
        %mul3A_1528 = arith.mulf %get3A_1526, %get3A_1526 : vector<16xf32>
        %add3A_1529 = arith.addf %scan3A_1497, %mul3A_1528 : vector<16xf32>
        %get3A_1530 = arith.index_cast %scan3A_1484 : i32 to index
        %get3A_1531 = arith.constant 80 : index
        %get3A_1532 = tpu.vector_load %arg7[%get3A_1530, %get3A_1531] {strides = array<i32>} : memref<100x128xf32, #tpu.memory_space<vmem>>, vector<16xf32>,
        %add3A_1533 = arith.addf %scan3A_1490, %get3A_1532 : vector<16xf32>
        %mul3A_1534 = arith.mulf %get3A_1532, %get3A_1532 : vector<16xf32>
        %add3A_1535 = arith.addf %scan3A_1498, %mul3A_1534 : vector<16xf32>
        %get3A_1536 = arith.index_cast %scan3A_1484 : i32 to index
        %get3A_1537 = arith.constant 96 : index
        %get3A_1538 = tpu.vector_load %arg7[%get3A_1536, %get3A_1537] {strides = array<i32>} : memref<100x128xf32, #tpu.memory_space<vmem>>, vector<16xf32>,
        %add3A_1539 = arith.addf %scan3A_1491, %get3A_1538 : vector<16xf32>
        %mul3A_1540 = arith.mulf %get3A_1538, %get3A_1538 : vector<16xf32>
        %add3A_1541 = arith.addf %scan3A_1499, %mul3A_1540 : vector<16xf32>
        %get3A_1542 = arith.index_cast %scan3A_1484 : i32 to index
        %get3A_1543 = arith.constant 112 : index
        %get3A_1544 = tpu.vector_load %arg7[%get3A_1542, %get3A_1543] {strides = array<i32>} : memref<100x128xf32, #tpu.memory_space<vmem>>, vector<16xf32>,
        %add3A_1545 = arith.addf %scan3A_1492, %get3A_1544 : vector<16xf32>
        %mul3A_1546 = arith.mulf %get3A_1544, %get3A_1544 : vector<16xf32>
        %add3A_1547 = arith.addf %scan3A_1500, %mul3A_1546 : vector<16xf32>
        %scan3A_1548 = arith.constant 1 : i32
        %scan3A_1549 = arith.addi %scan3A_1484, %scan3A_1548 : i32
        %get3A_1550 = arith.index_cast %scan3A_1549 : i32 to index
        %get3A_1551 = arith.constant 0 : index
        %get3A_1552 = tpu.vector_load %arg7[%get3A_1550, %get3A_1551] {strides = array<i32>} : memref<100x128xf32, #tpu.memory_space<vmem>>, vector<16xf32>,
        %add3A_1553 = arith.addf %add3A_1503, %get3A_1552 : vector<16xf32>
        %mul3A_1554 = arith.mulf %get3A_1552, %get3A_1552 : vector<16xf32>
        %add3A_1555 = arith.addf %add3A_1505, %mul3A_1554 : vector<16xf32>
        %get3A_1556 = arith.index_cast %scan3A_1549 : i32 to index
        %get3A_1557 = arith.constant 16 : index
        %get3A_1558 = tpu.vector_load %arg7[%get3A_1556, %get3A_1557] {strides = array<i32>} : memref<100x128xf32, #tpu.memory_space<vmem>>, vector<16xf32>,
        %add3A_1559 = arith.addf %add3A_1509, %get3A_1558 : vector<16xf32>
        %mul3A_1560 = arith.mulf %get3A_1558, %get3A_1558 : vector<16xf32>
        %add3A_1561 = arith.addf %add3A_1511, %mul3A_1560 : vector<16xf32>
        %get3A_1562 = arith.index_cast %scan3A_1549 : i32 to index
        %get3A_1563 = arith.constant 32 : index
        %get3A_1564 = tpu.vector_load %arg7[%get3A_1562, %get3A_1563] {strides = array<i32>} : memref<100x128xf32, #tpu.memory_space<vmem>>, vector<16xf32>,
        %add3A_1565 = arith.addf %add3A_1515, %get3A_1564 : vector<16xf32>
        %mul3A_1566 = arith.mulf %get3A_1564, %get3A_1564 : vector<16xf32>
        %add3A_1567 = arith.addf %add3A_1517, %mul3A_1566 : vector<16xf32>
        %get3A_1568 = arith.index_cast %scan3A_1549 : i32 to index
        %get3A_1569 = arith.constant 48 : index
        %get3A_1570 = tpu.vector_load %arg7[%get3A_1568, %get3A_1569] {strides = array<i32>} : memref<100x128xf32, #tpu.memory_space<vmem>>, vector<16xf32>,
        %add3A_1571 = arith.addf %add3A_1521, %get3A_1570 : vector<16xf32>
        %mul3A_1572 = arith.mulf %get3A_1570, %get3A_1570 : vector<16xf32>
        %add3A_1573 = arith.addf %add3A_1523, %mul3A_1572 : vector<16xf32>
        %get3A_1574 = arith.index_cast %scan3A_1549 : i32 to index
        %get3A_1575 = arith.constant 64 : index
        %get3A_1576 = tpu.vector_load %arg7[%get3A_1574, %get3A_1575] {strides = array<i32>} : memref<100x128xf32, #tpu.memory_space<vmem>>, vector<16xf32>,
        %add3A_1577 = arith.addf %add3A_1527, %get3A_1576 : vector<16xf32>
        %mul3A_1578 = arith.mulf %get3A_1576, %get3A_1576 : vector<16xf32>
        %add3A_1579 = arith.addf %add3A_1529, %mul3A_1578 : vector<16xf32>
        %get3A_1580 = arith.index_cast %scan3A_1549 : i32 to index
        %get3A_1581 = arith.constant 80 : index
        %get3A_1582 = tpu.vector_load %arg7[%get3A_1580, %get3A_1581] {strides = array<i32>} : memref<100x128xf32, #tpu.memory_space<vmem>>, vector<16xf32>,
        %add3A_1583 = arith.addf %add3A_1533, %get3A_1582 : vector<16xf32>
        %mul3A_1584 = arith.mulf %get3A_1582, %get3A_1582 : vector<16xf32>
        %add3A_1585 = arith.addf %add3A_1535, %mul3A_1584 : vector<16xf32>
        %get3A_1586 = arith.index_cast %scan3A_1549 : i32 to index
        %get3A_1587 = arith.constant 96 : index
        %get3A_1588 = tpu.vector_load %arg7[%get3A_1586, %get3A_1587] {strides = array<i32>} : memref<100x128xf32, #tpu.memory_space<vmem>>, vector<16xf32>,
        %add3A_1589 = arith.addf %add3A_1539, %get3A_1588 : vector<16xf32>
        %mul3A_1590 = arith.mulf %get3A_1588, %get3A_1588 : vector<16xf32>
        %add3A_1591 = arith.addf %add3A_1541, %mul3A_1590 : vector<16xf32>
        %get3A_1592 = arith.index_cast %scan3A_1549 : i32 to index
        %get3A_1593 = arith.constant 112 : index
        %get3A_1594 = tpu.vector_load %arg7[%get3A_1592, %get3A_1593] {strides = array<i32>} : memref<100x128xf32, #tpu.memory_space<vmem>>, vector<16xf32>,
        %add3A_1595 = arith.addf %add3A_1545, %get3A_1594 : vector<16xf32>
        %mul3A_1596 = arith.mulf %get3A_1594, %get3A_1594 : vector<16xf32>
        %add3A_1597 = arith.addf %add3A_1547, %mul3A_1596 : vector<16xf32>
        scf.yield %add3A_1553, %add3A_1559, %add3A_1565, %add3A_1571, %add3A_1577, %add3A_1583, %add3A_1589, %add3A_1595, %add3A_1555, %add3A_1561, %add3A_1567, %add3A_1573, %add3A_1579, %add3A_1585, %add3A_1591, %add3A_1597 : vector<16xf32>, vector<16xf32>, vector<16xf32>, vector<16xf32>, vector<16xf32>, vector<16xf32>, vector<16xf32>, vector<16xf32>, vector<16xf32>, vector<16xf32>, vector<16xf32>, vector<16xf32>, vector<16xf32>, vector<16xf32>, vector<16xf32>, vector<16xf32>
      }
      %scan3A_1264 = arith.constant 100 : i32
      %mul3A_1265 = arith.mulf %scan3A_1263#0, %scan3A_1263#0 : vector<16xf32>
      %sub3A_1266 = arith.subf %mul3A_1265, %scan3A_1263#8 : vector<16xf32>
      %mul3A_1267 = arith.mulf %scan3A_1263#1, %scan3A_1263#1 : vector<16xf32>
      %sub3A_1268 = arith.subf %mul3A_1267, %scan3A_1263#9 : vector<16xf32>
      %add3A_1269 = arith.addf %sub3A_1266, %sub3A_1268 : vector<16xf32>
      %mul3A_1270 = arith.mulf %scan3A_1263#2, %scan3A_1263#2 : vector<16xf32>
      %sub3A_1271 = arith.subf %mul3A_1270, %scan3A_1263#10 : vector<16xf32>
      %add3A_1272 = arith.addf %add3A_1269, %sub3A_1271 : vector<16xf32>
      %mul3A_1273 = arith.mulf %scan3A_1263#3, %scan3A_1263#3 : vector<16xf32>
      %sub3A_1274 = arith.subf %mul3A_1273, %scan3A_1263#11 : vector<16xf32>
      %add3A_1275 = arith.addf %add3A_1272, %sub3A_1274 : vector<16xf32>
      %mul3A_1276 = arith.mulf %scan3A_1263#4, %scan3A_1263#4 : vector<16xf32>
      %sub3A_1277 = arith.subf %mul3A_1276, %scan3A_1263#12 : vector<16xf32>
      %add3A_1278 = arith.addf %add3A_1275, %sub3A_1277 : vector<16xf32>
      %mul3A_1279 = arith.mulf %scan3A_1263#5, %scan3A_1263#5 : vector<16xf32>
      %sub3A_1280 = arith.subf %mul3A_1279, %scan3A_1263#13 : vector<16xf32>
      %add3A_1281 = arith.addf %add3A_1278, %sub3A_1280 : vector<16xf32>
      %mul3A_1282 = arith.mulf %scan3A_1263#6, %scan3A_1263#6 : vector<16xf32>
      %sub3A_1283 = arith.subf %mul3A_1282, %scan3A_1263#14 : vector<16xf32>
      %add3A_1284 = arith.addf %add3A_1281, %sub3A_1283 : vector<16xf32>
      %mul3A_1285 = arith.mulf %scan3A_1263#7, %scan3A_1263#7 : vector<16xf32>
      %sub3A_1286 = arith.subf %mul3A_1285, %scan3A_1263#15 : vector<16xf32>
      %add3A_1287 = arith.addf %add3A_1284, %sub3A_1286 : vector<16xf32>
      %reduce_sum3A_1288 = arith.constant true
      %reduce_sum3A_1289 = vector.broadcast %reduce_sum3A_1288 : i1 to vector<16xi1>
      %reduce_sum3A_1290 = tpu.scan <sum>, %add3A_1287 masked %reduce_sum3A_1289 : vector<16xf32>, vector<16xi1> -> vector<16xf32>
      %reduce_sum3A_1291 = vector.extract %reduce_sum3A_1290[15] : f32 from vector<16xf32>
      %mul3A_1292 = arith.constant 5.000000e-01 : f32
      %mul3A_1293 = arith.mulf %reduce_sum3A_1291, %mul3A_1292 : f32
      %eq3A_1294 = arith.constant 13 : i32
      %eq3A_1295 = vector.broadcast %eq3A_1294 : i32 to vector<16xi32>
      %eq3A_1296 = arith.cmpi eq, %iota3A, %eq3A_1295 : vector<16xi32>
      %broadcast_in_dim3A_1297 = vector.broadcast %mul3A_1293 : f32 to vector<16xf32>
      %select_n3A_1298 = arith.select %eq3A_1296, %broadcast_in_dim3A_1297, %select_n3A_1207 : vector<16xi1>, vector<16xf32>
      %mul3A_1299 = arith.constant 16 : i32
      %mul3A_1300 = arith.muli %add3A_31, %mul3A_1299 : i32
      %add3A_1301 = arith.constant 14 : i32
      %add3A_1302 = arith.addi %mul3A_1300, %add3A_1301 : i32
      %add3A_1303 = arith.constant 4 : i32
      %add3A_1304 = arith.addi %add3A_1302, %add3A_1303 : i32
      %sub3A_1305 = arith.constant 1 : i32
      %sub3A_1306 = arith.subi %add3A_1304, %sub3A_1305 : i32
      %lt3A_1307 = arith.constant 128 : i32
      %lt3A_1308 = arith.cmpi slt, %sub3A_1306, %lt3A_1307 : i32
      %convert_element_type3A_1309 = arith.extui %lt3A_1308 : i1 to i32
      %cond3A_1310 = arith.constant 0 : i32
      %cond3A_1311 = arith.cmpi ne, %convert_element_type3A_1309, %cond3A_1310 : i32
      scf.if %cond3A_1311 {
        %dma_start3A_1484 = arith.constant 0 : i32
        %dma_start3A_1485 = tpu.memref_slice %arg5[%sub3A_1306, %dma_start3A_1484] : memref<128x100xi32, #tpu.memory_space<vmem>> -> memref<1x100xi32, #tpu.memory_space<vmem>>
        %dma_start3A_1486 = tpu.memref_squeeze %dma_start3A_1485 : memref<1x100xi32, #tpu.memory_space<vmem>> -> memref<100xi32, #tpu.memory_space<vmem>>
        %dma_start3A_1487 = arith.constant 0 : i32
        %dma_start3A_1488 = arith.constant 0 : i32
        %dma_start3A_1489 = tpu.memref_slice %arg2[%dma_start3A_1487, %dma_start3A_1488] : memref<100000x128xf32, #tpu.memory_space<hbm>> -> memref<100000x128xf32, #tpu.memory_space<hbm>>
        tpu.enqueue_indirect_dma source(%dma_start3A_1489 : memref<100000x128xf32, #tpu.memory_space<hbm>>) target(%arg7 : memref<100x128xf32, #tpu.memory_space<vmem>>) offsets(%dma_start3A_1486 : memref<100xi32, #tpu.memory_space<vmem>>) semaphore(%arg12 : memref<!tpu.dma_semaphore, #tpu.memory_space<semaphore_mem>>)
      } else {
      }
      %dma_wait3A_1312 = arith.constant 0 : i32
      %dma_wait3A_1313 = tpu.memref_slice %arg5[%add3A_1302, %dma_wait3A_1312] : memref<128x100xi32, #tpu.memory_space<vmem>> -> memref<1x100xi32, #tpu.memory_space<vmem>>
      %dma_wait3A_1314 = tpu.memref_squeeze %dma_wait3A_1313 : memref<1x100xi32, #tpu.memory_space<vmem>> -> memref<100xi32, #tpu.memory_space<vmem>>
      %dma_wait3A_1315 = arith.constant 0 : i32
      %dma_wait3A_1316 = arith.constant 0 : i32
      %dma_wait3A_1317 = tpu.memref_slice %arg2[%dma_wait3A_1315, %dma_wait3A_1316] : memref<100000x128xf32, #tpu.memory_space<hbm>> -> memref<100000x128xf32, #tpu.memory_space<hbm>>
      tpu.wait_indirect_dma semaphore(%arg13 : memref<!tpu.dma_semaphore, #tpu.memory_space<semaphore_mem>>) src(%dma_wait3A_1317 : memref<100000x128xf32, #tpu.memory_space<hbm>>) dst(%arg8 : memref<100x128xf32, #tpu.memory_space<vmem>>)
      %broadcast_in_dim3A_1318 = arith.constant 0.000000e+00 : f32
      %broadcast_in_dim3A_1319 = vector.broadcast %broadcast_in_dim3A_1318 : f32 to vector<16xf32>
      %broadcast_in_dim3A_1320 = arith.constant 0.000000e+00 : f32
      %broadcast_in_dim3A_1321 = vector.broadcast %broadcast_in_dim3A_1320 : f32 to vector<16xf32>
      %broadcast_in_dim3A_1322 = arith.constant 0.000000e+00 : f32
      %broadcast_in_dim3A_1323 = vector.broadcast %broadcast_in_dim3A_1322 : f32 to vector<16xf32>
      %broadcast_in_dim3A_1324 = arith.constant 0.000000e+00 : f32
      %broadcast_in_dim3A_1325 = vector.broadcast %broadcast_in_dim3A_1324 : f32 to vector<16xf32>
      %broadcast_in_dim3A_1326 = arith.constant 0.000000e+00 : f32
      %broadcast_in_dim3A_1327 = vector.broadcast %broadcast_in_dim3A_1326 : f32 to vector<16xf32>
      %broadcast_in_dim3A_1328 = arith.constant 0.000000e+00 : f32
      %broadcast_in_dim3A_1329 = vector.broadcast %broadcast_in_dim3A_1328 : f32 to vector<16xf32>
      %broadcast_in_dim3A_1330 = arith.constant 0.000000e+00 : f32
      %broadcast_in_dim3A_1331 = vector.broadcast %broadcast_in_dim3A_1330 : f32 to vector<16xf32>
      %broadcast_in_dim3A_1332 = arith.constant 0.000000e+00 : f32
      %broadcast_in_dim3A_1333 = vector.broadcast %broadcast_in_dim3A_1332 : f32 to vector<16xf32>
      %broadcast_in_dim3A_1334 = arith.constant 0.000000e+00 : f32
      %broadcast_in_dim3A_1335 = vector.broadcast %broadcast_in_dim3A_1334 : f32 to vector<16xf32>
      %broadcast_in_dim3A_1336 = arith.constant 0.000000e+00 : f32
      %broadcast_in_dim3A_1337 = vector.broadcast %broadcast_in_dim3A_1336 : f32 to vector<16xf32>
      %broadcast_in_dim3A_1338 = arith.constant 0.000000e+00 : f32
      %broadcast_in_dim3A_1339 = vector.broadcast %broadcast_in_dim3A_1338 : f32 to vector<16xf32>
      %broadcast_in_dim3A_1340 = arith.constant 0.000000e+00 : f32
      %broadcast_in_dim3A_1341 = vector.broadcast %broadcast_in_dim3A_1340 : f32 to vector<16xf32>
      %broadcast_in_dim3A_1342 = arith.constant 0.000000e+00 : f32
      %broadcast_in_dim3A_1343 = vector.broadcast %broadcast_in_dim3A_1342 : f32 to vector<16xf32>
      %broadcast_in_dim3A_1344 = arith.constant 0.000000e+00 : f32
      %broadcast_in_dim3A_1345 = vector.broadcast %broadcast_in_dim3A_1344 : f32 to vector<16xf32>
      %broadcast_in_dim3A_1346 = arith.constant 0.000000e+00 : f32
      %broadcast_in_dim3A_1347 = vector.broadcast %broadcast_in_dim3A_1346 : f32 to vector<16xf32>
      %broadcast_in_dim3A_1348 = arith.constant 0.000000e+00 : f32
      %broadcast_in_dim3A_1349 = vector.broadcast %broadcast_in_dim3A_1348 : f32 to vector<16xf32>
      %scan3A_1350 = arith.constant 0 : i32
      %scan3A_1351 = arith.constant 100 : i32
      %scan3A_1352 = arith.addi %scan3A_1350, %scan3A_1351 : i32
      %scan3A_1353 = arith.constant 2 : i32
      %scan3A_1354:16 = scf.for %scan3A_1484 = %scan3A_1350 to %scan3A_1352 step %scan3A_1353 iter_args(%scan3A_1485 = %broadcast_in_dim3A_1319, %scan3A_1486 = %broadcast_in_dim3A_1321, %scan3A_1487 = %broadcast_in_dim3A_1323, %scan3A_1488 = %broadcast_in_dim3A_1325, %scan3A_1489 = %broadcast_in_dim3A_1327, %scan3A_1490 = %broadcast_in_dim3A_1329, %scan3A_1491 = %broadcast_in_dim3A_1331, %scan3A_1492 = %broadcast_in_dim3A_1333, %scan3A_1493 = %broadcast_in_dim3A_1335, %scan3A_1494 = %broadcast_in_dim3A_1337, %scan3A_1495 = %broadcast_in_dim3A_1339, %scan3A_1496 = %broadcast_in_dim3A_1341, %scan3A_1497 = %broadcast_in_dim3A_1343, %scan3A_1498 = %broadcast_in_dim3A_1345, %scan3A_1499 = %broadcast_in_dim3A_1347, %scan3A_1500 = %broadcast_in_dim3A_1349) -> (vector<16xf32>, vector<16xf32>, vector<16xf32>, vector<16xf32>, vector<16xf32>, vector<16xf32>, vector<16xf32>, vector<16xf32>, vector<16xf32>, vector<16xf32>, vector<16xf32>, vector<16xf32>, vector<16xf32>, vector<16xf32>, vector<16xf32>, vector<16xf32>)  : i32 {
        %get3A = arith.index_cast %scan3A_1484 : i32 to index
        %get3A_1501 = arith.constant 0 : index
        %get3A_1502 = tpu.vector_load %arg8[%get3A, %get3A_1501] {strides = array<i32>} : memref<100x128xf32, #tpu.memory_space<vmem>>, vector<16xf32>,
        %add3A_1503 = arith.addf %scan3A_1485, %get3A_1502 : vector<16xf32>
        %mul3A_1504 = arith.mulf %get3A_1502, %get3A_1502 : vector<16xf32>
        %add3A_1505 = arith.addf %scan3A_1493, %mul3A_1504 : vector<16xf32>
        %get3A_1506 = arith.index_cast %scan3A_1484 : i32 to index
        %get3A_1507 = arith.constant 16 : index
        %get3A_1508 = tpu.vector_load %arg8[%get3A_1506, %get3A_1507] {strides = array<i32>} : memref<100x128xf32, #tpu.memory_space<vmem>>, vector<16xf32>,
        %add3A_1509 = arith.addf %scan3A_1486, %get3A_1508 : vector<16xf32>
        %mul3A_1510 = arith.mulf %get3A_1508, %get3A_1508 : vector<16xf32>
        %add3A_1511 = arith.addf %scan3A_1494, %mul3A_1510 : vector<16xf32>
        %get3A_1512 = arith.index_cast %scan3A_1484 : i32 to index
        %get3A_1513 = arith.constant 32 : index
        %get3A_1514 = tpu.vector_load %arg8[%get3A_1512, %get3A_1513] {strides = array<i32>} : memref<100x128xf32, #tpu.memory_space<vmem>>, vector<16xf32>,
        %add3A_1515 = arith.addf %scan3A_1487, %get3A_1514 : vector<16xf32>
        %mul3A_1516 = arith.mulf %get3A_1514, %get3A_1514 : vector<16xf32>
        %add3A_1517 = arith.addf %scan3A_1495, %mul3A_1516 : vector<16xf32>
        %get3A_1518 = arith.index_cast %scan3A_1484 : i32 to index
        %get3A_1519 = arith.constant 48 : index
        %get3A_1520 = tpu.vector_load %arg8[%get3A_1518, %get3A_1519] {strides = array<i32>} : memref<100x128xf32, #tpu.memory_space<vmem>>, vector<16xf32>,
        %add3A_1521 = arith.addf %scan3A_1488, %get3A_1520 : vector<16xf32>
        %mul3A_1522 = arith.mulf %get3A_1520, %get3A_1520 : vector<16xf32>
        %add3A_1523 = arith.addf %scan3A_1496, %mul3A_1522 : vector<16xf32>
        %get3A_1524 = arith.index_cast %scan3A_1484 : i32 to index
        %get3A_1525 = arith.constant 64 : index
        %get3A_1526 = tpu.vector_load %arg8[%get3A_1524, %get3A_1525] {strides = array<i32>} : memref<100x128xf32, #tpu.memory_space<vmem>>, vector<16xf32>,
        %add3A_1527 = arith.addf %scan3A_1489, %get3A_1526 : vector<16xf32>
        %mul3A_1528 = arith.mulf %get3A_1526, %get3A_1526 : vector<16xf32>
        %add3A_1529 = arith.addf %scan3A_1497, %mul3A_1528 : vector<16xf32>
        %get3A_1530 = arith.index_cast %scan3A_1484 : i32 to index
        %get3A_1531 = arith.constant 80 : index
        %get3A_1532 = tpu.vector_load %arg8[%get3A_1530, %get3A_1531] {strides = array<i32>} : memref<100x128xf32, #tpu.memory_space<vmem>>, vector<16xf32>,
        %add3A_1533 = arith.addf %scan3A_1490, %get3A_1532 : vector<16xf32>
        %mul3A_1534 = arith.mulf %get3A_1532, %get3A_1532 : vector<16xf32>
        %add3A_1535 = arith.addf %scan3A_1498, %mul3A_1534 : vector<16xf32>
        %get3A_1536 = arith.index_cast %scan3A_1484 : i32 to index
        %get3A_1537 = arith.constant 96 : index
        %get3A_1538 = tpu.vector_load %arg8[%get3A_1536, %get3A_1537] {strides = array<i32>} : memref<100x128xf32, #tpu.memory_space<vmem>>, vector<16xf32>,
        %add3A_1539 = arith.addf %scan3A_1491, %get3A_1538 : vector<16xf32>
        %mul3A_1540 = arith.mulf %get3A_1538, %get3A_1538 : vector<16xf32>
        %add3A_1541 = arith.addf %scan3A_1499, %mul3A_1540 : vector<16xf32>
        %get3A_1542 = arith.index_cast %scan3A_1484 : i32 to index
        %get3A_1543 = arith.constant 112 : index
        %get3A_1544 = tpu.vector_load %arg8[%get3A_1542, %get3A_1543] {strides = array<i32>} : memref<100x128xf32, #tpu.memory_space<vmem>>, vector<16xf32>,
        %add3A_1545 = arith.addf %scan3A_1492, %get3A_1544 : vector<16xf32>
        %mul3A_1546 = arith.mulf %get3A_1544, %get3A_1544 : vector<16xf32>
        %add3A_1547 = arith.addf %scan3A_1500, %mul3A_1546 : vector<16xf32>
        %scan3A_1548 = arith.constant 1 : i32
        %scan3A_1549 = arith.addi %scan3A_1484, %scan3A_1548 : i32
        %get3A_1550 = arith.index_cast %scan3A_1549 : i32 to index
        %get3A_1551 = arith.constant 0 : index
        %get3A_1552 = tpu.vector_load %arg8[%get3A_1550, %get3A_1551] {strides = array<i32>} : memref<100x128xf32, #tpu.memory_space<vmem>>, vector<16xf32>,
        %add3A_1553 = arith.addf %add3A_1503, %get3A_1552 : vector<16xf32>
        %mul3A_1554 = arith.mulf %get3A_1552, %get3A_1552 : vector<16xf32>
        %add3A_1555 = arith.addf %add3A_1505, %mul3A_1554 : vector<16xf32>
        %get3A_1556 = arith.index_cast %scan3A_1549 : i32 to index
        %get3A_1557 = arith.constant 16 : index
        %get3A_1558 = tpu.vector_load %arg8[%get3A_1556, %get3A_1557] {strides = array<i32>} : memref<100x128xf32, #tpu.memory_space<vmem>>, vector<16xf32>,
        %add3A_1559 = arith.addf %add3A_1509, %get3A_1558 : vector<16xf32>
        %mul3A_1560 = arith.mulf %get3A_1558, %get3A_1558 : vector<16xf32>
        %add3A_1561 = arith.addf %add3A_1511, %mul3A_1560 : vector<16xf32>
        %get3A_1562 = arith.index_cast %scan3A_1549 : i32 to index
        %get3A_1563 = arith.constant 32 : index
        %get3A_1564 = tpu.vector_load %arg8[%get3A_1562, %get3A_1563] {strides = array<i32>} : memref<100x128xf32, #tpu.memory_space<vmem>>, vector<16xf32>,
        %add3A_1565 = arith.addf %add3A_1515, %get3A_1564 : vector<16xf32>
        %mul3A_1566 = arith.mulf %get3A_1564, %get3A_1564 : vector<16xf32>
        %add3A_1567 = arith.addf %add3A_1517, %mul3A_1566 : vector<16xf32>
        %get3A_1568 = arith.index_cast %scan3A_1549 : i32 to index
        %get3A_1569 = arith.constant 48 : index
        %get3A_1570 = tpu.vector_load %arg8[%get3A_1568, %get3A_1569] {strides = array<i32>} : memref<100x128xf32, #tpu.memory_space<vmem>>, vector<16xf32>,
        %add3A_1571 = arith.addf %add3A_1521, %get3A_1570 : vector<16xf32>
        %mul3A_1572 = arith.mulf %get3A_1570, %get3A_1570 : vector<16xf32>
        %add3A_1573 = arith.addf %add3A_1523, %mul3A_1572 : vector<16xf32>
        %get3A_1574 = arith.index_cast %scan3A_1549 : i32 to index
        %get3A_1575 = arith.constant 64 : index
        %get3A_1576 = tpu.vector_load %arg8[%get3A_1574, %get3A_1575] {strides = array<i32>} : memref<100x128xf32, #tpu.memory_space<vmem>>, vector<16xf32>,
        %add3A_1577 = arith.addf %add3A_1527, %get3A_1576 : vector<16xf32>
        %mul3A_1578 = arith.mulf %get3A_1576, %get3A_1576 : vector<16xf32>
        %add3A_1579 = arith.addf %add3A_1529, %mul3A_1578 : vector<16xf32>
        %get3A_1580 = arith.index_cast %scan3A_1549 : i32 to index
        %get3A_1581 = arith.constant 80 : index
        %get3A_1582 = tpu.vector_load %arg8[%get3A_1580, %get3A_1581] {strides = array<i32>} : memref<100x128xf32, #tpu.memory_space<vmem>>, vector<16xf32>,
        %add3A_1583 = arith.addf %add3A_1533, %get3A_1582 : vector<16xf32>
        %mul3A_1584 = arith.mulf %get3A_1582, %get3A_1582 : vector<16xf32>
        %add3A_1585 = arith.addf %add3A_1535, %mul3A_1584 : vector<16xf32>
        %get3A_1586 = arith.index_cast %scan3A_1549 : i32 to index
        %get3A_1587 = arith.constant 96 : index
        %get3A_1588 = tpu.vector_load %arg8[%get3A_1586, %get3A_1587] {strides = array<i32>} : memref<100x128xf32, #tpu.memory_space<vmem>>, vector<16xf32>,
        %add3A_1589 = arith.addf %add3A_1539, %get3A_1588 : vector<16xf32>
        %mul3A_1590 = arith.mulf %get3A_1588, %get3A_1588 : vector<16xf32>
        %add3A_1591 = arith.addf %add3A_1541, %mul3A_1590 : vector<16xf32>
        %get3A_1592 = arith.index_cast %scan3A_1549 : i32 to index
        %get3A_1593 = arith.constant 112 : index
        %get3A_1594 = tpu.vector_load %arg8[%get3A_1592, %get3A_1593] {strides = array<i32>} : memref<100x128xf32, #tpu.memory_space<vmem>>, vector<16xf32>,
        %add3A_1595 = arith.addf %add3A_1545, %get3A_1594 : vector<16xf32>
        %mul3A_1596 = arith.mulf %get3A_1594, %get3A_1594 : vector<16xf32>
        %add3A_1597 = arith.addf %add3A_1547, %mul3A_1596 : vector<16xf32>
        scf.yield %add3A_1553, %add3A_1559, %add3A_1565, %add3A_1571, %add3A_1577, %add3A_1583, %add3A_1589, %add3A_1595, %add3A_1555, %add3A_1561, %add3A_1567, %add3A_1573, %add3A_1579, %add3A_1585, %add3A_1591, %add3A_1597 : vector<16xf32>, vector<16xf32>, vector<16xf32>, vector<16xf32>, vector<16xf32>, vector<16xf32>, vector<16xf32>, vector<16xf32>, vector<16xf32>, vector<16xf32>, vector<16xf32>, vector<16xf32>, vector<16xf32>, vector<16xf32>, vector<16xf32>, vector<16xf32>
      }
      %scan3A_1355 = arith.constant 100 : i32
      %mul3A_1356 = arith.mulf %scan3A_1354#0, %scan3A_1354#0 : vector<16xf32>
      %sub3A_1357 = arith.subf %mul3A_1356, %scan3A_1354#8 : vector<16xf32>
      %mul3A_1358 = arith.mulf %scan3A_1354#1, %scan3A_1354#1 : vector<16xf32>
      %sub3A_1359 = arith.subf %mul3A_1358, %scan3A_1354#9 : vector<16xf32>
      %add3A_1360 = arith.addf %sub3A_1357, %sub3A_1359 : vector<16xf32>
      %mul3A_1361 = arith.mulf %scan3A_1354#2, %scan3A_1354#2 : vector<16xf32>
      %sub3A_1362 = arith.subf %mul3A_1361, %scan3A_1354#10 : vector<16xf32>
      %add3A_1363 = arith.addf %add3A_1360, %sub3A_1362 : vector<16xf32>
      %mul3A_1364 = arith.mulf %scan3A_1354#3, %scan3A_1354#3 : vector<16xf32>
      %sub3A_1365 = arith.subf %mul3A_1364, %scan3A_1354#11 : vector<16xf32>
      %add3A_1366 = arith.addf %add3A_1363, %sub3A_1365 : vector<16xf32>
      %mul3A_1367 = arith.mulf %scan3A_1354#4, %scan3A_1354#4 : vector<16xf32>
      %sub3A_1368 = arith.subf %mul3A_1367, %scan3A_1354#12 : vector<16xf32>
      %add3A_1369 = arith.addf %add3A_1366, %sub3A_1368 : vector<16xf32>
      %mul3A_1370 = arith.mulf %scan3A_1354#5, %scan3A_1354#5 : vector<16xf32>
      %sub3A_1371 = arith.subf %mul3A_1370, %scan3A_1354#13 : vector<16xf32>
      %add3A_1372 = arith.addf %add3A_1369, %sub3A_1371 : vector<16xf32>
      %mul3A_1373 = arith.mulf %scan3A_1354#6, %scan3A_1354#6 : vector<16xf32>
      %sub3A_1374 = arith.subf %mul3A_1373, %scan3A_1354#14 : vector<16xf32>
      %add3A_1375 = arith.addf %add3A_1372, %sub3A_1374 : vector<16xf32>
      %mul3A_1376 = arith.mulf %scan3A_1354#7, %scan3A_1354#7 : vector<16xf32>
      %sub3A_1377 = arith.subf %mul3A_1376, %scan3A_1354#15 : vector<16xf32>
      %add3A_1378 = arith.addf %add3A_1375, %sub3A_1377 : vector<16xf32>
      %reduce_sum3A_1379 = arith.constant true
      %reduce_sum3A_1380 = vector.broadcast %reduce_sum3A_1379 : i1 to vector<16xi1>
      %reduce_sum3A_1381 = tpu.scan <sum>, %add3A_1378 masked %reduce_sum3A_1380 : vector<16xf32>, vector<16xi1> -> vector<16xf32>
      %reduce_sum3A_1382 = vector.extract %reduce_sum3A_1381[15] : f32 from vector<16xf32>
      %mul3A_1383 = arith.constant 5.000000e-01 : f32
      %mul3A_1384 = arith.mulf %reduce_sum3A_1382, %mul3A_1383 : f32
      %eq3A_1385 = arith.constant 14 : i32
      %eq3A_1386 = vector.broadcast %eq3A_1385 : i32 to vector<16xi32>
      %eq3A_1387 = arith.cmpi eq, %iota3A, %eq3A_1386 : vector<16xi32>
      %broadcast_in_dim3A_1388 = vector.broadcast %mul3A_1384 : f32 to vector<16xf32>
      %select_n3A_1389 = arith.select %eq3A_1387, %broadcast_in_dim3A_1388, %select_n3A_1298 : vector<16xi1>, vector<16xf32>
      %mul3A_1390 = arith.constant 16 : i32
      %mul3A_1391 = arith.muli %add3A_31, %mul3A_1390 : i32
      %add3A_1392 = arith.constant 15 : i32
      %add3A_1393 = arith.addi %mul3A_1391, %add3A_1392 : i32
      %add3A_1394 = arith.constant 4 : i32
      %add3A_1395 = arith.addi %add3A_1393, %add3A_1394 : i32
      %sub3A_1396 = arith.constant 1 : i32
      %sub3A_1397 = arith.subi %add3A_1395, %sub3A_1396 : i32
      %lt3A_1398 = arith.constant 128 : i32
      %lt3A_1399 = arith.cmpi slt, %sub3A_1397, %lt3A_1398 : i32
      %convert_element_type3A_1400 = arith.extui %lt3A_1399 : i1 to i32
      %cond3A_1401 = arith.constant 0 : i32
      %cond3A_1402 = arith.cmpi ne, %convert_element_type3A_1400, %cond3A_1401 : i32
      scf.if %cond3A_1402 {
        %dma_start3A_1484 = arith.constant 0 : i32
        %dma_start3A_1485 = tpu.memref_slice %arg5[%sub3A_1397, %dma_start3A_1484] : memref<128x100xi32, #tpu.memory_space<vmem>> -> memref<1x100xi32, #tpu.memory_space<vmem>>
        %dma_start3A_1486 = tpu.memref_squeeze %dma_start3A_1485 : memref<1x100xi32, #tpu.memory_space<vmem>> -> memref<100xi32, #tpu.memory_space<vmem>>
        %dma_start3A_1487 = arith.constant 0 : i32
        %dma_start3A_1488 = arith.constant 0 : i32
        %dma_start3A_1489 = tpu.memref_slice %arg2[%dma_start3A_1487, %dma_start3A_1488] : memref<100000x128xf32, #tpu.memory_space<hbm>> -> memref<100000x128xf32, #tpu.memory_space<hbm>>
        tpu.enqueue_indirect_dma source(%dma_start3A_1489 : memref<100000x128xf32, #tpu.memory_space<hbm>>) target(%arg8 : memref<100x128xf32, #tpu.memory_space<vmem>>) offsets(%dma_start3A_1486 : memref<100xi32, #tpu.memory_space<vmem>>) semaphore(%arg13 : memref<!tpu.dma_semaphore, #tpu.memory_space<semaphore_mem>>)
      } else {
      }
      %dma_wait3A_1403 = arith.constant 0 : i32
      %dma_wait3A_1404 = tpu.memref_slice %arg5[%add3A_1393, %dma_wait3A_1403] : memref<128x100xi32, #tpu.memory_space<vmem>> -> memref<1x100xi32, #tpu.memory_space<vmem>>
      %dma_wait3A_1405 = tpu.memref_squeeze %dma_wait3A_1404 : memref<1x100xi32, #tpu.memory_space<vmem>> -> memref<100xi32, #tpu.memory_space<vmem>>
      %dma_wait3A_1406 = arith.constant 0 : i32
      %dma_wait3A_1407 = arith.constant 0 : i32
      %dma_wait3A_1408 = tpu.memref_slice %arg2[%dma_wait3A_1406, %dma_wait3A_1407] : memref<100000x128xf32, #tpu.memory_space<hbm>> -> memref<100000x128xf32, #tpu.memory_space<hbm>>
      tpu.wait_indirect_dma semaphore(%arg14 : memref<!tpu.dma_semaphore, #tpu.memory_space<semaphore_mem>>) src(%dma_wait3A_1408 : memref<100000x128xf32, #tpu.memory_space<hbm>>) dst(%arg9 : memref<100x128xf32, #tpu.memory_space<vmem>>)
      %broadcast_in_dim3A_1409 = arith.constant 0.000000e+00 : f32
      %broadcast_in_dim3A_1410 = vector.broadcast %broadcast_in_dim3A_1409 : f32 to vector<16xf32>
      %broadcast_in_dim3A_1411 = arith.constant 0.000000e+00 : f32
      %broadcast_in_dim3A_1412 = vector.broadcast %broadcast_in_dim3A_1411 : f32 to vector<16xf32>
      %broadcast_in_dim3A_1413 = arith.constant 0.000000e+00 : f32
      %broadcast_in_dim3A_1414 = vector.broadcast %broadcast_in_dim3A_1413 : f32 to vector<16xf32>
      %broadcast_in_dim3A_1415 = arith.constant 0.000000e+00 : f32
      %broadcast_in_dim3A_1416 = vector.broadcast %broadcast_in_dim3A_1415 : f32 to vector<16xf32>
      %broadcast_in_dim3A_1417 = arith.constant 0.000000e+00 : f32
      %broadcast_in_dim3A_1418 = vector.broadcast %broadcast_in_dim3A_1417 : f32 to vector<16xf32>
      %broadcast_in_dim3A_1419 = arith.constant 0.000000e+00 : f32
      %broadcast_in_dim3A_1420 = vector.broadcast %broadcast_in_dim3A_1419 : f32 to vector<16xf32>
      %broadcast_in_dim3A_1421 = arith.constant 0.000000e+00 : f32
      %broadcast_in_dim3A_1422 = vector.broadcast %broadcast_in_dim3A_1421 : f32 to vector<16xf32>
      %broadcast_in_dim3A_1423 = arith.constant 0.000000e+00 : f32
      %broadcast_in_dim3A_1424 = vector.broadcast %broadcast_in_dim3A_1423 : f32 to vector<16xf32>
      %broadcast_in_dim3A_1425 = arith.constant 0.000000e+00 : f32
      %broadcast_in_dim3A_1426 = vector.broadcast %broadcast_in_dim3A_1425 : f32 to vector<16xf32>
      %broadcast_in_dim3A_1427 = arith.constant 0.000000e+00 : f32
      %broadcast_in_dim3A_1428 = vector.broadcast %broadcast_in_dim3A_1427 : f32 to vector<16xf32>
      %broadcast_in_dim3A_1429 = arith.constant 0.000000e+00 : f32
      %broadcast_in_dim3A_1430 = vector.broadcast %broadcast_in_dim3A_1429 : f32 to vector<16xf32>
      %broadcast_in_dim3A_1431 = arith.constant 0.000000e+00 : f32
      %broadcast_in_dim3A_1432 = vector.broadcast %broadcast_in_dim3A_1431 : f32 to vector<16xf32>
      %broadcast_in_dim3A_1433 = arith.constant 0.000000e+00 : f32
      %broadcast_in_dim3A_1434 = vector.broadcast %broadcast_in_dim3A_1433 : f32 to vector<16xf32>
      %broadcast_in_dim3A_1435 = arith.constant 0.000000e+00 : f32
      %broadcast_in_dim3A_1436 = vector.broadcast %broadcast_in_dim3A_1435 : f32 to vector<16xf32>
      %broadcast_in_dim3A_1437 = arith.constant 0.000000e+00 : f32
      %broadcast_in_dim3A_1438 = vector.broadcast %broadcast_in_dim3A_1437 : f32 to vector<16xf32>
      %broadcast_in_dim3A_1439 = arith.constant 0.000000e+00 : f32
      %broadcast_in_dim3A_1440 = vector.broadcast %broadcast_in_dim3A_1439 : f32 to vector<16xf32>
      %scan3A_1441 = arith.constant 0 : i32
      %scan3A_1442 = arith.constant 100 : i32
      %scan3A_1443 = arith.addi %scan3A_1441, %scan3A_1442 : i32
      %scan3A_1444 = arith.constant 2 : i32
      %scan3A_1445:16 = scf.for %scan3A_1484 = %scan3A_1441 to %scan3A_1443 step %scan3A_1444 iter_args(%scan3A_1485 = %broadcast_in_dim3A_1410, %scan3A_1486 = %broadcast_in_dim3A_1412, %scan3A_1487 = %broadcast_in_dim3A_1414, %scan3A_1488 = %broadcast_in_dim3A_1416, %scan3A_1489 = %broadcast_in_dim3A_1418, %scan3A_1490 = %broadcast_in_dim3A_1420, %scan3A_1491 = %broadcast_in_dim3A_1422, %scan3A_1492 = %broadcast_in_dim3A_1424, %scan3A_1493 = %broadcast_in_dim3A_1426, %scan3A_1494 = %broadcast_in_dim3A_1428, %scan3A_1495 = %broadcast_in_dim3A_1430, %scan3A_1496 = %broadcast_in_dim3A_1432, %scan3A_1497 = %broadcast_in_dim3A_1434, %scan3A_1498 = %broadcast_in_dim3A_1436, %scan3A_1499 = %broadcast_in_dim3A_1438, %scan3A_1500 = %broadcast_in_dim3A_1440) -> (vector<16xf32>, vector<16xf32>, vector<16xf32>, vector<16xf32>, vector<16xf32>, vector<16xf32>, vector<16xf32>, vector<16xf32>, vector<16xf32>, vector<16xf32>, vector<16xf32>, vector<16xf32>, vector<16xf32>, vector<16xf32>, vector<16xf32>, vector<16xf32>)  : i32 {
        %get3A = arith.index_cast %scan3A_1484 : i32 to index
        %get3A_1501 = arith.constant 0 : index
        %get3A_1502 = tpu.vector_load %arg9[%get3A, %get3A_1501] {strides = array<i32>} : memref<100x128xf32, #tpu.memory_space<vmem>>, vector<16xf32>,
        %add3A_1503 = arith.addf %scan3A_1485, %get3A_1502 : vector<16xf32>
        %mul3A_1504 = arith.mulf %get3A_1502, %get3A_1502 : vector<16xf32>
        %add3A_1505 = arith.addf %scan3A_1493, %mul3A_1504 : vector<16xf32>
        %get3A_1506 = arith.index_cast %scan3A_1484 : i32 to index
        %get3A_1507 = arith.constant 16 : index
        %get3A_1508 = tpu.vector_load %arg9[%get3A_1506, %get3A_1507] {strides = array<i32>} : memref<100x128xf32, #tpu.memory_space<vmem>>, vector<16xf32>,
        %add3A_1509 = arith.addf %scan3A_1486, %get3A_1508 : vector<16xf32>
        %mul3A_1510 = arith.mulf %get3A_1508, %get3A_1508 : vector<16xf32>
        %add3A_1511 = arith.addf %scan3A_1494, %mul3A_1510 : vector<16xf32>
        %get3A_1512 = arith.index_cast %scan3A_1484 : i32 to index
        %get3A_1513 = arith.constant 32 : index
        %get3A_1514 = tpu.vector_load %arg9[%get3A_1512, %get3A_1513] {strides = array<i32>} : memref<100x128xf32, #tpu.memory_space<vmem>>, vector<16xf32>,
        %add3A_1515 = arith.addf %scan3A_1487, %get3A_1514 : vector<16xf32>
        %mul3A_1516 = arith.mulf %get3A_1514, %get3A_1514 : vector<16xf32>
        %add3A_1517 = arith.addf %scan3A_1495, %mul3A_1516 : vector<16xf32>
        %get3A_1518 = arith.index_cast %scan3A_1484 : i32 to index
        %get3A_1519 = arith.constant 48 : index
        %get3A_1520 = tpu.vector_load %arg9[%get3A_1518, %get3A_1519] {strides = array<i32>} : memref<100x128xf32, #tpu.memory_space<vmem>>, vector<16xf32>,
        %add3A_1521 = arith.addf %scan3A_1488, %get3A_1520 : vector<16xf32>
        %mul3A_1522 = arith.mulf %get3A_1520, %get3A_1520 : vector<16xf32>
        %add3A_1523 = arith.addf %scan3A_1496, %mul3A_1522 : vector<16xf32>
        %get3A_1524 = arith.index_cast %scan3A_1484 : i32 to index
        %get3A_1525 = arith.constant 64 : index
        %get3A_1526 = tpu.vector_load %arg9[%get3A_1524, %get3A_1525] {strides = array<i32>} : memref<100x128xf32, #tpu.memory_space<vmem>>, vector<16xf32>,
        %add3A_1527 = arith.addf %scan3A_1489, %get3A_1526 : vector<16xf32>
        %mul3A_1528 = arith.mulf %get3A_1526, %get3A_1526 : vector<16xf32>
        %add3A_1529 = arith.addf %scan3A_1497, %mul3A_1528 : vector<16xf32>
        %get3A_1530 = arith.index_cast %scan3A_1484 : i32 to index
        %get3A_1531 = arith.constant 80 : index
        %get3A_1532 = tpu.vector_load %arg9[%get3A_1530, %get3A_1531] {strides = array<i32>} : memref<100x128xf32, #tpu.memory_space<vmem>>, vector<16xf32>,
        %add3A_1533 = arith.addf %scan3A_1490, %get3A_1532 : vector<16xf32>
        %mul3A_1534 = arith.mulf %get3A_1532, %get3A_1532 : vector<16xf32>
        %add3A_1535 = arith.addf %scan3A_1498, %mul3A_1534 : vector<16xf32>
        %get3A_1536 = arith.index_cast %scan3A_1484 : i32 to index
        %get3A_1537 = arith.constant 96 : index
        %get3A_1538 = tpu.vector_load %arg9[%get3A_1536, %get3A_1537] {strides = array<i32>} : memref<100x128xf32, #tpu.memory_space<vmem>>, vector<16xf32>,
        %add3A_1539 = arith.addf %scan3A_1491, %get3A_1538 : vector<16xf32>
        %mul3A_1540 = arith.mulf %get3A_1538, %get3A_1538 : vector<16xf32>
        %add3A_1541 = arith.addf %scan3A_1499, %mul3A_1540 : vector<16xf32>
        %get3A_1542 = arith.index_cast %scan3A_1484 : i32 to index
        %get3A_1543 = arith.constant 112 : index
        %get3A_1544 = tpu.vector_load %arg9[%get3A_1542, %get3A_1543] {strides = array<i32>} : memref<100x128xf32, #tpu.memory_space<vmem>>, vector<16xf32>,
        %add3A_1545 = arith.addf %scan3A_1492, %get3A_1544 : vector<16xf32>
        %mul3A_1546 = arith.mulf %get3A_1544, %get3A_1544 : vector<16xf32>
        %add3A_1547 = arith.addf %scan3A_1500, %mul3A_1546 : vector<16xf32>
        %scan3A_1548 = arith.constant 1 : i32
        %scan3A_1549 = arith.addi %scan3A_1484, %scan3A_1548 : i32
        %get3A_1550 = arith.index_cast %scan3A_1549 : i32 to index
        %get3A_1551 = arith.constant 0 : index
        %get3A_1552 = tpu.vector_load %arg9[%get3A_1550, %get3A_1551] {strides = array<i32>} : memref<100x128xf32, #tpu.memory_space<vmem>>, vector<16xf32>,
        %add3A_1553 = arith.addf %add3A_1503, %get3A_1552 : vector<16xf32>
        %mul3A_1554 = arith.mulf %get3A_1552, %get3A_1552 : vector<16xf32>
        %add3A_1555 = arith.addf %add3A_1505, %mul3A_1554 : vector<16xf32>
        %get3A_1556 = arith.index_cast %scan3A_1549 : i32 to index
        %get3A_1557 = arith.constant 16 : index
        %get3A_1558 = tpu.vector_load %arg9[%get3A_1556, %get3A_1557] {strides = array<i32>} : memref<100x128xf32, #tpu.memory_space<vmem>>, vector<16xf32>,
        %add3A_1559 = arith.addf %add3A_1509, %get3A_1558 : vector<16xf32>
        %mul3A_1560 = arith.mulf %get3A_1558, %get3A_1558 : vector<16xf32>
        %add3A_1561 = arith.addf %add3A_1511, %mul3A_1560 : vector<16xf32>
        %get3A_1562 = arith.index_cast %scan3A_1549 : i32 to index
        %get3A_1563 = arith.constant 32 : index
        %get3A_1564 = tpu.vector_load %arg9[%get3A_1562, %get3A_1563] {strides = array<i32>} : memref<100x128xf32, #tpu.memory_space<vmem>>, vector<16xf32>,
        %add3A_1565 = arith.addf %add3A_1515, %get3A_1564 : vector<16xf32>
        %mul3A_1566 = arith.mulf %get3A_1564, %get3A_1564 : vector<16xf32>
        %add3A_1567 = arith.addf %add3A_1517, %mul3A_1566 : vector<16xf32>
        %get3A_1568 = arith.index_cast %scan3A_1549 : i32 to index
        %get3A_1569 = arith.constant 48 : index
        %get3A_1570 = tpu.vector_load %arg9[%get3A_1568, %get3A_1569] {strides = array<i32>} : memref<100x128xf32, #tpu.memory_space<vmem>>, vector<16xf32>,
        %add3A_1571 = arith.addf %add3A_1521, %get3A_1570 : vector<16xf32>
        %mul3A_1572 = arith.mulf %get3A_1570, %get3A_1570 : vector<16xf32>
        %add3A_1573 = arith.addf %add3A_1523, %mul3A_1572 : vector<16xf32>
        %get3A_1574 = arith.index_cast %scan3A_1549 : i32 to index
        %get3A_1575 = arith.constant 64 : index
        %get3A_1576 = tpu.vector_load %arg9[%get3A_1574, %get3A_1575] {strides = array<i32>} : memref<100x128xf32, #tpu.memory_space<vmem>>, vector<16xf32>,
        %add3A_1577 = arith.addf %add3A_1527, %get3A_1576 : vector<16xf32>
        %mul3A_1578 = arith.mulf %get3A_1576, %get3A_1576 : vector<16xf32>
        %add3A_1579 = arith.addf %add3A_1529, %mul3A_1578 : vector<16xf32>
        %get3A_1580 = arith.index_cast %scan3A_1549 : i32 to index
        %get3A_1581 = arith.constant 80 : index
        %get3A_1582 = tpu.vector_load %arg9[%get3A_1580, %get3A_1581] {strides = array<i32>} : memref<100x128xf32, #tpu.memory_space<vmem>>, vector<16xf32>,
        %add3A_1583 = arith.addf %add3A_1533, %get3A_1582 : vector<16xf32>
        %mul3A_1584 = arith.mulf %get3A_1582, %get3A_1582 : vector<16xf32>
        %add3A_1585 = arith.addf %add3A_1535, %mul3A_1584 : vector<16xf32>
        %get3A_1586 = arith.index_cast %scan3A_1549 : i32 to index
        %get3A_1587 = arith.constant 96 : index
        %get3A_1588 = tpu.vector_load %arg9[%get3A_1586, %get3A_1587] {strides = array<i32>} : memref<100x128xf32, #tpu.memory_space<vmem>>, vector<16xf32>,
        %add3A_1589 = arith.addf %add3A_1539, %get3A_1588 : vector<16xf32>
        %mul3A_1590 = arith.mulf %get3A_1588, %get3A_1588 : vector<16xf32>
        %add3A_1591 = arith.addf %add3A_1541, %mul3A_1590 : vector<16xf32>
        %get3A_1592 = arith.index_cast %scan3A_1549 : i32 to index
        %get3A_1593 = arith.constant 112 : index
        %get3A_1594 = tpu.vector_load %arg9[%get3A_1592, %get3A_1593] {strides = array<i32>} : memref<100x128xf32, #tpu.memory_space<vmem>>, vector<16xf32>,
        %add3A_1595 = arith.addf %add3A_1545, %get3A_1594 : vector<16xf32>
        %mul3A_1596 = arith.mulf %get3A_1594, %get3A_1594 : vector<16xf32>
        %add3A_1597 = arith.addf %add3A_1547, %mul3A_1596 : vector<16xf32>
        scf.yield %add3A_1553, %add3A_1559, %add3A_1565, %add3A_1571, %add3A_1577, %add3A_1583, %add3A_1589, %add3A_1595, %add3A_1555, %add3A_1561, %add3A_1567, %add3A_1573, %add3A_1579, %add3A_1585, %add3A_1591, %add3A_1597 : vector<16xf32>, vector<16xf32>, vector<16xf32>, vector<16xf32>, vector<16xf32>, vector<16xf32>, vector<16xf32>, vector<16xf32>, vector<16xf32>, vector<16xf32>, vector<16xf32>, vector<16xf32>, vector<16xf32>, vector<16xf32>, vector<16xf32>, vector<16xf32>
      }
      %scan3A_1446 = arith.constant 100 : i32
      %mul3A_1447 = arith.mulf %scan3A_1445#0, %scan3A_1445#0 : vector<16xf32>
      %sub3A_1448 = arith.subf %mul3A_1447, %scan3A_1445#8 : vector<16xf32>
      %mul3A_1449 = arith.mulf %scan3A_1445#1, %scan3A_1445#1 : vector<16xf32>
      %sub3A_1450 = arith.subf %mul3A_1449, %scan3A_1445#9 : vector<16xf32>
      %add3A_1451 = arith.addf %sub3A_1448, %sub3A_1450 : vector<16xf32>
      %mul3A_1452 = arith.mulf %scan3A_1445#2, %scan3A_1445#2 : vector<16xf32>
      %sub3A_1453 = arith.subf %mul3A_1452, %scan3A_1445#10 : vector<16xf32>
      %add3A_1454 = arith.addf %add3A_1451, %sub3A_1453 : vector<16xf32>
      %mul3A_1455 = arith.mulf %scan3A_1445#3, %scan3A_1445#3 : vector<16xf32>
      %sub3A_1456 = arith.subf %mul3A_1455, %scan3A_1445#11 : vector<16xf32>
      %add3A_1457 = arith.addf %add3A_1454, %sub3A_1456 : vector<16xf32>
      %mul3A_1458 = arith.mulf %scan3A_1445#4, %scan3A_1445#4 : vector<16xf32>
      %sub3A_1459 = arith.subf %mul3A_1458, %scan3A_1445#12 : vector<16xf32>
      %add3A_1460 = arith.addf %add3A_1457, %sub3A_1459 : vector<16xf32>
      %mul3A_1461 = arith.mulf %scan3A_1445#5, %scan3A_1445#5 : vector<16xf32>
      %sub3A_1462 = arith.subf %mul3A_1461, %scan3A_1445#13 : vector<16xf32>
      %add3A_1463 = arith.addf %add3A_1460, %sub3A_1462 : vector<16xf32>
      %mul3A_1464 = arith.mulf %scan3A_1445#6, %scan3A_1445#6 : vector<16xf32>
      %sub3A_1465 = arith.subf %mul3A_1464, %scan3A_1445#14 : vector<16xf32>
      %add3A_1466 = arith.addf %add3A_1463, %sub3A_1465 : vector<16xf32>
      %mul3A_1467 = arith.mulf %scan3A_1445#7, %scan3A_1445#7 : vector<16xf32>
      %sub3A_1468 = arith.subf %mul3A_1467, %scan3A_1445#15 : vector<16xf32>
      %add3A_1469 = arith.addf %add3A_1466, %sub3A_1468 : vector<16xf32>
      %reduce_sum3A_1470 = arith.constant true
      %reduce_sum3A_1471 = vector.broadcast %reduce_sum3A_1470 : i1 to vector<16xi1>
      %reduce_sum3A_1472 = tpu.scan <sum>, %add3A_1469 masked %reduce_sum3A_1471 : vector<16xf32>, vector<16xi1> -> vector<16xf32>
      %reduce_sum3A_1473 = vector.extract %reduce_sum3A_1472[15] : f32 from vector<16xf32>
      %mul3A_1474 = arith.constant 5.000000e-01 : f32
      %mul3A_1475 = arith.mulf %reduce_sum3A_1473, %mul3A_1474 : f32
      %eq3A_1476 = arith.constant 15 : i32
      %eq3A_1477 = vector.broadcast %eq3A_1476 : i32 to vector<16xi32>
      %eq3A_1478 = arith.cmpi eq, %iota3A, %eq3A_1477 : vector<16xi32>
      %broadcast_in_dim3A_1479 = vector.broadcast %mul3A_1475 : f32 to vector<16xf32>
      %select_n3A_1480 = arith.select %eq3A_1478, %broadcast_in_dim3A_1479, %select_n3A_1389 : vector<16xi1>, vector<16xf32>
      %mul3A_1481 = arith.constant 16 : i32
      %mul3A_1482 = arith.muli %add3A_31, %mul3A_1481 : i32
      %swap3A = arith.index_cast %mul3A_1482 : i32 to index
      %swap3A_1483 = tpu.vector_load %arg10[%swap3A] {strides = array<i32>} : memref<128xf32, #tpu.memory_space<vmem>>, vector<16xf32>,
      tpu.vector_store %arg10[%swap3A], %select_n3A_1480 {strides = array<i32>} : memref<128xf32, #tpu.memory_space<vmem>>, vector<16xf32>,
    }
    %scan3A_26 = arith.constant 8 : i32
    "tpu.region"() ({
      %run_scoped3A = tpu.sem_alloc : memref<!tpu.dma_semaphore, #tpu.memory_space<semaphore_mem>>
      %dma_start3A_27 = tpu.memref_slice %arg4[%mul3A_2] : memref<4096xf32, #tpu.memory_space<hbm>> -> memref<128xf32, #tpu.memory_space<hbm>>
      %dma_start3A_28 = tpu.memref_slice %arg4[%mul3A_2] : memref<4096xf32, #tpu.memory_space<hbm>> -> memref<128xf32, #tpu.memory_space<hbm>>
      tpu.enqueue_dma source(%arg10 : memref<128xf32, #tpu.memory_space<vmem>>) target(%dma_start3A_28 : memref<128xf32, #tpu.memory_space<hbm>>) target_semaphore(%run_scoped3A : memref<!tpu.dma_semaphore, #tpu.memory_space<semaphore_mem>>)
      %dma_wait3A = tpu.memref_slice %arg4[%mul3A_2] : memref<4096xf32, #tpu.memory_space<hbm>> -> memref<128xf32, #tpu.memory_space<hbm>>
      %dma_wait3A_29 = tpu.memref_slice %arg4[%mul3A_2] : memref<4096xf32, #tpu.memory_space<hbm>> -> memref<128xf32, #tpu.memory_space<hbm>>
      tpu.wait_dma2 semaphore(%run_scoped3A : memref<!tpu.dma_semaphore, #tpu.memory_space<semaphore_mem>>) src(%arg10 : memref<128xf32, #tpu.memory_space<vmem>>) dst(%dma_wait3A_29 : memref<128xf32, #tpu.memory_space<hbm>>)
      tpu.yield
    }) : () -> ()
    return
  }
}

</mosaic_0001>

<sc_bundles>
// kernel: kernel.3.cloned.1.call-start
scs
__scs_entry_jumppad:
0x0: {  	(pc) =	sbr.rel $0x88, $3  }
0x1: {  	(tag) =	ssettag $0x0;
	lr =	simm.s32 $0x1  }
0x2: {  	[smem:$0x3F9F] =	sst lr;
	_ =	strace $0xD0000000  }
0x3: {  	_ = 	snop  }
0x4: {  	_ = 	snop  }
0x5: {  	_ = 	snop  }
0x6: {  	_ = 	snop  }
0x7: {  	_ = 	snop  }
__scs_overlays_trampoline_lowered:
0x8: {  	[smem:$0x3FAE] =	sst s0  }
0x9: {  	[smem:$0x3FAF] =	sst s1  }
0xa: {  	[smem:$0x3FB0] =	sst s2  }
0xb: {  	[smem:$0x3FB1] =	sst s3  }
0xc: {  	[smem:$0x3FB2] =	sst s4  }
0xd: {  	[smem:$0x3FB3] =	sst s5  }
0xe: {  	[smem:$0x3FB4] =	sst s6  }
0xf: {  	[smem:$0x3FB5] =	sst s7  }
0x10: {  	[smem:$0x3FB6] =	sst s8  }
0x11: {  	[smem:$0x3FB7] =	sst s9;
	s0 =	simm.s32 @!p0 $0x0  }
0x12: {  	s1 =	sld [smem:$0x3F9D];
	s0 =	simm.s32 @p0 $0x1  }
0x13: {  	[smem:$0x3FB8] =	sst s0;
	s0 =	simm.s32 @!p1 $0x0  }
0x14: {  	s2 =	sld [smem:$0x3F9C];
	s0 =	simm.s32 @p1 $0x1  }
0x15: {  	[smem:$0x3FB9] =	sst s0;
	s0 =	simm.s32 @!p2 $0x0  }
0x16: {  	s3 =	sld [smem:$0x3FDB];
	s0 =	simm.s32 @p2 $0x1  }
0x17: {  	s4 =	simm.s32 $0x1BF5;
	[smem:$0x3FBB] =	sst s0  }
0x18: {  	s0 =	sld [smem:$0x3F9E];
	_ =	swait.ge [sflag:s4], $0x0  }
0x19: {  	s7 =	sld [smem:$0x3F9F]  }
0x1a: {  	s8 =	sadd.s32 $0xFFFFE003, lr  }
0x1b: {  	s9 =	sadd.s32 $0xFFFFFEF7, lr;
	s5 =	simm.s32 $0xFFFFFFFF;
	p2 =	slt.u32 s8, $0xFFFFF086  }
0x1c: {  	p1 =	slt.u32 s9, $0xF7A;
	s5 =	simm.s32 @!p2 $0x0  }
0x1d: {  	s5 =	simm.s32 @p1 $0x1;
	p0 =	seq.s32 s7, s2  }
0x1e: {  	s7 =	smul.u32 @!p0 $0xF7A, s2;
	p2 =	seq.s32 @!p0 s5, $0x0  }
0x1f: {  	s9 =	smul.u32 $0xF7A, s1;
	s8 =	simm.s32 @!p0 $0x1BF5;
	p2 =	por !p2, p0  }
0x20: {  	[sflag:s8] =	ssyncset.s32 @!p0 $0xFFFFF086;
	s6 =	sadd.s32 @!p0 s3, s7;
	s7 =	simm.s32 @!p0 $0x108  }
0x21: {  	s3 =	sadd.s32 s3, s9;
	s6 =	sadd.s32 @!p0 $0x88, s6;
	s7 =	simm.s32 @p2 $0x1082  }
0x22: {  	[simem:s7], [sflag:s8] =	dma.local @!p0 [hbm:s6], $0xF7A  }
0x23: {  	s9 =	sor.u32 $0xD0000000, s2;
	s6 =	simm.s32 $0x108;
	_ =	swait.ge @!p0 [sflag:s8], $0x0  }
0x24: {  	s3 =	sadd.s32 $0x88, s3;
	s6 =	simm.s32 @!p1 $0x1082;
	[sflag:s4] =	ssyncset.s32 $0xFFFFF086  }
0x25: {  	[simem:s6], [sflag:s4] =	dma.local [hbm:s3], $0xF7A  }
0x26: {  	[smem:$0x3F9F] =	sst s1;
	(tag) =	ssettag s2;
	_ =	strace s9  }
0x27: {  	s1 =	sld [smem:$0x3FAF]  }
0x28: {  	s2 =	sld [smem:$0x3FB0]  }
0x29: {  	s4 =	sld [smem:$0x3FB2]  }
0x2a: {  	p0 =	seq.s32 s5, $0x0;
	s5 =	sld [smem:$0x3FB3]  }
0x2b: {  	s6 =	sld [smem:$0x3FB4]  }
0x2c: {  	s7 =	sld [smem:$0x3FB5]  }
0x2d: {  	s3 =	simm.s32 $0x108;
	s8 =	sld [smem:$0x3FB6]  }
0x2e: {  	s3 =	simm.s32 @!p0 $0x1082;
	s9 =	sld [smem:$0x3FB7]  }
0x2f: {  	lr =	sadd.s32 s0, s3;
	s0 =	sld [smem:$0x3FAE]  }
0x30: {  	s3 =	sld [smem:$0x3FB1]  }
0x31: {  	[smem:$0x3FBA] =	sst s10  }
0x32: {  	s10 =	sld [smem:$0x3FB8];
	_ =	sdelay $0x3  }
0x33: {  	p0 =	seq.s32 s10, $0x1;
	s10 =	sld [smem:$0x3FBA];
	_ =	sdelay $0x3  }
0x34: {  	[smem:$0x3FBA] =	sst s10  }
0x35: {  	s10 =	sld [smem:$0x3FB9];
	_ =	sdelay $0x3  }
0x36: {  	p1 =	seq.s32 s10, $0x1;
	s10 =	sld [smem:$0x3FBA];
	_ =	sdelay $0x3  }
0x37: {  	[smem:$0x3FBA] =	sst s10  }
0x38: {  	s10 =	sld [smem:$0x3FBB]  }
0x39: {  	_ = 	snop;
	(pc) =	sbr.ind lr, $3  }
0x3a: {  	_ = 	snop  }
0x3b: {  	_ = 	snop  }
0x3c: {  	p2 =	seq.s32 s10, $0x1;
	s10 =	sld [smem:$0x3FBA]  }
0x3d: {  	_ =	shalt  }
0x3e: {  	_ =	shalt  }
0x3f: {  	_ =	shalt  }
0x40: {  	_ =	shalt  }
0x41: {  	_ =	shalt  }
0x42: {  	_ =	shalt  }
0x43: {  	_ =	shalt  }
0x44: {  	_ =	shalt  }
0x45: {  	_ =	shalt  }
0x46: {  	_ =	shalt  }
0x47: {  	_ =	shalt  }
0x48: {  	_ =	shalt  }
0x49: {  	_ =	shalt  }
0x4a: {  	_ =	shalt  }
0x4b: {  	_ =	shalt  }
0x4c: {  	_ =	shalt  }
0x4d: {  	_ =	shalt  }
0x4e: {  	_ =	shalt  }
0x4f: {  	_ =	shalt  }
0x50: {  	_ =	shalt  }
0x51: {  	_ =	shalt  }
0x52: {  	_ =	shalt  }
0x53: {  	_ =	shalt  }
0x54: {  	_ =	shalt  }
0x55: {  	_ =	shalt  }
0x56: {  	_ =	shalt  }
0x57: {  	_ =	shalt  }
0x58: {  	_ =	shalt  }
0x59: {  	_ =	shalt  }
0x5a: {  	_ =	shalt  }
0x5b: {  	_ =	shalt  }
0x5c: {  	_ =	shalt  }
0x5d: {  	_ =	shalt  }
0x5e: {  	_ =	shalt  }
0x5f: {  	_ =	shalt  }
0x60: {  	_ =	shalt  }
0x61: {  	_ =	shalt  }
0x62: {  	_ =	shalt  }
0x63: {  	_ =	shalt  }
0x64: {  	_ =	shalt  }
0x65: {  	_ =	shalt  }
0x66: {  	_ =	shalt  }
0x67: {  	_ =	shalt  }
0x68: {  	_ =	shalt  }
0x69: {  	_ =	shalt  }
0x6a: {  	_ =	shalt  }
0x6b: {  	_ =	shalt  }
0x6c: {  	_ =	shalt  }
0x6d: {  	_ =	shalt  }
0x6e: {  	_ =	shalt  }
0x6f: {  	_ =	shalt  }
0x70: {  	_ =	shalt  }
0x71: {  	_ =	shalt  }
0x72: {  	_ =	shalt  }
0x73: {  	_ =	shalt  }
0x74: {  	_ =	shalt  }
0x75: {  	_ =	shalt  }
0x76: {  	_ =	shalt  }
0x77: {  	_ =	shalt  }
0x78: {  	_ =	shalt  }
0x79: {  	_ =	shalt  }
0x7a: {  	_ =	shalt  }
0x7b: {  	_ =	shalt  }
0x7c: {  	_ =	shalt  }
0x7d: {  	_ =	shalt  }
0x7e: {  	_ =	shalt  }
0x7f: {  	_ =	shalt  }
0x80: {  	_ =	shalt  }
0x81: {  	_ =	shalt  }
0x82: {  	_ =	shalt  }
0x83: {  	_ =	shalt  }
0x84: {  	_ =	shalt  }
0x85: {  	_ =	shalt  }
0x86: {  	_ =	shalt  }
0x87: {  	_ =	shalt  }
.Lfunc_end0:
.L_simem_size_0:
called_computation_lowered:
.L_overlay_start_0:
0x88: {  	s2 =	sld [smem:$0x3FD9]  }
0x89: {  	s3 =	sld [smem:$0x3FFE];
	_ =	sdelay $0x1  }
0x8a: {  	s1 =	srdreg.scid  }
0x8b: {  	s0 =	sand.u32 $0x1, s1  }
0x8c: {  	s17 =	sshll.u32 s0, $0xA;
	s2 =	sadd.s32 s3, s2  }
0x8d: {  	s2 =	sadd.s32 s2, s17  }
0x8e: {  	[smem:$0x3FC6] =	sst s2  }
0x8f: {  	_ = 	snop  }
0x90: {  	s2 =	sld [smem:$0x3FC8]  }
0x91: {  	s18 =	sld [smem:$0x3FD0];
	(tm) =	ssettm $0x1  }
0x92: {  	s4 =	sld [smem:$0x3FFB];
	_ =	sdelay $0x3  }
0x93: {  	_ =	strace s4  }
0x94: {  	s4 =	sld [smem:$0x3FFC];
	_ =	sdelay $0x3  }
0x95: {  	_ =	strace s4  }
0x96: {  	s4 =	sld [smem:$0x3FFD];
	_ =	sdelay $0x3  }
0x97: {  	_ =	strace s4  }
0x98: {  	_ =	strace $0x8FFFFFFF  }
0x99: {  	s19 =	sld [smem:$0x3FDB];
	_ =	sdelay $0x1  }
0x9a: {  	s5 =	simm.s32 $_scs_section_size  }
0x9b: {  	s6 =	simm.s32 $_size__tile_overlayer_lowered;
	s7 =	simm.s32 $_tile_overlayer_lowered  }
0x9c: {  	s22 =	simm.s32 $0x1BFF;
	s21 =	sshll.u32 s7, $0x1;
	s4 =	sadd.s32 s5, s19  }
0x9d: {  	s8 =	simm.s32 $0x0;
	s20 =	sshll.u32 s6, $0x1;
	s6 =	sadd.s32 s21, s4  }
0x9e: {  	[timem:s8], [sflag:s22] =	dma.local [hbm:s6], s20  }
0x9f: {  	_ =	swait.ge [sflag:s22], s20  }
0xa0: {  	s5 =	ssub.s32 $0x0, s20;
	[sflag:s22] =	ssyncset.done $0x0  }
0xa1: {  	[sflag:s22] =	ssyncadd.s32 s5;
	_ =	sdelay $0x1  }
0xa2: {  	s23 =	simm.s32 $0x1B8B  }
0xa3: {  	_ =	swait.ge [sflag:s23], $0x1  }
0xa4: {  	[sflag:s23] =	ssyncset.done $0x0  }
0xa5: {  	s25 =	simm.s32 $0x1B8E;
	s24 =	sld [smem:$0x3FFE];
	[sflag:s23] =	ssyncadd.s32 $0xFFFFFFFF  }
0xa6: {  	s26 =	simm.s32 $execute0_lowered;
	[smem:$0x3FD2] =	sst s25  }
0xa7: {  	s6 =	sshll.u32 s26, $0x1;
	_ =	strace $0x80000046;
	[dreg:$0x1] =	wrdreg $0xFFFFFFFF  }
0xa8: {  	s28 =	simm.s32 $_size_execute0_lowered;
	s4 =	sadd.s32 s4, s6;
	[dreg:$0x0] =	wrdreg $0x0  }
0xa9: {  	s6 =	sshll.u32 s28, $0x1;
	[dreg:$0x2] =	wrdreg s4  }
0xaa: {  	[dreg:$0x3] =	wrdreg s6  }
0xab: {  	[dreg:$0x4] =	wrdreg $0xC0  }
0xac: {  	_ =	task [dreg:s8], $0x5FFFF  }
0xad: {  	[dreg:$0x1] =	wrdreg $0xFFFFFFFF  }
0xae: {  	[dreg:$0x0] =	wrdreg $0x60  }
0xaf: {  	[dreg:$0x2] =	wrdreg s2  }
0xb0: {  	[dreg:$0x3] =	wrdreg s24  }
0xb1: {  	[dreg:$0x4] =	wrdreg s18  }
0xb2: {  	[dreg:$0x5] =	wrdreg $0x9  }
0xb3: {  	_ =	task.clear_ibuf [dreg:s8], $0x6FFFF;
	_ =	strace $0x90000046  }
0xb4: {  	s29 =	simm.s32 $0x9;
	_ =	strace $0x80000048  }
0xb5: {  	_ =	swait.ge [sflag:s29], $0x1  }
0xb6: {  	[sflag:s29] =	ssyncadd.s32 $0xFFFFFFFF  }
0xb7: {  	_ =	strace $0x90000048  }
0xb8: {  	_ =	sfence  }
0xb9: {  	s30 =	sld [smem:$0x0];
	_ =	sdelay $0x2  }
0xba: {  	s31 =	sshll.u32 s1, $0xD;
	s1 =	sshrl.u32 s1, $0x2  }
0xbb: {  	s3 =	sand.u32 $0x4000, s31;
	s1 =	sadd.s32 s1, s30  }
0xbc: {  	s0 =	sor.u32 s3, s0;
	s1 =	sshll.u32 s1, $0x11  }
0xbd: {  	s0 =	sor.u32 s1, s0  }
0xbe: {  	s0 =	sadd.s32 $0x8F2B, s0  }
0xbf: {  	[sflag:s0] =	ssyncadd.remote.s32 $0x1  }
0xc0: {  	_ =	sfence.sel $0xFFFF  }
0xc1: {  	[dreg:$0x0] =	wrdreg $0xFFFFFFFF;
	(pc) =	sbr.abs _section_cstart, $3  }
0xc2: {  	[dreg:$0x1] =	wrdreg $0xFFFFFFFF  }
0xc3: {  	_ =	task.clear_ibuf [dreg:s8], $0x2FFFF;
	_ =	strace $0x9FFFFFFF  }
0xc4: {  	(tm) =	ssettm $0x7FFFFFFF  }
0xc5: {  	_ =	shalt  }
tec
execute0_lowered:
.L_overlay_start_1:
0x0: {  	(tag) =	ssettag $0x1  }
0x1: {  	s1 =	rddreg [dreg:$0x0]  }
0x2: {  	s4 =	rddreg [dreg:$0x1]  }
0x3: {  	s5 =	rddreg [dreg:$0x2]  }
0x4: {  	s3 =	srdreg.scid;
	s0 =	stileid.u32;
	s9 =	simm.s32 $0x4000  }
0x5: {  	s11 =	simm.s32 $0x7400;
	s13 =	simm.s32 $0xA800;
	s14 =	simm.s32 $0xDC00  }
0x6: {  	s15 =	simm.s32 $0x1;
	s16 =	simm.s32 $0x2;
	s17 =	simm.s32 $0x3  }
0x7: {  	s18 =	simm.s32 $0x4;
	s20 =	simm.s32 $0x0;
	s6 =	sand.u32 $0x1, s3  }
0x8: {  	s3 =	simm.s32 $0x0;
	s8 =	sshll.u32 s0, $0x7;
	s7 =	sshll.u32 s6, $0xB  }
0x9: {  	[smem:$0x7FF] =	sst s3;
	s6 =	ssub.s32 $0x2, s6;
	s7 =	sor.u32 s8, s7  }
0xa: {  	_ =	strace $0x80000047;
	s30 =	sshrl.u32 s6, $0x1;
	s8 =	sshll.u32 s7, $0x4  }
0xb: {  	vm0 =	vcmask $0x704;
	s7 =	sshrl.u32 s7, $0x3;
	s6 =	ssub.s32 s6, s30;
	s4 =	sadd.s32 s8, s4  }
0xc: {  	vm1 =	vcmask $0xB08;
	vm2 =	vcmask $0xF0C;
	vm3 =	vcmask $0x1310;
	s5 =	sadd.s32 s5, s7;
	s6 =	smax.u32 s6, $0x1;
	s31 =	sadd.s32 $0x400, s4  }
0xd: {  	vm4 =	vcmask $0x1714;
	vm5 =	vcmask $0x1B18;
	vm6 =	vcmask $0x1F1C;
	s7 =	simm.s32 $0x5;
	s8 =	simm.s32 $0x64;
	[dreg:$0x4] =	wrdreg s31  }
.LBB2_1:
0xe: {  	s0 =	rddreg [dreg:$0x4]  }
0xf: {  	[tilespmem:s3], [sflag:$0x5] =	stream.linear.gather [hbm4b:s0+s3], $0x4000, $0x38;
	[tilespmem:$0x11080] =	vst v63  }
0x10: {  	_ =	swait.ge [sflag:s7], $0x4000  }
0x11: {  	[sflag:s7] =	ssyncset.done $0x0  }
0x12: {  	[sflag:s7] =	ssyncadd.s32 $0xFFFFC000  }
0x13: {  	[tilespmem:s9], [sflag:$0x1] =	stream.indirect.gather [hbm4b:s1+s8], $0x80, s3, s8, $0xb8;
	[tilespmem:$0x11080] =	vst v63  }
0x14: {  	s30 =	simm.s32 $0x80  }
0x15: {  	[tilespmem:s11], [sflag:$0x2] =	stream.indirect.gather [hbm4b:s1+s8], $0x80, s30, s8, $0xb8;
	[tilespmem:$0x11080] =	vst v63  }
0x16: {  	s31 =	simm.s32 $0x100;
	s21 =	simm.s32 $0x0  }
0x17: {  	[tilespmem:s13], [sflag:$0x3] =	stream.indirect.gather [hbm4b:s1+s8], $0x80, s31, s8, $0xb8;
	[tilespmem:$0x11080] =	vst v63  }
.LBB2_2:
0x18: {  	s22 =	sshll.u32 s21, $0xB  }
0x19: {  	s22 =	sand.u32 $0x3FFFF800, s22  }
0x1a: {  	s23 =	sor.u32 $0x180, s22  }
0x1b: {  	[tilespmem:s14], [sflag:$0x4] =	stream.indirect.gather [hbm4b:s1+s8], $0x80, s23, s8, $0xb8;
	[tilespmem:$0x11080] =	vst v63  }
0x1c: {  	_ =	swait.ge [sflag:s15], $0x3200  }
0x1d: {  	[sflag:s15] =	ssyncset.done $0x0  }
0x1e: {  	s24 =	simm.s32 $0x4080;
	[sflag:s15] =	ssyncadd.s32 $0xFFFFCE00  }
0x1f: {  	v1 =	vld [tilespmem:s24+$0xFFFFFF80]  }
0x20: {  	v2 =	vld [tilespmem:s24+$0xFFFFFF90]  }
0x21: {  	v3 =	vld [tilespmem:s24+$0x0]  }
0x22: {  	v12 =	vld [tilespmem:s24+$0xFFFFFFC0]  }
0x23: {  	v5 =	vld [tilespmem:s24+$0xFFFFFFA0]  }
0x24: {  	v4 =	vld [tilespmem:s24+$0x10]  }
0x25: {  	v0 =	vimm.f32 $0.0e+00;
	v8 =	vld [tilespmem:s24+$0xFFFFFFB0];
	v6 =	vmul.f32 v1, v1  }
0x26: {  	v10 =	vld [tilespmem:s24+$0x20];
	v7 =	vmul.f32 v2, v2;
	v1 =	vadd.f32 v1, v0;
	v2 =	vadd.f32 v2, v0  }
0x27: {  	v11 =	vld [tilespmem:s24+$0x30];
	v9 =	vmul.f32 v3, v3;
	v15 =	vadd.f32 v12, v0;
	v6 =	vadd.f32 v6, v0  }
0x28: {  	v14 =	vmul.f32 v5, v5;
	v7 =	vadd.f32 v7, v0;
	v24 =	vadd.f32 v3, v1  }
0x29: {  	v13 =	vmul.f32 v4, v4;
	v26 =	vadd.f32 v4, v2;
	v2 =	vadd.f32 v5, v0  }
0x2a: {  	v1 =	vmul.f32 v8, v8;
	v3 =	vadd.f32 v14, v0;
	v23 =	vadd.f32 v9, v6;
	v6 =	vld [tilespmem:s24+$0xFFFFFFD0]  }
0x2b: {  	v4 =	vmul.f32 v10, v10;
	v5 =	vadd.f32 v8, v0;
	v25 =	vadd.f32 v13, v7;
	v7 =	vld [tilespmem:s24+$0x40]  }
0x2c: {  	v8 =	vmul.f32 v11, v11;
	v1 =	vadd.f32 v1, v0;
	v9 =	vld [tilespmem:s24+$0x50];
	v29 =	vadd.f32 v10, v2  }
0x2d: {  	v13 =	vmul.f32 v12, v12;
	v28 =	vadd.f32 v4, v3;
	v10 =	vld [tilespmem:s24+$0xFFFFFFE0];
	v30 =	vadd.f32 v11, v5  }
0x2e: {  	v5 =	vimm.f32 $0.0e+00;
	v4 =	vimm.f32 $0.0e+00;
	v27 =	vadd.f32 v8, v1;
	v8 =	vld [tilespmem:s24+$0xFFFFFFF0]  }
0x2f: {  	v11 =	vld [tilespmem:s24+$0x60];
	v3 =	vimm.f32 $0.0e+00;
	v2 =	vimm.f32 $0.0e+00;
	v14 =	vmul.f32 v6, v6  }
0x30: {  	s23 =	simm.s32 $0x0;
	v12 =	vld [tilespmem:s24+$0x70];
	v13 =	vadd.f32 v13, v0;
	v1 =	vimm.f32 $0.0e+00;
	s24 =	simm.s32 $0x4180;
	v16 =	vmul.f32 v7, v7  }
.LBB2_3:
0x31: {  	v17 =	vld [tilespmem:s24+$0xFFFFFF80];
	v0 =	vadd.f32 v6, v0;
	v5 =	vadd.f32 v14, v5;
	v6 =	vmul.f32 v9, v9  }
0x32: {  	v14 =	vld [tilespmem:s24+$0xFFFFFF90];
	v18 =	vmul.f32 v10, v10;
	v15 =	vadd.f32 v7, v15;
	v13 =	vadd.f32 v16, v13  }
0x33: {  	v7 =	vld [tilespmem:s24+$0x0];
	v16 =	vmul.f32 v8, v8;
	v0 =	vadd.f32 v9, v0;
	v5 =	vadd.f32 v6, v5  }
0x34: {  	v1 =	vadd.f32 v10, v1;
	v9 =	vld [tilespmem:s24+$0x10];
	v4 =	vadd.f32 v18, v4;
	v6 =	vmul.f32 v11, v11  }
0x35: {  	v3 =	vadd.f32 v8, v3;
	v10 =	vld [tilespmem:s24+$0xFFFFFFA0];
	v2 =	vadd.f32 v16, v2;
	v8 =	vmul.f32 v12, v12  }
0x36: {  	v1 =	vadd.f32 v11, v1;
	v16 =	vmul.f32 v17, v17;
	v18 =	vld [tilespmem:s24+$0xFFFFFFB0];
	v4 =	vadd.f32 v6, v4  }
0x37: {  	v3 =	vadd.f32 v12, v3;
	v6 =	vmul.f32 v14, v14;
	v11 =	vld [tilespmem:s24+$0x20];
	v2 =	vadd.f32 v8, v2  }
0x38: {  	v8 =	vadd.f32 v17, v24;
	v12 =	vadd.f32 v16, v23;
	v16 =	vmul.f32 v7, v7;
	v17 =	vld [tilespmem:s24+$0x30]  }
0x39: {  	v14 =	vadd.f32 v14, v26;
	v19 =	vadd.f32 v6, v25;
	v20 =	vld [tilespmem:s24+$0xFFFFFFC0];
	v21 =	vmul.f32 v9, v9  }
0x3a: {  	s23 =	sadd.s32 $0x2, s23;
	v24 =	vadd.f32 v7, v8;
	v22 =	vmul.f32 v10, v10;
	v6 =	vld [tilespmem:s24+$0xFFFFFFD0];
	v23 =	vadd.f32 v16, v12  }
0x3b: {  	p0 =	slt.u32 s23, $0x62;
	v26 =	vadd.f32 v9, v14;
	v8 =	vmul.f32 v18, v18;
	v25 =	vadd.f32 v21, v19;
	v7 =	vld [tilespmem:s24+$0x40]  }
.Ltmp0:
0x3c: {  	v12 =	vadd.f32 v10, v29;
	v14 =	vadd.f32 v22, v28;
	v16 =	vmul.f32 v11, v11;
	v9 =	vld [tilespmem:s24+$0x50];
	(pc) =	sbr.rel @p0 .LBB2_3-.Ltmp0, $4  }
0x3d: {  	v18 =	vadd.f32 v18, v30;
	v19 =	vadd.f32 v8, v27;
	v10 =	vld [tilespmem:s24+$0xFFFFFFE0];
	v21 =	vmul.f32 v17, v17  }
0x3e: {  	v29 =	vadd.f32 v11, v12;
	v22 =	vmul.f32 v20, v20;
	v8 =	vld [tilespmem:s24+$0xFFFFFFF0];
	v28 =	vadd.f32 v16, v14  }
0x3f: {  	v30 =	vadd.f32 v17, v18;
	v14 =	vmul.f32 v6, v6;
	v27 =	vadd.f32 v21, v19;
	v11 =	vld [tilespmem:s24+$0x60]  }
0x40: {  	v15 =	vadd.f32 v20, v15;
	v13 =	vadd.f32 v22, v13;
	v16 =	vmul.f32 v7, v7;
	v12 =	vld [tilespmem:s24+$0x70];
	s24 =	sadd.s32 $0x100, s24  }
0x41: {  	[tilespmem:$0x1FF60] =	vst v29  }
0x42: {  	[tilespmem:$0x1FF70] =	vst v28;
	s23 =	sadd.s32 $0x200, s22  }
0x43: {  	[tilespmem:s9], [sflag:$0x1] =	stream.indirect.gather [hbm4b:s1+s8], $0x80, s23, s8, $0xb8;
	[tilespmem:$0x11080] =	vst v63  }
0x44: {  	v0 =	vadd.f32 v6, v0;
	_ =	swait.ge [sflag:s16], $0x3200  }
0x45: {  	v7 =	vadd.f32 v7, v15;
	[sflag:s16] =	ssyncset.done $0x0  }
0x46: {  	s24 =	simm.s32 $0x7480;
	v1 =	vadd.f32 v10, v1;
	v0 =	vadd.f32 v9, v0;
	[sflag:s16] =	ssyncadd.s32 $0xFFFFCE00  }
0x47: {  	v5 =	vadd.f32 v14, v5;
	v6 =	vmul.f32 v9, v9;
	v14 =	vmul.f32 v10, v10;
	[tilespmem:$0x1FF80] =	vst v7;
	v7 =	vld [tilespmem:s24+$0xFFFFFF80]  }
0x48: {  	v3 =	vadd.f32 v8, v3;
	v1 =	vadd.f32 v11, v1;
	[tilespmem:$0x1FFA0] =	vst v0;
	v0 =	vmul.f32 v8, v8;
	v9 =	vld [tilespmem:s24+$0xFFFFFF90]  }
0x49: {  	v5 =	vadd.f32 v6, v5;
	v4 =	vadd.f32 v14, v4;
	v6 =	vmul.f32 v11, v11;
	v8 =	vld [tilespmem:s24+$0x10]  }
0x4a: {  	v3 =	vadd.f32 v12, v3;
	[tilespmem:$0x1FFC0] =	vst v1;
	v1 =	vld [tilespmem:s24+$0xFFFFFFA0];
	v0 =	vadd.f32 v0, v2;
	v2 =	vmul.f32 v12, v12  }
0x4b: {  	[tilespmem:$0x1FFB0] =	vst v5;
	v4 =	vadd.f32 v6, v4;
	v12 =	vld [tilespmem:s24+$0xFFFFFFC0]  }
0x4c: {  	v5 =	vld [tilespmem:s24+$0x0];
	[tilespmem:$0x1FFE0] =	vst v3;
	v0 =	vadd.f32 v2, v0  }
0x4d: {  	v13 =	vadd.f32 v16, v13;
	v10 =	vld [tilespmem:s24+$0x20];
	[tilespmem:$0x1FFD0] =	vst v4  }
0x4e: {  	v4 =	vld [tilespmem:s24+$0xFFFFFFB0];
	v3 =	vmul.f32 v7, v7;
	[tilespmem:$0x1FFF0] =	vst v0;
	v0 =	vimm.f32 $0.0e+00;
	v2 =	vmul.f32 v9, v9  }
0x4f: {  	[tilespmem:$0x1FF90] =	vst v13;
	v11 =	vld [tilespmem:s24+$0x30];
	v13 =	vmul.f32 v8, v8;
	v6 =	vadd.f32 v7, v0;
	v9 =	vadd.f32 v9, v0  }
0x50: {  	v14 =	vmul.f32 v1, v1;
	v1 =	vadd.f32 v1, v0;
	v15 =	vadd.f32 v12, v0  }
0x51: {  	v7 =	vmul.f32 v5, v5;
	v3 =	vadd.f32 v3, v0;
	v2 =	vadd.f32 v2, v0  }
0x52: {  	v33 =	vadd.f32 v5, v6;
	v35 =	vadd.f32 v8, v9;
	v5 =	vmul.f32 v10, v10  }
0x53: {  	v6 =	vld [tilespmem:s24+$0xFFFFFFD0];
	v31 =	vadd.f32 v7, v3;
	v3 =	vmul.f32 v4, v4;
	v32 =	vadd.f32 v13, v2  }
0x54: {  	v8 =	vmul.f32 v11, v11;
	v7 =	vld [tilespmem:s24+$0x40];
	v2 =	vadd.f32 v14, v0;
	v4 =	vadd.f32 v4, v0  }
0x55: {  	v9 =	vld [tilespmem:s24+$0x50];
	v29 =	vadd.f32 v10, v1;
	v13 =	vmul.f32 v12, v12;
	v3 =	vadd.f32 v3, v0  }
0x56: {  	v10 =	vld [tilespmem:s24+$0xFFFFFFE0];
	v28 =	vadd.f32 v5, v2;
	v37 =	vadd.f32 v11, v4  }
0x57: {  	v1 =	vimm.f32 $0.0e+00;
	v13 =	vadd.f32 v13, v0;
	v34 =	vadd.f32 v8, v3;
	v8 =	vld [tilespmem:s24+$0xFFFFFFF0]  }
0x58: {  	v11 =	vld [tilespmem:s24+$0x60];
	v5 =	vimm.f32 $0.0e+00;
	v4 =	vimm.f32 $0.0e+00;
	v14 =	vmul.f32 v6, v6  }
0x59: {  	s23 =	simm.s32 $0x0;
	v12 =	vld [tilespmem:s24+$0x70];
	v2 =	vimm.f32 $0.0e+00;
	s24 =	simm.s32 $0x7580;
	v3 =	vimm.f32 $0.0e+00;
	v16 =	vmul.f32 v7, v7  }
.LBB2_5:
0x5a: {  	v17 =	vld [tilespmem:s24+$0xFFFFFF80];
	v0 =	vadd.f32 v6, v0;
	v5 =	vadd.f32 v14, v5;
	v6 =	vmul.f32 v9, v9  }
0x5b: {  	v14 =	vld [tilespmem:s24+$0xFFFFFF90];
	v18 =	vmul.f32 v10, v10;
	v15 =	vadd.f32 v7, v15;
	v13 =	vadd.f32 v16, v13  }
0x5c: {  	v7 =	vld [tilespmem:s24+$0x0];
	v16 =	vmul.f32 v8, v8;
	v0 =	vadd.f32 v9, v0;
	v5 =	vadd.f32 v6, v5  }
0x5d: {  	v1 =	vadd.f32 v10, v1;
	v9 =	vld [tilespmem:s24+$0x10];
	v4 =	vadd.f32 v18, v4;
	v6 =	vmul.f32 v11, v11  }
0x5e: {  	v3 =	vadd.f32 v8, v3;
	v10 =	vld [tilespmem:s24+$0xFFFFFFA0];
	v2 =	vadd.f32 v16, v2;
	v8 =	vmul.f32 v12, v12  }
0x5f: {  	v1 =	vadd.f32 v11, v1;
	v16 =	vmul.f32 v17, v17;
	v18 =	vld [tilespmem:s24+$0xFFFFFFB0];
	v4 =	vadd.f32 v6, v4  }
0x60: {  	v3 =	vadd.f32 v12, v3;
	v6 =	vmul.f32 v14, v14;
	v11 =	vld [tilespmem:s24+$0x20];
	v2 =	vadd.f32 v8, v2  }
0x61: {  	v8 =	vadd.f32 v17, v33;
	v12 =	vadd.f32 v16, v31;
	v16 =	vmul.f32 v7, v7;
	v17 =	vld [tilespmem:s24+$0x30]  }
0x62: {  	v14 =	vadd.f32 v14, v35;
	v19 =	vadd.f32 v6, v32;
	v20 =	vld [tilespmem:s24+$0xFFFFFFC0];
	v21 =	vmul.f32 v9, v9  }
0x63: {  	s23 =	sadd.s32 $0x2, s23;
	v33 =	vadd.f32 v7, v8;
	v22 =	vmul.f32 v10, v10;
	v6 =	vld [tilespmem:s24+$0xFFFFFFD0];
	v31 =	vadd.f32 v16, v12  }
0x64: {  	p0 =	slt.u32 s23, $0x62;
	v35 =	vadd.f32 v9, v14;
	v8 =	vmul.f32 v18, v18;
	v32 =	vadd.f32 v21, v19;
	v7 =	vld [tilespmem:s24+$0x40]  }
.Ltmp1:
0x65: {  	v12 =	vadd.f32 v10, v29;
	v14 =	vadd.f32 v22, v28;
	v16 =	vmul.f32 v11, v11;
	v9 =	vld [tilespmem:s24+$0x50];
	(pc) =	sbr.rel @p0 .LBB2_5-.Ltmp1, $4  }
0x66: {  	v18 =	vadd.f32 v18, v37;
	v19 =	vadd.f32 v8, v34;
	v10 =	vld [tilespmem:s24+$0xFFFFFFE0];
	v21 =	vmul.f32 v17, v17  }
0x67: {  	v29 =	vadd.f32 v11, v12;
	v22 =	vmul.f32 v20, v20;
	v8 =	vld [tilespmem:s24+$0xFFFFFFF0];
	v28 =	vadd.f32 v16, v14  }
0x68: {  	v37 =	vadd.f32 v17, v18;
	v14 =	vmul.f32 v6, v6;
	v34 =	vadd.f32 v21, v19;
	v11 =	vld [tilespmem:s24+$0x60]  }
0x69: {  	v15 =	vadd.f32 v20, v15;
	v13 =	vadd.f32 v22, v13;
	v16 =	vmul.f32 v7, v7;
	v12 =	vld [tilespmem:s24+$0x70];
	s24 =	sadd.s32 $0x100, s24  }
0x6a: {  	[tilespmem:$0x1FED0] =	vst v28;
	s23 =	sadd.s32 $0x280, s22  }
0x6b: {  	[tilespmem:s11], [sflag:$0x2] =	stream.indirect.gather [hbm4b:s1+s8], $0x80, s23, s8, $0xb8;
	[tilespmem:$0x11080] =	vst v63  }
0x6c: {  	v0 =	vadd.f32 v6, v0;
	_ =	swait.ge [sflag:s17], $0x3200  }
0x6d: {  	v7 =	vadd.f32 v7, v15;
	[sflag:s17] =	ssyncset.done $0x0  }
0x6e: {  	s24 =	simm.s32 $0xA880;
	v1 =	vadd.f32 v10, v1;
	v0 =	vadd.f32 v9, v0;
	[sflag:s17] =	ssyncadd.s32 $0xFFFFCE00  }
0x6f: {  	v5 =	vadd.f32 v14, v5;
	v6 =	vmul.f32 v9, v9;
	v14 =	vmul.f32 v10, v10;
	[tilespmem:$0x1FEE0] =	vst v7;
	v7 =	vld [tilespmem:s24+$0xFFFFFF80]  }
0x70: {  	v3 =	vadd.f32 v8, v3;
	v1 =	vadd.f32 v11, v1;
	[tilespmem:$0x1FF00] =	vst v0;
	v0 =	vmul.f32 v8, v8;
	v9 =	vld [tilespmem:s24+$0xFFFFFF90]  }
0x71: {  	v5 =	vadd.f32 v6, v5;
	v4 =	vadd.f32 v14, v4;
	v6 =	vmul.f32 v11, v11;
	v8 =	vld [tilespmem:s24+$0x10]  }
0x72: {  	v3 =	vadd.f32 v12, v3;
	[tilespmem:$0x1FF20] =	vst v1;
	v1 =	vld [tilespmem:s24+$0xFFFFFFA0];
	v0 =	vadd.f32 v0, v2;
	v2 =	vmul.f32 v12, v12  }
0x73: {  	[tilespmem:$0x1FF10] =	vst v5;
	v4 =	vadd.f32 v6, v4;
	v12 =	vld [tilespmem:s24+$0xFFFFFFC0]  }
0x74: {  	v5 =	vld [tilespmem:s24+$0x0];
	[tilespmem:$0x1FF40] =	vst v3;
	v0 =	vadd.f32 v2, v0  }
0x75: {  	v13 =	vadd.f32 v16, v13;
	v10 =	vld [tilespmem:s24+$0x20];
	[tilespmem:$0x1FF30] =	vst v4  }
0x76: {  	v4 =	vld [tilespmem:s24+$0xFFFFFFB0];
	v3 =	vmul.f32 v7, v7;
	[tilespmem:$0x1FF50] =	vst v0;
	v0 =	vimm.f32 $0.0e+00;
	v2 =	vmul.f32 v9, v9  }
0x77: {  	[tilespmem:$0x1FEF0] =	vst v13;
	v11 =	vld [tilespmem:s24+$0x30];
	v13 =	vmul.f32 v8, v8;
	v6 =	vadd.f32 v7, v0;
	v9 =	vadd.f32 v9, v0  }
0x78: {  	v14 =	vmul.f32 v1, v1;
	v1 =	vadd.f32 v1, v0;
	v15 =	vadd.f32 v12, v0  }
0x79: {  	v7 =	vmul.f32 v5, v5;
	v3 =	vadd.f32 v3, v0;
	v2 =	vadd.f32 v2, v0  }
0x7a: {  	v41 =	vadd.f32 v5, v6;
	v43 =	vadd.f32 v8, v9;
	v5 =	vmul.f32 v10, v10  }
0x7b: {  	v6 =	vld [tilespmem:s24+$0xFFFFFFD0];
	v39 =	vadd.f32 v7, v3;
	v3 =	vmul.f32 v4, v4;
	v40 =	vadd.f32 v13, v2  }
0x7c: {  	v8 =	vmul.f32 v11, v11;
	v7 =	vld [tilespmem:s24+$0x40];
	v2 =	vadd.f32 v14, v0;
	v4 =	vadd.f32 v4, v0  }
0x7d: {  	v9 =	vld [tilespmem:s24+$0x50];
	v46 =	vadd.f32 v10, v1;
	v13 =	vmul.f32 v12, v12;
	v3 =	vadd.f32 v3, v0  }
0x7e: {  	v10 =	vld [tilespmem:s24+$0xFFFFFFE0];
	v44 =	vadd.f32 v5, v2;
	v45 =	vadd.f32 v11, v4  }
0x7f: {  	v1 =	vimm.f32 $0.0e+00;
	v13 =	vadd.f32 v13, v0;
	v42 =	vadd.f32 v8, v3;
	v8 =	vld [tilespmem:s24+$0xFFFFFFF0]  }
0x80: {  	v11 =	vld [tilespmem:s24+$0x60];
	v5 =	vimm.f32 $0.0e+00;
	v4 =	vimm.f32 $0.0e+00;
	v14 =	vmul.f32 v6, v6  }
0x81: {  	s23 =	simm.s32 $0x0;
	v12 =	vld [tilespmem:s24+$0x70];
	v2 =	vimm.f32 $0.0e+00;
	s24 =	simm.s32 $0xA980;
	v3 =	vimm.f32 $0.0e+00;
	v16 =	vmul.f32 v7, v7  }
.LBB2_7:
0x82: {  	v17 =	vld [tilespmem:s24+$0xFFFFFF80];
	v0 =	vadd.f32 v6, v0;
	v5 =	vadd.f32 v14, v5;
	v6 =	vmul.f32 v9, v9  }
0x83: {  	v14 =	vld [tilespmem:s24+$0xFFFFFF90];
	v18 =	vmul.f32 v10, v10;
	v15 =	vadd.f32 v7, v15;
	v13 =	vadd.f32 v16, v13  }
0x84: {  	v7 =	vld [tilespmem:s24+$0x0];
	v16 =	vmul.f32 v8, v8;
	v0 =	vadd.f32 v9, v0;
	v5 =	vadd.f32 v6, v5  }
0x85: {  	v1 =	vadd.f32 v10, v1;
	v9 =	vld [tilespmem:s24+$0x10];
	v4 =	vadd.f32 v18, v4;
	v6 =	vmul.f32 v11, v11  }
0x86: {  	v3 =	vadd.f32 v8, v3;
	v10 =	vld [tilespmem:s24+$0xFFFFFFA0];
	v2 =	vadd.f32 v16, v2;
	v8 =	vmul.f32 v12, v12  }
0x87: {  	v1 =	vadd.f32 v11, v1;
	v16 =	vmul.f32 v17, v17;
	v18 =	vld [tilespmem:s24+$0xFFFFFFB0];
	v4 =	vadd.f32 v6, v4  }
0x88: {  	v3 =	vadd.f32 v12, v3;
	v6 =	vmul.f32 v14, v14;
	v11 =	vld [tilespmem:s24+$0x20];
	v2 =	vadd.f32 v8, v2  }
0x89: {  	v8 =	vadd.f32 v17, v41;
	v12 =	vadd.f32 v16, v39;
	v16 =	vmul.f32 v7, v7;
	v17 =	vld [tilespmem:s24+$0x30]  }
0x8a: {  	v14 =	vadd.f32 v14, v43;
	v19 =	vadd.f32 v6, v40;
	v20 =	vld [tilespmem:s24+$0xFFFFFFC0];
	v21 =	vmul.f32 v9, v9  }
0x8b: {  	s23 =	sadd.s32 $0x2, s23;
	v41 =	vadd.f32 v7, v8;
	v22 =	vmul.f32 v10, v10;
	v6 =	vld [tilespmem:s24+$0xFFFFFFD0];
	v39 =	vadd.f32 v16, v12  }
0x8c: {  	p0 =	slt.u32 s23, $0x62;
	v43 =	vadd.f32 v9, v14;
	v8 =	vmul.f32 v18, v18;
	v40 =	vadd.f32 v21, v19;
	v7 =	vld [tilespmem:s24+$0x40]  }
.Ltmp2:
0x8d: {  	v12 =	vadd.f32 v10, v46;
	v14 =	vadd.f32 v22, v44;
	v16 =	vmul.f32 v11, v11;
	v9 =	vld [tilespmem:s24+$0x50];
	(pc) =	sbr.rel @p0 .LBB2_7-.Ltmp2, $4  }
0x8e: {  	v18 =	vadd.f32 v18, v45;
	v19 =	vadd.f32 v8, v42;
	v10 =	vld [tilespmem:s24+$0xFFFFFFE0];
	v21 =	vmul.f32 v17, v17  }
0x8f: {  	v46 =	vadd.f32 v11, v12;
	v22 =	vmul.f32 v20, v20;
	v8 =	vld [tilespmem:s24+$0xFFFFFFF0];
	v44 =	vadd.f32 v16, v14  }
0x90: {  	v45 =	vadd.f32 v17, v18;
	v14 =	vmul.f32 v6, v6;
	v42 =	vadd.f32 v21, v19;
	v11 =	vld [tilespmem:s24+$0x60]  }
0x91: {  	v15 =	vadd.f32 v20, v15;
	v13 =	vadd.f32 v22, v13;
	v16 =	vmul.f32 v7, v7;
	v12 =	vld [tilespmem:s24+$0x70];
	s24 =	sadd.s32 $0x100, s24  }
0x92: {  	s23 =	sadd.s32 $0x300, s22  }
0x93: {  	[tilespmem:s13], [sflag:$0x3] =	stream.indirect.gather [hbm4b:s1+s8], $0x80, s23, s8, $0xb8;
	[tilespmem:$0x11080] =	vst v63  }
0x94: {  	v0 =	vadd.f32 v6, v0;
	_ =	swait.ge [sflag:s18], $0x3200  }
0x95: {  	v7 =	vadd.f32 v7, v15;
	[sflag:s18] =	ssyncset.done $0x0  }
0x96: {  	s24 =	simm.s32 $0xDC80;
	v1 =	vadd.f32 v10, v1;
	v0 =	vadd.f32 v9, v0;
	[sflag:s18] =	ssyncadd.s32 $0xFFFFCE00  }
0x97: {  	v5 =	vadd.f32 v14, v5;
	v6 =	vmul.f32 v9, v9;
	v14 =	vmul.f32 v10, v10;
	[tilespmem:$0x1FE50] =	vst v7;
	v7 =	vld [tilespmem:s24+$0xFFFFFF80]  }
0x98: {  	v3 =	vadd.f32 v8, v3;
	v1 =	vadd.f32 v11, v1;
	[tilespmem:$0x1FE70] =	vst v0;
	v0 =	vmul.f32 v8, v8;
	v9 =	vld [tilespmem:s24+$0xFFFFFF90]  }
0x99: {  	v5 =	vadd.f32 v6, v5;
	v4 =	vadd.f32 v14, v4;
	v6 =	vmul.f32 v11, v11;
	v8 =	vld [tilespmem:s24+$0x10]  }
0x9a: {  	v3 =	vadd.f32 v12, v3;
	[tilespmem:$0x1FE90] =	vst v1;
	v1 =	vld [tilespmem:s24+$0xFFFFFFA0];
	v0 =	vadd.f32 v0, v2;
	v2 =	vmul.f32 v12, v12  }
0x9b: {  	[tilespmem:$0x1FE80] =	vst v5;
	v4 =	vadd.f32 v6, v4;
	v12 =	vld [tilespmem:s24+$0xFFFFFFC0]  }
0x9c: {  	v5 =	vld [tilespmem:s24+$0x0];
	[tilespmem:$0x1FEB0] =	vst v3;
	v0 =	vadd.f32 v2, v0  }
0x9d: {  	v13 =	vadd.f32 v16, v13;
	v10 =	vld [tilespmem:s24+$0x20];
	[tilespmem:$0x1FEA0] =	vst v4  }
0x9e: {  	v4 =	vld [tilespmem:s24+$0xFFFFFFB0];
	v3 =	vmul.f32 v7, v7;
	[tilespmem:$0x1FEC0] =	vst v0;
	v0 =	vimm.f32 $0.0e+00;
	v2 =	vmul.f32 v9, v9  }
0x9f: {  	[tilespmem:$0x1FE60] =	vst v13;
	v11 =	vld [tilespmem:s24+$0x30];
	v13 =	vmul.f32 v8, v8;
	v6 =	vadd.f32 v7, v0;
	v9 =	vadd.f32 v9, v0  }
0xa0: {  	v14 =	vmul.f32 v1, v1;
	v1 =	vadd.f32 v1, v0;
	v15 =	vadd.f32 v12, v0  }
0xa1: {  	v7 =	vmul.f32 v5, v5;
	v3 =	vadd.f32 v3, v0;
	v2 =	vadd.f32 v2, v0  }
0xa2: {  	v49 =	vadd.f32 v5, v6;
	v51 =	vadd.f32 v8, v9;
	v5 =	vmul.f32 v10, v10  }
0xa3: {  	v6 =	vld [tilespmem:s24+$0xFFFFFFD0];
	v47 =	vadd.f32 v7, v3;
	v3 =	vmul.f32 v4, v4;
	v28 =	vadd.f32 v13, v2  }
0xa4: {  	v8 =	vmul.f32 v11, v11;
	v7 =	vld [tilespmem:s24+$0x40];
	v2 =	vadd.f32 v14, v0;
	v4 =	vadd.f32 v4, v0  }
0xa5: {  	v9 =	vld [tilespmem:s24+$0x50];
	v54 =	vadd.f32 v10, v1;
	v13 =	vmul.f32 v12, v12;
	v3 =	vadd.f32 v3, v0  }
0xa6: {  	v10 =	vld [tilespmem:s24+$0xFFFFFFE0];
	v52 =	vadd.f32 v5, v2;
	v53 =	vadd.f32 v11, v4  }
0xa7: {  	v1 =	vimm.f32 $0.0e+00;
	v13 =	vadd.f32 v13, v0;
	v50 =	vadd.f32 v8, v3;
	v8 =	vld [tilespmem:s24+$0xFFFFFFF0]  }
0xa8: {  	v11 =	vld [tilespmem:s24+$0x60];
	v5 =	vimm.f32 $0.0e+00;
	v4 =	vimm.f32 $0.0e+00;
	v14 =	vmul.f32 v6, v6  }
0xa9: {  	s23 =	simm.s32 $0x0;
	v12 =	vld [tilespmem:s24+$0x70];
	v2 =	vimm.f32 $0.0e+00;
	s24 =	simm.s32 $0xDD80;
	v3 =	vimm.f32 $0.0e+00;
	v16 =	vmul.f32 v7, v7  }
.LBB2_9:
0xaa: {  	v17 =	vld [tilespmem:s24+$0xFFFFFF80];
	v0 =	vadd.f32 v6, v0;
	v5 =	vadd.f32 v14, v5;
	v6 =	vmul.f32 v9, v9  }
0xab: {  	v14 =	vld [tilespmem:s24+$0xFFFFFF90];
	v18 =	vmul.f32 v10, v10;
	v15 =	vadd.f32 v7, v15;
	v13 =	vadd.f32 v16, v13  }
0xac: {  	v7 =	vld [tilespmem:s24+$0x0];
	v16 =	vmul.f32 v8, v8;
	v0 =	vadd.f32 v9, v0;
	v5 =	vadd.f32 v6, v5  }
0xad: {  	v1 =	vadd.f32 v10, v1;
	v9 =	vld [tilespmem:s24+$0x10];
	v4 =	vadd.f32 v18, v4;
	v6 =	vmul.f32 v11, v11  }
0xae: {  	v3 =	vadd.f32 v8, v3;
	v10 =	vld [tilespmem:s24+$0xFFFFFFA0];
	v2 =	vadd.f32 v16, v2;
	v8 =	vmul.f32 v12, v12  }
0xaf: {  	v1 =	vadd.f32 v11, v1;
	v16 =	vmul.f32 v17, v17;
	v18 =	vld [tilespmem:s24+$0xFFFFFFB0];
	v4 =	vadd.f32 v6, v4  }
0xb0: {  	v3 =	vadd.f32 v12, v3;
	v6 =	vmul.f32 v14, v14;
	v11 =	vld [tilespmem:s24+$0x20];
	v2 =	vadd.f32 v8, v2  }
0xb1: {  	v8 =	vadd.f32 v17, v49;
	v12 =	vadd.f32 v16, v47;
	v16 =	vmul.f32 v7, v7;
	v17 =	vld [tilespmem:s24+$0x30]  }
0xb2: {  	v14 =	vadd.f32 v14, v51;
	v19 =	vadd.f32 v6, v28;
	v20 =	vld [tilespmem:s24+$0xFFFFFFC0];
	v21 =	vmul.f32 v9, v9  }
0xb3: {  	s23 =	sadd.s32 $0x2, s23;
	v49 =	vadd.f32 v7, v8;
	v22 =	vmul.f32 v10, v10;
	v6 =	vld [tilespmem:s24+$0xFFFFFFD0];
	v47 =	vadd.f32 v16, v12  }
0xb4: {  	p0 =	slt.u32 s23, $0x62;
	v51 =	vadd.f32 v9, v14;
	v8 =	vmul.f32 v18, v18;
	v28 =	vadd.f32 v21, v19;
	v7 =	vld [tilespmem:s24+$0x40]  }
.Ltmp3:
0xb5: {  	v12 =	vadd.f32 v10, v54;
	v14 =	vadd.f32 v22, v52;
	v16 =	vmul.f32 v11, v11;
	v9 =	vld [tilespmem:s24+$0x50];
	(pc) =	sbr.rel @p0 .LBB2_9-.Ltmp3, $4  }
0xb6: {  	v18 =	vadd.f32 v18, v53;
	v19 =	vadd.f32 v8, v50;
	v10 =	vld [tilespmem:s24+$0xFFFFFFE0];
	v21 =	vmul.f32 v17, v17  }
0xb7: {  	v54 =	vadd.f32 v11, v12;
	v22 =	vmul.f32 v20, v20;
	v8 =	vld [tilespmem:s24+$0xFFFFFFF0];
	v52 =	vadd.f32 v16, v14  }
0xb8: {  	v53 =	vadd.f32 v17, v18;
	v14 =	vmul.f32 v6, v6;
	v50 =	vadd.f32 v21, v19;
	v11 =	vld [tilespmem:s24+$0x60]  }
0xb9: {  	v15 =	vadd.f32 v20, v15;
	v13 =	vadd.f32 v22, v13;
	v16 =	vmul.f32 v7, v7;
	v12 =	vld [tilespmem:s24+$0x70];
	s24 =	sadd.s32 $0x100, s24  }
0xba: {  	[tilespmem:$0x1FDA0] =	vst v30  }
0xbb: {  	[tilespmem:$0x1FDB0] =	vst v29  }
0xbc: {  	[tilespmem:$0x1FDC0] =	vst v28;
	s23 =	sadd.s32 $0x380, s22  }
0xbd: {  	[tilespmem:s14], [sflag:$0x4] =	stream.indirect.gather [hbm4b:s1+s8], $0x80, s23, s8, $0xb8;
	[tilespmem:$0x11080] =	vst v63  }
0xbe: {  	v0 =	vadd.f32 v6, v0;
	_ =	swait.ge [sflag:s15], $0x3200  }
0xbf: {  	v7 =	vadd.f32 v7, v15;
	[sflag:s15] =	ssyncset.done $0x0  }
0xc0: {  	s24 =	simm.s32 $0x4080;
	v1 =	vadd.f32 v10, v1;
	v0 =	vadd.f32 v9, v0;
	[sflag:s15] =	ssyncadd.s32 $0xFFFFCE00  }
0xc1: {  	v5 =	vadd.f32 v14, v5;
	v6 =	vmul.f32 v9, v9;
	v14 =	vmul.f32 v10, v10;
	[tilespmem:$0x1FDD0] =	vst v7;
	v7 =	vld [tilespmem:s24+$0xFFFFFF80]  }
0xc2: {  	v3 =	vadd.f32 v8, v3;
	v1 =	vadd.f32 v11, v1;
	[tilespmem:$0x1FDF0] =	vst v0;
	v0 =	vmul.f32 v8, v8;
	v9 =	vld [tilespmem:s24+$0xFFFFFF90]  }
0xc3: {  	v5 =	vadd.f32 v6, v5;
	v4 =	vadd.f32 v14, v4;
	v6 =	vmul.f32 v11, v11;
	v8 =	vld [tilespmem:s24+$0x10]  }
0xc4: {  	v3 =	vadd.f32 v12, v3;
	[tilespmem:$0x1FE10] =	vst v1;
	v1 =	vld [tilespmem:s24+$0xFFFFFFA0];
	v0 =	vadd.f32 v0, v2;
	v2 =	vmul.f32 v12, v12  }
0xc5: {  	[tilespmem:$0x1FE00] =	vst v5;
	v4 =	vadd.f32 v6, v4;
	v12 =	vld [tilespmem:s24+$0xFFFFFFC0]  }
0xc6: {  	v5 =	vld [tilespmem:s24+$0x0];
	[tilespmem:$0x1FE30] =	vst v3;
	v0 =	vadd.f32 v2, v0  }
0xc7: {  	v13 =	vadd.f32 v16, v13;
	v10 =	vld [tilespmem:s24+$0x20];
	[tilespmem:$0x1FE20] =	vst v4  }
0xc8: {  	v4 =	vld [tilespmem:s24+$0xFFFFFFB0];
	v3 =	vmul.f32 v7, v7;
	[tilespmem:$0x1FE40] =	vst v0;
	v0 =	vimm.f32 $0.0e+00;
	v2 =	vmul.f32 v9, v9  }
0xc9: {  	[tilespmem:$0x1FDE0] =	vst v13;
	v11 =	vld [tilespmem:s24+$0x30];
	v13 =	vmul.f32 v8, v8;
	v6 =	vadd.f32 v7, v0;
	v9 =	vadd.f32 v9, v0  }
0xca: {  	v14 =	vmul.f32 v1, v1;
	v1 =	vadd.f32 v1, v0;
	v15 =	vadd.f32 v12, v0  }
0xcb: {  	v7 =	vmul.f32 v5, v5;
	v3 =	vadd.f32 v3, v0;
	v2 =	vadd.f32 v2, v0  }
0xcc: {  	v57 =	vadd.f32 v5, v6;
	v28 =	vadd.f32 v8, v9;
	v5 =	vmul.f32 v10, v10  }
0xcd: {  	v6 =	vld [tilespmem:s24+$0xFFFFFFD0];
	v55 =	vadd.f32 v7, v3;
	v3 =	vmul.f32 v4, v4;
	v56 =	vadd.f32 v13, v2  }
0xce: {  	v8 =	vmul.f32 v11, v11;
	v7 =	vld [tilespmem:s24+$0x40];
	v2 =	vadd.f32 v14, v0;
	v4 =	vadd.f32 v4, v0  }
0xcf: {  	v9 =	vld [tilespmem:s24+$0x50];
	v62 =	vadd.f32 v10, v1;
	v13 =	vmul.f32 v12, v12;
	v3 =	vadd.f32 v3, v0  }
0xd0: {  	v10 =	vld [tilespmem:s24+$0xFFFFFFE0];
	v60 =	vadd.f32 v5, v2;
	v61 =	vadd.f32 v11, v4  }
0xd1: {  	v1 =	vimm.f32 $0.0e+00;
	v13 =	vadd.f32 v13, v0;
	v58 =	vadd.f32 v8, v3;
	v8 =	vld [tilespmem:s24+$0xFFFFFFF0]  }
0xd2: {  	v11 =	vld [tilespmem:s24+$0x60];
	v5 =	vimm.f32 $0.0e+00;
	v4 =	vimm.f32 $0.0e+00;
	v14 =	vmul.f32 v6, v6  }
0xd3: {  	s23 =	simm.s32 $0x0;
	v12 =	vld [tilespmem:s24+$0x70];
	v2 =	vimm.f32 $0.0e+00;
	s24 =	simm.s32 $0x4180;
	v3 =	vimm.f32 $0.0e+00;
	v16 =	vmul.f32 v7, v7  }
.LBB2_11:
0xd4: {  	v17 =	vld [tilespmem:s24+$0xFFFFFF80];
	v0 =	vadd.f32 v6, v0;
	v5 =	vadd.f32 v14, v5;
	v6 =	vmul.f32 v9, v9  }
0xd5: {  	v14 =	vld [tilespmem:s24+$0xFFFFFF90];
	v18 =	vmul.f32 v10, v10;
	v15 =	vadd.f32 v7, v15;
	v13 =	vadd.f32 v16, v13  }
0xd6: {  	v7 =	vld [tilespmem:s24+$0x0];
	v16 =	vmul.f32 v8, v8;
	v0 =	vadd.f32 v9, v0;
	v5 =	vadd.f32 v6, v5  }
0xd7: {  	v1 =	vadd.f32 v10, v1;
	v9 =	vld [tilespmem:s24+$0x10];
	v4 =	vadd.f32 v18, v4;
	v6 =	vmul.f32 v11, v11  }
0xd8: {  	v3 =	vadd.f32 v8, v3;
	v10 =	vld [tilespmem:s24+$0xFFFFFFA0];
	v2 =	vadd.f32 v16, v2;
	v8 =	vmul.f32 v12, v12  }
0xd9: {  	v1 =	vadd.f32 v11, v1;
	v16 =	vmul.f32 v17, v17;
	v18 =	vld [tilespmem:s24+$0xFFFFFFB0];
	v4 =	vadd.f32 v6, v4  }
0xda: {  	v3 =	vadd.f32 v12, v3;
	v6 =	vmul.f32 v14, v14;
	v11 =	vld [tilespmem:s24+$0x20];
	v2 =	vadd.f32 v8, v2  }
0xdb: {  	v8 =	vadd.f32 v17, v57;
	v12 =	vadd.f32 v16, v55;
	v16 =	vmul.f32 v7, v7;
	v17 =	vld [tilespmem:s24+$0x30]  }
0xdc: {  	v14 =	vadd.f32 v14, v28;
	v19 =	vadd.f32 v6, v56;
	v20 =	vld [tilespmem:s24+$0xFFFFFFC0];
	v21 =	vmul.f32 v9, v9  }
0xdd: {  	s23 =	sadd.s32 $0x2, s23;
	v57 =	vadd.f32 v7, v8;
	v22 =	vmul.f32 v10, v10;
	v6 =	vld [tilespmem:s24+$0xFFFFFFD0];
	v55 =	vadd.f32 v16, v12  }
0xde: {  	p0 =	slt.u32 s23, $0x62;
	v28 =	vadd.f32 v9, v14;
	v8 =	vmul.f32 v18, v18;
	v56 =	vadd.f32 v21, v19;
	v7 =	vld [tilespmem:s24+$0x40]  }
.Ltmp4:
0xdf: {  	v12 =	vadd.f32 v10, v62;
	v14 =	vadd.f32 v22, v60;
	v16 =	vmul.f32 v11, v11;
	v9 =	vld [tilespmem:s24+$0x50];
	(pc) =	sbr.rel @p0 .LBB2_11-.Ltmp4, $4  }
0xe0: {  	v18 =	vadd.f32 v18, v61;
	v19 =	vadd.f32 v8, v58;
	v10 =	vld [tilespmem:s24+$0xFFFFFFE0];
	v21 =	vmul.f32 v17, v17  }
0xe1: {  	v62 =	vadd.f32 v11, v12;
	v22 =	vmul.f32 v20, v20;
	v8 =	vld [tilespmem:s24+$0xFFFFFFF0];
	v60 =	vadd.f32 v16, v14  }
0xe2: {  	v61 =	vadd.f32 v17, v18;
	v14 =	vmul.f32 v6, v6;
	v58 =	vadd.f32 v21, v19;
	v11 =	vld [tilespmem:s24+$0x60]  }
0xe3: {  	v15 =	vadd.f32 v20, v15;
	v13 =	vadd.f32 v22, v13;
	v16 =	vmul.f32 v7, v7;
	v12 =	vld [tilespmem:s24+$0x70];
	s24 =	sadd.s32 $0x100, s24  }
0xe4: {  	[tilespmem:$0x1FD10] =	vst v28;
	s23 =	sadd.s32 $0x400, s22  }
0xe5: {  	[tilespmem:s9], [sflag:$0x1] =	stream.indirect.gather [hbm4b:s1+s8], $0x80, s23, s8, $0xb8;
	[tilespmem:$0x11080] =	vst v63  }
0xe6: {  	v0 =	vadd.f32 v6, v0;
	_ =	swait.ge [sflag:s16], $0x3200  }
0xe7: {  	v7 =	vadd.f32 v7, v15;
	[sflag:s16] =	ssyncset.done $0x0  }
0xe8: {  	s24 =	simm.s32 $0x7480;
	v1 =	vadd.f32 v10, v1;
	v0 =	vadd.f32 v9, v0;
	[sflag:s16] =	ssyncadd.s32 $0xFFFFCE00  }
0xe9: {  	v5 =	vadd.f32 v14, v5;
	v6 =	vmul.f32 v9, v9;
	v14 =	vmul.f32 v10, v10;
	[tilespmem:$0x1FD20] =	vst v7;
	v7 =	vld [tilespmem:s24+$0xFFFFFF80]  }
0xea: {  	v3 =	vadd.f32 v8, v3;
	v1 =	vadd.f32 v11, v1;
	[tilespmem:$0x1FD40] =	vst v0;
	v0 =	vmul.f32 v8, v8;
	v9 =	vld [tilespmem:s24+$0xFFFFFF90]  }
0xeb: {  	v5 =	vadd.f32 v6, v5;
	v4 =	vadd.f32 v14, v4;
	v6 =	vmul.f32 v11, v11;
	v8 =	vld [tilespmem:s24+$0x10]  }
0xec: {  	v3 =	vadd.f32 v12, v3;
	[tilespmem:$0x1FD60] =	vst v1;
	v1 =	vld [tilespmem:s24+$0xFFFFFFA0];
	v0 =	vadd.f32 v0, v2;
	v2 =	vmul.f32 v12, v12  }
0xed: {  	[tilespmem:$0x1FD50] =	vst v5;
	v4 =	vadd.f32 v6, v4;
	v12 =	vld [tilespmem:s24+$0xFFFFFFC0]  }
0xee: {  	v5 =	vld [tilespmem:s24+$0x0];
	[tilespmem:$0x1FD80] =	vst v3;
	v0 =	vadd.f32 v2, v0  }
0xef: {  	v13 =	vadd.f32 v16, v13;
	v10 =	vld [tilespmem:s24+$0x20];
	[tilespmem:$0x1FD70] =	vst v4  }
0xf0: {  	v4 =	vld [tilespmem:s24+$0xFFFFFFB0];
	v3 =	vmul.f32 v7, v7;
	[tilespmem:$0x1FD90] =	vst v0;
	v0 =	vimm.f32 $0.0e+00;
	v2 =	vmul.f32 v9, v9  }
0xf1: {  	[tilespmem:$0x1FD30] =	vst v13;
	v11 =	vld [tilespmem:s24+$0x30];
	v13 =	vmul.f32 v8, v8;
	v6 =	vadd.f32 v7, v0;
	v9 =	vadd.f32 v9, v0  }
0xf2: {  	v14 =	vmul.f32 v1, v1;
	v1 =	vadd.f32 v1, v0;
	v15 =	vadd.f32 v12, v0  }
0xf3: {  	v7 =	vmul.f32 v5, v5;
	v3 =	vadd.f32 v3, v0;
	v2 =	vadd.f32 v2, v0  }
0xf4: {  	v48 =	vadd.f32 v5, v6;
	v30 =	vadd.f32 v8, v9;
	v5 =	vmul.f32 v10, v10  }
0xf5: {  	v6 =	vld [tilespmem:s24+$0xFFFFFFD0];
	v63 =	vadd.f32 v7, v3;
	v3 =	vmul.f32 v4, v4;
	v59 =	vadd.f32 v13, v2  }
0xf6: {  	v8 =	vmul.f32 v11, v11;
	v7 =	vld [tilespmem:s24+$0x40];
	v2 =	vadd.f32 v14, v0;
	v4 =	vadd.f32 v4, v0  }
0xf7: {  	v9 =	vld [tilespmem:s24+$0x50];
	v29 =	vadd.f32 v10, v1;
	v13 =	vmul.f32 v12, v12;
	v3 =	vadd.f32 v3, v0  }
0xf8: {  	v10 =	vld [tilespmem:s24+$0xFFFFFFE0];
	v36 =	vadd.f32 v5, v2;
	v28 =	vadd.f32 v11, v4  }
0xf9: {  	v1 =	vimm.f32 $0.0e+00;
	v13 =	vadd.f32 v13, v0;
	v38 =	vadd.f32 v8, v3;
	v8 =	vld [tilespmem:s24+$0xFFFFFFF0]  }
0xfa: {  	v11 =	vld [tilespmem:s24+$0x60];
	v5 =	vimm.f32 $0.0e+00;
	v4 =	vimm.f32 $0.0e+00;
	v14 =	vmul.f32 v6, v6  }
0xfb: {  	s23 =	simm.s32 $0x0;
	v12 =	vld [tilespmem:s24+$0x70];
	v2 =	vimm.f32 $0.0e+00;
	s24 =	simm.s32 $0x7580;
	v3 =	vimm.f32 $0.0e+00;
	v16 =	vmul.f32 v7, v7  }
.LBB2_13:
0xfc: {  	v17 =	vld [tilespmem:s24+$0xFFFFFF80];
	v0 =	vadd.f32 v6, v0;
	v5 =	vadd.f32 v14, v5;
	v6 =	vmul.f32 v9, v9  }
0xfd: {  	v14 =	vld [tilespmem:s24+$0xFFFFFF90];
	v18 =	vmul.f32 v10, v10;
	v15 =	vadd.f32 v7, v15;
	v13 =	vadd.f32 v16, v13  }
0xfe: {  	v7 =	vld [tilespmem:s24+$0x0];
	v16 =	vmul.f32 v8, v8;
	v0 =	vadd.f32 v9, v0;
	v5 =	vadd.f32 v6, v5  }
0xff: {  	v1 =	vadd.f32 v10, v1;
	v9 =	vld [tilespmem:s24+$0x10];
	v4 =	vadd.f32 v18, v4;
	v6 =	vmul.f32 v11, v11  }
0x100: {  	v3 =	vadd.f32 v8, v3;
	v10 =	vld [tilespmem:s24+$0xFFFFFFA0];
	v2 =	vadd.f32 v16, v2;
	v8 =	vmul.f32 v12, v12  }
0x101: {  	v1 =	vadd.f32 v11, v1;
	v16 =	vmul.f32 v17, v17;
	v18 =	vld [tilespmem:s24+$0xFFFFFFB0];
	v4 =	vadd.f32 v6, v4  }
0x102: {  	v3 =	vadd.f32 v12, v3;
	v6 =	vmul.f32 v14, v14;
	v11 =	vld [tilespmem:s24+$0x20];
	v2 =	vadd.f32 v8, v2  }
0x103: {  	v8 =	vadd.f32 v17, v48;
	v12 =	vadd.f32 v16, v63;
	v16 =	vmul.f32 v7, v7;
	v17 =	vld [tilespmem:s24+$0x30]  }
0x104: {  	v14 =	vadd.f32 v14, v30;
	v19 =	vadd.f32 v6, v59;
	v20 =	vld [tilespmem:s24+$0xFFFFFFC0];
	v21 =	vmul.f32 v9, v9  }
0x105: {  	s23 =	sadd.s32 $0x2, s23;
	v48 =	vadd.f32 v7, v8;
	v22 =	vmul.f32 v10, v10;
	v6 =	vld [tilespmem:s24+$0xFFFFFFD0];
	v63 =	vadd.f32 v16, v12  }
0x106: {  	p0 =	slt.u32 s23, $0x62;
	v30 =	vadd.f32 v9, v14;
	v8 =	vmul.f32 v18, v18;
	v59 =	vadd.f32 v21, v19;
	v7 =	vld [tilespmem:s24+$0x40]  }
.Ltmp5:
0x107: {  	v12 =	vadd.f32 v10, v29;
	v14 =	vadd.f32 v22, v36;
	v16 =	vmul.f32 v11, v11;
	v9 =	vld [tilespmem:s24+$0x50];
	(pc) =	sbr.rel @p0 .LBB2_13-.Ltmp5, $4  }
0x108: {  	v18 =	vadd.f32 v18, v28;
	v19 =	vadd.f32 v8, v38;
	v10 =	vld [tilespmem:s24+$0xFFFFFFE0];
	v21 =	vmul.f32 v17, v17  }
0x109: {  	v29 =	vadd.f32 v11, v12;
	v22 =	vmul.f32 v20, v20;
	v8 =	vld [tilespmem:s24+$0xFFFFFFF0];
	v36 =	vadd.f32 v16, v14  }
0x10a: {  	v28 =	vadd.f32 v17, v18;
	v14 =	vmul.f32 v6, v6;
	v38 =	vadd.f32 v21, v19;
	v11 =	vld [tilespmem:s24+$0x60]  }
0x10b: {  	v15 =	vadd.f32 v20, v15;
	v13 =	vadd.f32 v22, v13;
	v16 =	vmul.f32 v7, v7;
	v12 =	vld [tilespmem:s24+$0x70];
	s24 =	sadd.s32 $0x100, s24  }
0x10c: {  	[tilespmem:$0x1FBF0] =	vst v29  }
0x10d: {  	[tilespmem:$0x1FC00] =	vst v28  }
0x10e: {  	[tilespmem:$0x1FC10] =	vst v36  }
0x10f: {  	[tilespmem:$0x1FC20] =	vst v30  }
0x110: {  	[tilespmem:$0x1FC30] =	vst v38  }
0x111: {  	[tilespmem:$0x1FC40] =	vst v48  }
0x112: {  	[tilespmem:$0x1FC50] =	vst v59  }
0x113: {  	[tilespmem:$0x1FC60] =	vst v63  }
0x114: {  	[tilespmem:$0x1FC70] =	vst v62  }
0x115: {  	[tilespmem:$0x1FC80] =	vst v23;
	s23 =	sadd.s32 $0x480, s22  }
0x116: {  	[tilespmem:s11], [sflag:$0x2] =	stream.indirect.gather [hbm4b:s1+s8], $0x80, s23, s8, $0xb8;
	[tilespmem:$0x11080] =	vst v63  }
0x117: {  	v0 =	vadd.f32 v6, v0;
	_ =	swait.ge [sflag:s17], $0x3200  }
0x118: {  	v7 =	vadd.f32 v7, v15;
	[sflag:s17] =	ssyncset.done $0x0  }
0x119: {  	s24 =	simm.s32 $0xA880;
	v1 =	vadd.f32 v10, v1;
	v0 =	vadd.f32 v9, v0;
	[sflag:s17] =	ssyncadd.s32 $0xFFFFCE00  }
0x11a: {  	v5 =	vadd.f32 v14, v5;
	v6 =	vmul.f32 v9, v9;
	v14 =	vmul.f32 v10, v10;
	[tilespmem:$0x1FC90] =	vst v7;
	v7 =	vld [tilespmem:s24+$0xFFFFFF80]  }
0x11b: {  	v3 =	vadd.f32 v8, v3;
	v1 =	vadd.f32 v11, v1;
	[tilespmem:$0x1FCB0] =	vst v0;
	v0 =	vmul.f32 v8, v8;
	v9 =	vld [tilespmem:s24+$0xFFFFFF90]  }
0x11c: {  	v5 =	vadd.f32 v6, v5;
	v4 =	vadd.f32 v14, v4;
	v6 =	vmul.f32 v11, v11;
	v8 =	vld [tilespmem:s24+$0x10]  }
0x11d: {  	v3 =	vadd.f32 v12, v3;
	[tilespmem:$0x1FCD0] =	vst v1;
	v1 =	vld [tilespmem:s24+$0xFFFFFFA0];
	v0 =	vadd.f32 v0, v2;
	v2 =	vmul.f32 v12, v12  }
0x11e: {  	[tilespmem:$0x1FCC0] =	vst v5;
	v4 =	vadd.f32 v6, v4;
	v12 =	vld [tilespmem:s24+$0xFFFFFFC0]  }
0x11f: {  	v5 =	vld [tilespmem:s24+$0x0];
	[tilespmem:$0x1FCF0] =	vst v3;
	v0 =	vadd.f32 v2, v0  }
0x120: {  	v13 =	vadd.f32 v16, v13;
	v10 =	vld [tilespmem:s24+$0x20];
	[tilespmem:$0x1FCE0] =	vst v4  }
0x121: {  	v4 =	vld [tilespmem:s24+$0xFFFFFFB0];
	v3 =	vmul.f32 v7, v7;
	[tilespmem:$0x1FD00] =	vst v0;
	v0 =	vimm.f32 $0.0e+00;
	v2 =	vmul.f32 v9, v9  }
0x122: {  	[tilespmem:$0x1FCA0] =	vst v13;
	v11 =	vld [tilespmem:s24+$0x30];
	v13 =	vmul.f32 v8, v8;
	v6 =	vadd.f32 v7, v0;
	v9 =	vadd.f32 v9, v0  }
0x123: {  	v14 =	vmul.f32 v1, v1;
	v1 =	vadd.f32 v1, v0;
	v15 =	vadd.f32 v12, v0  }
0x124: {  	v7 =	vmul.f32 v5, v5;
	v3 =	vadd.f32 v3, v0;
	v2 =	vadd.f32 v2, v0  }
0x125: {  	v29 =	vadd.f32 v5, v6;
	v36 =	vadd.f32 v8, v9;
	v5 =	vmul.f32 v10, v10  }
0x126: {  	v6 =	vld [tilespmem:s24+$0xFFFFFFD0];
	v23 =	vadd.f32 v7, v3;
	v3 =	vmul.f32 v4, v4;
	v28 =	vadd.f32 v13, v2  }
0x127: {  	v8 =	vmul.f32 v11, v11;
	v7 =	vld [tilespmem:s24+$0x40];
	v2 =	vadd.f32 v14, v0;
	v4 =	vadd.f32 v4, v0  }
0x128: {  	v9 =	vld [tilespmem:s24+$0x50];
	v59 =	vadd.f32 v10, v1;
	v13 =	vmul.f32 v12, v12;
	v3 =	vadd.f32 v3, v0  }
0x129: {  	v10 =	vld [tilespmem:s24+$0xFFFFFFE0];
	v38 =	vadd.f32 v5, v2;
	v48 =	vadd.f32 v11, v4  }
0x12a: {  	v1 =	vimm.f32 $0.0e+00;
	v13 =	vadd.f32 v13, v0;
	v30 =	vadd.f32 v8, v3;
	v8 =	vld [tilespmem:s24+$0xFFFFFFF0]  }
0x12b: {  	v11 =	vld [tilespmem:s24+$0x60];
	v5 =	vimm.f32 $0.0e+00;
	v4 =	vimm.f32 $0.0e+00;
	v14 =	vmul.f32 v6, v6  }
0x12c: {  	s23 =	simm.s32 $0x0;
	v12 =	vld [tilespmem:s24+$0x70];
	v2 =	vimm.f32 $0.0e+00;
	s24 =	simm.s32 $0xA980;
	v3 =	vimm.f32 $0.0e+00;
	v16 =	vmul.f32 v7, v7  }
.LBB2_15:
0x12d: {  	v17 =	vld [tilespmem:s24+$0xFFFFFF80];
	v0 =	vadd.f32 v6, v0;
	v5 =	vadd.f32 v14, v5;
	v6 =	vmul.f32 v9, v9  }
0x12e: {  	v14 =	vld [tilespmem:s24+$0xFFFFFF90];
	v18 =	vmul.f32 v10, v10;
	v15 =	vadd.f32 v7, v15;
	v13 =	vadd.f32 v16, v13  }
0x12f: {  	v7 =	vld [tilespmem:s24+$0x0];
	v16 =	vmul.f32 v8, v8;
	v0 =	vadd.f32 v9, v0;
	v5 =	vadd.f32 v6, v5  }
0x130: {  	v1 =	vadd.f32 v10, v1;
	v9 =	vld [tilespmem:s24+$0x10];
	v4 =	vadd.f32 v18, v4;
	v6 =	vmul.f32 v11, v11  }
0x131: {  	v3 =	vadd.f32 v8, v3;
	v10 =	vld [tilespmem:s24+$0xFFFFFFA0];
	v2 =	vadd.f32 v16, v2;
	v8 =	vmul.f32 v12, v12  }
0x132: {  	v1 =	vadd.f32 v11, v1;
	v16 =	vmul.f32 v17, v17;
	v18 =	vld [tilespmem:s24+$0xFFFFFFB0];
	v4 =	vadd.f32 v6, v4  }
0x133: {  	v3 =	vadd.f32 v12, v3;
	v6 =	vmul.f32 v14, v14;
	v11 =	vld [tilespmem:s24+$0x20];
	v2 =	vadd.f32 v8, v2  }
0x134: {  	v8 =	vadd.f32 v17, v29;
	v12 =	vadd.f32 v16, v23;
	v16 =	vmul.f32 v7, v7;
	v17 =	vld [tilespmem:s24+$0x30]  }
0x135: {  	v14 =	vadd.f32 v14, v36;
	v19 =	vadd.f32 v6, v28;
	v20 =	vld [tilespmem:s24+$0xFFFFFFC0];
	v21 =	vmul.f32 v9, v9  }
0x136: {  	s23 =	sadd.s32 $0x2, s23;
	v29 =	vadd.f32 v7, v8;
	v22 =	vmul.f32 v10, v10;
	v6 =	vld [tilespmem:s24+$0xFFFFFFD0];
	v23 =	vadd.f32 v16, v12  }
0x137: {  	p0 =	slt.u32 s23, $0x62;
	v36 =	vadd.f32 v9, v14;
	v8 =	vmul.f32 v18, v18;
	v28 =	vadd.f32 v21, v19;
	v7 =	vld [tilespmem:s24+$0x40]  }
.Ltmp6:
0x138: {  	v12 =	vadd.f32 v10, v59;
	v14 =	vadd.f32 v22, v38;
	v16 =	vmul.f32 v11, v11;
	v9 =	vld [tilespmem:s24+$0x50];
	(pc) =	sbr.rel @p0 .LBB2_15-.Ltmp6, $4  }
0x139: {  	v18 =	vadd.f32 v18, v48;
	v19 =	vadd.f32 v8, v30;
	v10 =	vld [tilespmem:s24+$0xFFFFFFE0];
	v21 =	vmul.f32 v17, v17  }
0x13a: {  	v59 =	vadd.f32 v11, v12;
	v22 =	vmul.f32 v20, v20;
	v8 =	vld [tilespmem:s24+$0xFFFFFFF0];
	v38 =	vadd.f32 v16, v14  }
0x13b: {  	v48 =	vadd.f32 v17, v18;
	v14 =	vmul.f32 v6, v6;
	v30 =	vadd.f32 v21, v19;
	v11 =	vld [tilespmem:s24+$0x60]  }
0x13c: {  	v15 =	vadd.f32 v20, v15;
	v13 =	vadd.f32 v22, v13;
	v16 =	vmul.f32 v7, v7;
	v12 =	vld [tilespmem:s24+$0x70];
	s24 =	sadd.s32 $0x100, s24  }
0x13d: {  	[tilespmem:$0x1FB00] =	vst v29  }
0x13e: {  	[tilespmem:$0x1FB10] =	vst v28  }
0x13f: {  	[tilespmem:$0x1FB20] =	vst v23  }
0x140: {  	[tilespmem:$0x1FB30] =	vst v27  }
0x141: {  	[tilespmem:$0x1FB40] =	vst v26  }
0x142: {  	[tilespmem:$0x1FB50] =	vst v25  }
0x143: {  	[tilespmem:$0x1FB60] =	vst v24;
	s23 =	sadd.s32 $0x500, s22;
	v0 =	vadd.f32 v6, v0;
	v5 =	vadd.f32 v14, v5;
	v6 =	vmul.f32 v9, v9  }
0x144: {  	[tilespmem:s13], [sflag:$0x3] =	stream.indirect.gather [hbm4b:s1+s8], $0x80, s23, s8, $0xb8;
	v7 =	vadd.f32 v7, v15;
	v14 =	vmul.f32 v10, v10;
	v1 =	vadd.f32 v10, v1;
	[tilespmem:$0x11080] =	vst v63  }
0x145: {  	_ =	swait.ge [sflag:s18], $0x3200;
	v0 =	vadd.f32 v9, v0;
	v5 =	vadd.f32 v6, v5  }
0x146: {  	[sflag:s18] =	ssyncset.done $0x0;
	[tilespmem:$0x1FB70] =	vst v7;
	v4 =	vadd.f32 v14, v4;
	v6 =	vmul.f32 v11, v11;
	v1 =	vadd.f32 v11, v1  }
0x147: {  	s24 =	simm.s32 $0xDC80;
	[sflag:s18] =	ssyncadd.s32 $0xFFFFCE00;
	[tilespmem:$0x1FB90] =	vst v0  }
0x148: {  	v9 =	vmul.f32 v8, v8;
	v3 =	vadd.f32 v8, v3;
	v7 =	vld [tilespmem:s24+$0xFFFFFF80];
	[tilespmem:$0x1FBB0] =	vst v1;
	v1 =	vadd.f32 v6, v4  }
0x149: {  	v13 =	vadd.f32 v16, v13;
	[tilespmem:$0x1FBA0] =	vst v5;
	v0 =	vld [tilespmem:s24+$0xFFFFFF90]  }
0x14a: {  	v2 =	vadd.f32 v9, v2;
	v9 =	vmul.f32 v12, v12;
	v5 =	vld [tilespmem:s24+$0x0];
	[tilespmem:$0x1FBC0] =	vst v1;
	v1 =	vadd.f32 v12, v3  }
0x14b: {  	[tilespmem:$0x1FB80] =	vst v13;
	v8 =	vld [tilespmem:s24+$0x10]  }
0x14c: {  	v13 =	vld [tilespmem:s24+$0xFFFFFFC0];
	[tilespmem:$0x1FBD0] =	vst v1;
	v1 =	vadd.f32 v9, v2  }
0x14d: {  	v10 =	vld [tilespmem:s24+$0xFFFFFFA0]  }
0x14e: {  	v4 =	vld [tilespmem:s24+$0xFFFFFFB0];
	v3 =	vmul.f32 v7, v7;
	[tilespmem:$0x1FBE0] =	vst v1;
	v1 =	vimm.f32 $0.0e+00  }
0x14f: {  	v6 =	vld [tilespmem:s24+$0x20];
	v2 =	vmul.f32 v0, v0;
	v7 =	vadd.f32 v7, v1  }
0x150: {  	v12 =	vld [tilespmem:s24+$0x30];
	v9 =	vmul.f32 v5, v5;
	v3 =	vadd.f32 v3, v1;
	v0 =	vadd.f32 v0, v1  }
0x151: {  	v11 =	vmul.f32 v8, v8;
	v2 =	vadd.f32 v2, v1;
	v16 =	vadd.f32 v13, v1  }
0x152: {  	v14 =	vmul.f32 v10, v10;
	v27 =	vadd.f32 v5, v7;
	v25 =	vadd.f32 v9, v3  }
0x153: {  	v29 =	vadd.f32 v8, v0;
	v26 =	vadd.f32 v11, v2  }
0x154: {  	v7 =	vld [tilespmem:s24+$0xFFFFFFD0];
	v3 =	vmul.f32 v4, v4;
	v0 =	vadd.f32 v10, v1;
	v2 =	vadd.f32 v14, v1  }
0x155: {  	v8 =	vld [tilespmem:s24+$0x40];
	v5 =	vmul.f32 v6, v6;
	v4 =	vadd.f32 v4, v1;
	v9 =	vmul.f32 v12, v12  }
0x156: {  	v10 =	vld [tilespmem:s24+$0x50];
	v14 =	vmul.f32 v13, v13;
	v3 =	vadd.f32 v3, v1;
	v0 =	vadd.f32 v6, v0  }
0x157: {  	v11 =	vld [tilespmem:s24+$0xFFFFFFE0];
	v62 =	vadd.f32 v5, v2;
	v63 =	vadd.f32 v12, v4  }
0x158: {  	v14 =	vadd.f32 v14, v1;
	v6 =	vimm.f32 $0.0e+00;
	v28 =	vadd.f32 v9, v3;
	v9 =	vld [tilespmem:s24+$0xFFFFFFF0]  }
0x159: {  	v12 =	vld [tilespmem:s24+$0x60];
	v2 =	vimm.f32 $0.0e+00;
	v5 =	vimm.f32 $0.0e+00;
	v15 =	vmul.f32 v7, v7  }
0x15a: {  	s23 =	simm.s32 $0x0;
	v13 =	vld [tilespmem:s24+$0x70];
	v4 =	vimm.f32 $0.0e+00;
	s24 =	simm.s32 $0xDD80;
	v3 =	vimm.f32 $0.0e+00;
	v17 =	vmul.f32 v8, v8  }
.LBB2_17:
0x15b: {  	v18 =	vld [tilespmem:s24+$0xFFFFFF80];
	v1 =	vadd.f32 v7, v1;
	v6 =	vadd.f32 v15, v6;
	v7 =	vmul.f32 v10, v10  }
0x15c: {  	v15 =	vld [tilespmem:s24+$0xFFFFFF90];
	v19 =	vmul.f32 v11, v11;
	v16 =	vadd.f32 v8, v16;
	v14 =	vadd.f32 v17, v14  }
0x15d: {  	v8 =	vld [tilespmem:s24+$0x0];
	v17 =	vmul.f32 v9, v9;
	v1 =	vadd.f32 v10, v1;
	v6 =	vadd.f32 v7, v6  }
0x15e: {  	v2 =	vadd.f32 v11, v2;
	v10 =	vld [tilespmem:s24+$0x10];
	v5 =	vadd.f32 v19, v5;
	v7 =	vmul.f32 v12, v12  }
0x15f: {  	v4 =	vadd.f32 v9, v4;
	v11 =	vld [tilespmem:s24+$0xFFFFFFA0];
	v3 =	vadd.f32 v17, v3;
	v9 =	vmul.f32 v13, v13  }
0x160: {  	v2 =	vadd.f32 v12, v2;
	v17 =	vmul.f32 v18, v18;
	v19 =	vld [tilespmem:s24+$0xFFFFFFB0];
	v5 =	vadd.f32 v7, v5  }
0x161: {  	v4 =	vadd.f32 v13, v4;
	v7 =	vmul.f32 v15, v15;
	v12 =	vld [tilespmem:s24+$0x20];
	v3 =	vadd.f32 v9, v3  }
0x162: {  	v9 =	vadd.f32 v18, v27;
	v13 =	vadd.f32 v17, v25;
	v17 =	vmul.f32 v8, v8;
	v18 =	vld [tilespmem:s24+$0x30]  }
0x163: {  	v15 =	vadd.f32 v15, v29;
	v20 =	vadd.f32 v7, v26;
	v21 =	vld [tilespmem:s24+$0xFFFFFFC0];
	v22 =	vmul.f32 v10, v10  }
0x164: {  	s23 =	sadd.s32 $0x2, s23;
	v27 =	vadd.f32 v8, v9;
	v23 =	vmul.f32 v11, v11;
	v7 =	vld [tilespmem:s24+$0xFFFFFFD0];
	v25 =	vadd.f32 v17, v13  }
0x165: {  	p0 =	slt.u32 s23, $0x62;
	v29 =	vadd.f32 v10, v15;
	v9 =	vmul.f32 v19, v19;
	v26 =	vadd.f32 v22, v20;
	v8 =	vld [tilespmem:s24+$0x40]  }
.Ltmp7:
0x166: {  	v0 =	vadd.f32 v11, v0;
	v13 =	vadd.f32 v23, v62;
	v15 =	vmul.f32 v12, v12;
	v10 =	vld [tilespmem:s24+$0x50];
	(pc) =	sbr.rel @p0 .LBB2_17-.Ltmp7, $4  }
0x167: {  	v17 =	vadd.f32 v19, v63;
	v19 =	vadd.f32 v9, v28;
	v11 =	vld [tilespmem:s24+$0xFFFFFFE0];
	v20 =	vmul.f32 v18, v18  }
0x168: {  	v0 =	vadd.f32 v12, v0;
	v22 =	vmul.f32 v21, v21;
	v9 =	vld [tilespmem:s24+$0xFFFFFFF0];
	v62 =	vadd.f32 v15, v13  }
0x169: {  	v63 =	vadd.f32 v18, v17;
	v15 =	vmul.f32 v7, v7;
	v28 =	vadd.f32 v20, v19;
	v12 =	vld [tilespmem:s24+$0x60]  }
0x16a: {  	v16 =	vadd.f32 v21, v16;
	v14 =	vadd.f32 v22, v14;
	v17 =	vmul.f32 v8, v8;
	v13 =	vld [tilespmem:s24+$0x70];
	s24 =	sadd.s32 $0x100, s24  }
0x16b: {  	[tilespmem:$0x1F9D0] =	vst v29  }
0x16c: {  	[tilespmem:$0x1F9E0] =	vst v28  }
0x16d: {  	[tilespmem:$0x1F9F0] =	vst v27  }
0x16e: {  	[tilespmem:$0x1FA00] =	vst v26  }
0x16f: {  	[tilespmem:$0x1FA10] =	vst v25  }
0x170: {  	[tilespmem:$0x1FA20] =	vst v30  }
0x171: {  	[tilespmem:$0x1FA30] =	vst v35  }
0x172: {  	[tilespmem:$0x1FA40] =	vst v34  }
0x173: {  	[tilespmem:$0x1FA50] =	vst v33  }
0x174: {  	[tilespmem:$0x1FA60] =	vst v32  }
0x175: {  	[tilespmem:$0x1FA70] =	vst v31;
	s23 =	sadd.s32 $0x580, s22  }
0x176: {  	[tilespmem:s14], [sflag:$0x4] =	stream.indirect.gather [hbm4b:s1+s8], $0x80, s23, s8, $0xb8;
	[tilespmem:$0x11080] =	vst v63  }
0x177: {  	v1 =	vadd.f32 v7, v1;
	_ =	swait.ge [sflag:s15], $0x3200  }
0x178: {  	v6 =	vadd.f32 v15, v6;
	v7 =	vmul.f32 v10, v10;
	v8 =	vadd.f32 v8, v16;
	[sflag:s15] =	ssyncset.done $0x0  }
0x179: {  	s24 =	simm.s32 $0x4080;
	v15 =	vmul.f32 v11, v11;
	v2 =	vadd.f32 v11, v2;
	v1 =	vadd.f32 v10, v1;
	[sflag:s15] =	ssyncadd.s32 $0xFFFFCE00  }
0x17a: {  	v10 =	vmul.f32 v9, v9;
	v6 =	vadd.f32 v7, v6;
	[tilespmem:$0x1FA80] =	vst v8;
	v8 =	vld [tilespmem:s24+$0xFFFFFF80]  }
0x17b: {  	v5 =	vadd.f32 v15, v5;
	v7 =	vmul.f32 v12, v12;
	v2 =	vadd.f32 v12, v2;
	[tilespmem:$0x1FAA0] =	vst v1;
	v1 =	vld [tilespmem:s24+$0xFFFFFF90]  }
0x17c: {  	v4 =	vadd.f32 v9, v4;
	[tilespmem:$0x1FAB0] =	vst v6;
	v3 =	vadd.f32 v10, v3;
	v9 =	vmul.f32 v13, v13;
	v6 =	vld [tilespmem:s24+$0x0]  }
0x17d: {  	v11 =	vld [tilespmem:s24+$0x10];
	[tilespmem:$0x1FAC0] =	vst v2;
	v2 =	vadd.f32 v7, v5  }
0x17e: {  	v20 =	vld [tilespmem:s24+$0xFFFFFFC0];
	v3 =	vadd.f32 v9, v3  }
0x17f: {  	v10 =	vld [tilespmem:s24+$0xFFFFFFA0];
	[tilespmem:$0x1FAD0] =	vst v2;
	v2 =	vadd.f32 v13, v4  }
0x180: {  	v14 =	vadd.f32 v17, v14;
	v4 =	vld [tilespmem:s24+$0xFFFFFFB0];
	[tilespmem:$0x1FAF0] =	vst v3  }
0x181: {  	v9 =	vimm.f32 $0.0e+00;
	[tilespmem:$0x1FAE0] =	vst v2;
	v2 =	vmul.f32 v8, v8;
	v3 =	vmul.f32 v1, v1  }
0x182: {  	v7 =	vld [tilespmem:s24+$0x20];
	v5 =	vadd.f32 v8, v9;
	v8 =	vmul.f32 v6, v6;
	v13 =	vadd.f32 v1, v9  }
0x183: {  	v12 =	vld [tilespmem:s24+$0x30];
	v16 =	vmul.f32 v11, v11;
	v24 =	vadd.f32 v20, v9;
	v2 =	vadd.f32 v2, v9  }
0x184: {  	[tilespmem:$0x1FA90] =	vst v14;
	v17 =	vmul.f32 v10, v10;
	v14 =	vadd.f32 v3, v9;
	v3 =	vadd.f32 v6, v5  }
0x185: {  	v15 =	vld [tilespmem:s24+$0xFFFFFFD0];
	v6 =	vmul.f32 v4, v4;
	v5 =	vadd.f32 v11, v13;
	v4 =	vadd.f32 v4, v9  }
0x186: {  	v21 =	vmul.f32 v20, v20;
	v1 =	vadd.f32 v8, v2;
	v2 =	vadd.f32 v16, v14  }
0x187: {  	v11 =	vmul.f32 v7, v7;
	v16 =	vld [tilespmem:s24+$0x40];
	v8 =	vadd.f32 v10, v9;
	v10 =	vadd.f32 v17, v9  }
0x188: {  	v18 =	vld [tilespmem:s24+$0x50];
	v22 =	vadd.f32 v21, v9;
	v13 =	vadd.f32 v6, v9;
	v14 =	vmul.f32 v12, v12  }
0x189: {  	v19 =	vld [tilespmem:s24+$0xFFFFFFE0];
	v8 =	vadd.f32 v7, v8;
	v6 =	vadd.f32 v11, v10  }
0x18a: {  	v23 =	vmul.f32 v15, v15;
	v17 =	vld [tilespmem:s24+$0xFFFFFFF0];
	v7 =	vadd.f32 v12, v4;
	v4 =	vadd.f32 v14, v13  }
0x18b: {  	v20 =	vld [tilespmem:s24+$0x60];
	v14 =	vimm.f32 $0.0e+00;
	v10 =	vimm.f32 $0.0e+00;
	v13 =	vimm.f32 $0.0e+00  }
0x18c: {  	s23 =	simm.s32 $0x0;
	v21 =	vld [tilespmem:s24+$0x70];
	s24 =	simm.s32 $0x4180;
	v12 =	vimm.f32 $0.0e+00;
	v11 =	vimm.f32 $0.0e+00;
	v25 =	vmul.f32 v16, v16  }
.LBB2_19:
0x18d: {  	v26 =	vld [tilespmem:s24+$0xFFFFFF80];
	v9 =	vadd.f32 v15, v9;
	v14 =	vadd.f32 v23, v14;
	v15 =	vmul.f32 v18, v18  }
0x18e: {  	v23 =	vld [tilespmem:s24+$0xFFFFFF90];
	v27 =	vmul.f32 v19, v19;
	v24 =	vadd.f32 v16, v24;
	v22 =	vadd.f32 v25, v22  }
0x18f: {  	v16 =	vld [tilespmem:s24+$0x0];
	v25 =	vmul.f32 v17, v17;
	v9 =	vadd.f32 v18, v9;
	v14 =	vadd.f32 v15, v14  }
0x190: {  	v10 =	vadd.f32 v19, v10;
	v18 =	vld [tilespmem:s24+$0x10];
	v13 =	vadd.f32 v27, v13;
	v15 =	vmul.f32 v20, v20  }
0x191: {  	v12 =	vadd.f32 v17, v12;
	v19 =	vld [tilespmem:s24+$0xFFFFFFA0];
	v11 =	vadd.f32 v25, v11;
	v17 =	vmul.f32 v21, v21  }
0x192: {  	v10 =	vadd.f32 v20, v10;
	v25 =	vmul.f32 v26, v26;
	v27 =	vld [tilespmem:s24+$0xFFFFFFB0];
	v13 =	vadd.f32 v15, v13  }
0x193: {  	v12 =	vadd.f32 v21, v12;
	v15 =	vmul.f32 v23, v23;
	v20 =	vld [tilespmem:s24+$0x20];
	v11 =	vadd.f32 v17, v11  }
0x194: {  	v3 =	vadd.f32 v26, v3;
	v1 =	vadd.f32 v25, v1;
	v17 =	vmul.f32 v16, v16;
	v21 =	vld [tilespmem:s24+$0x30]  }
0x195: {  	v5 =	vadd.f32 v23, v5;
	v2 =	vadd.f32 v15, v2;
	v25 =	vld [tilespmem:s24+$0xFFFFFFC0];
	v23 =	vmul.f32 v18, v18  }
0x196: {  	s23 =	sadd.s32 $0x2, s23;
	v3 =	vadd.f32 v16, v3;
	v26 =	vmul.f32 v19, v19;
	v15 =	vld [tilespmem:s24+$0xFFFFFFD0];
	v1 =	vadd.f32 v17, v1  }
0x197: {  	p0 =	slt.u32 s23, $0x62;
	v5 =	vadd.f32 v18, v5;
	v17 =	vmul.f32 v27, v27;
	v2 =	vadd.f32 v23, v2;
	v16 =	vld [tilespmem:s24+$0x40]  }
.Ltmp8:
0x198: {  	v8 =	vadd.f32 v19, v8;
	v6 =	vadd.f32 v26, v6;
	v23 =	vmul.f32 v20, v20;
	v18 =	vld [tilespmem:s24+$0x50];
	(pc) =	sbr.rel @p0 .LBB2_19-.Ltmp8, $4  }
0x199: {  	v7 =	vadd.f32 v27, v7;
	v4 =	vadd.f32 v17, v4;
	v19 =	vld [tilespmem:s24+$0xFFFFFFE0];
	v26 =	vmul.f32 v21, v21  }
0x19a: {  	v8 =	vadd.f32 v20, v8;
	v27 =	vmul.f32 v25, v25;
	v17 =	vld [tilespmem:s24+$0xFFFFFFF0];
	v6 =	vadd.f32 v23, v6  }
0x19b: {  	v7 =	vadd.f32 v21, v7;
	v23 =	vmul.f32 v15, v15;
	v4 =	vadd.f32 v26, v4;
	v20 =	vld [tilespmem:s24+$0x60]  }
0x19c: {  	v24 =	vadd.f32 v25, v24;
	v22 =	vadd.f32 v27, v22;
	v25 =	vmul.f32 v16, v16;
	v21 =	vld [tilespmem:s24+$0x70];
	s24 =	sadd.s32 $0x100, s24  }
0x19d: {  	[tilespmem:$0x1F8A0] =	vst v38  }
0x19e: {  	[tilespmem:$0x1F8B0] =	vst v36  }
0x19f: {  	[tilespmem:$0x1F8C0] =	vst v46  }
0x1a0: {  	[tilespmem:$0x1F8D0] =	vst v45  }
0x1a1: {  	[tilespmem:$0x1F8E0] =	vst v44  }
0x1a2: {  	[tilespmem:$0x1F8F0] =	vst v43  }
0x1a3: {  	[tilespmem:$0x1F900] =	vst v42  }
0x1a4: {  	[tilespmem:$0x1F910] =	vst v41  }
0x1a5: {  	[tilespmem:$0x1F920] =	vst v40  }
0x1a6: {  	[tilespmem:$0x1F930] =	vst v39  }
0x1a7: {  	[tilespmem:$0x1F940] =	vst v37;
	s23 =	sadd.s32 $0x600, s22  }
0x1a8: {  	v9 =	vadd.f32 v15, v9;
	[tilespmem:s9], [sflag:$0x1] =	stream.indirect.gather [hbm4b:s1+s8], $0x80, s23, s8, $0xb8;
	[tilespmem:$0x11080] =	vst v63  }
0x1a9: {  	v14 =	vadd.f32 v23, v14;
	v16 =	vadd.f32 v16, v24;
	_ =	swait.ge [sflag:s16], $0x3200  }
0x1aa: {  	v10 =	vadd.f32 v19, v10;
	v9 =	vadd.f32 v18, v9;
	[sflag:s16] =	ssyncset.done $0x0  }
0x1ab: {  	s24 =	simm.s32 $0x7480;
	v15 =	vmul.f32 v18, v18;
	v23 =	vmul.f32 v19, v19;
	v22 =	vadd.f32 v25, v22;
	[tilespmem:$0x1F950] =	vst v16;
	[sflag:s16] =	ssyncadd.s32 $0xFFFFCE00  }
0x1ac: {  	v12 =	vadd.f32 v17, v12;
	v10 =	vadd.f32 v20, v10;
	[tilespmem:$0x1F970] =	vst v9;
	v9 =	vmul.f32 v17, v17;
	v16 =	vld [tilespmem:s24+$0xFFFFFF80]  }
0x1ad: {  	v14 =	vadd.f32 v15, v14;
	[tilespmem:$0x1F960] =	vst v22;
	v13 =	vadd.f32 v23, v13;
	v15 =	vmul.f32 v20, v20;
	v18 =	vld [tilespmem:s24+$0xFFFFFF90]  }
0x1ae: {  	v12 =	vadd.f32 v21, v12;
	[tilespmem:$0x1F990] =	vst v10;
	v10 =	vld [tilespmem:s24+$0xFFFFFFA0];
	v9 =	vadd.f32 v9, v11;
	v11 =	vmul.f32 v21, v21  }
0x1af: {  	[tilespmem:$0x1F980] =	vst v14;
	v13 =	vadd.f32 v15, v13;
	v28 =	vld [tilespmem:s24+$0xFFFFFFC0]  }
0x1b0: {  	v14 =	vld [tilespmem:s24+$0x0];
	[tilespmem:$0x1F9B0] =	vst v12;
	v9 =	vadd.f32 v11, v9  }
0x1b1: {  	v22 =	vld [tilespmem:s24+$0x10];
	[tilespmem:$0x1F9A0] =	vst v13  }
0x1b2: {  	v13 =	vld [tilespmem:s24+$0xFFFFFFB0];
	v12 =	vmul.f32 v16, v16;
	[tilespmem:$0x1F9C0] =	vst v9;
	v9 =	vimm.f32 $0.0e+00;
	v11 =	vmul.f32 v18, v18  }
0x1b3: {  	v20 =	vld [tilespmem:s24+$0x20];
	v25 =	vmul.f32 v10, v10;
	v15 =	vadd.f32 v16, v9;
	v18 =	vadd.f32 v18, v9  }
0x1b4: {  	v23 =	vld [tilespmem:s24+$0x30];
	v29 =	vmul.f32 v28, v28;
	v10 =	vadd.f32 v10, v9;
	v34 =	vadd.f32 v28, v9  }
0x1b5: {  	v16 =	vmul.f32 v14, v14;
	v12 =	vadd.f32 v12, v9;
	v11 =	vadd.f32 v11, v9  }
0x1b6: {  	v24 =	vmul.f32 v22, v22;
	v33 =	vadd.f32 v29, v9;
	v19 =	vadd.f32 v14, v15  }
0x1b7: {  	v15 =	vld [tilespmem:s24+$0xFFFFFFD0];
	v21 =	vadd.f32 v22, v18;
	v17 =	vadd.f32 v16, v12;
	v12 =	vmul.f32 v13, v13  }
0x1b8: {  	v14 =	vmul.f32 v20, v20;
	v18 =	vadd.f32 v24, v11;
	v16 =	vld [tilespmem:s24+$0x40];
	v11 =	vadd.f32 v25, v9  }
0x1b9: {  	v26 =	vld [tilespmem:s24+$0x50];
	v13 =	vadd.f32 v13, v9;
	v25 =	vmul.f32 v23, v23;
	v12 =	vadd.f32 v12, v9  }
0x1ba: {  	v27 =	vld [tilespmem:s24+$0xFFFFFFE0];
	v24 =	vadd.f32 v20, v10;
	v22 =	vadd.f32 v14, v11  }
0x1bb: {  	v10 =	vimm.f32 $0.0e+00;
	v23 =	vadd.f32 v23, v13;
	v20 =	vadd.f32 v25, v12;
	v25 =	vld [tilespmem:s24+$0xFFFFFFF0]  }
0x1bc: {  	v28 =	vld [tilespmem:s24+$0x60];
	v14 =	vimm.f32 $0.0e+00;
	v13 =	vimm.f32 $0.0e+00;
	v30 =	vmul.f32 v15, v15  }
0x1bd: {  	s23 =	simm.s32 $0x0;
	v29 =	vld [tilespmem:s24+$0x70];
	v11 =	vimm.f32 $0.0e+00;
	s24 =	simm.s32 $0x7580;
	v12 =	vimm.f32 $0.0e+00;
	v35 =	vmul.f32 v16, v16  }
.LBB2_21:
0x1be: {  	v31 =	vld [tilespmem:s24+$0xFFFFFF80];
	v9 =	vadd.f32 v15, v9;
	v14 =	vadd.f32 v30, v14;
	v15 =	vmul.f32 v26, v26  }
0x1bf: {  	v30 =	vld [tilespmem:s24+$0xFFFFFF90];
	v32 =	vmul.f32 v27, v27;
	v34 =	vadd.f32 v16, v34;
	v33 =	vadd.f32 v35, v33  }
0x1c0: {  	v16 =	vld [tilespmem:s24+$0x0];
	v35 =	vmul.f32 v25, v25;
	v9 =	vadd.f32 v26, v9;
	v14 =	vadd.f32 v15, v14  }
0x1c1: {  	v10 =	vadd.f32 v27, v10;
	v26 =	vld [tilespmem:s24+$0x10];
	v13 =	vadd.f32 v32, v13;
	v15 =	vmul.f32 v28, v28  }
0x1c2: {  	v12 =	vadd.f32 v25, v12;
	v27 =	vld [tilespmem:s24+$0xFFFFFFA0];
	v11 =	vadd.f32 v35, v11;
	v25 =	vmul.f32 v29, v29  }
0x1c3: {  	v10 =	vadd.f32 v28, v10;
	v32 =	vmul.f32 v31, v31;
	v35 =	vld [tilespmem:s24+$0xFFFFFFB0];
	v13 =	vadd.f32 v15, v13  }
0x1c4: {  	v12 =	vadd.f32 v29, v12;
	v15 =	vmul.f32 v30, v30;
	v28 =	vld [tilespmem:s24+$0x20];
	v11 =	vadd.f32 v25, v11  }
0x1c5: {  	v19 =	vadd.f32 v31, v19;
	v17 =	vadd.f32 v32, v17;
	v25 =	vmul.f32 v16, v16;
	v29 =	vld [tilespmem:s24+$0x30]  }
0x1c6: {  	v21 =	vadd.f32 v30, v21;
	v18 =	vadd.f32 v15, v18;
	v31 =	vld [tilespmem:s24+$0xFFFFFFC0];
	v30 =	vmul.f32 v26, v26  }
0x1c7: {  	s23 =	sadd.s32 $0x2, s23;
	v19 =	vadd.f32 v16, v19;
	v32 =	vmul.f32 v27, v27;
	v15 =	vld [tilespmem:s24+$0xFFFFFFD0];
	v17 =	vadd.f32 v25, v17  }
0x1c8: {  	p0 =	slt.u32 s23, $0x62;
	v21 =	vadd.f32 v26, v21;
	v25 =	vmul.f32 v35, v35;
	v18 =	vadd.f32 v30, v18;
	v16 =	vld [tilespmem:s24+$0x40]  }
.Ltmp9:
0x1c9: {  	v24 =	vadd.f32 v27, v24;
	v22 =	vadd.f32 v32, v22;
	v30 =	vmul.f32 v28, v28;
	v26 =	vld [tilespmem:s24+$0x50];
	(pc) =	sbr.rel @p0 .LBB2_21-.Ltmp9, $4  }
0x1ca: {  	v23 =	vadd.f32 v35, v23;
	v20 =	vadd.f32 v25, v20;
	v27 =	vld [tilespmem:s24+$0xFFFFFFE0];
	v32 =	vmul.f32 v29, v29  }
0x1cb: {  	v24 =	vadd.f32 v28, v24;
	v35 =	vmul.f32 v31, v31;
	v25 =	vld [tilespmem:s24+$0xFFFFFFF0];
	v22 =	vadd.f32 v30, v22  }
0x1cc: {  	v23 =	vadd.f32 v29, v23;
	v30 =	vmul.f32 v15, v15;
	v20 =	vadd.f32 v32, v20;
	v28 =	vld [tilespmem:s24+$0x60]  }
0x1cd: {  	v34 =	vadd.f32 v31, v34;
	v33 =	vadd.f32 v35, v33;
	v35 =	vmul.f32 v16, v16;
	v29 =	vld [tilespmem:s24+$0x70];
	s24 =	sadd.s32 $0x100, s24  }
0x1ce: {  	[tilespmem:$0x1F770] =	vst v61  }
0x1cf: {  	[tilespmem:$0x1F780] =	vst v60  }
0x1d0: {  	[tilespmem:$0x1F790] =	vst v56  }
0x1d1: {  	[tilespmem:$0x1F7A0] =	vst v55  }
0x1d2: {  	[tilespmem:$0x1F7B0] =	vst v54  }
0x1d3: {  	[tilespmem:$0x1F7C0] =	vst v53  }
0x1d4: {  	[tilespmem:$0x1F7D0] =	vst v52  }
0x1d5: {  	[tilespmem:$0x1F7E0] =	vst v51  }
0x1d6: {  	[tilespmem:$0x1F7F0] =	vst v50  }
0x1d7: {  	[tilespmem:$0x1F800] =	vst v49  }
0x1d8: {  	[tilespmem:$0x1F810] =	vst v47;
	s23 =	sadd.s32 $0x680, s22  }
0x1d9: {  	[tilespmem:s11], [sflag:$0x2] =	stream.indirect.gather [hbm4b:s1+s8], $0x80, s23, s8, $0xb8;
	[tilespmem:$0x11080] =	vst v63  }
0x1da: {  	v9 =	vadd.f32 v15, v9;
	_ =	swait.ge [sflag:s17], $0x3200  }
0x1db: {  	v16 =	vadd.f32 v16, v34;
	[sflag:s17] =	ssyncset.done $0x0  }
0x1dc: {  	s24 =	simm.s32 $0xA880;
	v10 =	vadd.f32 v27, v10;
	v9 =	vadd.f32 v26, v9;
	[sflag:s17] =	ssyncadd.s32 $0xFFFFCE00  }
0x1dd: {  	v14 =	vadd.f32 v30, v14;
	v15 =	vmul.f32 v26, v26;
	v30 =	vmul.f32 v27, v27;
	[tilespmem:$0x1F820] =	vst v16;
	v16 =	vld [tilespmem:s24+$0xFFFFFF80]  }
0x1de: {  	v12 =	vadd.f32 v25, v12;
	v10 =	vadd.f32 v28, v10;
	[tilespmem:$0x1F840] =	vst v9;
	v9 =	vmul.f32 v25, v25;
	v26 =	vld [tilespmem:s24+$0xFFFFFF90]  }
0x1df: {  	v14 =	vadd.f32 v15, v14;
	v13 =	vadd.f32 v30, v13;
	v15 =	vmul.f32 v28, v28;
	v25 =	vld [tilespmem:s24+$0x10]  }
0x1e0: {  	v12 =	vadd.f32 v29, v12;
	[tilespmem:$0x1F860] =	vst v10;
	v10 =	vld [tilespmem:s24+$0xFFFFFFA0];
	v9 =	vadd.f32 v9, v11;
	v11 =	vmul.f32 v29, v29  }
0x1e1: {  	[tilespmem:$0x1F850] =	vst v14;
	v13 =	vadd.f32 v15, v13;
	v29 =	vld [tilespmem:s24+$0xFFFFFFC0]  }
0x1e2: {  	v14 =	vld [tilespmem:s24+$0x0];
	[tilespmem:$0x1F880] =	vst v12;
	v9 =	vadd.f32 v11, v9  }
0x1e3: {  	v31 =	vadd.f32 v35, v33;
	v27 =	vld [tilespmem:s24+$0x20];
	[tilespmem:$0x1F870] =	vst v13  }
0x1e4: {  	v13 =	vld [tilespmem:s24+$0xFFFFFFB0];
	v12 =	vmul.f32 v16, v16;
	[tilespmem:$0x1F890] =	vst v9;
	v9 =	vimm.f32 $0.0e+00;
	v11 =	vmul.f32 v26, v26  }
0x1e5: {  	v28 =	vld [tilespmem:s24+$0x30];
	v30 =	vmul.f32 v25, v25;
	v15 =	vadd.f32 v16, v9;
	v26 =	vadd.f32 v26, v9  }
0x1e6: {  	[tilespmem:$0x1F830] =	vst v31;
	v31 =	vmul.f32 v10, v10;
	v10 =	vadd.f32 v10, v9;
	v42 =	vadd.f32 v29, v9  }
0x1e7: {  	v16 =	vmul.f32 v14, v14;
	v12 =	vadd.f32 v12, v9;
	v11 =	vadd.f32 v11, v9  }
0x1e8: {  	v35 =	vadd.f32 v14, v15;
	v37 =	vadd.f32 v25, v26;
	v14 =	vmul.f32 v27, v27  }
0x1e9: {  	v15 =	vld [tilespmem:s24+$0xFFFFFFD0];
	v33 =	vadd.f32 v16, v12;
	v12 =	vmul.f32 v13, v13;
	v34 =	vadd.f32 v30, v11  }
0x1ea: {  	v25 =	vmul.f32 v28, v28;
	v16 =	vld [tilespmem:s24+$0x40];
	v11 =	vadd.f32 v31, v9;
	v13 =	vadd.f32 v13, v9  }
0x1eb: {  	v26 =	vld [tilespmem:s24+$0x50];
	v40 =	vadd.f32 v27, v10;
	v31 =	vmul.f32 v29, v29;
	v12 =	vadd.f32 v12, v9  }
0x1ec: {  	v27 =	vld [tilespmem:s24+$0xFFFFFFE0];
	v38 =	vadd.f32 v14, v11;
	v39 =	vadd.f32 v28, v13  }
0x1ed: {  	v10 =	vimm.f32 $0.0e+00;
	v41 =	vadd.f32 v31, v9;
	v36 =	vadd.f32 v25, v12;
	v25 =	vld [tilespmem:s24+$0xFFFFFFF0]  }
0x1ee: {  	v28 =	vld [tilespmem:s24+$0x60];
	v14 =	vimm.f32 $0.0e+00;
	v13 =	vimm.f32 $0.0e+00;
	v30 =	vmul.f32 v15, v15  }
0x1ef: {  	s23 =	simm.s32 $0x0;
	v29 =	vld [tilespmem:s24+$0x70];
	v11 =	vimm.f32 $0.0e+00;
	s24 =	simm.s32 $0xA980;
	v12 =	vimm.f32 $0.0e+00;
	v43 =	vmul.f32 v16, v16  }
.LBB2_23:
0x1f0: {  	v31 =	vld [tilespmem:s24+$0xFFFFFF80];
	v9 =	vadd.f32 v15, v9;
	v14 =	vadd.f32 v30, v14;
	v15 =	vmul.f32 v26, v26  }
0x1f1: {  	v30 =	vld [tilespmem:s24+$0xFFFFFF90];
	v32 =	vmul.f32 v27, v27;
	v42 =	vadd.f32 v16, v42;
	v41 =	vadd.f32 v43, v41  }
0x1f2: {  	v16 =	vld [tilespmem:s24+$0x0];
	v43 =	vmul.f32 v25, v25;
	v9 =	vadd.f32 v26, v9;
	v14 =	vadd.f32 v15, v14  }
0x1f3: {  	v10 =	vadd.f32 v27, v10;
	v26 =	vld [tilespmem:s24+$0x10];
	v13 =	vadd.f32 v32, v13;
	v15 =	vmul.f32 v28, v28  }
0x1f4: {  	v12 =	vadd.f32 v25, v12;
	v27 =	vld [tilespmem:s24+$0xFFFFFFA0];
	v11 =	vadd.f32 v43, v11;
	v25 =	vmul.f32 v29, v29  }
0x1f5: {  	v10 =	vadd.f32 v28, v10;
	v32 =	vmul.f32 v31, v31;
	v43 =	vld [tilespmem:s24+$0xFFFFFFB0];
	v13 =	vadd.f32 v15, v13  }
0x1f6: {  	v12 =	vadd.f32 v29, v12;
	v15 =	vmul.f32 v30, v30;
	v28 =	vld [tilespmem:s24+$0x20];
	v11 =	vadd.f32 v25, v11  }
0x1f7: {  	v25 =	vadd.f32 v31, v35;
	v29 =	vadd.f32 v32, v33;
	v31 =	vmul.f32 v16, v16;
	v32 =	vld [tilespmem:s24+$0x30]  }
0x1f8: {  	v30 =	vadd.f32 v30, v37;
	v34 =	vadd.f32 v15, v34;
	v44 =	vld [tilespmem:s24+$0xFFFFFFC0];
	v45 =	vmul.f32 v26, v26  }
0x1f9: {  	s23 =	sadd.s32 $0x2, s23;
	v35 =	vadd.f32 v16, v25;
	v46 =	vmul.f32 v27, v27;
	v15 =	vld [tilespmem:s24+$0xFFFFFFD0];
	v33 =	vadd.f32 v31, v29  }
0x1fa: {  	p0 =	slt.u32 s23, $0x62;
	v37 =	vadd.f32 v26, v30;
	v25 =	vmul.f32 v43, v43;
	v34 =	vadd.f32 v45, v34;
	v16 =	vld [tilespmem:s24+$0x40]  }
.Ltmp10:
0x1fb: {  	v29 =	vadd.f32 v27, v40;
	v30 =	vadd.f32 v46, v38;
	v31 =	vmul.f32 v28, v28;
	v26 =	vld [tilespmem:s24+$0x50];
	(pc) =	sbr.rel @p0 .LBB2_23-.Ltmp10, $4  }
0x1fc: {  	v39 =	vadd.f32 v43, v39;
	v36 =	vadd.f32 v25, v36;
	v27 =	vld [tilespmem:s24+$0xFFFFFFE0];
	v43 =	vmul.f32 v32, v32  }
0x1fd: {  	v40 =	vadd.f32 v28, v29;
	v45 =	vmul.f32 v44, v44;
	v25 =	vld [tilespmem:s24+$0xFFFFFFF0];
	v38 =	vadd.f32 v31, v30  }
0x1fe: {  	v39 =	vadd.f32 v32, v39;
	v30 =	vmul.f32 v15, v15;
	v36 =	vadd.f32 v43, v36;
	v28 =	vld [tilespmem:s24+$0x60]  }
0x1ff: {  	v42 =	vadd.f32 v44, v42;
	v41 =	vadd.f32 v45, v41;
	v43 =	vmul.f32 v16, v16;
	v29 =	vld [tilespmem:s24+$0x70];
	s24 =	sadd.s32 $0x100, s24  }
0x200: {  	[tilespmem:$0x1F6D0] =	vst v48  }
0x201: {  	[tilespmem:$0x1F6E0] =	vst v57;
	s23 =	sadd.s32 $0x700, s22  }
0x202: {  	[tilespmem:s13], [sflag:$0x3] =	stream.indirect.gather [hbm4b:s1+s8], $0x80, s23, s8, $0xb8;
	[tilespmem:$0x11080] =	vst v63  }
0x203: {  	v9 =	vadd.f32 v15, v9;
	_ =	swait.ge [sflag:s18], $0x3200  }
0x204: {  	v16 =	vadd.f32 v16, v42;
	[sflag:s18] =	ssyncset.done $0x0  }
0x205: {  	s24 =	simm.s32 $0xDC80;
	v10 =	vadd.f32 v27, v10;
	v9 =	vadd.f32 v26, v9;
	[sflag:s18] =	ssyncadd.s32 $0xFFFFCE00  }
0x206: {  	v14 =	vadd.f32 v30, v14;
	v15 =	vmul.f32 v26, v26;
	v30 =	vmul.f32 v27, v27;
	[tilespmem:$0x1F6F0] =	vst v16;
	v16 =	vld [tilespmem:s24+$0xFFFFFF80]  }
0x207: {  	v12 =	vadd.f32 v25, v12;
	v10 =	vadd.f32 v28, v10;
	[tilespmem:$0x1F710] =	vst v9;
	v9 =	vmul.f32 v25, v25;
	v26 =	vld [tilespmem:s24+$0xFFFFFF90]  }
0x208: {  	v14 =	vadd.f32 v15, v14;
	v13 =	vadd.f32 v30, v13;
	v15 =	vmul.f32 v28, v28;
	v25 =	vld [tilespmem:s24+$0x10]  }
0x209: {  	v12 =	vadd.f32 v29, v12;
	[tilespmem:$0x1F730] =	vst v10;
	v10 =	vld [tilespmem:s24+$0xFFFFFFA0];
	v9 =	vadd.f32 v9, v11;
	v11 =	vmul.f32 v29, v29  }
0x20a: {  	[tilespmem:$0x1F720] =	vst v14;
	v13 =	vadd.f32 v15, v13;
	v29 =	vld [tilespmem:s24+$0xFFFFFFC0]  }
0x20b: {  	v14 =	vld [tilespmem:s24+$0x0];
	[tilespmem:$0x1F750] =	vst v12;
	v9 =	vadd.f32 v11, v9  }
0x20c: {  	v31 =	vadd.f32 v43, v41;
	v27 =	vld [tilespmem:s24+$0x20];
	[tilespmem:$0x1F740] =	vst v13  }
0x20d: {  	v13 =	vld [tilespmem:s24+$0xFFFFFFB0];
	v12 =	vmul.f32 v16, v16;
	[tilespmem:$0x1F760] =	vst v9;
	v9 =	vimm.f32 $0.0e+00;
	v11 =	vmul.f32 v26, v26  }
0x20e: {  	v28 =	vld [tilespmem:s24+$0x30];
	v30 =	vmul.f32 v25, v25;
	v15 =	vadd.f32 v16, v9;
	v26 =	vadd.f32 v26, v9  }
0x20f: {  	[tilespmem:$0x1F700] =	vst v31;
	v31 =	vmul.f32 v10, v10;
	v10 =	vadd.f32 v10, v9;
	v42 =	vadd.f32 v29, v9  }
0x210: {  	v16 =	vmul.f32 v14, v14;
	v12 =	vadd.f32 v12, v9;
	v11 =	vadd.f32 v11, v9  }
0x211: {  	v52 =	vadd.f32 v14, v15;
	v53 =	vadd.f32 v25, v26;
	v14 =	vmul.f32 v27, v27  }
0x212: {  	v15 =	vld [tilespmem:s24+$0xFFFFFFD0];
	v49 =	vadd.f32 v16, v12;
	v12 =	vmul.f32 v13, v13;
	v50 =	vadd.f32 v30, v11  }
0x213: {  	v25 =	vmul.f32 v28, v28;
	v16 =	vld [tilespmem:s24+$0x40];
	v11 =	vadd.f32 v31, v9;
	v13 =	vadd.f32 v13, v9  }
0x214: {  	v26 =	vld [tilespmem:s24+$0x50];
	v56 =	vadd.f32 v27, v10;
	v31 =	vmul.f32 v29, v29;
	v12 =	vadd.f32 v12, v9  }
0x215: {  	v27 =	vld [tilespmem:s24+$0xFFFFFFE0];
	v54 =	vadd.f32 v14, v11;
	v55 =	vadd.f32 v28, v13  }
0x216: {  	v10 =	vimm.f32 $0.0e+00;
	v41 =	vadd.f32 v31, v9;
	v51 =	vadd.f32 v25, v12;
	v25 =	vld [tilespmem:s24+$0xFFFFFFF0]  }
0x217: {  	v28 =	vld [tilespmem:s24+$0x60];
	v14 =	vimm.f32 $0.0e+00;
	v13 =	vimm.f32 $0.0e+00;
	v30 =	vmul.f32 v15, v15  }
0x218: {  	s23 =	simm.s32 $0x0;
	v29 =	vld [tilespmem:s24+$0x70];
	v11 =	vimm.f32 $0.0e+00;
	s24 =	simm.s32 $0xDD80;
	v12 =	vimm.f32 $0.0e+00;
	v43 =	vmul.f32 v16, v16  }
.LBB2_25:
0x219: {  	v31 =	vld [tilespmem:s24+$0xFFFFFF80];
	v9 =	vadd.f32 v15, v9;
	v14 =	vadd.f32 v30, v14;
	v15 =	vmul.f32 v26, v26  }
0x21a: {  	v30 =	vld [tilespmem:s24+$0xFFFFFF90];
	v32 =	vmul.f32 v27, v27;
	v42 =	vadd.f32 v16, v42;
	v41 =	vadd.f32 v43, v41  }
0x21b: {  	v16 =	vld [tilespmem:s24+$0x0];
	v43 =	vmul.f32 v25, v25;
	v9 =	vadd.f32 v26, v9;
	v14 =	vadd.f32 v15, v14  }
0x21c: {  	v10 =	vadd.f32 v27, v10;
	v26 =	vld [tilespmem:s24+$0x10];
	v13 =	vadd.f32 v32, v13;
	v15 =	vmul.f32 v28, v28  }
0x21d: {  	v12 =	vadd.f32 v25, v12;
	v27 =	vld [tilespmem:s24+$0xFFFFFFA0];
	v11 =	vadd.f32 v43, v11;
	v25 =	vmul.f32 v29, v29  }
0x21e: {  	v10 =	vadd.f32 v28, v10;
	v32 =	vmul.f32 v31, v31;
	v43 =	vld [tilespmem:s24+$0xFFFFFFB0];
	v13 =	vadd.f32 v15, v13  }
0x21f: {  	v12 =	vadd.f32 v29, v12;
	v15 =	vmul.f32 v30, v30;
	v28 =	vld [tilespmem:s24+$0x20];
	v11 =	vadd.f32 v25, v11  }
0x220: {  	v25 =	vadd.f32 v31, v52;
	v29 =	vadd.f32 v32, v49;
	v31 =	vmul.f32 v16, v16;
	v32 =	vld [tilespmem:s24+$0x30]  }
0x221: {  	v30 =	vadd.f32 v30, v53;
	v44 =	vadd.f32 v15, v50;
	v45 =	vld [tilespmem:s24+$0xFFFFFFC0];
	v46 =	vmul.f32 v26, v26  }
0x222: {  	s23 =	sadd.s32 $0x2, s23;
	v52 =	vadd.f32 v16, v25;
	v47 =	vmul.f32 v27, v27;
	v15 =	vld [tilespmem:s24+$0xFFFFFFD0];
	v49 =	vadd.f32 v31, v29  }
0x223: {  	p0 =	slt.u32 s23, $0x62;
	v53 =	vadd.f32 v26, v30;
	v25 =	vmul.f32 v43, v43;
	v50 =	vadd.f32 v46, v44;
	v16 =	vld [tilespmem:s24+$0x40]  }
.Ltmp11:
0x224: {  	v29 =	vadd.f32 v27, v56;
	v30 =	vadd.f32 v47, v54;
	v31 =	vmul.f32 v28, v28;
	v26 =	vld [tilespmem:s24+$0x50];
	(pc) =	sbr.rel @p0 .LBB2_25-.Ltmp11, $4  }
0x225: {  	v43 =	vadd.f32 v43, v55;
	v44 =	vadd.f32 v25, v51;
	v27 =	vld [tilespmem:s24+$0xFFFFFFE0];
	v46 =	vmul.f32 v32, v32  }
0x226: {  	v56 =	vadd.f32 v28, v29;
	v47 =	vmul.f32 v45, v45;
	v25 =	vld [tilespmem:s24+$0xFFFFFFF0];
	v54 =	vadd.f32 v31, v30  }
0x227: {  	v55 =	vadd.f32 v32, v43;
	v30 =	vmul.f32 v15, v15;
	v51 =	vadd.f32 v46, v44;
	v28 =	vld [tilespmem:s24+$0x60]  }
0x228: {  	v42 =	vadd.f32 v45, v42;
	v41 =	vadd.f32 v47, v41;
	v43 =	vmul.f32 v16, v16;
	v29 =	vld [tilespmem:s24+$0x70];
	s24 =	sadd.s32 $0x100, s24  }
0x229: {  	[tilespmem:$0x1F630] =	vst v59  }
0x22a: {  	[tilespmem:$0x1F640] =	vst v58;
	s23 =	sadd.s32 $0x780, s22  }
0x22b: {  	v9 =	vadd.f32 v15, v9;
	[tilespmem:s14], [sflag:$0x4] =	stream.indirect.gather [hbm4b:s1+s8], $0x80, s23, s8, $0xb8;
	[tilespmem:$0x11080] =	vst v63  }
0x22c: {  	v14 =	vadd.f32 v30, v14;
	v15 =	vmul.f32 v26, v26;
	v16 =	vadd.f32 v16, v42;
	_ =	swait.ge [sflag:s15], $0x3200  }
0x22d: {  	v30 =	vmul.f32 v27, v27;
	v10 =	vadd.f32 v27, v10;
	v9 =	vadd.f32 v26, v9;
	[sflag:s15] =	ssyncset.done $0x0  }
0x22e: {  	s24 =	simm.s32 $0x4080;
	v14 =	vadd.f32 v15, v14;
	[tilespmem:$0x1F650] =	vst v16;
	[sflag:s15] =	ssyncadd.s32 $0xFFFFCE00  }
0x22f: {  	v13 =	vadd.f32 v30, v13;
	v15 =	vmul.f32 v28, v28;
	v10 =	vadd.f32 v28, v10;
	[tilespmem:$0x1F670] =	vst v9;
	v16 =	vld [tilespmem:s24+$0xFFFFFF80]  }
0x230: {  	v26 =	vmul.f32 v25, v25;
	[tilespmem:$0x1F680] =	vst v14;
	v9 =	vld [tilespmem:s24+$0xFFFFFF90]  }
0x231: {  	v12 =	vadd.f32 v25, v12;
	v14 =	vld [tilespmem:s24+$0x0];
	[tilespmem:$0x1F690] =	vst v10;
	v10 =	vadd.f32 v15, v13  }
0x232: {  	v31 =	vadd.f32 v43, v41;
	v11 =	vadd.f32 v26, v11;
	v26 =	vmul.f32 v29, v29;
	v25 =	vld [tilespmem:s24+$0x10]  }
0x233: {  	v30 =	vld [tilespmem:s24+$0xFFFFFFA0];
	[tilespmem:$0x1F6A0] =	vst v10;
	v10 =	vadd.f32 v29, v12  }
0x234: {  	v46 =	vimm.f32 $0.0e+00;
	v45 =	vimm.f32 $0.0e+00;
	[tilespmem:$0x1F660] =	vst v31;
	v15 =	vld [tilespmem:s24+$0xFFFFFFB0];
	v11 =	vadd.f32 v26, v11  }
0x235: {  	v41 =	vimm.f32 $0.0e+00;
	v43 =	vimm.f32 $0.0e+00;
	[tilespmem:$0x1F6B0] =	vst v10;
	v10 =	vmul.f32 v16, v16  }
0x236: {  	v31 =	vld [tilespmem:s24+$0x30];
	[tilespmem:$0x1F6C0] =	vst v11;
	v11 =	vmul.f32 v9, v9;
	v12 =	vadd.f32 v16, v41;
	v13 =	vmul.f32 v14, v14  }
0x237: {  	v26 =	vld [tilespmem:s24+$0x20];
	v16 =	vadd.f32 v9, v41;
	v28 =	vmul.f32 v25, v25;
	v10 =	vadd.f32 v10, v41  }
0x238: {  	v32 =	vld [tilespmem:s24+$0xFFFFFFC0];
	v29 =	vmul.f32 v30, v30;
	v11 =	vadd.f32 v11, v41;
	v12 =	vadd.f32 v14, v12  }
0x239: {  	v27 =	vld [tilespmem:s24+$0xFFFFFFD0];
	v14 =	vmul.f32 v15, v15;
	v15 =	vadd.f32 v15, v41;
	v9 =	vadd.f32 v13, v10  }
0x23a: {  	v42 =	vimm.f32 $0.0e+00;
	v10 =	vadd.f32 v28, v11;
	v28 =	vld [tilespmem:s24+$0x40];
	v11 =	vadd.f32 v30, v41  }
0x23b: {  	v61 =	vmul.f32 v31, v31;
	v13 =	vadd.f32 v25, v16;
	v25 =	vadd.f32 v29, v41;
	v29 =	vld [tilespmem:s24+$0x50]  }
0x23c: {  	v30 =	vmul.f32 v26, v26;
	v60 =	vadd.f32 v14, v41;
	v16 =	vadd.f32 v26, v11;
	v26 =	vld [tilespmem:s24+$0xFFFFFFE0]  }
0x23d: {  	v47 =	vld [tilespmem:s24+$0xFFFFFFF0];
	v44 =	vmul.f32 v32, v32;
	v32 =	vadd.f32 v32, v41;
	v15 =	vadd.f32 v31, v15  }
0x23e: {  	v48 =	vld [tilespmem:s24+$0x60];
	v31 =	vmul.f32 v27, v27;
	v14 =	vadd.f32 v30, v25;
	v11 =	vadd.f32 v61, v60  }
0x23f: {  	s23 =	simm.s32 $0x0;
	v30 =	vadd.f32 v44, v41;
	v25 =	vld [tilespmem:s24+$0x70];
	s24 =	simm.s32 $0x4180;
	v44 =	vimm.f32 $0.0e+00;
	v57 =	vmul.f32 v28, v28  }
.LBB2_27:
0x240: {  	v58 =	vld [tilespmem:s24+$0xFFFFFF80];
	v27 =	vadd.f32 v27, v41;
	v31 =	vadd.f32 v31, v46;
	v46 =	vmul.f32 v29, v29  }
0x241: {  	v59 =	vld [tilespmem:s24+$0xFFFFFF90];
	v60 =	vmul.f32 v26, v26;
	v32 =	vadd.f32 v28, v32;
	v30 =	vadd.f32 v57, v30  }
0x242: {  	v28 =	vld [tilespmem:s24+$0x0];
	v57 =	vmul.f32 v47, v47;
	v41 =	vadd.f32 v29, v27;
	v46 =	vadd.f32 v46, v31  }
0x243: {  	v26 =	vadd.f32 v26, v45;
	v29 =	vld [tilespmem:s24+$0x10];
	v27 =	vadd.f32 v60, v43;
	v31 =	vmul.f32 v48, v48  }
0x244: {  	v44 =	vadd.f32 v47, v44;
	v60 =	vld [tilespmem:s24+$0xFFFFFFA0];
	v42 =	vadd.f32 v57, v42;
	v47 =	vmul.f32 v25, v25  }
0x245: {  	v45 =	vadd.f32 v48, v26;
	v57 =	vmul.f32 v58, v58;
	v61 =	vld [tilespmem:s24+$0xFFFFFFB0];
	v43 =	vadd.f32 v31, v27  }
0x246: {  	v44 =	vadd.f32 v25, v44;
	v26 =	vmul.f32 v59, v59;
	v31 =	vld [tilespmem:s24+$0x20];
	v42 =	vadd.f32 v47, v42  }
0x247: {  	v12 =	vadd.f32 v58, v12;
	v9 =	vadd.f32 v57, v9;
	v25 =	vmul.f32 v28, v28;
	v48 =	vld [tilespmem:s24+$0x30]  }
0x248: {  	v13 =	vadd.f32 v59, v13;
	v10 =	vadd.f32 v26, v10;
	v57 =	vld [tilespmem:s24+$0xFFFFFFC0];
	v26 =	vmul.f32 v29, v29  }
0x249: {  	s23 =	sadd.s32 $0x2, s23;
	v12 =	vadd.f32 v28, v12;
	v47 =	vmul.f32 v60, v60;
	v27 =	vld [tilespmem:s24+$0xFFFFFFD0];
	v9 =	vadd.f32 v25, v9  }
0x24a: {  	p0 =	slt.u32 s23, $0x62;
	v13 =	vadd.f32 v29, v13;
	v25 =	vmul.f32 v61, v61;
	v10 =	vadd.f32 v26, v10;
	v28 =	vld [tilespmem:s24+$0x40]  }
.Ltmp12:
0x24b: {  	v16 =	vadd.f32 v60, v16;
	v14 =	vadd.f32 v47, v14;
	v58 =	vmul.f32 v31, v31;
	v29 =	vld [tilespmem:s24+$0x50];
	(pc) =	sbr.rel @p0 .LBB2_27-.Ltmp12, $4  }
0x24c: {  	v15 =	vadd.f32 v61, v15;
	v11 =	vadd.f32 v25, v11;
	v26 =	vld [tilespmem:s24+$0xFFFFFFE0];
	v25 =	vmul.f32 v48, v48  }
0x24d: {  	v16 =	vadd.f32 v31, v16;
	v59 =	vmul.f32 v57, v57;
	v47 =	vld [tilespmem:s24+$0xFFFFFFF0];
	v14 =	vadd.f32 v58, v14  }
0x24e: {  	v15 =	vadd.f32 v48, v15;
	v31 =	vmul.f32 v27, v27;
	v11 =	vadd.f32 v25, v11;
	v48 =	vld [tilespmem:s24+$0x60]  }
0x24f: {  	v32 =	vadd.f32 v57, v32;
	v30 =	vadd.f32 v59, v30;
	v57 =	vmul.f32 v28, v28;
	v25 =	vld [tilespmem:s24+$0x70];
	s24 =	sadd.s32 $0x100, s24  }
0x250: {  	v58 =	vld [tilespmem:$0x1FB60];
	_ =	sdelay $0x1  }
0x251: {  	v60 =	vld [tilespmem:$0x1FC80]  }
0x252: {  	v59 =	vld [tilespmem:$0x1FB40];
	_ =	sdelay $0x1  }
0x253: {  	v61 =	vld [tilespmem:$0x1FB50];
	v58 =	vmul.f32 v58, v58;
	_ =	sdelay $0x1  }
0x254: {  	v27 =	vadd.f32 v27, v41;
	v41 =	vsub.f32 v58, v60;
	v60 =	vld [tilespmem:$0x1FF60]  }
0x255: {  	v59 =	vmul.f32 v59, v59  }
0x256: {  	v31 =	vadd.f32 v31, v46;
	v46 =	vld [tilespmem:$0x1FF70]  }
0x257: {  	v58 =	vsub.f32 v59, v61;
	_ =	sdelay $0x1  }
0x258: {  	v61 =	vadd.f32 v58, v41;
	v58 =	vld [tilespmem:$0x1FDA0];
	v59 =	vmul.f32 v60, v60;
	_ =	sdelay $0x1  }
0x259: {  	v60 =	vadd.f32 v28, v32;
	v32 =	vsub.f32 v59, v46;
	v59 =	vld [tilespmem:$0x1FB30];
	_ =	sdelay $0x2  }
0x25a: {  	v41 =	vmul.f32 v58, v58;
	v46 =	vadd.f32 v57, v30  }
0x25b: {  	v57 =	vadd.f32 v29, v27;
	v27 =	vmul.f32 v29, v29;
	v28 =	vadd.f32 v32, v61;
	v61 =	vld [tilespmem:$0x1FF80]  }
0x25c: {  	v32 =	vld [tilespmem:$0x1FF90];
	v29 =	vsub.f32 v41, v59  }
0x25d: {  	v41 =	vadd.f32 v27, v31;
	v27 =	vadd.f32 v26, v45;
	v45 =	vld [tilespmem:$0x1FFA0];
	_ =	sdelay $0x1  }
0x25e: {  	v58 =	vld [tilespmem:$0x1FFB0]  }
0x25f: {  	v31 =	vadd.f32 v47, v44;
	v47 =	vmul.f32 v47, v47;
	v59 =	vld [tilespmem:$0x1FFC0];
	v30 =	vmul.f32 v61, v61  }
0x260: {  	v26 =	vmul.f32 v26, v26;
	v28 =	vadd.f32 v29, v28;
	v61 =	vld [tilespmem:$0x1FFD0]  }
0x261: {  	v29 =	vsub.f32 v30, v32;
	v32 =	vadd.f32 v47, v42;
	v42 =	vld [tilespmem:$0x1FFE0];
	v30 =	vmul.f32 v45, v45  }
0x262: {  	v26 =	vadd.f32 v26, v43  }
0x263: {  	v28 =	vadd.f32 v29, v28;
	v29 =	vsub.f32 v30, v58  }
0x264: {  	v45 =	vadd.f32 v48, v27;
	v27 =	vmul.f32 v48, v48;
	v30 =	vmul.f32 v59, v59  }
0x265: {  	v28 =	vadd.f32 v29, v28  }
0x266: {  	v29 =	vsub.f32 v30, v61;
	v30 =	vmul.f32 v42, v42;
	v42 =	vadd.f32 v27, v26;
	v27 =	vld [tilespmem:$0x1FFF0];
	_ =	sdelay $0x3  }
0x267: {  	v44 =	vadd.f32 v25, v31  }
0x268: {  	v25 =	vmul.f32 v25, v25;
	v26 =	vadd.f32 v29, v28;
	v27 =	vsub.f32 v30, v27  }
0x269: {  	v43 =	vld [tilespmem:$0x1FA30]  }
0x26a: {  	v31 =	vadd.f32 v25, v32;
	v32 =	vadd.f32 v27, v26;
	v26 =	vld [tilespmem:$0x1F910]  }
0x26b: {  	v27 =	vld [tilespmem:$0x1F8F0]  }
0x26c: {  	v59 =	vld [tilespmem:$0x1F930]  }
0x26d: {  	v61 =	vld [tilespmem:$0x1F920];
	_ =	sdelay $0x2  }
0x26e: {  	v26 =	vmul.f32 v26, v26;
	v27 =	vmul.f32 v27, v27;
	_ =	sdelay $0x1  }
0x26f: {  	v28 =	vmul.f32 v43, v43;
	v43 =	vld [tilespmem:$0x1F8C0];
	v26 =	vsub.f32 v26, v59;
	v27 =	vsub.f32 v27, v61  }
0x270: {  	v58 =	vld [tilespmem:$0x1FDB0]  }
0x271: {  	v26 =	vadd.f32 v27, v26;
	v27 =	vld [tilespmem:$0x1F8E0];
	_ =	sdelay $0x2  }
0x272: {  	v30 =	vmul.f32 v43, v43;
	_ =	sdelay $0x1  }
0x273: {  	v29 =	vmul.f32 v58, v58;
	v58 =	vld [tilespmem:$0x1F8D0];
	v27 =	vsub.f32 v30, v27;
	_ =	sdelay $0x1  }
0x274: {  	v26 =	vadd.f32 v27, v26;
	v27 =	vld [tilespmem:$0x1F900];
	_ =	sdelay $0x1  }
0x275: {  	v25 =	vld [tilespmem:$0x1FA50]  }
0x276: {  	v47 =	vld [tilespmem:$0x1FA70];
	v30 =	vmul.f32 v58, v58  }
0x277: {  	v48 =	vld [tilespmem:$0x1FA60]  }
0x278: {  	v43 =	vld [tilespmem:$0x1FE50];
	v27 =	vsub.f32 v30, v27;
	_ =	sdelay $0x1  }
0x279: {  	v25 =	vmul.f32 v25, v25;
	v26 =	vadd.f32 v27, v26;
	v27 =	vld [tilespmem:$0x1FE60];
	_ =	sdelay $0x1  }
0x27a: {  	v25 =	vsub.f32 v25, v47;
	v47 =	vld [tilespmem:$0x1FED0]  }
0x27b: {  	v28 =	vsub.f32 v28, v48;
	v48 =	vld [tilespmem:$0x1F940];
	v30 =	vmul.f32 v43, v43  }
0x27c: {  	v59 =	vld [tilespmem:$0x1FA40]  }
0x27d: {  	v58 =	vld [tilespmem:$0x1FE70];
	v27 =	vsub.f32 v30, v27  }
0x27e: {  	v61 =	vld [tilespmem:$0x1FEE0]  }
0x27f: {  	v26 =	vadd.f32 v27, v26;
	v27 =	vld [tilespmem:$0x1FE80]  }
0x280: {  	v25 =	vadd.f32 v28, v25;
	v28 =	vsub.f32 v29, v47;
	v29 =	vmul.f32 v48, v48;
	v47 =	vld [tilespmem:$0x1FEF0]  }
0x281: {  	v48 =	vld [tilespmem:$0x1FF00]  }
0x282: {  	v25 =	vadd.f32 v28, v25;
	v28 =	vsub.f32 v29, v59;
	v59 =	vld [tilespmem:$0x1FF10];
	v30 =	vmul.f32 v58, v58  }
0x283: {  	v29 =	vmul.f32 v61, v61;
	v61 =	vld [tilespmem:$0x1FF20]  }
0x284: {  	v43 =	vld [tilespmem:$0x1FE90];
	v27 =	vsub.f32 v30, v27  }
0x285: {  	v25 =	vadd.f32 v28, v25;
	v28 =	vsub.f32 v29, v47;
	v47 =	vld [tilespmem:$0x1FF30]  }
0x286: {  	v26 =	vadd.f32 v27, v26;
	v27 =	vld [tilespmem:$0x1FEA0]  }
0x287: {  	v29 =	vmul.f32 v48, v48;
	v48 =	vld [tilespmem:$0x1FF40];
	_ =	sdelay $0x1  }
0x288: {  	v25 =	vadd.f32 v28, v25;
	v28 =	vsub.f32 v29, v59;
	v59 =	vld [tilespmem:$0x1FF50];
	v30 =	vmul.f32 v43, v43  }
0x289: {  	v29 =	vmul.f32 v61, v61  }
0x28a: {  	v58 =	vld [tilespmem:$0x1FEB0];
	v27 =	vsub.f32 v30, v27  }
0x28b: {  	v25 =	vadd.f32 v28, v25;
	v28 =	vsub.f32 v29, v47;
	v29 =	vmul.f32 v48, v48  }
0x28c: {  	v26 =	vadd.f32 v27, v26;
	v27 =	vld [tilespmem:$0x1FEC0]  }
0x28d: {  	v61 =	vld [tilespmem:$0x1F7E0];
	v25 =	vadd.f32 v28, v25;
	v28 =	vsub.f32 v29, v59;
	_ =	sdelay $0x1  }
0x28e: {  	v48 =	vadd.f32 v28, v25;
	v25 =	vld [tilespmem:$0x1F800];
	v30 =	vmul.f32 v58, v58;
	_ =	sdelay $0x1  }
0x28f: {  	v43 =	vld [tilespmem:$0x1F810];
	v27 =	vsub.f32 v30, v27  }
0x290: {  	v28 =	vmul.f32 v61, v61;
	v61 =	vld [tilespmem:$0x1F7A0]  }
0x291: {  	v47 =	vadd.f32 v27, v26;
	v26 =	vld [tilespmem:$0x1F6E0]  }
0x292: {  	v25 =	vmul.f32 v25, v25;
	v27 =	vld [tilespmem:$0x1FD10]  }
0x293: {  	v58 =	vld [tilespmem:$0x1FDC0]  }
0x294: {  	v25 =	vsub.f32 v25, v43;
	v43 =	vld [tilespmem:$0x1F790];
	_ =	sdelay $0x2  }
0x295: {  	v26 =	vmul.f32 v26, v26;
	v27 =	vmul.f32 v27, v27  }
0x296: {  	v28 =	vsub.f32 v28, v58  }
0x297: {  	v58 =	vld [tilespmem:$0x1FC70];
	v26 =	vsub.f32 v26, v61;
	v27 =	vsub.f32 v27, v43  }
0x298: {  	v59 =	vld [tilespmem:$0x1F7B0]  }
0x299: {  	v26 =	vadd.f32 v27, v26;
	v27 =	vld [tilespmem:$0x1F780];
	_ =	sdelay $0x2  }
0x29a: {  	v30 =	vmul.f32 v58, v58  }
0x29b: {  	v29 =	vmul.f32 v59, v59;
	v59 =	vld [tilespmem:$0x1F7D0]  }
0x29c: {  	v43 =	vld [tilespmem:$0x1F770];
	v27 =	vsub.f32 v30, v27  }
0x29d: {  	v61 =	vld [tilespmem:$0x1F7C0]  }
0x29e: {  	v26 =	vadd.f32 v27, v26;
	v27 =	vld [tilespmem:$0x1F640];
	_ =	sdelay $0x2  }
0x29f: {  	v30 =	vmul.f32 v43, v43  }
0x2a0: {  	v25 =	vadd.f32 v28, v25;
	v58 =	vld [tilespmem:$0x1F7F0]  }
0x2a1: {  	v28 =	vsub.f32 v29, v59;
	v29 =	vmul.f32 v61, v61;
	v61 =	vld [tilespmem:$0x1FD20];
	v27 =	vsub.f32 v30, v27  }
0x2a2: {  	v59 =	vld [tilespmem:$0x1FDD0]  }
0x2a3: {  	v26 =	vadd.f32 v27, v26;
	v27 =	vld [tilespmem:$0x1FD30];
	_ =	sdelay $0x1  }
0x2a4: {  	v43 =	vld [tilespmem:$0x1FDE0]  }
0x2a5: {  	v25 =	vadd.f32 v28, v25;
	v28 =	vsub.f32 v29, v58;
	v58 =	vld [tilespmem:$0x1FDF0];
	v30 =	vmul.f32 v61, v61  }
0x2a6: {  	v29 =	vmul.f32 v59, v59;
	v59 =	vld [tilespmem:$0x1FD40]  }
0x2a7: {  	v61 =	vld [tilespmem:$0x1FE00];
	v27 =	vsub.f32 v30, v27;
	_ =	sdelay $0x1  }
0x2a8: {  	v26 =	vadd.f32 v27, v26;
	v27 =	vld [tilespmem:$0x1FD50]  }
0x2a9: {  	v25 =	vadd.f32 v28, v25;
	v28 =	vsub.f32 v29, v43;
	v29 =	vmul.f32 v58, v58;
	v58 =	vld [tilespmem:$0x1FD60]  }
0x2aa: {  	v43 =	vld [tilespmem:$0x1FE10]  }
0x2ab: {  	v25 =	vadd.f32 v28, v25;
	v28 =	vsub.f32 v29, v61;
	v61 =	vld [tilespmem:$0x1FE30];
	v30 =	vmul.f32 v59, v59  }
0x2ac: {  	v59 =	vld [tilespmem:$0x1FE20]  }
0x2ad: {  	v27 =	vsub.f32 v30, v27  }
0x2ae: {  	v30 =	vmul.f32 v58, v58;
	v58 =	vld [tilespmem:$0x1FE40]  }
0x2af: {  	v29 =	vmul.f32 v43, v43;
	v26 =	vadd.f32 v27, v26;
	v27 =	vld [tilespmem:$0x1FD70];
	_ =	sdelay $0x1  }
0x2b0: {  	v25 =	vadd.f32 v28, v25;
	v28 =	vsub.f32 v29, v59;
	v29 =	vmul.f32 v61, v61;
	_ =	sdelay $0x1  }
0x2b1: {  	v43 =	vld [tilespmem:$0x1FD80];
	v25 =	vadd.f32 v28, v25;
	v28 =	vsub.f32 v29, v58  }
0x2b2: {  	v59 =	vld [tilespmem:$0x1FC20];
	v27 =	vsub.f32 v30, v27  }
0x2b3: {  	v58 =	vadd.f32 v28, v25;
	v25 =	vld [tilespmem:$0x1FC40]  }
0x2b4: {  	v26 =	vadd.f32 v27, v26;
	v27 =	vld [tilespmem:$0x1FD90]  }
0x2b5: {  	v61 =	vld [tilespmem:$0x1FC60];
	_ =	sdelay $0x1  }
0x2b6: {  	v30 =	vmul.f32 v43, v43;
	v28 =	vmul.f32 v59, v59;
	v59 =	vld [tilespmem:$0x1FC50]  }
0x2b7: {  	v25 =	vmul.f32 v25, v25  }
0x2b8: {  	v27 =	vsub.f32 v30, v27  }
0x2b9: {  	v25 =	vsub.f32 v25, v61;
	v61 =	vld [tilespmem:$0x1FBF0]  }
0x2ba: {  	v43 =	vadd.f32 v27, v26;
	v26 =	vld [tilespmem:$0x1FB00]  }
0x2bb: {  	v28 =	vsub.f32 v28, v59;
	v59 =	vld [tilespmem:$0x1FB20]  }
0x2bc: {  	v27 =	vld [tilespmem:$0x1F8B0];
	_ =	sdelay $0x1  }
0x2bd: {  	v29 =	vmul.f32 v61, v61;
	v61 =	vld [tilespmem:$0x1FB10]  }
0x2be: {  	v26 =	vmul.f32 v26, v26;
	_ =	sdelay $0x1  }
0x2bf: {  	v27 =	vmul.f32 v27, v27;
	v26 =	vsub.f32 v26, v59;
	v59 =	vld [tilespmem:$0x1F630];
	_ =	sdelay $0x1  }
0x2c0: {  	v27 =	vsub.f32 v27, v61;
	v61 =	vld [tilespmem:$0x1FC10];
	_ =	sdelay $0x1  }
0x2c1: {  	v26 =	vadd.f32 v27, v26;
	v27 =	vld [tilespmem:$0x1F8A0]  }
0x2c2: {  	v30 =	vmul.f32 v59, v59;
	v59 =	vld [tilespmem:$0x1FC00];
	_ =	sdelay $0x1  }
0x2c3: {  	v25 =	vadd.f32 v28, v25;
	v28 =	vsub.f32 v29, v61;
	v61 =	vld [tilespmem:$0x1F6D0];
	_ =	sdelay $0x1  }
0x2c4: {  	v27 =	vsub.f32 v30, v27  }
0x2c5: {  	v29 =	vmul.f32 v59, v59;
	v59 =	vld [tilespmem:$0x1FC30]  }
0x2c6: {  	v26 =	vadd.f32 v27, v26;
	v27 =	vld [tilespmem:$0x1FA20]  }
0x2c7: {  	v30 =	vmul.f32 v61, v61;
	v61 =	vld [tilespmem:$0x1FC90];
	_ =	sdelay $0x2  }
0x2c8: {  	v25 =	vadd.f32 v28, v25  }
0x2c9: {  	v28 =	vsub.f32 v29, v59;
	v27 =	vsub.f32 v30, v27;
	v59 =	vld [tilespmem:$0x1FB70]  }
0x2ca: {  	v29 =	vmul.f32 v61, v61;
	v61 =	vld [tilespmem:$0x1FCA0]  }
0x2cb: {  	v26 =	vadd.f32 v27, v26;
	v27 =	vld [tilespmem:$0x1FB80];
	_ =	sdelay $0x2  }
0x2cc: {  	v30 =	vmul.f32 v59, v59;
	v59 =	vld [tilespmem:$0x1FCB0]  }
0x2cd: {  	v25 =	vadd.f32 v28, v25;
	v28 =	vsub.f32 v29, v61;
	v61 =	vld [tilespmem:$0x1FB90]  }
0x2ce: {  	v27 =	vsub.f32 v30, v27;
	_ =	sdelay $0x1  }
0x2cf: {  	v26 =	vadd.f32 v27, v26;
	v27 =	vld [tilespmem:$0x1FBA0]  }
0x2d0: {  	v29 =	vmul.f32 v59, v59;
	v59 =	vld [tilespmem:$0x1FCC0]  }
0x2d1: {  	v30 =	vmul.f32 v61, v61;
	v61 =	vld [tilespmem:$0x1FCD0];
	_ =	sdelay $0x2  }
0x2d2: {  	v25 =	vadd.f32 v28, v25  }
0x2d3: {  	v27 =	vsub.f32 v30, v27;
	v28 =	vsub.f32 v29, v59;
	v59 =	vld [tilespmem:$0x1FBB0]  }
0x2d4: {  	v29 =	vmul.f32 v61, v61;
	v61 =	vld [tilespmem:$0x1FCE0]  }
0x2d5: {  	v26 =	vadd.f32 v27, v26;
	v27 =	vld [tilespmem:$0x1FBC0];
	_ =	sdelay $0x2  }
0x2d6: {  	v30 =	vmul.f32 v59, v59;
	v59 =	vld [tilespmem:$0x1FCF0]  }
0x2d7: {  	v25 =	vadd.f32 v28, v25  }
0x2d8: {  	v28 =	vsub.f32 v29, v61;
	v61 =	vld [tilespmem:$0x1FBD0];
	v27 =	vsub.f32 v30, v27;
	_ =	sdelay $0x1  }
0x2d9: {  	v26 =	vadd.f32 v27, v26;
	v27 =	vld [tilespmem:$0x1FBE0]  }
0x2da: {  	v29 =	vmul.f32 v59, v59;
	v59 =	vld [tilespmem:$0x1FD00];
	_ =	sdelay $0x1  }
0x2db: {  	v30 =	vmul.f32 v61, v61;
	v61 =	vld [tilespmem:$0x1F9F0];
	_ =	sdelay $0x1  }
0x2dc: {  	v27 =	vsub.f32 v30, v27  }
0x2dd: {  	v25 =	vadd.f32 v28, v25;
	v28 =	vsub.f32 v29, v59;
	v59 =	vld [tilespmem:$0x1F9D0]  }
0x2de: {  	v26 =	vadd.f32 v27, v26;
	v27 =	vld [tilespmem:$0x1FA10]  }
0x2df: {  	v25 =	vadd.f32 v28, v25;
	v28 =	vmul.f32 v61, v61;
	v61 =	vld [tilespmem:$0x1FA00];
	_ =	sdelay $0x2  }
0x2e0: {  	v29 =	vmul.f32 v59, v59  }
0x2e1: {  	v3 =	vmul.f32 v3, v3;
	v5 =	vmul.f32 v5, v5  }
0x2e2: {  	v0 =	vmul.f32 v0, v0;
	v27 =	vsub.f32 v28, v27;
	v28 =	vsub.f32 v29, v61  }
0x2e3: {  	v1 =	vsub.f32 v3, v1;
	v2 =	vsub.f32 v5, v2;
	v3 =	vmul.f32 v8, v8  }
0x2e4: {  	v0 =	vsub.f32 v0, v62;
	v5 =	vadd.f32 v28, v27  }
0x2e5: {  	v1 =	vadd.f32 v2, v1;
	v2 =	vsub.f32 v3, v6;
	v3 =	vmul.f32 v7, v7;
	v6 =	vld [tilespmem:$0x1FA80]  }
0x2e6: {  	v0 =	vadd.f32 v0, v5;
	v5 =	vld [tilespmem:$0x1F9E0]  }
0x2e7: {  	v1 =	vadd.f32 v2, v1;
	v2 =	vsub.f32 v3, v4;
	v3 =	vld [tilespmem:$0x1F950]  }
0x2e8: {  	v4 =	vld [tilespmem:$0x1FA90]  }
0x2e9: {  	v8 =	vmul.f32 v63, v63;
	v1 =	vadd.f32 v2, v1;
	v2 =	vld [tilespmem:$0x1F960];
	_ =	sdelay $0x1  }
0x2ea: {  	v6 =	vmul.f32 v6, v6;
	v5 =	vsub.f32 v8, v5  }
0x2eb: {  	v3 =	vmul.f32 v3, v3  }
0x2ec: {  	v4 =	vsub.f32 v6, v4;
	v0 =	vadd.f32 v5, v0;
	v5 =	vld [tilespmem:$0x1FAA0]  }
0x2ed: {  	v2 =	vsub.f32 v3, v2;
	v3 =	vld [tilespmem:$0x1F970]  }
0x2ee: {  	v0 =	vadd.f32 v4, v0;
	v4 =	vld [tilespmem:$0x1FAB0]  }
0x2ef: {  	v1 =	vadd.f32 v2, v1;
	v2 =	vld [tilespmem:$0x1F980];
	_ =	sdelay $0x1  }
0x2f0: {  	v5 =	vmul.f32 v5, v5  }
0x2f1: {  	v3 =	vmul.f32 v3, v3  }
0x2f2: {  	v4 =	vsub.f32 v5, v4;
	v5 =	vld [tilespmem:$0x1FAC0]  }
0x2f3: {  	v2 =	vsub.f32 v3, v2;
	v3 =	vld [tilespmem:$0x1F990]  }
0x2f4: {  	v0 =	vadd.f32 v4, v0;
	v4 =	vld [tilespmem:$0x1FAD0]  }
0x2f5: {  	v1 =	vadd.f32 v2, v1;
	v2 =	vld [tilespmem:$0x1F9A0];
	_ =	sdelay $0x1  }
0x2f6: {  	v5 =	vmul.f32 v5, v5  }
0x2f7: {  	v3 =	vmul.f32 v3, v3  }
0x2f8: {  	v4 =	vsub.f32 v5, v4;
	v5 =	vld [tilespmem:$0x1FAE0]  }
0x2f9: {  	v2 =	vsub.f32 v3, v2;
	v3 =	vld [tilespmem:$0x1F9B0]  }
0x2fa: {  	v0 =	vadd.f32 v4, v0;
	v4 =	vld [tilespmem:$0x1FAF0]  }
0x2fb: {  	v1 =	vadd.f32 v2, v1;
	v2 =	vld [tilespmem:$0x1F9C0];
	_ =	sdelay $0x1  }
0x2fc: {  	v5 =	vmul.f32 v5, v5  }
0x2fd: {  	v3 =	vmul.f32 v3, v3  }
0x2fe: {  	v4 =	vsub.f32 v5, v4  }
0x2ff: {  	v2 =	vsub.f32 v3, v2  }
0x300: {  	v3 =	vmul.f32 v19, v19;
	v0 =	vadd.f32 v4, v0;
	v4 =	vmul.f32 v21, v21;
	_ =	sdelay $0x1  }
0x301: {  	v6 =	vmul.f32 v24, v24;
	v3 =	vsub.f32 v3, v17;
	v4 =	vsub.f32 v4, v18;
	_ =	sdelay $0x1  }
0x302: {  	v3 =	vadd.f32 v4, v3;
	v4 =	vsub.f32 v6, v22;
	v6 =	vmul.f32 v23, v23;
	_ =	sdelay $0x1  }
0x303: {  	v3 =	vadd.f32 v4, v3;
	v4 =	vsub.f32 v6, v20;
	v6 =	vld [tilespmem:$0x1F820];
	_ =	sdelay $0x1  }
0x304: {  	v3 =	vadd.f32 v4, v3;
	v4 =	vld [tilespmem:$0x1F830];
	_ =	sdelay $0x2  }
0x305: {  	v6 =	vmul.f32 v6, v6;
	_ =	sdelay $0x1  }
0x306: {  	v4 =	vsub.f32 v6, v4;
	v6 =	vld [tilespmem:$0x1F840]  }
0x307: {  	v1 =	vadd.f32 v2, v1  }
0x308: {  	v2 =	vmul.f32 v35, v35;
	v5 =	vmul.f32 v37, v37;
	v3 =	vadd.f32 v4, v3;
	v4 =	vld [tilespmem:$0x1F850];
	_ =	sdelay $0x1  }
0x309: {  	v7 =	vmul.f32 v40, v40;
	v2 =	vsub.f32 v2, v33;
	v5 =	vsub.f32 v5, v34  }
0x30a: {  	v6 =	vmul.f32 v6, v6  }
0x30b: {  	v2 =	vadd.f32 v5, v2;
	v5 =	vsub.f32 v7, v38;
	v7 =	vmul.f32 v39, v39  }
0x30c: {  	v4 =	vsub.f32 v6, v4;
	v6 =	vld [tilespmem:$0x1F860]  }
0x30d: {  	v2 =	vadd.f32 v5, v2;
	v5 =	vsub.f32 v7, v36;
	v7 =	vld [tilespmem:$0x1F6F0]  }
0x30e: {  	v3 =	vadd.f32 v4, v3;
	v4 =	vld [tilespmem:$0x1F870]  }
0x30f: {  	v2 =	vadd.f32 v5, v2;
	v5 =	vld [tilespmem:$0x1F700];
	_ =	sdelay $0x1  }
0x310: {  	v6 =	vmul.f32 v6, v6  }
0x311: {  	v7 =	vmul.f32 v7, v7  }
0x312: {  	v4 =	vsub.f32 v6, v4;
	v6 =	vld [tilespmem:$0x1F880]  }
0x313: {  	v5 =	vsub.f32 v7, v5;
	v7 =	vld [tilespmem:$0x1F710]  }
0x314: {  	v3 =	vadd.f32 v4, v3;
	v4 =	vld [tilespmem:$0x1F890]  }
0x315: {  	v2 =	vadd.f32 v5, v2;
	v5 =	vld [tilespmem:$0x1F720];
	_ =	sdelay $0x1  }
0x316: {  	v6 =	vmul.f32 v6, v6  }
0x317: {  	v7 =	vmul.f32 v7, v7  }
0x318: {  	v4 =	vsub.f32 v6, v4  }
0x319: {  	v5 =	vsub.f32 v7, v5  }
0x31a: {  	v7 =	vld [tilespmem:$0x1F730];
	v6 =	vmul.f32 v53, v53;
	v3 =	vadd.f32 v4, v3;
	v4 =	vmul.f32 v52, v52  }
0x31b: {  	v2 =	vadd.f32 v5, v2  }
0x31c: {  	v8 =	vmul.f32 v56, v56;
	v5 =	vld [tilespmem:$0x1F740];
	v6 =	vsub.f32 v6, v50;
	v4 =	vsub.f32 v4, v49;
	_ =	sdelay $0x1  }
0x31d: {  	v4 =	vadd.f32 v6, v4;
	v6 =	vsub.f32 v8, v54;
	v8 =	vmul.f32 v55, v55  }
0x31e: {  	v7 =	vmul.f32 v7, v7  }
0x31f: {  	v4 =	vadd.f32 v6, v4;
	v6 =	vsub.f32 v8, v51;
	v8 =	vld [tilespmem:$0x1F650]  }
0x320: {  	v5 =	vsub.f32 v7, v5;
	v7 =	vld [tilespmem:$0x1F750]  }
0x321: {  	v4 =	vadd.f32 v6, v4;
	v6 =	vld [tilespmem:$0x1F660];
	_ =	sdelay $0x1  }
0x322: {  	v2 =	vadd.f32 v5, v2;
	v5 =	vld [tilespmem:$0x1F760]  }
0x323: {  	v8 =	vmul.f32 v8, v8;
	_ =	sdelay $0x1  }
0x324: {  	v7 =	vmul.f32 v7, v7;
	v6 =	vsub.f32 v8, v6;
	v8 =	vld [tilespmem:$0x1F670];
	_ =	sdelay $0x1  }
0x325: {  	(xrf2) =	vadd.scan.msk.f32 $0xffff, v32;
	v5 =	vsub.f32 v7, v5;
	v4 =	vadd.f32 v6, v4;
	v6 =	vld [tilespmem:$0x1F680]  }
0x326: {  	(xrf2) =	vadd.scan.msk.f32 $0xffff, v48  }
0x327: {  	(xrf2) =	vadd.scan.msk.f32 $0xffff, v47;
	v7 =	vmul.f32 v13, v13;
	v2 =	vadd.f32 v5, v2;
	v5 =	vmul.f32 v12, v12  }
0x328: {  	(xrf2) =	vadd.scan.msk.f32 $0xffff, v58;
	v8 =	vmul.f32 v8, v8  }
0x329: {  	(xrf2) =	vadd.scan.msk.f32 $0xffff, v43;
	v7 =	vsub.f32 v7, v10;
	v5 =	vsub.f32 v5, v9;
	v9 =	vmul.f32 v16, v16  }
0x32a: {  	(xrf2) =	vadd.scan.msk.f32 $0xffff, v25;
	v6 =	vsub.f32 v8, v6  }
0x32b: {  	(xrf2) =	vadd.scan.msk.f32 $0xffff, v26;
	v5 =	vadd.f32 v7, v5;
	v7 =	vsub.f32 v9, v14;
	v9 =	vmul.f32 v15, v15;
	v8 =	vld [tilespmem:$0x1F690]  }
0x32c: {  	(xrf2) =	vadd.scan.msk.f32 $0xffff, v0;
	v0 =	vadd.f32 v6, v4;
	v4 =	vld [tilespmem:$0x1F6A0]  }
0x32d: {  	v5 =	vadd.f32 v7, v5;
	v7 =	vsub.f32 v9, v11;
	v9 =	vmul.f32 v60, v60;
	v6 =	vld [tilespmem:$0x1F6B0]  }
0x32e: {  	(xrf2) =	vadd.scan.msk.f32 $0xffff, v1  }
0x32f: {  	(xrf2) =	vadd.scan.msk.f32 $0xffff, v3;
	v3 =	vld [tilespmem:$0x1F6C0];
	v5 =	vadd.f32 v7, v5;
	v7 =	vsub.f32 v9, v46;
	v9 =	vmul.f32 v57, v57  }
0x330: {  	v8 =	vmul.f32 v8, v8  }
0x331: {  	v5 =	vadd.f32 v7, v5;
	v7 =	vsub.f32 v9, v41;
	v9 =	vmul.f32 v45, v45  }
0x332: {  	v4 =	vsub.f32 v8, v4;
	v6 =	vmul.f32 v6, v6  }
0x333: {  	v1 =	vadd.f32 v7, v5;
	v5 =	vsub.f32 v9, v42;
	v7 =	vmul.f32 v44, v44  }
0x334: {  	v0 =	vadd.f32 v4, v0;
	v3 =	vsub.f32 v6, v3  }
0x335: {  	v1 =	vadd.f32 v5, v1;
	v5 =	vsub.f32 v7, v31  }
0x336: {  	v4, _, _ =	vpop (xrf2);
	v0 =	vadd.f32 v3, v0  }
0x337: {  	v1 =	vadd.f32 v5, v1;
	(xrf2) =	vadd.scan.msk.f32 $0xffff, v2;
	v6, _, _ =	vpop (xrf2);
	(v2sf) =	vpush v4, $0xF  }
0x338: {  	(v2sf) =	vpush v6, $0xF;
	v3, _, _ =	vpop (xrf2);
	(xrf2) =	vadd.scan.msk.f32 $0xffff, v0  }
0x339: {  	(v2sf) =	vpush v3, $0xF;
	v2, _, _ =	vpop (xrf2);
	(xrf2) =	vadd.scan.msk.f32 $0xffff, v1  }
0x33a: {  	(v2sf) =	vpush v2, $0xF  }
0x33b: {  	v0, _, _ =	vpop (xrf2)  }
0x33c: {  	v1, _, _ =	vpop (xrf2);
	(v2sf) =	vpush v0, $0xF  }
0x33d: {  	v0, _, _ =	vpop (xrf2);
	(v2sf) =	vpush v1, $0xF  }
0x33e: {  	v1, _, _ =	vpop (xrf2);
	(v2sf) =	vpush v0, $0xF  }
0x33f: {  	v0, _, _ =	vpop (xrf2);
	(v2sf) =	vpush v1, $0xF  }
0x340: {  	v1, _, _ =	vpop (xrf2);
	(v2sf) =	vpush v0, $0xF  }
0x341: {  	(v2sf) =	vpush v1, $0xF;
	v0, _, _ =	vpop (xrf2)  }
0x342: {  	(v2sf) =	vpush v0, $0xF;
	v1, _, _ =	vpop (xrf2)  }
0x343: {  	(v2sf) =	vpush v1, $0xF;
	v0, _, _ =	vpop (xrf2)  }
0x344: {  	(v2sf) =	vpush v0, $0xF;
	_ =	sdelay $0x1  }
0x345: {  	s23 =	spop (v2sf)  }
0x346: {  	p0 =	seq.s32 s21, $0x7;
	s24 =	spop (v2sf)  }
0x347: {  	s12 =	simm.s32 @!p0 $0x64;
	s19 =	simm.s32 @!p0 $0x4000;
	s25 =	spop (v2sf)  }
0x348: {  	s10 =	smul.f32 $5.000000000e-01, s24;
	s24 =	sadd.s32 @!p0 $0x800, s22;
	s26 =	spop (v2sf)  }
0x349: {  	[tilespmem:s19], [sflag:$0x1] =	stream.indirect.gather @!p0 [hbm4b:s1+s12], $0x80, s24, s12, $0xb8;
	[tilespmem:$0x11080] =	vst v63  }
0x34a: {  	s28 =	spop (v2sf)  }
0x34b: {  	s29 =	spop (v2sf)  }
0x34c: {  	s30 =	spop (v2sf)  }
0x34d: {  	s31 =	spop (v2sf)  }
0x34e: {  	s0 =	spop (v2sf)  }
0x34f: {  	s2 =	spop (v2sf)  }
0x350: {  	s23 =	smul.f32 $5.000000000e-01, s23;
	s12 =	spop (v2sf)  }
0x351: {  	s19 =	smul.f32 $5.000000000e-01, s25;
	s25 =	spop (v2sf)  }
0x352: {  	s26 =	smul.f32 $5.000000000e-01, s26;
	s4 =	spop (v2sf)  }
0x353: {  	s28 =	smul.f32 $5.000000000e-01, s28;
	_ =	swait.ge [sflag:s16], $0x3200  }
0x354: {  	s29 =	smul.f32 $5.000000000e-01, s29;
	[sflag:s16] =	ssyncset.done $0x0  }
0x355: {  	s24 =	simm.s32 $0x7480;
	s30 =	smul.f32 $5.000000000e-01, s30;
	[sflag:s16] =	ssyncadd.s32 $0xFFFFCE00  }
0x356: {  	v0 =	vmov s23;
	s31 =	smul.f32 $5.000000000e-01, s31;
	v2 =	vld [tilespmem:s24+$0xFFFFFF80]  }
0x357: {  	v0 =	vsel vm0, s10, v0;
	s0 =	smul.f32 $5.000000000e-01, s0;
	v3 =	vld [tilespmem:s24+$0xFFFFFF90]  }
0x358: {  	v0 =	vsel vm1, s19, v0;
	s2 =	smul.f32 $5.000000000e-01, s2;
	v4 =	vld [tilespmem:s24+$0x0]  }
0x359: {  	v0 =	vsel vm2, s26, v0;
	s23 =	smul.f32 $5.000000000e-01, s12;
	v1 =	vmov s0;
	v5 =	vld [tilespmem:s24+$0x10]  }
0x35a: {  	v0 =	vsel vm3, s28, v0;
	v1 =	vsel vm0, s2, v1;
	s25 =	smul.f32 $5.000000000e-01, s25;
	v6 =	vld [tilespmem:s24+$0xFFFFFFA0]  }
0x35b: {  	v0 =	vsel vm4, s29, v0;
	v1 =	vsel vm1, s23, v1;
	s26 =	smul.f32 $5.000000000e-01, s4;
	v13 =	vld [tilespmem:s24+$0x30]  }
0x35c: {  	v0 =	vsel vm5, s30, v0;
	v1 =	vsel vm2, s25, v1;
	v14 =	vld [tilespmem:s24+$0xFFFFFFC0]  }
0x35d: {  	v0 =	vsel vm6, s31, v0;
	v8 =	vsel vm3, s26, v1  }
0x35e: {  	v1 =	vimm.f32 $0.0e+00;
	v15 =	vld [tilespmem:s24+$0xFFFFFFD0];
	v0 =	vcombine.low v0, v8;
	v7 =	vmul.f32 v2, v2  }
0x35f: {  	v9 =	vld [tilespmem:s24+$0xFFFFFFB0];
	v10 =	vmul.f32 v3, v3;
	v2 =	vadd.f32 v2, v1;
	v12 =	vmul.f32 v4, v4  }
0x360: {  	v19 =	vld [tilespmem:s24+$0x40];
	v3 =	vadd.f32 v3, v1;
	v16 =	vmul.f32 v5, v5;
	v17 =	vmul.f32 v6, v6  }
0x361: {  	v11 =	vld [tilespmem:s24+$0x20];
	v6 =	vadd.f32 v6, v1;
	v18 =	vmul.f32 v13, v13;
	v24 =	vadd.f32 v14, v1  }
0x362: {  	v22 =	vmul.f32 v14, v14;
	v7 =	vadd.f32 v7, v1;
	v10 =	vadd.f32 v10, v1  }
0x363: {  	v23 =	vmul.f32 v15, v15;
	v4 =	vadd.f32 v4, v2;
	v5 =	vadd.f32 v5, v3  }
0x364: {  	v22 =	vadd.f32 v22, v1;
	v2 =	vadd.f32 v12, v7;
	v7 =	vmul.f32 v9, v9  }
0x365: {  	v21 =	vld [tilespmem:s24+$0x50];
	v25 =	vmul.f32 v19, v19;
	v3 =	vadd.f32 v16, v10;
	v16 =	vadd.f32 v9, v1  }
0x366: {  	v20 =	vld [tilespmem:s24+$0xFFFFFFE0];
	v10 =	vadd.f32 v17, v1;
	v12 =	vmul.f32 v11, v11;
	v17 =	vadd.f32 v7, v1  }
0x367: {  	v14 =	vimm.f32 $0.0e+00;
	v9 =	vadd.f32 v11, v6;
	v8 =	vadd.f32 v13, v16;
	v16 =	vld [tilespmem:s24+$0xFFFFFFF0]  }
0x368: {  	v11 =	vimm.f32 $0.0e+00;
	v7 =	vadd.f32 v12, v10;
	v6 =	vadd.f32 v18, v17;
	v17 =	vld [tilespmem:s24+$0x60]  }
0x369: {  	s23 =	simm.s32 $0x0;
	v13 =	vimm.f32 $0.0e+00;
	v12 =	vimm.f32 $0.0e+00;
	v10 =	vimm.f32 $0.0e+00;
	v18 =	vld [tilespmem:s24+$0x70];
	s24 =	simm.s32 $0x7580  }
.LBB2_29:
0x36a: {  	v26 =	vld [tilespmem:s24+$0xFFFFFF80];
	v1 =	vadd.f32 v15, v1;
	v14 =	vadd.f32 v23, v14;
	v15 =	vmul.f32 v21, v21  }
0x36b: {  	v23 =	vld [tilespmem:s24+$0xFFFFFF90];
	v27 =	vmul.f32 v20, v20;
	v24 =	vadd.f32 v19, v24;
	v22 =	vadd.f32 v25, v22  }
0x36c: {  	v19 =	vld [tilespmem:s24+$0x0];
	v25 =	vmul.f32 v16, v16;
	v1 =	vadd.f32 v21, v1;
	v14 =	vadd.f32 v15, v14  }
0x36d: {  	v13 =	vadd.f32 v20, v13;
	v21 =	vld [tilespmem:s24+$0x10];
	v11 =	vadd.f32 v27, v11;
	v15 =	vmul.f32 v17, v17  }
0x36e: {  	v12 =	vadd.f32 v16, v12;
	v20 =	vld [tilespmem:s24+$0xFFFFFFA0];
	v10 =	vadd.f32 v25, v10;
	v16 =	vmul.f32 v18, v18  }
0x36f: {  	v13 =	vadd.f32 v17, v13;
	v25 =	vmul.f32 v26, v26;
	v27 =	vld [tilespmem:s24+$0xFFFFFFB0];
	v11 =	vadd.f32 v15, v11  }
0x370: {  	v12 =	vadd.f32 v18, v12;
	v15 =	vmul.f32 v23, v23;
	v17 =	vld [tilespmem:s24+$0x20];
	v10 =	vadd.f32 v16, v10  }
0x371: {  	v4 =	vadd.f32 v26, v4;
	v2 =	vadd.f32 v25, v2;
	v16 =	vmul.f32 v19, v19;
	v18 =	vld [tilespmem:s24+$0x30]  }
0x372: {  	v5 =	vadd.f32 v23, v5;
	v3 =	vadd.f32 v15, v3;
	v25 =	vld [tilespmem:s24+$0xFFFFFFC0];
	v23 =	vmul.f32 v21, v21  }
0x373: {  	s23 =	sadd.s32 $0x2, s23;
	v4 =	vadd.f32 v19, v4;
	v26 =	vmul.f32 v20, v20;
	v15 =	vld [tilespmem:s24+$0xFFFFFFD0];
	v2 =	vadd.f32 v16, v2  }
0x374: {  	p1 =	slt.u32 s23, $0x62;
	v5 =	vadd.f32 v21, v5;
	v16 =	vmul.f32 v27, v27;
	v3 =	vadd.f32 v23, v3;
	v19 =	vld [tilespmem:s24+$0x40]  }
.Ltmp13:
0x375: {  	v9 =	vadd.f32 v20, v9;
	v7 =	vadd.f32 v26, v7;
	v23 =	vmul.f32 v17, v17;
	v21 =	vld [tilespmem:s24+$0x50];
	(pc) =	sbr.rel @p1 .LBB2_29-.Ltmp13, $4  }
0x376: {  	v8 =	vadd.f32 v27, v8;
	v6 =	vadd.f32 v16, v6;
	v20 =	vld [tilespmem:s24+$0xFFFFFFE0];
	v26 =	vmul.f32 v18, v18  }
0x377: {  	v9 =	vadd.f32 v17, v9;
	v27 =	vmul.f32 v25, v25;
	v16 =	vld [tilespmem:s24+$0xFFFFFFF0];
	v7 =	vadd.f32 v23, v7  }
0x378: {  	v8 =	vadd.f32 v18, v8;
	v23 =	vmul.f32 v15, v15;
	v6 =	vadd.f32 v26, v6;
	v17 =	vld [tilespmem:s24+$0x60]  }
0x379: {  	v24 =	vadd.f32 v25, v24;
	v22 =	vadd.f32 v27, v22;
	v25 =	vmul.f32 v19, v19;
	v18 =	vld [tilespmem:s24+$0x70];
	s24 =	sadd.s32 $0x100, s24  }
0x37a: {  	v1 =	vadd.f32 v15, v1  }
0x37b: {  	v14 =	vadd.f32 v23, v14;
	v4 =	vmul.f32 v4, v4;
	v5 =	vmul.f32 v5, v5  }
0x37c: {  	v15 =	vadd.f32 v19, v24;
	v22 =	vadd.f32 v25, v22  }
0x37d: {  	v19 =	vmul.f32 v21, v21;
	v2 =	vsub.f32 v4, v2;
	v3 =	vsub.f32 v5, v3  }
0x37e: {  	v13 =	vadd.f32 v20, v13;
	v1 =	vadd.f32 v21, v1;
	v4 =	vmul.f32 v9, v9  }
0x37f: {  	v5 =	vmul.f32 v20, v20;
	v9 =	vadd.f32 v19, v14;
	v2 =	vadd.f32 v3, v2  }
0x380: {  	v3 =	vsub.f32 v4, v7;
	v4 =	vmul.f32 v8, v8;
	v7 =	vmul.f32 v16, v16  }
0x381: {  	v5 =	vadd.f32 v5, v11;
	v8 =	vadd.f32 v16, v12;
	v1 =	vmul.f32 v1, v1  }
0x382: {  	v2 =	vadd.f32 v3, v2;
	v3 =	vsub.f32 v4, v6;
	v4 =	vmul.f32 v15, v15  }
0x383: {  	v6 =	vmul.f32 v17, v17;
	v7 =	vadd.f32 v7, v10;
	v10 =	vadd.f32 v17, v13  }
0x384: {  	v2 =	vadd.f32 v3, v2;
	v3 =	vsub.f32 v4, v22  }
0x385: {  	v1 =	vsub.f32 v1, v9;
	v4 =	vmul.f32 v18, v18;
	v5 =	vadd.f32 v6, v5  }
0x386: {  	v6 =	vadd.f32 v18, v8;
	v2 =	vadd.f32 v3, v2;
	v3 =	vmul.f32 v10, v10  }
0x387: {  	v4 =	vadd.f32 v4, v7  }
0x388: {  	v1 =	vadd.f32 v1, v2;
	v2 =	vsub.f32 v3, v5;
	v3 =	vmul.f32 v6, v6;
	_ =	sdelay $0x1  }
0x389: {  	v1 =	vadd.f32 v2, v1;
	v2 =	vsub.f32 v3, v4;
	_ =	sdelay $0x1  }
0x38a: {  	v1 =	vadd.f32 v2, v1;
	_ =	sdelay $0x1  }
0x38b: {  	(xrf2) =	vadd.scan.msk.f32 $0xffff, v1;
	_ =	sdelay $0x9  }
0x38c: {  	v1, _, _ =	vpop (xrf2)  }
0x38d: {  	(v2sf) =	vpush v1, $0xF;
	_ =	sdelay $0xc  }
0x38e: {  	s0 =	sadd.s32 @!p0 $0x880, s22;
	s2 =	simm.s32 @!p0 $0x64;
	s4 =	simm.s32 @!p0 $0x7400  }
0x38f: {  	[tilespmem:s4], [sflag:$0x2] =	stream.indirect.gather @!p0 [hbm4b:s1+s2], $0x80, s0, s2, $0xb8;
	[tilespmem:$0x11080] =	vst v63  }
0x390: {  	s30 =	spop (v2sf)  }
0x391: {  	_ =	swait.ge [sflag:s17], $0x3200  }
0x392: {  	[sflag:s17] =	ssyncset.done $0x0  }
0x393: {  	s31 =	simm.s32 $0xA880;
	[sflag:s17] =	ssyncadd.s32 $0xFFFFCE00  }
0x394: {  	v2 =	vld [tilespmem:s31+$0xFFFFFF80]  }
0x395: {  	v3 =	vld [tilespmem:s31+$0xFFFFFF90]  }
0x396: {  	v4 =	vld [tilespmem:s31+$0x0]  }
0x397: {  	v5 =	vld [tilespmem:s31+$0x10]  }
0x398: {  	v6 =	vld [tilespmem:s31+$0xFFFFFFA0]  }
0x399: {  	v28 =	vlaneseq.u32;
	s0 =	smul.f32 $5.000000000e-01, s30;
	v12 =	vld [tilespmem:s31+$0x30]  }
0x39a: {  	vm7 =	veq.s32 v28, $0xD;
	v13 =	vld [tilespmem:s31+$0xFFFFFFC0]  }
0x39b: {  	v1 =	vimm.f32 $0.0e+00;
	v0 =	vsel vm7, s0, v0;
	v8 =	vld [tilespmem:s31+$0xFFFFFFB0];
	v7 =	vmul.f32 v2, v2  }
0x39c: {  	v15 =	vld [tilespmem:s31+$0xFFFFFFD0];
	v9 =	vmul.f32 v3, v3;
	v2 =	vadd.f32 v2, v1;
	v11 =	vmul.f32 v4, v4  }
0x39d: {  	v19 =	vld [tilespmem:s31+$0x40];
	v3 =	vadd.f32 v3, v1;
	v14 =	vmul.f32 v5, v5;
	v16 =	vmul.f32 v6, v6  }
0x39e: {  	v10 =	vld [tilespmem:s31+$0x20];
	v6 =	vadd.f32 v6, v1;
	v17 =	vmul.f32 v12, v12;
	v7 =	vadd.f32 v7, v1  }
0x39f: {  	v18 =	vmul.f32 v13, v13;
	v24 =	vadd.f32 v13, v1;
	v9 =	vadd.f32 v9, v1  }
0x3a0: {  	v4 =	vadd.f32 v4, v2;
	v2 =	vadd.f32 v11, v7;
	v7 =	vmul.f32 v8, v8  }
0x3a1: {  	v23 =	vmul.f32 v15, v15;
	v5 =	vadd.f32 v5, v3;
	v22 =	vadd.f32 v18, v1  }
0x3a2: {  	v21 =	vld [tilespmem:s31+$0x50];
	v25 =	vmul.f32 v19, v19;
	v11 =	vadd.f32 v16, v1;
	v16 =	vadd.f32 v7, v1  }
0x3a3: {  	v20 =	vld [tilespmem:s31+$0xFFFFFFE0];
	v3 =	vadd.f32 v14, v9;
	v14 =	vmul.f32 v10, v10;
	v8 =	vadd.f32 v8, v1  }
0x3a4: {  	v13 =	vimm.f32 $0.0e+00;
	v9 =	vadd.f32 v10, v6;
	v6 =	vadd.f32 v17, v16;
	v16 =	vld [tilespmem:s31+$0xFFFFFFF0]  }
0x3a5: {  	v10 =	vimm.f32 $0.0e+00;
	v7 =	vadd.f32 v14, v11;
	v8 =	vadd.f32 v12, v8;
	v17 =	vld [tilespmem:s31+$0x60]  }
0x3a6: {  	s23 =	simm.s32 $0x0;
	s24 =	simm.s32 $0xA980;
	v18 =	vld [tilespmem:s31+$0x70];
	v14 =	vimm.f32 $0.0e+00;
	v11 =	vimm.f32 $0.0e+00;
	v12 =	vimm.f32 $0.0e+00  }
.LBB2_31:
0x3a7: {  	v26 =	vld [tilespmem:s24+$0xFFFFFF80];
	v1 =	vadd.f32 v15, v1;
	v14 =	vadd.f32 v23, v14;
	v15 =	vmul.f32 v21, v21  }
0x3a8: {  	v23 =	vld [tilespmem:s24+$0xFFFFFF90];
	v27 =	vmul.f32 v20, v20;
	v24 =	vadd.f32 v19, v24;
	v22 =	vadd.f32 v25, v22  }
0x3a9: {  	v19 =	vld [tilespmem:s24+$0x0];
	v25 =	vmul.f32 v16, v16;
	v1 =	vadd.f32 v21, v1;
	v14 =	vadd.f32 v15, v14  }
0x3aa: {  	v13 =	vadd.f32 v20, v13;
	v21 =	vld [tilespmem:s24+$0x10];
	v11 =	vadd.f32 v27, v11;
	v15 =	vmul.f32 v17, v17  }
0x3ab: {  	v12 =	vadd.f32 v16, v12;
	v20 =	vld [tilespmem:s24+$0xFFFFFFA0];
	v10 =	vadd.f32 v25, v10;
	v16 =	vmul.f32 v18, v18  }
0x3ac: {  	v13 =	vadd.f32 v17, v13;
	v25 =	vmul.f32 v26, v26;
	v27 =	vld [tilespmem:s24+$0xFFFFFFB0];
	v11 =	vadd.f32 v15, v11  }
0x3ad: {  	v12 =	vadd.f32 v18, v12;
	v15 =	vmul.f32 v23, v23;
	v17 =	vld [tilespmem:s24+$0x20];
	v10 =	vadd.f32 v16, v10  }
0x3ae: {  	v4 =	vadd.f32 v26, v4;
	v2 =	vadd.f32 v25, v2;
	v16 =	vmul.f32 v19, v19;
	v18 =	vld [tilespmem:s24+$0x30]  }
0x3af: {  	v5 =	vadd.f32 v23, v5;
	v3 =	vadd.f32 v15, v3;
	v25 =	vld [tilespmem:s24+$0xFFFFFFC0];
	v23 =	vmul.f32 v21, v21  }
0x3b0: {  	s23 =	sadd.s32 $0x2, s23;
	v4 =	vadd.f32 v19, v4;
	v26 =	vmul.f32 v20, v20;
	v15 =	vld [tilespmem:s24+$0xFFFFFFD0];
	v2 =	vadd.f32 v16, v2  }
0x3b1: {  	p1 =	slt.u32 s23, $0x62;
	v5 =	vadd.f32 v21, v5;
	v16 =	vmul.f32 v27, v27;
	v3 =	vadd.f32 v23, v3;
	v19 =	vld [tilespmem:s24+$0x40]  }
.Ltmp14:
0x3b2: {  	v9 =	vadd.f32 v20, v9;
	v7 =	vadd.f32 v26, v7;
	v23 =	vmul.f32 v17, v17;
	v21 =	vld [tilespmem:s24+$0x50];
	(pc) =	sbr.rel @p1 .LBB2_31-.Ltmp14, $4  }
0x3b3: {  	v8 =	vadd.f32 v27, v8;
	v6 =	vadd.f32 v16, v6;
	v20 =	vld [tilespmem:s24+$0xFFFFFFE0];
	v26 =	vmul.f32 v18, v18  }
0x3b4: {  	v9 =	vadd.f32 v17, v9;
	v27 =	vmul.f32 v25, v25;
	v16 =	vld [tilespmem:s24+$0xFFFFFFF0];
	v7 =	vadd.f32 v23, v7  }
0x3b5: {  	v8 =	vadd.f32 v18, v8;
	v23 =	vmul.f32 v15, v15;
	v6 =	vadd.f32 v26, v6;
	v17 =	vld [tilespmem:s24+$0x60]  }
0x3b6: {  	v24 =	vadd.f32 v25, v24;
	v22 =	vadd.f32 v27, v22;
	v25 =	vmul.f32 v19, v19;
	v18 =	vld [tilespmem:s24+$0x70];
	s24 =	sadd.s32 $0x100, s24  }
0x3b7: {  	v1 =	vadd.f32 v15, v1  }
0x3b8: {  	v14 =	vadd.f32 v23, v14;
	v4 =	vmul.f32 v4, v4;
	v5 =	vmul.f32 v5, v5  }
0x3b9: {  	v15 =	vadd.f32 v19, v24;
	v22 =	vadd.f32 v25, v22  }
0x3ba: {  	v19 =	vmul.f32 v21, v21;
	v2 =	vsub.f32 v4, v2;
	v3 =	vsub.f32 v5, v3  }
0x3bb: {  	v13 =	vadd.f32 v20, v13;
	v1 =	vadd.f32 v21, v1;
	v4 =	vmul.f32 v9, v9  }
0x3bc: {  	v5 =	vmul.f32 v20, v20;
	v9 =	vadd.f32 v19, v14;
	v2 =	vadd.f32 v3, v2  }
0x3bd: {  	v3 =	vsub.f32 v4, v7;
	v4 =	vmul.f32 v8, v8;
	v7 =	vmul.f32 v16, v16  }
0x3be: {  	v5 =	vadd.f32 v5, v11;
	v8 =	vadd.f32 v16, v12;
	v1 =	vmul.f32 v1, v1  }
0x3bf: {  	v2 =	vadd.f32 v3, v2;
	v3 =	vsub.f32 v4, v6;
	v4 =	vmul.f32 v15, v15  }
0x3c0: {  	v6 =	vmul.f32 v17, v17;
	v7 =	vadd.f32 v7, v10;
	v10 =	vadd.f32 v17, v13  }
0x3c1: {  	v2 =	vadd.f32 v3, v2;
	v3 =	vsub.f32 v4, v22  }
0x3c2: {  	v1 =	vsub.f32 v1, v9;
	v4 =	vmul.f32 v18, v18;
	v5 =	vadd.f32 v6, v5  }
0x3c3: {  	v6 =	vadd.f32 v18, v8;
	v2 =	vadd.f32 v3, v2;
	v3 =	vmul.f32 v10, v10  }
0x3c4: {  	v4 =	vadd.f32 v4, v7  }
0x3c5: {  	v1 =	vadd.f32 v1, v2;
	v2 =	vsub.f32 v3, v5;
	v3 =	vmul.f32 v6, v6;
	_ =	sdelay $0x1  }
0x3c6: {  	v1 =	vadd.f32 v2, v1;
	v2 =	vsub.f32 v3, v4;
	_ =	sdelay $0x1  }
0x3c7: {  	v1 =	vadd.f32 v2, v1;
	_ =	sdelay $0x1  }
0x3c8: {  	(xrf2) =	vadd.scan.msk.f32 $0xffff, v1;
	_ =	sdelay $0x9  }
0x3c9: {  	v1, _, _ =	vpop (xrf2)  }
0x3ca: {  	(v2sf) =	vpush v1, $0xF;
	_ =	sdelay $0xc  }
0x3cb: {  	s0 =	sadd.s32 @!p0 $0x900, s22;
	s2 =	simm.s32 @!p0 $0x64;
	s4 =	simm.s32 @!p0 $0xA800  }
0x3cc: {  	[tilespmem:s4], [sflag:$0x3] =	stream.indirect.gather @!p0 [hbm4b:s1+s2], $0x80, s0, s2, $0xb8;
	[tilespmem:$0x11080] =	vst v63  }
0x3cd: {  	s30 =	spop (v2sf)  }
0x3ce: {  	_ =	swait.ge [sflag:s18], $0x3200  }
0x3cf: {  	[sflag:s18] =	ssyncset.done $0x0  }
0x3d0: {  	s31 =	simm.s32 $0xDC80;
	[sflag:s18] =	ssyncadd.s32 $0xFFFFCE00  }
0x3d1: {  	v2 =	vld [tilespmem:s31+$0xFFFFFF80]  }
0x3d2: {  	v3 =	vld [tilespmem:s31+$0xFFFFFF90]  }
0x3d3: {  	v4 =	vld [tilespmem:s31+$0x0]  }
0x3d4: {  	v5 =	vld [tilespmem:s31+$0x10]  }
0x3d5: {  	v6 =	vld [tilespmem:s31+$0xFFFFFFA0]  }
0x3d6: {  	s0 =	smul.f32 $5.000000000e-01, s30;
	v12 =	vld [tilespmem:s31+$0x30]  }
0x3d7: {  	vm7 =	veq.s32 v28, $0xE;
	v13 =	vld [tilespmem:s31+$0xFFFFFFC0]  }
0x3d8: {  	v1 =	vimm.f32 $0.0e+00;
	v0 =	vsel vm7, s0, v0;
	v8 =	vld [tilespmem:s31+$0xFFFFFFB0];
	v7 =	vmul.f32 v2, v2  }
0x3d9: {  	v15 =	vld [tilespmem:s31+$0xFFFFFFD0];
	v9 =	vmul.f32 v3, v3;
	v2 =	vadd.f32 v2, v1;
	v11 =	vmul.f32 v4, v4  }
0x3da: {  	v19 =	vld [tilespmem:s31+$0x40];
	v3 =	vadd.f32 v3, v1;
	v14 =	vmul.f32 v5, v5;
	v16 =	vmul.f32 v6, v6  }
0x3db: {  	v10 =	vld [tilespmem:s31+$0x20];
	v6 =	vadd.f32 v6, v1;
	v17 =	vmul.f32 v12, v12;
	v7 =	vadd.f32 v7, v1  }
0x3dc: {  	v18 =	vmul.f32 v13, v13;
	v24 =	vadd.f32 v13, v1;
	v9 =	vadd.f32 v9, v1  }
0x3dd: {  	v4 =	vadd.f32 v4, v2;
	v2 =	vadd.f32 v11, v7;
	v7 =	vmul.f32 v8, v8  }
0x3de: {  	v23 =	vmul.f32 v15, v15;
	v5 =	vadd.f32 v5, v3;
	v22 =	vadd.f32 v18, v1  }
0x3df: {  	v21 =	vld [tilespmem:s31+$0x50];
	v25 =	vmul.f32 v19, v19;
	v11 =	vadd.f32 v16, v1;
	v16 =	vadd.f32 v7, v1  }
0x3e0: {  	v20 =	vld [tilespmem:s31+$0xFFFFFFE0];
	v3 =	vadd.f32 v14, v9;
	v14 =	vmul.f32 v10, v10;
	v8 =	vadd.f32 v8, v1  }
0x3e1: {  	v13 =	vimm.f32 $0.0e+00;
	v9 =	vadd.f32 v10, v6;
	v6 =	vadd.f32 v17, v16;
	v16 =	vld [tilespmem:s31+$0xFFFFFFF0]  }
0x3e2: {  	v10 =	vimm.f32 $0.0e+00;
	v7 =	vadd.f32 v14, v11;
	v8 =	vadd.f32 v12, v8;
	v17 =	vld [tilespmem:s31+$0x60]  }
0x3e3: {  	s22 =	simm.s32 $0x0;
	s23 =	simm.s32 $0xDD80;
	v18 =	vld [tilespmem:s31+$0x70];
	v14 =	vimm.f32 $0.0e+00;
	v11 =	vimm.f32 $0.0e+00;
	v12 =	vimm.f32 $0.0e+00  }
.LBB2_33:
0x3e4: {  	v26 =	vld [tilespmem:s23+$0xFFFFFF80];
	v1 =	vadd.f32 v15, v1;
	v14 =	vadd.f32 v23, v14;
	v15 =	vmul.f32 v21, v21  }
0x3e5: {  	v23 =	vld [tilespmem:s23+$0xFFFFFF90];
	v27 =	vmul.f32 v20, v20;
	v24 =	vadd.f32 v19, v24;
	v22 =	vadd.f32 v25, v22  }
0x3e6: {  	v19 =	vld [tilespmem:s23+$0x0];
	v25 =	vmul.f32 v16, v16;
	v1 =	vadd.f32 v21, v1;
	v14 =	vadd.f32 v15, v14  }
0x3e7: {  	v13 =	vadd.f32 v20, v13;
	v21 =	vld [tilespmem:s23+$0x10];
	v11 =	vadd.f32 v27, v11;
	v15 =	vmul.f32 v17, v17  }
0x3e8: {  	v12 =	vadd.f32 v16, v12;
	v20 =	vld [tilespmem:s23+$0xFFFFFFA0];
	v10 =	vadd.f32 v25, v10;
	v16 =	vmul.f32 v18, v18  }
0x3e9: {  	v13 =	vadd.f32 v17, v13;
	v25 =	vmul.f32 v26, v26;
	v27 =	vld [tilespmem:s23+$0xFFFFFFB0];
	v11 =	vadd.f32 v15, v11  }
0x3ea: {  	v12 =	vadd.f32 v18, v12;
	v15 =	vmul.f32 v23, v23;
	v17 =	vld [tilespmem:s23+$0x20];
	v10 =	vadd.f32 v16, v10  }
0x3eb: {  	v4 =	vadd.f32 v26, v4;
	v2 =	vadd.f32 v25, v2;
	v16 =	vmul.f32 v19, v19;
	v18 =	vld [tilespmem:s23+$0x30]  }
0x3ec: {  	v5 =	vadd.f32 v23, v5;
	v3 =	vadd.f32 v15, v3;
	v25 =	vld [tilespmem:s23+$0xFFFFFFC0];
	v23 =	vmul.f32 v21, v21  }
0x3ed: {  	s22 =	sadd.s32 $0x2, s22;
	v4 =	vadd.f32 v19, v4;
	v26 =	vmul.f32 v20, v20;
	v15 =	vld [tilespmem:s23+$0xFFFFFFD0];
	v2 =	vadd.f32 v16, v2  }
0x3ee: {  	p0 =	slt.u32 s22, $0x62;
	v5 =	vadd.f32 v21, v5;
	v16 =	vmul.f32 v27, v27;
	v3 =	vadd.f32 v23, v3;
	v19 =	vld [tilespmem:s23+$0x40]  }
.Ltmp15:
0x3ef: {  	v9 =	vadd.f32 v20, v9;
	v7 =	vadd.f32 v26, v7;
	v23 =	vmul.f32 v17, v17;
	v21 =	vld [tilespmem:s23+$0x50];
	(pc) =	sbr.rel @p0 .LBB2_33-.Ltmp15, $4  }
0x3f0: {  	v8 =	vadd.f32 v27, v8;
	v6 =	vadd.f32 v16, v6;
	v20 =	vld [tilespmem:s23+$0xFFFFFFE0];
	v26 =	vmul.f32 v18, v18  }
0x3f1: {  	v9 =	vadd.f32 v17, v9;
	v27 =	vmul.f32 v25, v25;
	v16 =	vld [tilespmem:s23+$0xFFFFFFF0];
	v7 =	vadd.f32 v23, v7  }
0x3f2: {  	v8 =	vadd.f32 v18, v8;
	v23 =	vmul.f32 v15, v15;
	v6 =	vadd.f32 v26, v6;
	v17 =	vld [tilespmem:s23+$0x60]  }
0x3f3: {  	v24 =	vadd.f32 v25, v24;
	v22 =	vadd.f32 v27, v22;
	v25 =	vmul.f32 v19, v19;
	v18 =	vld [tilespmem:s23+$0x70];
	s23 =	sadd.s32 $0x100, s23  }
0x3f4: {  	v1 =	vadd.f32 v15, v1;
	v14 =	vadd.f32 v23, v14  }
0x3f5: {  	v4 =	vmul.f32 v4, v4;
	v5 =	vmul.f32 v5, v5;
	v44 =	vadd.f32 v19, v24  }
0x3f6: {  	v45 =	vmul.f32 v21, v21;
	v22 =	vadd.f32 v25, v22;
	v13 =	vadd.f32 v20, v13  }
0x3f7: {  	v46 =	vmul.f32 v9, v9;
	v2 =	vsub.f32 v4, v2;
	v3 =	vsub.f32 v5, v3  }
0x3f8: {  	v50 =	vmul.f32 v8, v8;
	v1 =	vadd.f32 v21, v1;
	v48 =	vadd.f32 v45, v14  }
0x3f9: {  	v47 =	vmul.f32 v20, v20;
	v49 =	vsub.f32 v46, v7;
	v2 =	vadd.f32 v3, v2  }
0x3fa: {  	v51 =	vmul.f32 v16, v16;
	v52 =	vadd.f32 v16, v12;
	v53 =	vsub.f32 v50, v6  }
0x3fb: {  	v5 =	vadd.f32 v47, v11;
	v54 =	vmul.f32 v44, v44;
	v2 =	vadd.f32 v49, v2  }
0x3fc: {  	v55 =	vmul.f32 v17, v17;
	v56 =	vadd.f32 v17, v13;
	v7 =	vadd.f32 v51, v10  }
0x3fd: {  	v1 =	vmul.f32 v1, v1;
	v57 =	vsub.f32 v54, v22;
	v2 =	vadd.f32 v53, v2  }
0x3fe: {  	v58 =	vmul.f32 v18, v18;
	v59 =	vadd.f32 v18, v52;
	v5 =	vadd.f32 v55, v5  }
0x3ff: {  	v60 =	vmul.f32 v56, v56;
	v1 =	vsub.f32 v1, v48;
	v2 =	vadd.f32 v57, v2  }
0x400: {  	v4 =	vadd.f32 v58, v7  }
0x401: {  	v62 =	vmul.f32 v59, v59;
	v61 =	vsub.f32 v60, v5;
	v1 =	vadd.f32 v1, v2;
	_ =	sdelay $0x1  }
0x402: {  	v63 =	vsub.f32 v62, v4;
	v1 =	vadd.f32 v61, v1;
	_ =	sdelay $0x1  }
0x403: {  	v1 =	vadd.f32 v63, v1;
	_ =	sdelay $0x1  }
0x404: {  	(xrf2) =	vadd.scan.msk.f32 $0xffff, v1;
	_ =	sdelay $0x9  }
0x405: {  	v1, _, _ =	vpop (xrf2)  }
0x406: {  	(v2sf) =	vpush v1, $0xF;
	_ =	sdelay $0xc  }
0x407: {  	s2 =	sshll.u32 s21, $0x4;
	s21 =	sadd.s32 $0x1, s21  }
0x408: {  	p0 =	sne.s32 s21, $0x8  }
.Ltmp16:
0x409: {  	s0 =	spop (v2sf);
	(pc) =	sbr.rel @p0 .LBB2_2-.Ltmp16, $4  }
0x40a: {  	s0 =	smul.f32 $5.000000000e-01, s0  }
0x40b: {  	vm7 =	veq.s32 v28, $0xF  }
0x40c: {  	s31 =	sand.u32 $0x3FFFFFF0, s2;
	v0 =	vsel vm7, s0, v0  }
0x40d: {  	[tilespmem:s31+$0x11000] =	vst v0  }
0x40e: {  	s20 =	sadd.s32 $0x1, s20  }
0x40f: {  	p0 =	sne.s32 s20, s6  }
.Ltmp17:
0x410: {  	s0 =	simm.s32 $0x11000;
	(pc) =	sbr.rel @p0 .LBB2_1-.Ltmp17, $4  }
0x411: {  	[hbm4b:s5+s3] =	stream.linear.scatter [tilespmem:s0], [sflag:$0x5], $0x80, $0x38;
	[tilespmem:$0x11080] =	vst v63  }
0x412: {  	_ =	swait.ge [sflag:s7], $0x80  }
0x413: {  	[sflag:s7] =	ssyncset.done $0x0  }
0x414: {  	[sflag:s7] =	ssyncadd.s32 $0xFFFFFF80  }
0x415: {  	_ =	sfence.sel $0x180000  }
0x416: {  	[bflag:$0x0] =	sbarrier.arrive $0xFFFF  }
0x417: {  	_ =	strace $0x90000047  }
0x418: {  	s0 =	stileid.u32;
	[bflag:$0x2] =	sbarrier.arrive $0xFFFF  }
0x419: {  	p0 =	sne.s32 s0, $0x0;
	s0 =	rddreg [dreg:$0x3]  }
0x41a: {  	s0 =	sadd.s32 @!p0 $0x100000, s0  }
0x41b: {  	[sflag:s0] =	ssyncadd.tile.s32 @!p0 $0x1;
	_ =	shalt  }
.Lfunc_end2:
_tile_overlayer_lowered:
.L_overlay_start_2:
0x41c: {  	(tag) =	ssettag $0x2  }
0x41d: {  	s0 =	rddreg [dreg:$0x0];
	s2 =	stileid.u32  }
0x41e: {  	s1 =	rddreg [dreg:$0x1];
	p0 =	sne.s32 s2, $0x0  }
0x41f: {  	s3 =	rddreg [dreg:$0x2];
	[bflag:$0x3] =	sbarrier.arrive $0xFFFF;
	s2 =	simm.s32 @!p0 $0x1C05  }
0x420: {  	[timem:s3], [sflag:s2] =	dma.local @!p0 [hbm:s0], s1  }
0x421: {  	s0 =	simm.s32 @!p0 $0x5  }
0x422: {  	_ =	swait.ge @!p0 [sflag:s0], s1  }
0x423: {  	s1 =	ssub.s32 @!p0 $0x0, s1;
	[sflag:s0] =	ssyncset.done @!p0 $0x0  }
0x424: {  	[sflag:s0] =	ssyncadd.s32 @!p0 s1  }
0x425: {  	[bflag:$0x3] =	sbarrier.arrive $0xFFFF  }
0x426: {  	_ =	shalt  }

</sc_bundles>
